<compile_context>
chip_gen: v7x
topology: tpu7x:2x2x1
jax: 0.10.2.dev20260603
libtpu: 0.0.44.dev20260713+nightly
codegen_flags: <defaults>
</compile_context>

<pallas_src>
import functools

import jax
import jax.numpy as jnp
from jax import lax
from jax.experimental import pallas as pl
from jax.experimental.pallas import tpu as pltpu
from jax.experimental.pallas import tpu_sc as plsc

NN = 10000
EE = 320000
HH = 128
BB = 128
NB = 10
RB = NN // NB
NC = 2
NS = 16
NWK = NC * NS

KE = 125
CE = EE // KE // NWK
GG = 16
NG = CE // GG
DROW = 640
DPAD = DROW * NS
RT = 632
NPAD = RT * NS
SCH = 120

_mesh = plsc.VectorSubcoreMesh(core_axis_name="c", subcore_axis_name="s")


@functools.partial(
    pl.kernel,
    out_type=jax.ShapeDtypeStruct((NC, DPAD), jnp.float32),
    mesh=_mesh,
    scratch_types=[
        pltpu.VMEM((CE, KE), jnp.int32),
        pltpu.VMEM((KE,), jnp.float32),
        pltpu.VMEM((DROW,), jnp.float32),
        pltpu.VMEM_SHARED((DPAD,), jnp.float32),
    ],
)
def _deg_call(dst_hbm, ones_hbm, zer_hbm, out_hbm, idx_buf, ones_v, vbuf, dacc):
    c = lax.axis_index("c")
    s = lax.axis_index("s")
    w = s * NC + c
    pltpu.sync_copy(zer_hbm, vbuf)
    pltpu.sync_copy(vbuf, dacc.at[pl.ds(s * DROW, DROW)])
    pltpu.sync_copy(ones_hbm, ones_v)
    pltpu.sync_copy(dst_hbm.at[pl.ds(w * CE, CE)], idx_buf)
    plsc.subcore_barrier()

    def step(j, carry):
        pltpu.sync_copy(ones_v, dacc.at[idx_buf.at[j]], add=True)
        return carry

    lax.fori_loop(0, CE, step, 0)
    plsc.subcore_barrier()
    pltpu.sync_copy(dacc.at[pl.ds(s * DROW, DROW)], vbuf)
    pltpu.sync_copy(vbuf, out_hbm.at[c].at[pl.ds(s * DROW, DROW)])


@functools.partial(
    pl.kernel,
    out_type=jax.ShapeDtypeStruct((NC, NPAD, HH), jnp.float32),
    mesh=_mesh,
    scratch_types=[
        pltpu.VMEM((GG, KE), jnp.int32),
        pltpu.VMEM((GG, KE), jnp.int32),
        pltpu.VMEM((KE, HH), jnp.float32),
        pltpu.VMEM((KE, HH), jnp.float32),
        pltpu.VMEM_SHARED((NPAD, HH), jnp.float32),
        pltpu.SemaphoreType.DMA,
        pltpu.SemaphoreType.DMA,
    ],
)
def _edge_call(z_hbm, src_hbm, dst_hbm, zer_hbm, out_hbm,
               sbuf, dbuf, gb0, gb1, acc, sem0, sem1):
    c = lax.axis_index("c")
    s = lax.axis_index("s")
    w = s * NC + c
    gbufs = (gb0, gb1)
    sems = (sem0, sem1)

    pltpu.sync_copy(zer_hbm, gb0)
    for k in range(5):
        pltpu.async_copy(gb0.at[pl.ds(0, SCH)],
                         acc.at[pl.ds(s * RT + k * SCH, SCH)], sem0)
    pltpu.async_copy(gb0.at[pl.ds(0, RT - 5 * SCH)],
                     acc.at[pl.ds(s * RT + 5 * SCH, RT - 5 * SCH)], sem1)
    for k in range(5):
        pltpu.make_async_copy(gb0.at[pl.ds(0, SCH)],
                              acc.at[pl.ds(s * RT + k * SCH, SCH)],
                              sem0).wait()
    pltpu.make_async_copy(gb0.at[pl.ds(0, RT - 5 * SCH)],
                          acc.at[pl.ds(s * RT + 5 * SCH, RT - 5 * SCH)],
                          sem1).wait()
    plsc.subcore_barrier()

    def group(g, carry):
        base = w * CE + g * GG
        pltpu.sync_copy(src_hbm.at[pl.ds(base, GG)], sbuf)
        pltpu.sync_copy(dst_hbm.at[pl.ds(base, GG)], dbuf)
        pltpu.async_copy(z_hbm.at[sbuf.at[0]], gb0, sem0)

        def step(i, carry2):
            j0 = i * 2
            for b in range(2):
                j = j0 + b

                @pl.when(j + 1 < GG)
                def _():
                    pltpu.async_copy(z_hbm.at[sbuf.at[j + 1]],
                                     gbufs[1 - b], sems[1 - b])

                pltpu.make_async_copy(z_hbm.at[sbuf.at[j]],
                                      gbufs[b], sems[b]).wait()
                pltpu.sync_copy(gbufs[b], acc.at[dbuf.at[j]], add=True)
            return carry2

        lax.fori_loop(0, GG // 2, step, 0)
        return carry

    lax.fori_loop(0, NG, group, 0)
    plsc.subcore_barrier()

    def _ochunk(k):
        size = SCH if k < 5 else RT - 5 * SCH
        off = s * RT + k * SCH
        b = k & 1
        return size, off, gbufs[b], sems[b]

    for k in range(6):
        size, off, gb, sem = _ochunk(k)
        if k >= 2:
            psize, poff, pgb, psem = _ochunk(k - 2)
            pltpu.make_async_copy(pgb.at[pl.ds(0, psize)],
                                  out_hbm.at[c].at[pl.ds(poff, psize)],
                                  psem).wait()
        pltpu.sync_copy(acc.at[pl.ds(off, size)], gb.at[pl.ds(0, size)])
        pltpu.async_copy(gb.at[pl.ds(0, size)],
                         out_hbm.at[c].at[pl.ds(off, size)], sem)
    for k in (4, 5):
        size, off, gb, sem = _ochunk(k)
        pltpu.make_async_copy(gb.at[pl.ds(0, size)],
                              out_hbm.at[c].at[pl.ds(off, size)], sem).wait()


def _tca_body(d0_ref, d1_ref, x_ref, w1_ref, z1_ref, dinv_ref):
    dinv = lax.rsqrt(d0_ref[0] + d1_ref[0] + 1.0)
    z1_ref[...] = jnp.dot(x_ref[...], w1_ref[...],
                          preferred_element_type=jnp.float32) * dinv
    dinv_ref[0] = dinv


def _tcb_body(acc_ref, z1_ref, dinv_ref, b1_ref, w2_ref, z2_ref):
    dinv = dinv_ref[0]
    t = acc_ref[0] + acc_ref[1] + z1_ref[...]
    h1 = jnp.maximum(t * dinv + b1_ref[...], 0.0)
    z2_ref[...] = jnp.dot(h1, w2_ref[...],
                          preferred_element_type=jnp.float32) * dinv


def _tcc_body(acc_ref, z2_ref, dinv_ref, b2_ref, batch_ref,
              wa_ref, wc_ref, wn_ref, wt_ref,
              ba_ref, bc_ref, bn_ref, bt_ref,
              ya_ref, yc_ref, yn_ref, yt_ref, summed, cnt):
    i = pl.program_id(0)

    @pl.when(i == 0)
    def _():
        summed[...] = jnp.zeros_like(summed)
        cnt[...] = jnp.zeros_like(cnt)

    dinv = dinv_ref[0]
    t = acc_ref[0] + acc_ref[1] + z2_ref[...]
    h2 = jnp.maximum(t * dinv + b2_ref[...], 0.0)
    bb = batch_ref[0]
    seg = lax.broadcasted_iota(jnp.int32, (BB, 1), 0)
    m = (bb == seg).astype(jnp.float32)
    summed[...] += jnp.dot(m, h2, preferred_element_type=jnp.float32)
    cnt[...] += jnp.sum(m, axis=1, keepdims=True)

    @pl.when(i == NB - 1)
    def _():
        pool = summed[...] / jnp.maximum(cnt[...], 1.0)
        ya_ref[...] = jnp.dot(pool, wa_ref[...],
                              preferred_element_type=jnp.float32) + ba_ref[...]
        yc_ref[...] = jnp.dot(pool, wc_ref[...],
                              preferred_element_type=jnp.float32) + bc_ref[...]
        yn_ref[...] = jnp.dot(pool, wn_ref[...],
                              preferred_element_type=jnp.float32) + bn_ref[...]
        yt_ref[...] = jnp.dot(pool, wt_ref[...],
                              preferred_element_type=jnp.float32) + bt_ref[...]


def _whole(shape):
    return pl.BlockSpec(shape, lambda i: tuple(0 for _ in shape))


_tca = pl.pallas_call(
    _tca_body,
    grid=(NB,),
    in_specs=[
        pl.BlockSpec((1, RB, 1), lambda i: (i, 0, 0)),
        pl.BlockSpec((1, RB, 1), lambda i: (i, 0, 0)),
        pl.BlockSpec((RB, HH), lambda i: (i, 0)),
        _whole((HH, HH)),
    ],
    out_specs=[
        pl.BlockSpec((RB, HH), lambda i: (i, 0)),
        pl.BlockSpec((1, RB, 1), lambda i: (i, 0, 0)),
    ],
    out_shape=[
        jax.ShapeDtypeStruct((NN, HH), jnp.float32),
        jax.ShapeDtypeStruct((NB, RB, 1), jnp.float32),
    ],
)

_tcb = pl.pallas_call(
    _tcb_body,
    grid=(NB,),
    in_specs=[
        pl.BlockSpec((NC, RB, HH), lambda i: (0, i, 0)),
        pl.BlockSpec((RB, HH), lambda i: (i, 0)),
        pl.BlockSpec((1, RB, 1), lambda i: (i, 0, 0)),
        _whole((1, HH)),
        _whole((HH, HH)),
    ],
    out_specs=pl.BlockSpec((RB, HH), lambda i: (i, 0)),
    out_shape=jax.ShapeDtypeStruct((NN, HH), jnp.float32),
)

_tcc = pl.pallas_call(
    _tcc_body,
    grid=(NB,),
    in_specs=[
        pl.BlockSpec((NC, RB, HH), lambda i: (0, i, 0)),
        pl.BlockSpec((RB, HH), lambda i: (i, 0)),
        pl.BlockSpec((1, RB, 1), lambda i: (i, 0, 0)),
        _whole((1, HH)),
        pl.BlockSpec((1, 1, RB), lambda i: (i, 0, 0)),
        _whole((HH, 4)), _whole((HH, 81)), _whole((HH, 9)), _whole((HH, 16)),
        _whole((1, 4)), _whole((1, 81)), _whole((1, 9)), _whole((1, 16)),
    ],
    out_specs=[_whole((BB, 4)), _whole((BB, 81)),
               _whole((BB, 9)), _whole((BB, 16))],
    out_shape=[
        jax.ShapeDtypeStruct((BB, 4), jnp.float32),
        jax.ShapeDtypeStruct((BB, 81), jnp.float32),
        jax.ShapeDtypeStruct((BB, 9), jnp.float32),
        jax.ShapeDtypeStruct((BB, 16), jnp.float32),
    ],
    scratch_shapes=[
        pltpu.VMEM((BB, HH), jnp.float32),
        pltpu.VMEM((BB, 1), jnp.float32),
    ],
)


def kernel(x, edge_index, batch, W1, b1, W2, b2, Wa, ba, Wc, bc, Wn, bn, Wt, bt):
    e3 = edge_index.reshape(2, EE // KE, KE)
    src_ke = e3[0]
    dst_ke = e3[1]
    ones_ke = jnp.ones((KE,), jnp.float32)
    zer_d = jnp.zeros((DROW,), jnp.float32)
    zer_r = jnp.zeros((KE, HH), jnp.float32)

    degp = _deg_call(dst_ke, ones_ke, zer_d)
    d0 = degp[0, :NN].reshape(NB, RB, 1)
    d1 = degp[1, :NN].reshape(NB, RB, 1)
    z1, dinv3 = _tca(d0, d1, x, W1)
    acc1 = _edge_call(z1, src_ke, dst_ke, zer_r)
    z2 = _tcb(acc1, z1, dinv3, b1.reshape(1, HH), W2)
    acc2 = _edge_call(z2, src_ke, dst_ke, zer_r)
    batch3 = batch.reshape(NB, 1, RB)
    return _tcc(acc2, z2, dinv3, b2.reshape(1, HH), batch3,
                Wa, Wc, Wn, Wt,
                ba.reshape(1, 4), bc.reshape(1, 81),
                bn.reshape(1, 9), bt.reshape(1, 16))

# --- scband reference (transcript-rebuilt; emitter-appended) ---
"""Pipeline reference for scband-sudoku-gnn-35545149342050 (READ-ONLY COPY).

The authoritative reference and input builder live on the scoring server;
editing this copy changes nothing except your own understanding.
"""

import jax, jax.numpy as jnp
import numpy as np

N = 10000
E = 320000
F_IN = 128
H = 128
B = 128
NUM_ACTIONS = 4
NUM_CELLS = 81
NUM_NUMBERS = 9
NUM_TECHNIQUES = 16


def gcn_conv(x, edge_index, W, b, num_nodes):
    # GCNConv: out = D^{-1/2} (A + I) D^{-1/2} X W + b
    src = edge_index[0]
    dst = edge_index[1]
    loop = jnp.arange(num_nodes, dtype=src.dtype)
    src = jnp.concatenate([src, loop])
    dst = jnp.concatenate([dst, loop])
    deg = jnp.zeros((num_nodes,), x.dtype).at[dst].add(1.0)
    dinv = jnp.where(deg > 0, 1.0 / jnp.sqrt(deg), 0.0)
    norm = dinv[src] * dinv[dst]
    h = x @ W
    msg = h[src] * norm[:, None]
    out = jax.ops.segment_sum(msg, dst, num_segments=num_nodes)
    return out + b


def setup_inputs(seed: int = 0) -> dict:
    key = jax.random.key(seed)
    ks = jax.random.split(key, 16)
    x = jax.random.normal(ks[0], (N, F_IN), dtype=jnp.float32)
    edge_index = jax.random.randint(ks[1], (2, E), 0, N, dtype=jnp.int32)
    batch = jnp.sort(jax.random.randint(ks[2], (N,), 0, B, dtype=jnp.int32))
    s1 = 1.0 / np.sqrt(F_IN)
    s2 = 1.0 / np.sqrt(H)
    W1 = jax.random.normal(ks[3], (F_IN, H), dtype=jnp.float32) * s1
    b1 = jnp.zeros((H,), jnp.float32)
    W2 = jax.random.normal(ks[4], (H, H), dtype=jnp.float32) * s2
    b2 = jnp.zeros((H,), jnp.float32)
    Wa = jax.random.normal(ks[5], (H, NUM_ACTIONS), dtype=jnp.float32) * s2
    ba = jnp.zeros((NUM_ACTIONS,), jnp.float32)
    Wc = jax.random.normal(ks[6], (H, NUM_CELLS), dtype=jnp.float32) * s2
    bc = jnp.zeros((NUM_CELLS,), jnp.float32)
    Wn = jax.random.normal(ks[7], (H, NUM_NUMBERS), dtype=jnp.float32) * s2
    bn = jnp.zeros((NUM_NUMBERS,), jnp.float32)
    Wt = jax.random.normal(ks[8], (H, NUM_TECHNIQUES), dtype=jnp.float32) * s2
    bt = jnp.zeros((NUM_TECHNIQUES,), jnp.float32)
    return {"x": x, "edge_index": edge_index, "batch": batch,
            "W1": W1, "b1": b1, "W2": W2, "b2": b2,
            "Wa": Wa, "ba": ba, "Wc": Wc, "bc": bc,
            "Wn": Wn, "bn": bn, "Wt": Wt, "bt": bt}


def reference(x, edge_index, batch, W1, b1, W2, b2, Wa, ba, Wc, bc, Wn, bn, Wt, bt):
    h = jax.nn.relu(gcn_conv(x, edge_index, W1, b1, N))
    h = jax.nn.relu(gcn_conv(h, edge_index, W2, b2, N))
    summed = jax.ops.segment_sum(h, batch, num_segments=B)
    cnt = jax.ops.segment_sum(jnp.ones((N,), h.dtype), batch, num_segments=B)
    pool = summed / jnp.clip(cnt, 1.0)[:, None]
    y_action = pool @ Wa + ba
    y_cell = pool @ Wc + bc
    y_number = pool @ Wn + bn
    y_technique = pool @ Wt + bt
    return (y_action, y_cell, y_number, y_technique)

if __name__ == "__main__":
    import jax
    _d = setup_inputs()
    print(jax.jit(kernel)(*tuple(_d.values())))

</pallas_src>

<mosaic_0001>
#map = affine_map<(d0, d1) -> (0, 0)>
#map1 = affine_map<(d0, d1) -> (0)>
module attributes {stable_mosaic.version = 14 : i64} {
  func.func @_deg_call(%arg0: i32, %arg1: i32, %arg2: memref<2560x125xi32, #tpu.memory_space<hbm>>, %arg3: memref<125xf32, #tpu.memory_space<hbm>>, %arg4: memref<640xf32, #tpu.memory_space<hbm>>, %arg5: memref<2x10240xf32, #tpu.memory_space<hbm>>, %arg6: memref<80x125xi32, #tpu.memory_space<vmem>>, %arg7: memref<125xf32, #tpu.memory_space<vmem>>, %arg8: memref<640xf32, #tpu.memory_space<vmem>>, %arg9: memref<10240xf32, #tpu.memory_space<vmem_shared>>) attributes {dimension_semantics = [#tpu.dimension_semantics<core_parallel>, #tpu.dimension_semantics<subcore_parallel>], iteration_bounds = array<i64: 2, 16>, scalar_prefetch = 0 : i64, scratch_operands = 4 : i64, tpu.core_type = #tpu.core_type<sc_vector_subcore>, window_params = [{transform_indices = #map}, {transform_indices = #map1}, {transform_indices = #map1}, {transform_indices = #map}]} {
    %mul3A = arith.constant 2 : i32
    %mul3A_0 = arith.muli %arg1, %mul3A : i32
    %add3A = arith.addi %mul3A_0, %arg0 : i32
    "tpu.region"() ({
      %run_scoped3A = tpu.sem_alloc : memref<!tpu.dma_semaphore, #tpu.memory_space<semaphore_mem>>
      tpu.enqueue_dma source(%arg4 : memref<640xf32, #tpu.memory_space<hbm>>) target(%arg8 : memref<640xf32, #tpu.memory_space<vmem>>) target_semaphore(%run_scoped3A : memref<!tpu.dma_semaphore, #tpu.memory_space<semaphore_mem>>)
      tpu.wait_dma2 semaphore(%run_scoped3A : memref<!tpu.dma_semaphore, #tpu.memory_space<semaphore_mem>>) src(%arg4 : memref<640xf32, #tpu.memory_space<hbm>>) dst(%arg8 : memref<640xf32, #tpu.memory_space<vmem>>)
      tpu.yield
    }) : () -> ()
    %mul3A_1 = arith.constant 640 : i32
    %mul3A_2 = arith.muli %arg1, %mul3A_1 : i32
    "tpu.region"() ({
      %run_scoped3A = tpu.sem_alloc : memref<!tpu.dma_semaphore, #tpu.memory_space<semaphore_mem>>
      %dma_start3A = tpu.memref_slice %arg9[%mul3A_2] : memref<10240xf32, #tpu.memory_space<vmem_shared>> -> memref<640xf32, #tpu.memory_space<vmem_shared>>
      %dma_start3A_15 = tpu.memref_slice %arg9[%mul3A_2] : memref<10240xf32, #tpu.memory_space<vmem_shared>> -> memref<640xf32, #tpu.memory_space<vmem_shared>>
      tpu.enqueue_dma source(%arg8 : memref<640xf32, #tpu.memory_space<vmem>>) target(%dma_start3A_15 : memref<640xf32, #tpu.memory_space<vmem_shared>>) target_semaphore(%run_scoped3A : memref<!tpu.dma_semaphore, #tpu.memory_space<semaphore_mem>>)
      %dma_wait3A = tpu.memref_slice %arg9[%mul3A_2] : memref<10240xf32, #tpu.memory_space<vmem_shared>> -> memref<640xf32, #tpu.memory_space<vmem_shared>>
      %dma_wait3A_16 = tpu.memref_slice %arg9[%mul3A_2] : memref<10240xf32, #tpu.memory_space<vmem_shared>> -> memref<640xf32, #tpu.memory_space<vmem_shared>>
      tpu.wait_dma2 semaphore(%run_scoped3A : memref<!tpu.dma_semaphore, #tpu.memory_space<semaphore_mem>>) src(%arg8 : memref<640xf32, #tpu.memory_space<vmem>>) dst(%dma_wait3A_16 : memref<640xf32, #tpu.memory_space<vmem_shared>>)
      tpu.yield
    }) : () -> ()
    "tpu.region"() ({
      %run_scoped3A = tpu.sem_alloc : memref<!tpu.dma_semaphore, #tpu.memory_space<semaphore_mem>>
      tpu.enqueue_dma source(%arg3 : memref<125xf32, #tpu.memory_space<hbm>>) target(%arg7 : memref<125xf32, #tpu.memory_space<vmem>>) target_semaphore(%run_scoped3A : memref<!tpu.dma_semaphore, #tpu.memory_space<semaphore_mem>>)
      tpu.wait_dma2 semaphore(%run_scoped3A : memref<!tpu.dma_semaphore, #tpu.memory_space<semaphore_mem>>) src(%arg3 : memref<125xf32, #tpu.memory_space<hbm>>) dst(%arg7 : memref<125xf32, #tpu.memory_space<vmem>>)
      tpu.yield
    }) : () -> ()
    %mul3A_3 = arith.constant 80 : i32
    %mul3A_4 = arith.muli %add3A, %mul3A_3 : i32
    "tpu.region"() ({
      %run_scoped3A = tpu.sem_alloc : memref<!tpu.dma_semaphore, #tpu.memory_space<semaphore_mem>>
      %dma_start3A = arith.constant 0 : i32
      %dma_start3A_15 = tpu.memref_slice %arg2[%mul3A_4, %dma_start3A] : memref<2560x125xi32, #tpu.memory_space<hbm>> -> memref<80x125xi32, #tpu.memory_space<hbm>>
      %dma_start3A_16 = arith.constant 0 : i32
      %dma_start3A_17 = tpu.memref_slice %arg2[%mul3A_4, %dma_start3A_16] : memref<2560x125xi32, #tpu.memory_space<hbm>> -> memref<80x125xi32, #tpu.memory_space<hbm>>
      tpu.enqueue_dma source(%dma_start3A_17 : memref<80x125xi32, #tpu.memory_space<hbm>>) target(%arg6 : memref<80x125xi32, #tpu.memory_space<vmem>>) target_semaphore(%run_scoped3A : memref<!tpu.dma_semaphore, #tpu.memory_space<semaphore_mem>>)
      %dma_wait3A = arith.constant 0 : i32
      %dma_wait3A_18 = tpu.memref_slice %arg2[%mul3A_4, %dma_wait3A] : memref<2560x125xi32, #tpu.memory_space<hbm>> -> memref<80x125xi32, #tpu.memory_space<hbm>>
      %dma_wait3A_19 = arith.constant 0 : i32
      %dma_wait3A_20 = tpu.memref_slice %arg2[%mul3A_4, %dma_wait3A_19] : memref<2560x125xi32, #tpu.memory_space<hbm>> -> memref<80x125xi32, #tpu.memory_space<hbm>>
      tpu.wait_dma2 semaphore(%run_scoped3A : memref<!tpu.dma_semaphore, #tpu.memory_space<semaphore_mem>>) src(%dma_wait3A_20 : memref<80x125xi32, #tpu.memory_space<hbm>>) dst(%arg6 : memref<80x125xi32, #tpu.memory_space<vmem>>)
      tpu.yield
    }) : () -> ()
    %barrier3A = arith.constant 0 : index
    tpu.barrier barrier_id(%barrier3A)
    %scan3A = arith.constant 0 : i32
    %scan3A_5 = arith.constant 0 : i32
    %scan3A_6 = arith.constant 80 : i32
    %scan3A_7 = arith.addi %scan3A_5, %scan3A_6 : i32
    %scan3A_8 = arith.constant 1 : i32
    scf.for %scan3A_15 = %scan3A_5 to %scan3A_7 step %scan3A_8  : i32 {
      "tpu.region"() ({
        %run_scoped3A = tpu.sem_alloc : memref<!tpu.dma_semaphore, #tpu.memory_space<semaphore_mem>>
        %dma_start3A = arith.constant 0 : i32
        %dma_start3A_16 = tpu.memref_slice %arg6[%scan3A_15, %dma_start3A] : memref<80x125xi32, #tpu.memory_space<vmem>> -> memref<1x125xi32, #tpu.memory_space<vmem>>
        %dma_start3A_17 = tpu.memref_squeeze %dma_start3A_16 : memref<1x125xi32, #tpu.memory_space<vmem>> -> memref<125xi32, #tpu.memory_space<vmem>>
        %dma_start3A_18 = arith.constant 0 : i32
        %dma_start3A_19 = tpu.memref_slice %arg9[%dma_start3A_18] : memref<10240xf32, #tpu.memory_space<vmem_shared>> -> memref<10240xf32, #tpu.memory_space<vmem_shared>>
        tpu.enqueue_indirect_dma source(%arg7 : memref<125xf32, #tpu.memory_space<vmem>>) target(%dma_start3A_19 : memref<10240xf32, #tpu.memory_space<vmem_shared>>) offsets(%dma_start3A_17 : memref<125xi32, #tpu.memory_space<vmem>>) semaphore(%run_scoped3A : memref<!tpu.dma_semaphore, #tpu.memory_space<semaphore_mem>>) {add = true}
        %dma_wait3A = arith.constant 0 : i32
        %dma_wait3A_20 = tpu.memref_slice %arg6[%scan3A_15, %dma_wait3A] : memref<80x125xi32, #tpu.memory_space<vmem>> -> memref<1x125xi32, #tpu.memory_space<vmem>>
        %dma_wait3A_21 = tpu.memref_squeeze %dma_wait3A_20 : memref<1x125xi32, #tpu.memory_space<vmem>> -> memref<125xi32, #tpu.memory_space<vmem>>
        %dma_wait3A_22 = arith.constant 0 : i32
        %dma_wait3A_23 = tpu.memref_slice %arg9[%dma_wait3A_22] : memref<10240xf32, #tpu.memory_space<vmem_shared>> -> memref<10240xf32, #tpu.memory_space<vmem_shared>>
        tpu.wait_indirect_dma semaphore(%run_scoped3A : memref<!tpu.dma_semaphore, #tpu.memory_space<semaphore_mem>>) src(%arg7 : memref<125xf32, #tpu.memory_space<vmem>>) dst(%dma_wait3A_23 : memref<10240xf32, #tpu.memory_space<vmem_shared>>)
        tpu.yield
      }) : () -> ()
    }
    %scan3A_9 = arith.constant 80 : i32
    %barrier3A_10 = arith.constant 0 : index
    tpu.barrier barrier_id(%barrier3A_10)
    %mul3A_11 = arith.constant 640 : i32
    %mul3A_12 = arith.muli %arg1, %mul3A_11 : i32
    "tpu.region"() ({
      %run_scoped3A = tpu.sem_alloc : memref<!tpu.dma_semaphore, #tpu.memory_space<semaphore_mem>>
      %dma_start3A = tpu.memref_slice %arg9[%mul3A_12] : memref<10240xf32, #tpu.memory_space<vmem_shared>> -> memref<640xf32, #tpu.memory_space<vmem_shared>>
      %dma_start3A_15 = tpu.memref_slice %arg9[%mul3A_12] : memref<10240xf32, #tpu.memory_space<vmem_shared>> -> memref<640xf32, #tpu.memory_space<vmem_shared>>
      tpu.enqueue_dma source(%dma_start3A_15 : memref<640xf32, #tpu.memory_space<vmem_shared>>) target(%arg8 : memref<640xf32, #tpu.memory_space<vmem>>) target_semaphore(%run_scoped3A : memref<!tpu.dma_semaphore, #tpu.memory_space<semaphore_mem>>)
      %dma_wait3A = tpu.memref_slice %arg9[%mul3A_12] : memref<10240xf32, #tpu.memory_space<vmem_shared>> -> memref<640xf32, #tpu.memory_space<vmem_shared>>
      %dma_wait3A_16 = tpu.memref_slice %arg9[%mul3A_12] : memref<10240xf32, #tpu.memory_space<vmem_shared>> -> memref<640xf32, #tpu.memory_space<vmem_shared>>
      tpu.wait_dma2 semaphore(%run_scoped3A : memref<!tpu.dma_semaphore, #tpu.memory_space<semaphore_mem>>) src(%dma_wait3A_16 : memref<640xf32, #tpu.memory_space<vmem_shared>>) dst(%arg8 : memref<640xf32, #tpu.memory_space<vmem>>)
      tpu.yield
    }) : () -> ()
    %mul3A_13 = arith.constant 640 : i32
    %mul3A_14 = arith.muli %arg1, %mul3A_13 : i32
    "tpu.region"() ({
      %run_scoped3A = tpu.sem_alloc : memref<!tpu.dma_semaphore, #tpu.memory_space<semaphore_mem>>
      %dma_start3A = arith.constant 0 : i32
      %dma_start3A_15 = tpu.memref_slice %arg5[%arg0, %dma_start3A] : memref<2x10240xf32, #tpu.memory_space<hbm>> -> memref<1x10240xf32, #tpu.memory_space<hbm>>
      %dma_start3A_16 = tpu.memref_squeeze %dma_start3A_15 : memref<1x10240xf32, #tpu.memory_space<hbm>> -> memref<10240xf32, #tpu.memory_space<hbm>>
      %dma_start3A_17 = tpu.memref_slice %dma_start3A_16[%mul3A_14] : memref<10240xf32, #tpu.memory_space<hbm>> -> memref<640xf32, #tpu.memory_space<hbm>>
      %dma_start3A_18 = arith.constant 0 : i32
      %dma_start3A_19 = tpu.memref_slice %arg5[%arg0, %dma_start3A_18] : memref<2x10240xf32, #tpu.memory_space<hbm>> -> memref<1x10240xf32, #tpu.memory_space<hbm>>
      %dma_start3A_20 = tpu.memref_squeeze %dma_start3A_19 : memref<1x10240xf32, #tpu.memory_space<hbm>> -> memref<10240xf32, #tpu.memory_space<hbm>>
      %dma_start3A_21 = tpu.memref_slice %dma_start3A_20[%mul3A_14] : memref<10240xf32, #tpu.memory_space<hbm>> -> memref<640xf32, #tpu.memory_space<hbm>>
      tpu.enqueue_dma source(%arg8 : memref<640xf32, #tpu.memory_space<vmem>>) target(%dma_start3A_21 : memref<640xf32, #tpu.memory_space<hbm>>) target_semaphore(%run_scoped3A : memref<!tpu.dma_semaphore, #tpu.memory_space<semaphore_mem>>)
      %dma_wait3A = arith.constant 0 : i32
      %dma_wait3A_22 = tpu.memref_slice %arg5[%arg0, %dma_wait3A] : memref<2x10240xf32, #tpu.memory_space<hbm>> -> memref<1x10240xf32, #tpu.memory_space<hbm>>
      %dma_wait3A_23 = tpu.memref_squeeze %dma_wait3A_22 : memref<1x10240xf32, #tpu.memory_space<hbm>> -> memref<10240xf32, #tpu.memory_space<hbm>>
      %dma_wait3A_24 = tpu.memref_slice %dma_wait3A_23[%mul3A_14] : memref<10240xf32, #tpu.memory_space<hbm>> -> memref<640xf32, #tpu.memory_space<hbm>>
      %dma_wait3A_25 = arith.constant 0 : i32
      %dma_wait3A_26 = tpu.memref_slice %arg5[%arg0, %dma_wait3A_25] : memref<2x10240xf32, #tpu.memory_space<hbm>> -> memref<1x10240xf32, #tpu.memory_space<hbm>>
      %dma_wait3A_27 = tpu.memref_squeeze %dma_wait3A_26 : memref<1x10240xf32, #tpu.memory_space<hbm>> -> memref<10240xf32, #tpu.memory_space<hbm>>
      %dma_wait3A_28 = tpu.memref_slice %dma_wait3A_27[%mul3A_14] : memref<10240xf32, #tpu.memory_space<hbm>> -> memref<640xf32, #tpu.memory_space<hbm>>
      tpu.wait_dma2 semaphore(%run_scoped3A : memref<!tpu.dma_semaphore, #tpu.memory_space<semaphore_mem>>) src(%arg8 : memref<640xf32, #tpu.memory_space<vmem>>) dst(%dma_wait3A_28 : memref<640xf32, #tpu.memory_space<hbm>>)
      tpu.yield
    }) : () -> ()
    return
  }
}

#map = affine_map<(d0, d1) -> (0, 0)>
#map1 = affine_map<(d0, d1) -> (0, 0, 0)>
module attributes {stable_mosaic.version = 14 : i64} {
  func.func @_edge_call(%arg0: i32, %arg1: i32, %arg2: memref<10000x128xf32, #tpu.memory_space<hbm>>, %arg3: memref<2560x125xi32, #tpu.memory_space<hbm>>, %arg4: memref<2560x125xi32, #tpu.memory_space<hbm>>, %arg5: memref<125x128xf32, #tpu.memory_space<hbm>>, %arg6: memref<2x10112x128xf32, #tpu.memory_space<hbm>>, %arg7: memref<16x125xi32, #tpu.memory_space<vmem>>, %arg8: memref<16x125xi32, #tpu.memory_space<vmem>>, %arg9: memref<125x128xf32, #tpu.memory_space<vmem>>, %arg10: memref<125x128xf32, #tpu.memory_space<vmem>>, %arg11: memref<10112x128xf32, #tpu.memory_space<vmem_shared>>, %arg12: memref<!tpu.dma_semaphore, #tpu.memory_space<semaphore_mem>>, %arg13: memref<!tpu.dma_semaphore, #tpu.memory_space<semaphore_mem>>) attributes {dimension_semantics = [#tpu.dimension_semantics<core_parallel>, #tpu.dimension_semantics<subcore_parallel>], iteration_bounds = array<i64: 2, 16>, scalar_prefetch = 0 : i64, scratch_operands = 7 : i64, tpu.core_type = #tpu.core_type<sc_vector_subcore>, window_params = [{transform_indices = #map}, {transform_indices = #map}, {transform_indices = #map}, {transform_indices = #map}, {transform_indices = #map1}]} {
    %mul3A = arith.constant 2 : i32
    %mul3A_0 = arith.muli %arg1, %mul3A : i32
    %add3A = arith.addi %mul3A_0, %arg0 : i32
    "tpu.region"() ({
      %run_scoped3A = tpu.sem_alloc : memref<!tpu.dma_semaphore, #tpu.memory_space<semaphore_mem>>
      tpu.enqueue_dma source(%arg5 : memref<125x128xf32, #tpu.memory_space<hbm>>) target(%arg9 : memref<125x128xf32, #tpu.memory_space<vmem>>) target_semaphore(%run_scoped3A : memref<!tpu.dma_semaphore, #tpu.memory_space<semaphore_mem>>)
      tpu.wait_dma2 semaphore(%run_scoped3A : memref<!tpu.dma_semaphore, #tpu.memory_space<semaphore_mem>>) src(%arg5 : memref<125x128xf32, #tpu.memory_space<hbm>>) dst(%arg9 : memref<125x128xf32, #tpu.memory_space<vmem>>)
      tpu.yield
    }) : () -> ()
    %mul3A_1 = arith.constant 632 : i32
    %mul3A_2 = arith.muli %arg1, %mul3A_1 : i32
    %add3A_3 = arith.constant 0 : i32
    %add3A_4 = arith.addi %mul3A_2, %add3A_3 : i32
    %dma_start3A = arith.constant 0 : i32
    %dma_start3A_5 = arith.constant 0 : i32
    %dma_start3A_6 = tpu.memref_slice %arg9[%dma_start3A, %dma_start3A_5] : memref<125x128xf32, #tpu.memory_space<vmem>> -> memref<120x128xf32, #tpu.memory_space<vmem>>
    %dma_start3A_7 = arith.constant 0 : i32
    %dma_start3A_8 = tpu.memref_slice %arg11[%add3A_4, %dma_start3A_7] : memref<10112x128xf32, #tpu.memory_space<vmem_shared>> -> memref<120x128xf32, #tpu.memory_space<vmem_shared>>
    %dma_start3A_9 = arith.constant 0 : i32
    %dma_start3A_10 = tpu.memref_slice %arg11[%add3A_4, %dma_start3A_9] : memref<10112x128xf32, #tpu.memory_space<vmem_shared>> -> memref<120x128xf32, #tpu.memory_space<vmem_shared>>
    %dma_start3A_11 = arith.constant 0 : i32
    %dma_start3A_12 = arith.constant 0 : i32
    %dma_start3A_13 = tpu.memref_slice %arg9[%dma_start3A_11, %dma_start3A_12] : memref<125x128xf32, #tpu.memory_space<vmem>> -> memref<120x128xf32, #tpu.memory_space<vmem>>
    tpu.enqueue_dma source(%dma_start3A_13 : memref<120x128xf32, #tpu.memory_space<vmem>>) target(%dma_start3A_10 : memref<120x128xf32, #tpu.memory_space<vmem_shared>>) target_semaphore(%arg12 : memref<!tpu.dma_semaphore, #tpu.memory_space<semaphore_mem>>)
    %mul3A_14 = arith.constant 632 : i32
    %mul3A_15 = arith.muli %arg1, %mul3A_14 : i32
    %add3A_16 = arith.constant 120 : i32
    %add3A_17 = arith.addi %mul3A_15, %add3A_16 : i32
    %dma_start3A_18 = arith.constant 0 : i32
    %dma_start3A_19 = arith.constant 0 : i32
    %dma_start3A_20 = tpu.memref_slice %arg9[%dma_start3A_18, %dma_start3A_19] : memref<125x128xf32, #tpu.memory_space<vmem>> -> memref<120x128xf32, #tpu.memory_space<vmem>>
    %dma_start3A_21 = arith.constant 0 : i32
    %dma_start3A_22 = tpu.memref_slice %arg11[%add3A_17, %dma_start3A_21] : memref<10112x128xf32, #tpu.memory_space<vmem_shared>> -> memref<120x128xf32, #tpu.memory_space<vmem_shared>>
    %dma_start3A_23 = arith.constant 0 : i32
    %dma_start3A_24 = tpu.memref_slice %arg11[%add3A_17, %dma_start3A_23] : memref<10112x128xf32, #tpu.memory_space<vmem_shared>> -> memref<120x128xf32, #tpu.memory_space<vmem_shared>>
    %dma_start3A_25 = arith.constant 0 : i32
    %dma_start3A_26 = arith.constant 0 : i32
    %dma_start3A_27 = tpu.memref_slice %arg9[%dma_start3A_25, %dma_start3A_26] : memref<125x128xf32, #tpu.memory_space<vmem>> -> memref<120x128xf32, #tpu.memory_space<vmem>>
    tpu.enqueue_dma source(%dma_start3A_27 : memref<120x128xf32, #tpu.memory_space<vmem>>) target(%dma_start3A_24 : memref<120x128xf32, #tpu.memory_space<vmem_shared>>) target_semaphore(%arg12 : memref<!tpu.dma_semaphore, #tpu.memory_space<semaphore_mem>>)
    %mul3A_28 = arith.constant 632 : i32
    %mul3A_29 = arith.muli %arg1, %mul3A_28 : i32
    %add3A_30 = arith.constant 240 : i32
    %add3A_31 = arith.addi %mul3A_29, %add3A_30 : i32
    %dma_start3A_32 = arith.constant 0 : i32
    %dma_start3A_33 = arith.constant 0 : i32
    %dma_start3A_34 = tpu.memref_slice %arg9[%dma_start3A_32, %dma_start3A_33] : memref<125x128xf32, #tpu.memory_space<vmem>> -> memref<120x128xf32, #tpu.memory_space<vmem>>
    %dma_start3A_35 = arith.constant 0 : i32
    %dma_start3A_36 = tpu.memref_slice %arg11[%add3A_31, %dma_start3A_35] : memref<10112x128xf32, #tpu.memory_space<vmem_shared>> -> memref<120x128xf32, #tpu.memory_space<vmem_shared>>
    %dma_start3A_37 = arith.constant 0 : i32
    %dma_start3A_38 = tpu.memref_slice %arg11[%add3A_31, %dma_start3A_37] : memref<10112x128xf32, #tpu.memory_space<vmem_shared>> -> memref<120x128xf32, #tpu.memory_space<vmem_shared>>
    %dma_start3A_39 = arith.constant 0 : i32
    %dma_start3A_40 = arith.constant 0 : i32
    %dma_start3A_41 = tpu.memref_slice %arg9[%dma_start3A_39, %dma_start3A_40] : memref<125x128xf32, #tpu.memory_space<vmem>> -> memref<120x128xf32, #tpu.memory_space<vmem>>
    tpu.enqueue_dma source(%dma_start3A_41 : memref<120x128xf32, #tpu.memory_space<vmem>>) target(%dma_start3A_38 : memref<120x128xf32, #tpu.memory_space<vmem_shared>>) target_semaphore(%arg12 : memref<!tpu.dma_semaphore, #tpu.memory_space<semaphore_mem>>)
    %mul3A_42 = arith.constant 632 : i32
    %mul3A_43 = arith.muli %arg1, %mul3A_42 : i32
    %add3A_44 = arith.constant 360 : i32
    %add3A_45 = arith.addi %mul3A_43, %add3A_44 : i32
    %dma_start3A_46 = arith.constant 0 : i32
    %dma_start3A_47 = arith.constant 0 : i32
    %dma_start3A_48 = tpu.memref_slice %arg9[%dma_start3A_46, %dma_start3A_47] : memref<125x128xf32, #tpu.memory_space<vmem>> -> memref<120x128xf32, #tpu.memory_space<vmem>>
    %dma_start3A_49 = arith.constant 0 : i32
    %dma_start3A_50 = tpu.memref_slice %arg11[%add3A_45, %dma_start3A_49] : memref<10112x128xf32, #tpu.memory_space<vmem_shared>> -> memref<120x128xf32, #tpu.memory_space<vmem_shared>>
    %dma_start3A_51 = arith.constant 0 : i32
    %dma_start3A_52 = tpu.memref_slice %arg11[%add3A_45, %dma_start3A_51] : memref<10112x128xf32, #tpu.memory_space<vmem_shared>> -> memref<120x128xf32, #tpu.memory_space<vmem_shared>>
    %dma_start3A_53 = arith.constant 0 : i32
    %dma_start3A_54 = arith.constant 0 : i32
    %dma_start3A_55 = tpu.memref_slice %arg9[%dma_start3A_53, %dma_start3A_54] : memref<125x128xf32, #tpu.memory_space<vmem>> -> memref<120x128xf32, #tpu.memory_space<vmem>>
    tpu.enqueue_dma source(%dma_start3A_55 : memref<120x128xf32, #tpu.memory_space<vmem>>) target(%dma_start3A_52 : memref<120x128xf32, #tpu.memory_space<vmem_shared>>) target_semaphore(%arg12 : memref<!tpu.dma_semaphore, #tpu.memory_space<semaphore_mem>>)
    %mul3A_56 = arith.constant 632 : i32
    %mul3A_57 = arith.muli %arg1, %mul3A_56 : i32
    %add3A_58 = arith.constant 480 : i32
    %add3A_59 = arith.addi %mul3A_57, %add3A_58 : i32
    %dma_start3A_60 = arith.constant 0 : i32
    %dma_start3A_61 = arith.constant 0 : i32
    %dma_start3A_62 = tpu.memref_slice %arg9[%dma_start3A_60, %dma_start3A_61] : memref<125x128xf32, #tpu.memory_space<vmem>> -> memref<120x128xf32, #tpu.memory_space<vmem>>
    %dma_start3A_63 = arith.constant 0 : i32
    %dma_start3A_64 = tpu.memref_slice %arg11[%add3A_59, %dma_start3A_63] : memref<10112x128xf32, #tpu.memory_space<vmem_shared>> -> memref<120x128xf32, #tpu.memory_space<vmem_shared>>
    %dma_start3A_65 = arith.constant 0 : i32
    %dma_start3A_66 = tpu.memref_slice %arg11[%add3A_59, %dma_start3A_65] : memref<10112x128xf32, #tpu.memory_space<vmem_shared>> -> memref<120x128xf32, #tpu.memory_space<vmem_shared>>
    %dma_start3A_67 = arith.constant 0 : i32
    %dma_start3A_68 = arith.constant 0 : i32
    %dma_start3A_69 = tpu.memref_slice %arg9[%dma_start3A_67, %dma_start3A_68] : memref<125x128xf32, #tpu.memory_space<vmem>> -> memref<120x128xf32, #tpu.memory_space<vmem>>
    tpu.enqueue_dma source(%dma_start3A_69 : memref<120x128xf32, #tpu.memory_space<vmem>>) target(%dma_start3A_66 : memref<120x128xf32, #tpu.memory_space<vmem_shared>>) target_semaphore(%arg12 : memref<!tpu.dma_semaphore, #tpu.memory_space<semaphore_mem>>)
    %mul3A_70 = arith.constant 632 : i32
    %mul3A_71 = arith.muli %arg1, %mul3A_70 : i32
    %add3A_72 = arith.constant 600 : i32
    %add3A_73 = arith.addi %mul3A_71, %add3A_72 : i32
    %dma_start3A_74 = arith.constant 0 : i32
    %dma_start3A_75 = arith.constant 0 : i32
    %dma_start3A_76 = tpu.memref_slice %arg9[%dma_start3A_74, %dma_start3A_75] : memref<125x128xf32, #tpu.memory_space<vmem>> -> memref<32x128xf32, #tpu.memory_space<vmem>>
    %dma_start3A_77 = arith.constant 0 : i32
    %dma_start3A_78 = tpu.memref_slice %arg11[%add3A_73, %dma_start3A_77] : memref<10112x128xf32, #tpu.memory_space<vmem_shared>> -> memref<32x128xf32, #tpu.memory_space<vmem_shared>>
    %dma_start3A_79 = arith.constant 0 : i32
    %dma_start3A_80 = tpu.memref_slice %arg11[%add3A_73, %dma_start3A_79] : memref<10112x128xf32, #tpu.memory_space<vmem_shared>> -> memref<32x128xf32, #tpu.memory_space<vmem_shared>>
    %dma_start3A_81 = arith.constant 0 : i32
    %dma_start3A_82 = arith.constant 0 : i32
    %dma_start3A_83 = tpu.memref_slice %arg9[%dma_start3A_81, %dma_start3A_82] : memref<125x128xf32, #tpu.memory_space<vmem>> -> memref<32x128xf32, #tpu.memory_space<vmem>>
    tpu.enqueue_dma source(%dma_start3A_83 : memref<32x128xf32, #tpu.memory_space<vmem>>) target(%dma_start3A_80 : memref<32x128xf32, #tpu.memory_space<vmem_shared>>) target_semaphore(%arg13 : memref<!tpu.dma_semaphore, #tpu.memory_space<semaphore_mem>>)
    %mul3A_84 = arith.constant 632 : i32
    %mul3A_85 = arith.muli %arg1, %mul3A_84 : i32
    %add3A_86 = arith.constant 0 : i32
    %add3A_87 = arith.addi %mul3A_85, %add3A_86 : i32
    %dma_wait3A = arith.constant 0 : i32
    %dma_wait3A_88 = arith.constant 0 : i32
    %dma_wait3A_89 = tpu.memref_slice %arg9[%dma_wait3A, %dma_wait3A_88] : memref<125x128xf32, #tpu.memory_space<vmem>> -> memref<120x128xf32, #tpu.memory_space<vmem>>
    %dma_wait3A_90 = arith.constant 0 : i32
    %dma_wait3A_91 = tpu.memref_slice %arg11[%add3A_87, %dma_wait3A_90] : memref<10112x128xf32, #tpu.memory_space<vmem_shared>> -> memref<120x128xf32, #tpu.memory_space<vmem_shared>>
    %dma_wait3A_92 = arith.constant 0 : i32
    %dma_wait3A_93 = tpu.memref_slice %arg11[%add3A_87, %dma_wait3A_92] : memref<10112x128xf32, #tpu.memory_space<vmem_shared>> -> memref<120x128xf32, #tpu.memory_space<vmem_shared>>
    %dma_wait3A_94 = arith.constant 0 : i32
    %dma_wait3A_95 = arith.constant 0 : i32
    %dma_wait3A_96 = tpu.memref_slice %arg9[%dma_wait3A_94, %dma_wait3A_95] : memref<125x128xf32, #tpu.memory_space<vmem>> -> memref<120x128xf32, #tpu.memory_space<vmem>>
    tpu.wait_dma2 semaphore(%arg12 : memref<!tpu.dma_semaphore, #tpu.memory_space<semaphore_mem>>) src(%dma_wait3A_96 : memref<120x128xf32, #tpu.memory_space<vmem>>) dst(%dma_wait3A_93 : memref<120x128xf32, #tpu.memory_space<vmem_shared>>)
    %mul3A_97 = arith.constant 632 : i32
    %mul3A_98 = arith.muli %arg1, %mul3A_97 : i32
    %add3A_99 = arith.constant 120 : i32
    %add3A_100 = arith.addi %mul3A_98, %add3A_99 : i32
    %dma_wait3A_101 = arith.constant 0 : i32
    %dma_wait3A_102 = arith.constant 0 : i32
    %dma_wait3A_103 = tpu.memref_slice %arg9[%dma_wait3A_101, %dma_wait3A_102] : memref<125x128xf32, #tpu.memory_space<vmem>> -> memref<120x128xf32, #tpu.memory_space<vmem>>
    %dma_wait3A_104 = arith.constant 0 : i32
    %dma_wait3A_105 = tpu.memref_slice %arg11[%add3A_100, %dma_wait3A_104] : memref<10112x128xf32, #tpu.memory_space<vmem_shared>> -> memref<120x128xf32, #tpu.memory_space<vmem_shared>>
    %dma_wait3A_106 = arith.constant 0 : i32
    %dma_wait3A_107 = tpu.memref_slice %arg11[%add3A_100, %dma_wait3A_106] : memref<10112x128xf32, #tpu.memory_space<vmem_shared>> -> memref<120x128xf32, #tpu.memory_space<vmem_shared>>
    %dma_wait3A_108 = arith.constant 0 : i32
    %dma_wait3A_109 = arith.constant 0 : i32
    %dma_wait3A_110 = tpu.memref_slice %arg9[%dma_wait3A_108, %dma_wait3A_109] : memref<125x128xf32, #tpu.memory_space<vmem>> -> memref<120x128xf32, #tpu.memory_space<vmem>>
    tpu.wait_dma2 semaphore(%arg12 : memref<!tpu.dma_semaphore, #tpu.memory_space<semaphore_mem>>) src(%dma_wait3A_110 : memref<120x128xf32, #tpu.memory_space<vmem>>) dst(%dma_wait3A_107 : memref<120x128xf32, #tpu.memory_space<vmem_shared>>)
    %mul3A_111 = arith.constant 632 : i32
    %mul3A_112 = arith.muli %arg1, %mul3A_111 : i32
    %add3A_113 = arith.constant 240 : i32
    %add3A_114 = arith.addi %mul3A_112, %add3A_113 : i32
    %dma_wait3A_115 = arith.constant 0 : i32
    %dma_wait3A_116 = arith.constant 0 : i32
    %dma_wait3A_117 = tpu.memref_slice %arg9[%dma_wait3A_115, %dma_wait3A_116] : memref<125x128xf32, #tpu.memory_space<vmem>> -> memref<120x128xf32, #tpu.memory_space<vmem>>
    %dma_wait3A_118 = arith.constant 0 : i32
    %dma_wait3A_119 = tpu.memref_slice %arg11[%add3A_114, %dma_wait3A_118] : memref<10112x128xf32, #tpu.memory_space<vmem_shared>> -> memref<120x128xf32, #tpu.memory_space<vmem_shared>>
    %dma_wait3A_120 = arith.constant 0 : i32
    %dma_wait3A_121 = tpu.memref_slice %arg11[%add3A_114, %dma_wait3A_120] : memref<10112x128xf32, #tpu.memory_space<vmem_shared>> -> memref<120x128xf32, #tpu.memory_space<vmem_shared>>
    %dma_wait3A_122 = arith.constant 0 : i32
    %dma_wait3A_123 = arith.constant 0 : i32
    %dma_wait3A_124 = tpu.memref_slice %arg9[%dma_wait3A_122, %dma_wait3A_123] : memref<125x128xf32, #tpu.memory_space<vmem>> -> memref<120x128xf32, #tpu.memory_space<vmem>>
    tpu.wait_dma2 semaphore(%arg12 : memref<!tpu.dma_semaphore, #tpu.memory_space<semaphore_mem>>) src(%dma_wait3A_124 : memref<120x128xf32, #tpu.memory_space<vmem>>) dst(%dma_wait3A_121 : memref<120x128xf32, #tpu.memory_space<vmem_shared>>)
    %mul3A_125 = arith.constant 632 : i32
    %mul3A_126 = arith.muli %arg1, %mul3A_125 : i32
    %add3A_127 = arith.constant 360 : i32
    %add3A_128 = arith.addi %mul3A_126, %add3A_127 : i32
    %dma_wait3A_129 = arith.constant 0 : i32
    %dma_wait3A_130 = arith.constant 0 : i32
    %dma_wait3A_131 = tpu.memref_slice %arg9[%dma_wait3A_129, %dma_wait3A_130] : memref<125x128xf32, #tpu.memory_space<vmem>> -> memref<120x128xf32, #tpu.memory_space<vmem>>
    %dma_wait3A_132 = arith.constant 0 : i32
    %dma_wait3A_133 = tpu.memref_slice %arg11[%add3A_128, %dma_wait3A_132] : memref<10112x128xf32, #tpu.memory_space<vmem_shared>> -> memref<120x128xf32, #tpu.memory_space<vmem_shared>>
    %dma_wait3A_134 = arith.constant 0 : i32
    %dma_wait3A_135 = tpu.memref_slice %arg11[%add3A_128, %dma_wait3A_134] : memref<10112x128xf32, #tpu.memory_space<vmem_shared>> -> memref<120x128xf32, #tpu.memory_space<vmem_shared>>
    %dma_wait3A_136 = arith.constant 0 : i32
    %dma_wait3A_137 = arith.constant 0 : i32
    %dma_wait3A_138 = tpu.memref_slice %arg9[%dma_wait3A_136, %dma_wait3A_137] : memref<125x128xf32, #tpu.memory_space<vmem>> -> memref<120x128xf32, #tpu.memory_space<vmem>>
    tpu.wait_dma2 semaphore(%arg12 : memref<!tpu.dma_semaphore, #tpu.memory_space<semaphore_mem>>) src(%dma_wait3A_138 : memref<120x128xf32, #tpu.memory_space<vmem>>) dst(%dma_wait3A_135 : memref<120x128xf32, #tpu.memory_space<vmem_shared>>)
    %mul3A_139 = arith.constant 632 : i32
    %mul3A_140 = arith.muli %arg1, %mul3A_139 : i32
    %add3A_141 = arith.constant 480 : i32
    %add3A_142 = arith.addi %mul3A_140, %add3A_141 : i32
    %dma_wait3A_143 = arith.constant 0 : i32
    %dma_wait3A_144 = arith.constant 0 : i32
    %dma_wait3A_145 = tpu.memref_slice %arg9[%dma_wait3A_143, %dma_wait3A_144] : memref<125x128xf32, #tpu.memory_space<vmem>> -> memref<120x128xf32, #tpu.memory_space<vmem>>
    %dma_wait3A_146 = arith.constant 0 : i32
    %dma_wait3A_147 = tpu.memref_slice %arg11[%add3A_142, %dma_wait3A_146] : memref<10112x128xf32, #tpu.memory_space<vmem_shared>> -> memref<120x128xf32, #tpu.memory_space<vmem_shared>>
    %dma_wait3A_148 = arith.constant 0 : i32
    %dma_wait3A_149 = tpu.memref_slice %arg11[%add3A_142, %dma_wait3A_148] : memref<10112x128xf32, #tpu.memory_space<vmem_shared>> -> memref<120x128xf32, #tpu.memory_space<vmem_shared>>
    %dma_wait3A_150 = arith.constant 0 : i32
    %dma_wait3A_151 = arith.constant 0 : i32
    %dma_wait3A_152 = tpu.memref_slice %arg9[%dma_wait3A_150, %dma_wait3A_151] : memref<125x128xf32, #tpu.memory_space<vmem>> -> memref<120x128xf32, #tpu.memory_space<vmem>>
    tpu.wait_dma2 semaphore(%arg12 : memref<!tpu.dma_semaphore, #tpu.memory_space<semaphore_mem>>) src(%dma_wait3A_152 : memref<120x128xf32, #tpu.memory_space<vmem>>) dst(%dma_wait3A_149 : memref<120x128xf32, #tpu.memory_space<vmem_shared>>)
    %mul3A_153 = arith.constant 632 : i32
    %mul3A_154 = arith.muli %arg1, %mul3A_153 : i32
    %add3A_155 = arith.constant 600 : i32
    %add3A_156 = arith.addi %mul3A_154, %add3A_155 : i32
    %dma_wait3A_157 = arith.constant 0 : i32
    %dma_wait3A_158 = arith.constant 0 : i32
    %dma_wait3A_159 = tpu.memref_slice %arg9[%dma_wait3A_157, %dma_wait3A_158] : memref<125x128xf32, #tpu.memory_space<vmem>> -> memref<32x128xf32, #tpu.memory_space<vmem>>
    %dma_wait3A_160 = arith.constant 0 : i32
    %dma_wait3A_161 = tpu.memref_slice %arg11[%add3A_156, %dma_wait3A_160] : memref<10112x128xf32, #tpu.memory_space<vmem_shared>> -> memref<32x128xf32, #tpu.memory_space<vmem_shared>>
    %dma_wait3A_162 = arith.constant 0 : i32
    %dma_wait3A_163 = tpu.memref_slice %arg11[%add3A_156, %dma_wait3A_162] : memref<10112x128xf32, #tpu.memory_space<vmem_shared>> -> memref<32x128xf32, #tpu.memory_space<vmem_shared>>
    %dma_wait3A_164 = arith.constant 0 : i32
    %dma_wait3A_165 = arith.constant 0 : i32
    %dma_wait3A_166 = tpu.memref_slice %arg9[%dma_wait3A_164, %dma_wait3A_165] : memref<125x128xf32, #tpu.memory_space<vmem>> -> memref<32x128xf32, #tpu.memory_space<vmem>>
    tpu.wait_dma2 semaphore(%arg13 : memref<!tpu.dma_semaphore, #tpu.memory_space<semaphore_mem>>) src(%dma_wait3A_166 : memref<32x128xf32, #tpu.memory_space<vmem>>) dst(%dma_wait3A_163 : memref<32x128xf32, #tpu.memory_space<vmem_shared>>)
    %barrier3A = arith.constant 0 : index
    tpu.barrier barrier_id(%barrier3A)
    %scan3A = arith.constant 0 : i32
    %scan3A_167 = arith.constant 0 : i32
    %scan3A_168 = arith.constant 5 : i32
    %scan3A_169 = arith.addi %scan3A_167, %scan3A_168 : i32
    %scan3A_170 = arith.constant 1 : i32
    scf.for %scan3A_437 = %scan3A_167 to %scan3A_169 step %scan3A_170  : i32 {
      %mul3A_438 = arith.constant 80 : i32
      %mul3A_439 = arith.muli %add3A, %mul3A_438 : i32
      %mul3A_440 = arith.constant 16 : i32
      %mul3A_441 = arith.muli %scan3A_437, %mul3A_440 : i32
      %add3A_442 = arith.addi %mul3A_439, %mul3A_441 : i32
      "tpu.region"() ({
        %run_scoped3A = tpu.sem_alloc : memref<!tpu.dma_semaphore, #tpu.memory_space<semaphore_mem>>
        %dma_start3A_456 = arith.constant 0 : i32
        %dma_start3A_457 = tpu.memref_slice %arg3[%add3A_442, %dma_start3A_456] : memref<2560x125xi32, #tpu.memory_space<hbm>> -> memref<16x125xi32, #tpu.memory_space<hbm>>
        %dma_start3A_458 = arith.constant 0 : i32
        %dma_start3A_459 = tpu.memref_slice %arg3[%add3A_442, %dma_start3A_458] : memref<2560x125xi32, #tpu.memory_space<hbm>> -> memref<16x125xi32, #tpu.memory_space<hbm>>
        tpu.enqueue_dma source(%dma_start3A_459 : memref<16x125xi32, #tpu.memory_space<hbm>>) target(%arg7 : memref<16x125xi32, #tpu.memory_space<vmem>>) target_semaphore(%run_scoped3A : memref<!tpu.dma_semaphore, #tpu.memory_space<semaphore_mem>>)
        %dma_wait3A_460 = arith.constant 0 : i32
        %dma_wait3A_461 = tpu.memref_slice %arg3[%add3A_442, %dma_wait3A_460] : memref<2560x125xi32, #tpu.memory_space<hbm>> -> memref<16x125xi32, #tpu.memory_space<hbm>>
        %dma_wait3A_462 = arith.constant 0 : i32
        %dma_wait3A_463 = tpu.memref_slice %arg3[%add3A_442, %dma_wait3A_462] : memref<2560x125xi32, #tpu.memory_space<hbm>> -> memref<16x125xi32, #tpu.memory_space<hbm>>
        tpu.wait_dma2 semaphore(%run_scoped3A : memref<!tpu.dma_semaphore, #tpu.memory_space<semaphore_mem>>) src(%dma_wait3A_463 : memref<16x125xi32, #tpu.memory_space<hbm>>) dst(%arg7 : memref<16x125xi32, #tpu.memory_space<vmem>>)
        tpu.yield
      }) : () -> ()
      "tpu.region"() ({
        %run_scoped3A = tpu.sem_alloc : memref<!tpu.dma_semaphore, #tpu.memory_space<semaphore_mem>>
        %dma_start3A_456 = arith.constant 0 : i32
        %dma_start3A_457 = tpu.memref_slice %arg4[%add3A_442, %dma_start3A_456] : memref<2560x125xi32, #tpu.memory_space<hbm>> -> memref<16x125xi32, #tpu.memory_space<hbm>>
        %dma_start3A_458 = arith.constant 0 : i32
        %dma_start3A_459 = tpu.memref_slice %arg4[%add3A_442, %dma_start3A_458] : memref<2560x125xi32, #tpu.memory_space<hbm>> -> memref<16x125xi32, #tpu.memory_space<hbm>>
        tpu.enqueue_dma source(%dma_start3A_459 : memref<16x125xi32, #tpu.memory_space<hbm>>) target(%arg8 : memref<16x125xi32, #tpu.memory_space<vmem>>) target_semaphore(%run_scoped3A : memref<!tpu.dma_semaphore, #tpu.memory_space<semaphore_mem>>)
        %dma_wait3A_460 = arith.constant 0 : i32
        %dma_wait3A_461 = tpu.memref_slice %arg4[%add3A_442, %dma_wait3A_460] : memref<2560x125xi32, #tpu.memory_space<hbm>> -> memref<16x125xi32, #tpu.memory_space<hbm>>
        %dma_wait3A_462 = arith.constant 0 : i32
        %dma_wait3A_463 = tpu.memref_slice %arg4[%add3A_442, %dma_wait3A_462] : memref<2560x125xi32, #tpu.memory_space<hbm>> -> memref<16x125xi32, #tpu.memory_space<hbm>>
        tpu.wait_dma2 semaphore(%run_scoped3A : memref<!tpu.dma_semaphore, #tpu.memory_space<semaphore_mem>>) src(%dma_wait3A_463 : memref<16x125xi32, #tpu.memory_space<hbm>>) dst(%arg8 : memref<16x125xi32, #tpu.memory_space<vmem>>)
        tpu.yield
      }) : () -> ()
      %dma_start3A_443 = arith.constant 0 : i32
      %dma_start3A_444 = arith.constant 0 : i32
      %dma_start3A_445 = tpu.memref_slice %arg7[%dma_start3A_443, %dma_start3A_444] : memref<16x125xi32, #tpu.memory_space<vmem>> -> memref<1x125xi32, #tpu.memory_space<vmem>>
      %dma_start3A_446 = tpu.memref_squeeze %dma_start3A_445 : memref<1x125xi32, #tpu.memory_space<vmem>> -> memref<125xi32, #tpu.memory_space<vmem>>
      %dma_start3A_447 = arith.constant 0 : i32
      %dma_start3A_448 = arith.constant 0 : i32
      %dma_start3A_449 = tpu.memref_slice %arg2[%dma_start3A_447, %dma_start3A_448] : memref<10000x128xf32, #tpu.memory_space<hbm>> -> memref<10000x128xf32, #tpu.memory_space<hbm>>
      tpu.enqueue_indirect_dma source(%dma_start3A_449 : memref<10000x128xf32, #tpu.memory_space<hbm>>) target(%arg9 : memref<125x128xf32, #tpu.memory_space<vmem>>) offsets(%dma_start3A_446 : memref<125xi32, #tpu.memory_space<vmem>>) semaphore(%arg12 : memref<!tpu.dma_semaphore, #tpu.memory_space<semaphore_mem>>)
      %scan3A_450 = arith.constant 0 : i32
      %scan3A_451 = arith.constant 0 : i32
      %scan3A_452 = arith.constant 8 : i32
      %scan3A_453 = arith.addi %scan3A_451, %scan3A_452 : i32
      %scan3A_454 = arith.constant 1 : i32
      scf.for %scan3A_456 = %scan3A_451 to %scan3A_453 step %scan3A_454  : i32 {
        %mul3A_457 = arith.constant 2 : i32
        %mul3A_458 = arith.muli %scan3A_456, %mul3A_457 : i32
        %add3A_459 = arith.constant 0 : i32
        %add3A_460 = arith.addi %mul3A_458, %add3A_459 : i32
        %add3A_461 = arith.constant 1 : i32
        %add3A_462 = arith.addi %add3A_460, %add3A_461 : i32
        %lt3A = arith.constant 16 : i32
        %lt3A_463 = arith.cmpi slt, %add3A_462, %lt3A : i32
        %convert_element_type3A = arith.extui %lt3A_463 : i1 to i32
        %cond3A = arith.constant 0 : i32
        %cond3A_464 = arith.cmpi ne, %convert_element_type3A, %cond3A : i32
        scf.if %cond3A_464 {
          %add3A_486 = arith.constant 1 : i32
          %add3A_487 = arith.addi %add3A_460, %add3A_486 : i32
          %dma_start3A_488 = arith.constant 0 : i32
          %dma_start3A_489 = tpu.memref_slice %arg7[%add3A_487, %dma_start3A_488] : memref<16x125xi32, #tpu.memory_space<vmem>> -> memref<1x125xi32, #tpu.memory_space<vmem>>
          %dma_start3A_490 = tpu.memref_squeeze %dma_start3A_489 : memref<1x125xi32, #tpu.memory_space<vmem>> -> memref<125xi32, #tpu.memory_space<vmem>>
          %dma_start3A_491 = arith.constant 0 : i32
          %dma_start3A_492 = arith.constant 0 : i32
          %dma_start3A_493 = tpu.memref_slice %arg2[%dma_start3A_491, %dma_start3A_492] : memref<10000x128xf32, #tpu.memory_space<hbm>> -> memref<10000x128xf32, #tpu.memory_space<hbm>>
          tpu.enqueue_indirect_dma source(%dma_start3A_493 : memref<10000x128xf32, #tpu.memory_space<hbm>>) target(%arg10 : memref<125x128xf32, #tpu.memory_space<vmem>>) offsets(%dma_start3A_490 : memref<125xi32, #tpu.memory_space<vmem>>) semaphore(%arg13 : memref<!tpu.dma_semaphore, #tpu.memory_space<semaphore_mem>>)
        } else {
        }
        %dma_wait3A_465 = arith.constant 0 : i32
        %dma_wait3A_466 = tpu.memref_slice %arg7[%add3A_460, %dma_wait3A_465] : memref<16x125xi32, #tpu.memory_space<vmem>> -> memref<1x125xi32, #tpu.memory_space<vmem>>
        %dma_wait3A_467 = tpu.memref_squeeze %dma_wait3A_466 : memref<1x125xi32, #tpu.memory_space<vmem>> -> memref<125xi32, #tpu.memory_space<vmem>>
        %dma_wait3A_468 = arith.constant 0 : i32
        %dma_wait3A_469 = arith.constant 0 : i32
        %dma_wait3A_470 = tpu.memref_slice %arg2[%dma_wait3A_468, %dma_wait3A_469] : memref<10000x128xf32, #tpu.memory_space<hbm>> -> memref<10000x128xf32, #tpu.memory_space<hbm>>
        tpu.wait_indirect_dma semaphore(%arg12 : memref<!tpu.dma_semaphore, #tpu.memory_space<semaphore_mem>>) src(%dma_wait3A_470 : memref<10000x128xf32, #tpu.memory_space<hbm>>) dst(%arg9 : memref<125x128xf32, #tpu.memory_space<vmem>>)
        "tpu.region"() ({
          %run_scoped3A = tpu.sem_alloc : memref<!tpu.dma_semaphore, #tpu.memory_space<semaphore_mem>>
          %dma_start3A_486 = arith.constant 0 : i32
          %dma_start3A_487 = tpu.memref_slice %arg8[%add3A_460, %dma_start3A_486] : memref<16x125xi32, #tpu.memory_space<vmem>> -> memref<1x125xi32, #tpu.memory_space<vmem>>
          %dma_start3A_488 = tpu.memref_squeeze %dma_start3A_487 : memref<1x125xi32, #tpu.memory_space<vmem>> -> memref<125xi32, #tpu.memory_space<vmem>>
          %dma_start3A_489 = arith.constant 0 : i32
          %dma_start3A_490 = arith.constant 0 : i32
          %dma_start3A_491 = tpu.memref_slice %arg11[%dma_start3A_489, %dma_start3A_490] : memref<10112x128xf32, #tpu.memory_space<vmem_shared>> -> memref<10112x128xf32, #tpu.memory_space<vmem_shared>>
          tpu.enqueue_indirect_dma source(%arg9 : memref<125x128xf32, #tpu.memory_space<vmem>>) target(%dma_start3A_491 : memref<10112x128xf32, #tpu.memory_space<vmem_shared>>) offsets(%dma_start3A_488 : memref<125xi32, #tpu.memory_space<vmem>>) semaphore(%run_scoped3A : memref<!tpu.dma_semaphore, #tpu.memory_space<semaphore_mem>>) {add = true}
          %dma_wait3A_492 = arith.constant 0 : i32
          %dma_wait3A_493 = tpu.memref_slice %arg8[%add3A_460, %dma_wait3A_492] : memref<16x125xi32, #tpu.memory_space<vmem>> -> memref<1x125xi32, #tpu.memory_space<vmem>>
          %dma_wait3A_494 = tpu.memref_squeeze %dma_wait3A_493 : memref<1x125xi32, #tpu.memory_space<vmem>> -> memref<125xi32, #tpu.memory_space<vmem>>
          %dma_wait3A_495 = arith.constant 0 : i32
          %dma_wait3A_496 = arith.constant 0 : i32
          %dma_wait3A_497 = tpu.memref_slice %arg11[%dma_wait3A_495, %dma_wait3A_496] : memref<10112x128xf32, #tpu.memory_space<vmem_shared>> -> memref<10112x128xf32, #tpu.memory_space<vmem_shared>>
          tpu.wait_indirect_dma semaphore(%run_scoped3A : memref<!tpu.dma_semaphore, #tpu.memory_space<semaphore_mem>>) src(%arg9 : memref<125x128xf32, #tpu.memory_space<vmem>>) dst(%dma_wait3A_497 : memref<10112x128xf32, #tpu.memory_space<vmem_shared>>)
          tpu.yield
        }) : () -> ()
        %add3A_471 = arith.constant 1 : i32
        %add3A_472 = arith.addi %mul3A_458, %add3A_471 : i32
        %add3A_473 = arith.constant 1 : i32
        %add3A_474 = arith.addi %add3A_472, %add3A_473 : i32
        %lt3A_475 = arith.constant 16 : i32
        %lt3A_476 = arith.cmpi slt, %add3A_474, %lt3A_475 : i32
        %convert_element_type3A_477 = arith.extui %lt3A_476 : i1 to i32
        %cond3A_478 = arith.constant 0 : i32
        %cond3A_479 = arith.cmpi ne, %convert_element_type3A_477, %cond3A_478 : i32
        scf.if %cond3A_479 {
          %add3A_486 = arith.constant 1 : i32
          %add3A_487 = arith.addi %add3A_472, %add3A_486 : i32
          %dma_start3A_488 = arith.constant 0 : i32
          %dma_start3A_489 = tpu.memref_slice %arg7[%add3A_487, %dma_start3A_488] : memref<16x125xi32, #tpu.memory_space<vmem>> -> memref<1x125xi32, #tpu.memory_space<vmem>>
          %dma_start3A_490 = tpu.memref_squeeze %dma_start3A_489 : memref<1x125xi32, #tpu.memory_space<vmem>> -> memref<125xi32, #tpu.memory_space<vmem>>
          %dma_start3A_491 = arith.constant 0 : i32
          %dma_start3A_492 = arith.constant 0 : i32
          %dma_start3A_493 = tpu.memref_slice %arg2[%dma_start3A_491, %dma_start3A_492] : memref<10000x128xf32, #tpu.memory_space<hbm>> -> memref<10000x128xf32, #tpu.memory_space<hbm>>
          tpu.enqueue_indirect_dma source(%dma_start3A_493 : memref<10000x128xf32, #tpu.memory_space<hbm>>) target(%arg9 : memref<125x128xf32, #tpu.memory_space<vmem>>) offsets(%dma_start3A_490 : memref<125xi32, #tpu.memory_space<vmem>>) semaphore(%arg12 : memref<!tpu.dma_semaphore, #tpu.memory_space<semaphore_mem>>)
        } else {
        }
        %dma_wait3A_480 = arith.constant 0 : i32
        %dma_wait3A_481 = tpu.memref_slice %arg7[%add3A_472, %dma_wait3A_480] : memref<16x125xi32, #tpu.memory_space<vmem>> -> memref<1x125xi32, #tpu.memory_space<vmem>>
        %dma_wait3A_482 = tpu.memref_squeeze %dma_wait3A_481 : memref<1x125xi32, #tpu.memory_space<vmem>> -> memref<125xi32, #tpu.memory_space<vmem>>
        %dma_wait3A_483 = arith.constant 0 : i32
        %dma_wait3A_484 = arith.constant 0 : i32
        %dma_wait3A_485 = tpu.memref_slice %arg2[%dma_wait3A_483, %dma_wait3A_484] : memref<10000x128xf32, #tpu.memory_space<hbm>> -> memref<10000x128xf32, #tpu.memory_space<hbm>>
        tpu.wait_indirect_dma semaphore(%arg13 : memref<!tpu.dma_semaphore, #tpu.memory_space<semaphore_mem>>) src(%dma_wait3A_485 : memref<10000x128xf32, #tpu.memory_space<hbm>>) dst(%arg10 : memref<125x128xf32, #tpu.memory_space<vmem>>)
        "tpu.region"() ({
          %run_scoped3A = tpu.sem_alloc : memref<!tpu.dma_semaphore, #tpu.memory_space<semaphore_mem>>
          %dma_start3A_486 = arith.constant 0 : i32
          %dma_start3A_487 = tpu.memref_slice %arg8[%add3A_472, %dma_start3A_486] : memref<16x125xi32, #tpu.memory_space<vmem>> -> memref<1x125xi32, #tpu.memory_space<vmem>>
          %dma_start3A_488 = tpu.memref_squeeze %dma_start3A_487 : memref<1x125xi32, #tpu.memory_space<vmem>> -> memref<125xi32, #tpu.memory_space<vmem>>
          %dma_start3A_489 = arith.constant 0 : i32
          %dma_start3A_490 = arith.constant 0 : i32
          %dma_start3A_491 = tpu.memref_slice %arg11[%dma_start3A_489, %dma_start3A_490] : memref<10112x128xf32, #tpu.memory_space<vmem_shared>> -> memref<10112x128xf32, #tpu.memory_space<vmem_shared>>
          tpu.enqueue_indirect_dma source(%arg10 : memref<125x128xf32, #tpu.memory_space<vmem>>) target(%dma_start3A_491 : memref<10112x128xf32, #tpu.memory_space<vmem_shared>>) offsets(%dma_start3A_488 : memref<125xi32, #tpu.memory_space<vmem>>) semaphore(%run_scoped3A : memref<!tpu.dma_semaphore, #tpu.memory_space<semaphore_mem>>) {add = true}
          %dma_wait3A_492 = arith.constant 0 : i32
          %dma_wait3A_493 = tpu.memref_slice %arg8[%add3A_472, %dma_wait3A_492] : memref<16x125xi32, #tpu.memory_space<vmem>> -> memref<1x125xi32, #tpu.memory_space<vmem>>
          %dma_wait3A_494 = tpu.memref_squeeze %dma_wait3A_493 : memref<1x125xi32, #tpu.memory_space<vmem>> -> memref<125xi32, #tpu.memory_space<vmem>>
          %dma_wait3A_495 = arith.constant 0 : i32
          %dma_wait3A_496 = arith.constant 0 : i32
          %dma_wait3A_497 = tpu.memref_slice %arg11[%dma_wait3A_495, %dma_wait3A_496] : memref<10112x128xf32, #tpu.memory_space<vmem_shared>> -> memref<10112x128xf32, #tpu.memory_space<vmem_shared>>
          tpu.wait_indirect_dma semaphore(%run_scoped3A : memref<!tpu.dma_semaphore, #tpu.memory_space<semaphore_mem>>) src(%arg10 : memref<125x128xf32, #tpu.memory_space<vmem>>) dst(%dma_wait3A_497 : memref<10112x128xf32, #tpu.memory_space<vmem_shared>>)
          tpu.yield
        }) : () -> ()
      }
      %scan3A_455 = arith.constant 8 : i32
    }
    %scan3A_171 = arith.constant 5 : i32
    %barrier3A_172 = arith.constant 0 : index
    tpu.barrier barrier_id(%barrier3A_172)
    %mul3A_173 = arith.constant 632 : i32
    %mul3A_174 = arith.muli %arg1, %mul3A_173 : i32
    %add3A_175 = arith.constant 0 : i32
    %add3A_176 = arith.addi %mul3A_174, %add3A_175 : i32
    "tpu.region"() ({
      %run_scoped3A = tpu.sem_alloc : memref<!tpu.dma_semaphore, #tpu.memory_space<semaphore_mem>>
      %dma_start3A_437 = arith.constant 0 : i32
      %dma_start3A_438 = arith.constant 0 : i32
      %dma_start3A_439 = tpu.memref_slice %arg9[%dma_start3A_437, %dma_start3A_438] : memref<125x128xf32, #tpu.memory_space<vmem>> -> memref<120x128xf32, #tpu.memory_space<vmem>>
      %dma_start3A_440 = arith.constant 0 : i32
      %dma_start3A_441 = tpu.memref_slice %arg11[%add3A_176, %dma_start3A_440] : memref<10112x128xf32, #tpu.memory_space<vmem_shared>> -> memref<120x128xf32, #tpu.memory_space<vmem_shared>>
      %dma_start3A_442 = arith.constant 0 : i32
      %dma_start3A_443 = arith.constant 0 : i32
      %dma_start3A_444 = tpu.memref_slice %arg9[%dma_start3A_442, %dma_start3A_443] : memref<125x128xf32, #tpu.memory_space<vmem>> -> memref<120x128xf32, #tpu.memory_space<vmem>>
      %dma_start3A_445 = arith.constant 0 : i32
      %dma_start3A_446 = tpu.memref_slice %arg11[%add3A_176, %dma_start3A_445] : memref<10112x128xf32, #tpu.memory_space<vmem_shared>> -> memref<120x128xf32, #tpu.memory_space<vmem_shared>>
      tpu.enqueue_dma source(%dma_start3A_446 : memref<120x128xf32, #tpu.memory_space<vmem_shared>>) target(%dma_start3A_444 : memref<120x128xf32, #tpu.memory_space<vmem>>) target_semaphore(%run_scoped3A : memref<!tpu.dma_semaphore, #tpu.memory_space<semaphore_mem>>)
      %dma_wait3A_447 = arith.constant 0 : i32
      %dma_wait3A_448 = arith.constant 0 : i32
      %dma_wait3A_449 = tpu.memref_slice %arg9[%dma_wait3A_447, %dma_wait3A_448] : memref<125x128xf32, #tpu.memory_space<vmem>> -> memref<120x128xf32, #tpu.memory_space<vmem>>
      %dma_wait3A_450 = arith.constant 0 : i32
      %dma_wait3A_451 = tpu.memref_slice %arg11[%add3A_176, %dma_wait3A_450] : memref<10112x128xf32, #tpu.memory_space<vmem_shared>> -> memref<120x128xf32, #tpu.memory_space<vmem_shared>>
      %dma_wait3A_452 = arith.constant 0 : i32
      %dma_wait3A_453 = arith.constant 0 : i32
      %dma_wait3A_454 = tpu.memref_slice %arg9[%dma_wait3A_452, %dma_wait3A_453] : memref<125x128xf32, #tpu.memory_space<vmem>> -> memref<120x128xf32, #tpu.memory_space<vmem>>
      %dma_wait3A_455 = arith.constant 0 : i32
      %dma_wait3A_456 = tpu.memref_slice %arg11[%add3A_176, %dma_wait3A_455] : memref<10112x128xf32, #tpu.memory_space<vmem_shared>> -> memref<120x128xf32, #tpu.memory_space<vmem_shared>>
      tpu.wait_dma2 semaphore(%run_scoped3A : memref<!tpu.dma_semaphore, #tpu.memory_space<semaphore_mem>>) src(%dma_wait3A_456 : memref<120x128xf32, #tpu.memory_space<vmem_shared>>) dst(%dma_wait3A_454 : memref<120x128xf32, #tpu.memory_space<vmem>>)
      tpu.yield
    }) : () -> ()
    %dma_start3A_177 = arith.constant 0 : i32
    %dma_start3A_178 = arith.constant 0 : i32
    %dma_start3A_179 = tpu.memref_slice %arg9[%dma_start3A_177, %dma_start3A_178] : memref<125x128xf32, #tpu.memory_space<vmem>> -> memref<120x128xf32, #tpu.memory_space<vmem>>
    %dma_start3A_180 = arith.constant 0 : i32
    %dma_start3A_181 = arith.constant 0 : i32
    %dma_start3A_182 = tpu.memref_slice %arg6[%arg0, %dma_start3A_180, %dma_start3A_181] : memref<2x10112x128xf32, #tpu.memory_space<hbm>> -> memref<1x10112x128xf32, #tpu.memory_space<hbm>>
    %dma_start3A_183 = tpu.memref_squeeze %dma_start3A_182 : memref<1x10112x128xf32, #tpu.memory_space<hbm>> -> memref<10112x128xf32, #tpu.memory_space<hbm>>
    %dma_start3A_184 = arith.constant 0 : i32
    %dma_start3A_185 = tpu.memref_slice %dma_start3A_183[%add3A_176, %dma_start3A_184] : memref<10112x128xf32, #tpu.memory_space<hbm>> -> memref<120x128xf32, #tpu.memory_space<hbm>>
    %dma_start3A_186 = arith.constant 0 : i32
    %dma_start3A_187 = arith.constant 0 : i32
    %dma_start3A_188 = tpu.memref_slice %arg6[%arg0, %dma_start3A_186, %dma_start3A_187] : memref<2x10112x128xf32, #tpu.memory_space<hbm>> -> memref<1x10112x128xf32, #tpu.memory_space<hbm>>
    %dma_start3A_189 = tpu.memref_squeeze %dma_start3A_188 : memref<1x10112x128xf32, #tpu.memory_space<hbm>> -> memref<10112x128xf32, #tpu.memory_space<hbm>>
    %dma_start3A_190 = arith.constant 0 : i32
    %dma_start3A_191 = tpu.memref_slice %dma_start3A_189[%add3A_176, %dma_start3A_190] : memref<10112x128xf32, #tpu.memory_space<hbm>> -> memref<120x128xf32, #tpu.memory_space<hbm>>
    %dma_start3A_192 = arith.constant 0 : i32
    %dma_start3A_193 = arith.constant 0 : i32
    %dma_start3A_194 = tpu.memref_slice %arg9[%dma_start3A_192, %dma_start3A_193] : memref<125x128xf32, #tpu.memory_space<vmem>> -> memref<120x128xf32, #tpu.memory_space<vmem>>
    tpu.enqueue_dma source(%dma_start3A_194 : memref<120x128xf32, #tpu.memory_space<vmem>>) target(%dma_start3A_191 : memref<120x128xf32, #tpu.memory_space<hbm>>) target_semaphore(%arg12 : memref<!tpu.dma_semaphore, #tpu.memory_space<semaphore_mem>>)
    %mul3A_195 = arith.constant 632 : i32
    %mul3A_196 = arith.muli %arg1, %mul3A_195 : i32
    %add3A_197 = arith.constant 120 : i32
    %add3A_198 = arith.addi %mul3A_196, %add3A_197 : i32
    "tpu.region"() ({
      %run_scoped3A = tpu.sem_alloc : memref<!tpu.dma_semaphore, #tpu.memory_space<semaphore_mem>>
      %dma_start3A_437 = arith.constant 0 : i32
      %dma_start3A_438 = arith.constant 0 : i32
      %dma_start3A_439 = tpu.memref_slice %arg10[%dma_start3A_437, %dma_start3A_438] : memref<125x128xf32, #tpu.memory_space<vmem>> -> memref<120x128xf32, #tpu.memory_space<vmem>>
      %dma_start3A_440 = arith.constant 0 : i32
      %dma_start3A_441 = tpu.memref_slice %arg11[%add3A_198, %dma_start3A_440] : memref<10112x128xf32, #tpu.memory_space<vmem_shared>> -> memref<120x128xf32, #tpu.memory_space<vmem_shared>>
      %dma_start3A_442 = arith.constant 0 : i32
      %dma_start3A_443 = arith.constant 0 : i32
      %dma_start3A_444 = tpu.memref_slice %arg10[%dma_start3A_442, %dma_start3A_443] : memref<125x128xf32, #tpu.memory_space<vmem>> -> memref<120x128xf32, #tpu.memory_space<vmem>>
      %dma_start3A_445 = arith.constant 0 : i32
      %dma_start3A_446 = tpu.memref_slice %arg11[%add3A_198, %dma_start3A_445] : memref<10112x128xf32, #tpu.memory_space<vmem_shared>> -> memref<120x128xf32, #tpu.memory_space<vmem_shared>>
      tpu.enqueue_dma source(%dma_start3A_446 : memref<120x128xf32, #tpu.memory_space<vmem_shared>>) target(%dma_start3A_444 : memref<120x128xf32, #tpu.memory_space<vmem>>) target_semaphore(%run_scoped3A : memref<!tpu.dma_semaphore, #tpu.memory_space<semaphore_mem>>)
      %dma_wait3A_447 = arith.constant 0 : i32
      %dma_wait3A_448 = arith.constant 0 : i32
      %dma_wait3A_449 = tpu.memref_slice %arg10[%dma_wait3A_447, %dma_wait3A_448] : memref<125x128xf32, #tpu.memory_space<vmem>> -> memref<120x128xf32, #tpu.memory_space<vmem>>
      %dma_wait3A_450 = arith.constant 0 : i32
      %dma_wait3A_451 = tpu.memref_slice %arg11[%add3A_198, %dma_wait3A_450] : memref<10112x128xf32, #tpu.memory_space<vmem_shared>> -> memref<120x128xf32, #tpu.memory_space<vmem_shared>>
      %dma_wait3A_452 = arith.constant 0 : i32
      %dma_wait3A_453 = arith.constant 0 : i32
      %dma_wait3A_454 = tpu.memref_slice %arg10[%dma_wait3A_452, %dma_wait3A_453] : memref<125x128xf32, #tpu.memory_space<vmem>> -> memref<120x128xf32, #tpu.memory_space<vmem>>
      %dma_wait3A_455 = arith.constant 0 : i32
      %dma_wait3A_456 = tpu.memref_slice %arg11[%add3A_198, %dma_wait3A_455] : memref<10112x128xf32, #tpu.memory_space<vmem_shared>> -> memref<120x128xf32, #tpu.memory_space<vmem_shared>>
      tpu.wait_dma2 semaphore(%run_scoped3A : memref<!tpu.dma_semaphore, #tpu.memory_space<semaphore_mem>>) src(%dma_wait3A_456 : memref<120x128xf32, #tpu.memory_space<vmem_shared>>) dst(%dma_wait3A_454 : memref<120x128xf32, #tpu.memory_space<vmem>>)
      tpu.yield
    }) : () -> ()
    %dma_start3A_199 = arith.constant 0 : i32
    %dma_start3A_200 = arith.constant 0 : i32
    %dma_start3A_201 = tpu.memref_slice %arg10[%dma_start3A_199, %dma_start3A_200] : memref<125x128xf32, #tpu.memory_space<vmem>> -> memref<120x128xf32, #tpu.memory_space<vmem>>
    %dma_start3A_202 = arith.constant 0 : i32
    %dma_start3A_203 = arith.constant 0 : i32
    %dma_start3A_204 = tpu.memref_slice %arg6[%arg0, %dma_start3A_202, %dma_start3A_203] : memref<2x10112x128xf32, #tpu.memory_space<hbm>> -> memref<1x10112x128xf32, #tpu.memory_space<hbm>>
    %dma_start3A_205 = tpu.memref_squeeze %dma_start3A_204 : memref<1x10112x128xf32, #tpu.memory_space<hbm>> -> memref<10112x128xf32, #tpu.memory_space<hbm>>
    %dma_start3A_206 = arith.constant 0 : i32
    %dma_start3A_207 = tpu.memref_slice %dma_start3A_205[%add3A_198, %dma_start3A_206] : memref<10112x128xf32, #tpu.memory_space<hbm>> -> memref<120x128xf32, #tpu.memory_space<hbm>>
    %dma_start3A_208 = arith.constant 0 : i32
    %dma_start3A_209 = arith.constant 0 : i32
    %dma_start3A_210 = tpu.memref_slice %arg6[%arg0, %dma_start3A_208, %dma_start3A_209] : memref<2x10112x128xf32, #tpu.memory_space<hbm>> -> memref<1x10112x128xf32, #tpu.memory_space<hbm>>
    %dma_start3A_211 = tpu.memref_squeeze %dma_start3A_210 : memref<1x10112x128xf32, #tpu.memory_space<hbm>> -> memref<10112x128xf32, #tpu.memory_space<hbm>>
    %dma_start3A_212 = arith.constant 0 : i32
    %dma_start3A_213 = tpu.memref_slice %dma_start3A_211[%add3A_198, %dma_start3A_212] : memref<10112x128xf32, #tpu.memory_space<hbm>> -> memref<120x128xf32, #tpu.memory_space<hbm>>
    %dma_start3A_214 = arith.constant 0 : i32
    %dma_start3A_215 = arith.constant 0 : i32
    %dma_start3A_216 = tpu.memref_slice %arg10[%dma_start3A_214, %dma_start3A_215] : memref<125x128xf32, #tpu.memory_space<vmem>> -> memref<120x128xf32, #tpu.memory_space<vmem>>
    tpu.enqueue_dma source(%dma_start3A_216 : memref<120x128xf32, #tpu.memory_space<vmem>>) target(%dma_start3A_213 : memref<120x128xf32, #tpu.memory_space<hbm>>) target_semaphore(%arg13 : memref<!tpu.dma_semaphore, #tpu.memory_space<semaphore_mem>>)
    %mul3A_217 = arith.constant 632 : i32
    %mul3A_218 = arith.muli %arg1, %mul3A_217 : i32
    %add3A_219 = arith.constant 240 : i32
    %add3A_220 = arith.addi %mul3A_218, %add3A_219 : i32
    %mul3A_221 = arith.constant 632 : i32
    %mul3A_222 = arith.muli %arg1, %mul3A_221 : i32
    %add3A_223 = arith.constant 0 : i32
    %add3A_224 = arith.addi %mul3A_222, %add3A_223 : i32
    %dma_wait3A_225 = arith.constant 0 : i32
    %dma_wait3A_226 = arith.constant 0 : i32
    %dma_wait3A_227 = tpu.memref_slice %arg9[%dma_wait3A_225, %dma_wait3A_226] : memref<125x128xf32, #tpu.memory_space<vmem>> -> memref<120x128xf32, #tpu.memory_space<vmem>>
    %dma_wait3A_228 = arith.constant 0 : i32
    %dma_wait3A_229 = arith.constant 0 : i32
    %dma_wait3A_230 = tpu.memref_slice %arg6[%arg0, %dma_wait3A_228, %dma_wait3A_229] : memref<2x10112x128xf32, #tpu.memory_space<hbm>> -> memref<1x10112x128xf32, #tpu.memory_space<hbm>>
    %dma_wait3A_231 = tpu.memref_squeeze %dma_wait3A_230 : memref<1x10112x128xf32, #tpu.memory_space<hbm>> -> memref<10112x128xf32, #tpu.memory_space<hbm>>
    %dma_wait3A_232 = arith.constant 0 : i32
    %dma_wait3A_233 = tpu.memref_slice %dma_wait3A_231[%add3A_224, %dma_wait3A_232] : memref<10112x128xf32, #tpu.memory_space<hbm>> -> memref<120x128xf32, #tpu.memory_space<hbm>>
    %dma_wait3A_234 = arith.constant 0 : i32
    %dma_wait3A_235 = arith.constant 0 : i32
    %dma_wait3A_236 = tpu.memref_slice %arg6[%arg0, %dma_wait3A_234, %dma_wait3A_235] : memref<2x10112x128xf32, #tpu.memory_space<hbm>> -> memref<1x10112x128xf32, #tpu.memory_space<hbm>>
    %dma_wait3A_237 = tpu.memref_squeeze %dma_wait3A_236 : memref<1x10112x128xf32, #tpu.memory_space<hbm>> -> memref<10112x128xf32, #tpu.memory_space<hbm>>
    %dma_wait3A_238 = arith.constant 0 : i32
    %dma_wait3A_239 = tpu.memref_slice %dma_wait3A_237[%add3A_224, %dma_wait3A_238] : memref<10112x128xf32, #tpu.memory_space<hbm>> -> memref<120x128xf32, #tpu.memory_space<hbm>>
    %dma_wait3A_240 = arith.constant 0 : i32
    %dma_wait3A_241 = arith.constant 0 : i32
    %dma_wait3A_242 = tpu.memref_slice %arg9[%dma_wait3A_240, %dma_wait3A_241] : memref<125x128xf32, #tpu.memory_space<vmem>> -> memref<120x128xf32, #tpu.memory_space<vmem>>
    tpu.wait_dma2 semaphore(%arg12 : memref<!tpu.dma_semaphore, #tpu.memory_space<semaphore_mem>>) src(%dma_wait3A_242 : memref<120x128xf32, #tpu.memory_space<vmem>>) dst(%dma_wait3A_239 : memref<120x128xf32, #tpu.memory_space<hbm>>)
    "tpu.region"() ({
      %run_scoped3A = tpu.sem_alloc : memref<!tpu.dma_semaphore, #tpu.memory_space<semaphore_mem>>
      %dma_start3A_437 = arith.constant 0 : i32
      %dma_start3A_438 = arith.constant 0 : i32
      %dma_start3A_439 = tpu.memref_slice %arg9[%dma_start3A_437, %dma_start3A_438] : memref<125x128xf32, #tpu.memory_space<vmem>> -> memref<120x128xf32, #tpu.memory_space<vmem>>
      %dma_start3A_440 = arith.constant 0 : i32
      %dma_start3A_441 = tpu.memref_slice %arg11[%add3A_220, %dma_start3A_440] : memref<10112x128xf32, #tpu.memory_space<vmem_shared>> -> memref<120x128xf32, #tpu.memory_space<vmem_shared>>
      %dma_start3A_442 = arith.constant 0 : i32
      %dma_start3A_443 = arith.constant 0 : i32
      %dma_start3A_444 = tpu.memref_slice %arg9[%dma_start3A_442, %dma_start3A_443] : memref<125x128xf32, #tpu.memory_space<vmem>> -> memref<120x128xf32, #tpu.memory_space<vmem>>
      %dma_start3A_445 = arith.constant 0 : i32
      %dma_start3A_446 = tpu.memref_slice %arg11[%add3A_220, %dma_start3A_445] : memref<10112x128xf32, #tpu.memory_space<vmem_shared>> -> memref<120x128xf32, #tpu.memory_space<vmem_shared>>
      tpu.enqueue_dma source(%dma_start3A_446 : memref<120x128xf32, #tpu.memory_space<vmem_shared>>) target(%dma_start3A_444 : memref<120x128xf32, #tpu.memory_space<vmem>>) target_semaphore(%run_scoped3A : memref<!tpu.dma_semaphore, #tpu.memory_space<semaphore_mem>>)
      %dma_wait3A_447 = arith.constant 0 : i32
      %dma_wait3A_448 = arith.constant 0 : i32
      %dma_wait3A_449 = tpu.memref_slice %arg9[%dma_wait3A_447, %dma_wait3A_448] : memref<125x128xf32, #tpu.memory_space<vmem>> -> memref<120x128xf32, #tpu.memory_space<vmem>>
      %dma_wait3A_450 = arith.constant 0 : i32
      %dma_wait3A_451 = tpu.memref_slice %arg11[%add3A_220, %dma_wait3A_450] : memref<10112x128xf32, #tpu.memory_space<vmem_shared>> -> memref<120x128xf32, #tpu.memory_space<vmem_shared>>
      %dma_wait3A_452 = arith.constant 0 : i32
      %dma_wait3A_453 = arith.constant 0 : i32
      %dma_wait3A_454 = tpu.memref_slice %arg9[%dma_wait3A_452, %dma_wait3A_453] : memref<125x128xf32, #tpu.memory_space<vmem>> -> memref<120x128xf32, #tpu.memory_space<vmem>>
      %dma_wait3A_455 = arith.constant 0 : i32
      %dma_wait3A_456 = tpu.memref_slice %arg11[%add3A_220, %dma_wait3A_455] : memref<10112x128xf32, #tpu.memory_space<vmem_shared>> -> memref<120x128xf32, #tpu.memory_space<vmem_shared>>
      tpu.wait_dma2 semaphore(%run_scoped3A : memref<!tpu.dma_semaphore, #tpu.memory_space<semaphore_mem>>) src(%dma_wait3A_456 : memref<120x128xf32, #tpu.memory_space<vmem_shared>>) dst(%dma_wait3A_454 : memref<120x128xf32, #tpu.memory_space<vmem>>)
      tpu.yield
    }) : () -> ()
    %dma_start3A_243 = arith.constant 0 : i32
    %dma_start3A_244 = arith.constant 0 : i32
    %dma_start3A_245 = tpu.memref_slice %arg9[%dma_start3A_243, %dma_start3A_244] : memref<125x128xf32, #tpu.memory_space<vmem>> -> memref<120x128xf32, #tpu.memory_space<vmem>>
    %dma_start3A_246 = arith.constant 0 : i32
    %dma_start3A_247 = arith.constant 0 : i32
    %dma_start3A_248 = tpu.memref_slice %arg6[%arg0, %dma_start3A_246, %dma_start3A_247] : memref<2x10112x128xf32, #tpu.memory_space<hbm>> -> memref<1x10112x128xf32, #tpu.memory_space<hbm>>
    %dma_start3A_249 = tpu.memref_squeeze %dma_start3A_248 : memref<1x10112x128xf32, #tpu.memory_space<hbm>> -> memref<10112x128xf32, #tpu.memory_space<hbm>>
    %dma_start3A_250 = arith.constant 0 : i32
    %dma_start3A_251 = tpu.memref_slice %dma_start3A_249[%add3A_220, %dma_start3A_250] : memref<10112x128xf32, #tpu.memory_space<hbm>> -> memref<120x128xf32, #tpu.memory_space<hbm>>
    %dma_start3A_252 = arith.constant 0 : i32
    %dma_start3A_253 = arith.constant 0 : i32
    %dma_start3A_254 = tpu.memref_slice %arg6[%arg0, %dma_start3A_252, %dma_start3A_253] : memref<2x10112x128xf32, #tpu.memory_space<hbm>> -> memref<1x10112x128xf32, #tpu.memory_space<hbm>>
    %dma_start3A_255 = tpu.memref_squeeze %dma_start3A_254 : memref<1x10112x128xf32, #tpu.memory_space<hbm>> -> memref<10112x128xf32, #tpu.memory_space<hbm>>
    %dma_start3A_256 = arith.constant 0 : i32
    %dma_start3A_257 = tpu.memref_slice %dma_start3A_255[%add3A_220, %dma_start3A_256] : memref<10112x128xf32, #tpu.memory_space<hbm>> -> memref<120x128xf32, #tpu.memory_space<hbm>>
    %dma_start3A_258 = arith.constant 0 : i32
    %dma_start3A_259 = arith.constant 0 : i32
    %dma_start3A_260 = tpu.memref_slice %arg9[%dma_start3A_258, %dma_start3A_259] : memref<125x128xf32, #tpu.memory_space<vmem>> -> memref<120x128xf32, #tpu.memory_space<vmem>>
    tpu.enqueue_dma source(%dma_start3A_260 : memref<120x128xf32, #tpu.memory_space<vmem>>) target(%dma_start3A_257 : memref<120x128xf32, #tpu.memory_space<hbm>>) target_semaphore(%arg12 : memref<!tpu.dma_semaphore, #tpu.memory_space<semaphore_mem>>)
    %mul3A_261 = arith.constant 632 : i32
    %mul3A_262 = arith.muli %arg1, %mul3A_261 : i32
    %add3A_263 = arith.constant 360 : i32
    %add3A_264 = arith.addi %mul3A_262, %add3A_263 : i32
    %mul3A_265 = arith.constant 632 : i32
    %mul3A_266 = arith.muli %arg1, %mul3A_265 : i32
    %add3A_267 = arith.constant 120 : i32
    %add3A_268 = arith.addi %mul3A_266, %add3A_267 : i32
    %dma_wait3A_269 = arith.constant 0 : i32
    %dma_wait3A_270 = arith.constant 0 : i32
    %dma_wait3A_271 = tpu.memref_slice %arg10[%dma_wait3A_269, %dma_wait3A_270] : memref<125x128xf32, #tpu.memory_space<vmem>> -> memref<120x128xf32, #tpu.memory_space<vmem>>
    %dma_wait3A_272 = arith.constant 0 : i32
    %dma_wait3A_273 = arith.constant 0 : i32
    %dma_wait3A_274 = tpu.memref_slice %arg6[%arg0, %dma_wait3A_272, %dma_wait3A_273] : memref<2x10112x128xf32, #tpu.memory_space<hbm>> -> memref<1x10112x128xf32, #tpu.memory_space<hbm>>
    %dma_wait3A_275 = tpu.memref_squeeze %dma_wait3A_274 : memref<1x10112x128xf32, #tpu.memory_space<hbm>> -> memref<10112x128xf32, #tpu.memory_space<hbm>>
    %dma_wait3A_276 = arith.constant 0 : i32
    %dma_wait3A_277 = tpu.memref_slice %dma_wait3A_275[%add3A_268, %dma_wait3A_276] : memref<10112x128xf32, #tpu.memory_space<hbm>> -> memref<120x128xf32, #tpu.memory_space<hbm>>
    %dma_wait3A_278 = arith.constant 0 : i32
    %dma_wait3A_279 = arith.constant 0 : i32
    %dma_wait3A_280 = tpu.memref_slice %arg6[%arg0, %dma_wait3A_278, %dma_wait3A_279] : memref<2x10112x128xf32, #tpu.memory_space<hbm>> -> memref<1x10112x128xf32, #tpu.memory_space<hbm>>
    %dma_wait3A_281 = tpu.memref_squeeze %dma_wait3A_280 : memref<1x10112x128xf32, #tpu.memory_space<hbm>> -> memref<10112x128xf32, #tpu.memory_space<hbm>>
    %dma_wait3A_282 = arith.constant 0 : i32
    %dma_wait3A_283 = tpu.memref_slice %dma_wait3A_281[%add3A_268, %dma_wait3A_282] : memref<10112x128xf32, #tpu.memory_space<hbm>> -> memref<120x128xf32, #tpu.memory_space<hbm>>
    %dma_wait3A_284 = arith.constant 0 : i32
    %dma_wait3A_285 = arith.constant 0 : i32
    %dma_wait3A_286 = tpu.memref_slice %arg10[%dma_wait3A_284, %dma_wait3A_285] : memref<125x128xf32, #tpu.memory_space<vmem>> -> memref<120x128xf32, #tpu.memory_space<vmem>>
    tpu.wait_dma2 semaphore(%arg13 : memref<!tpu.dma_semaphore, #tpu.memory_space<semaphore_mem>>) src(%dma_wait3A_286 : memref<120x128xf32, #tpu.memory_space<vmem>>) dst(%dma_wait3A_283 : memref<120x128xf32, #tpu.memory_space<hbm>>)
    "tpu.region"() ({
      %run_scoped3A = tpu.sem_alloc : memref<!tpu.dma_semaphore, #tpu.memory_space<semaphore_mem>>
      %dma_start3A_437 = arith.constant 0 : i32
      %dma_start3A_438 = arith.constant 0 : i32
      %dma_start3A_439 = tpu.memref_slice %arg10[%dma_start3A_437, %dma_start3A_438] : memref<125x128xf32, #tpu.memory_space<vmem>> -> memref<120x128xf32, #tpu.memory_space<vmem>>
      %dma_start3A_440 = arith.constant 0 : i32
      %dma_start3A_441 = tpu.memref_slice %arg11[%add3A_264, %dma_start3A_440] : memref<10112x128xf32, #tpu.memory_space<vmem_shared>> -> memref<120x128xf32, #tpu.memory_space<vmem_shared>>
      %dma_start3A_442 = arith.constant 0 : i32
      %dma_start3A_443 = arith.constant 0 : i32
      %dma_start3A_444 = tpu.memref_slice %arg10[%dma_start3A_442, %dma_start3A_443] : memref<125x128xf32, #tpu.memory_space<vmem>> -> memref<120x128xf32, #tpu.memory_space<vmem>>
      %dma_start3A_445 = arith.constant 0 : i32
      %dma_start3A_446 = tpu.memref_slice %arg11[%add3A_264, %dma_start3A_445] : memref<10112x128xf32, #tpu.memory_space<vmem_shared>> -> memref<120x128xf32, #tpu.memory_space<vmem_shared>>
      tpu.enqueue_dma source(%dma_start3A_446 : memref<120x128xf32, #tpu.memory_space<vmem_shared>>) target(%dma_start3A_444 : memref<120x128xf32, #tpu.memory_space<vmem>>) target_semaphore(%run_scoped3A : memref<!tpu.dma_semaphore, #tpu.memory_space<semaphore_mem>>)
      %dma_wait3A_447 = arith.constant 0 : i32
      %dma_wait3A_448 = arith.constant 0 : i32
      %dma_wait3A_449 = tpu.memref_slice %arg10[%dma_wait3A_447, %dma_wait3A_448] : memref<125x128xf32, #tpu.memory_space<vmem>> -> memref<120x128xf32, #tpu.memory_space<vmem>>
      %dma_wait3A_450 = arith.constant 0 : i32
      %dma_wait3A_451 = tpu.memref_slice %arg11[%add3A_264, %dma_wait3A_450] : memref<10112x128xf32, #tpu.memory_space<vmem_shared>> -> memref<120x128xf32, #tpu.memory_space<vmem_shared>>
      %dma_wait3A_452 = arith.constant 0 : i32
      %dma_wait3A_453 = arith.constant 0 : i32
      %dma_wait3A_454 = tpu.memref_slice %arg10[%dma_wait3A_452, %dma_wait3A_453] : memref<125x128xf32, #tpu.memory_space<vmem>> -> memref<120x128xf32, #tpu.memory_space<vmem>>
      %dma_wait3A_455 = arith.constant 0 : i32
      %dma_wait3A_456 = tpu.memref_slice %arg11[%add3A_264, %dma_wait3A_455] : memref<10112x128xf32, #tpu.memory_space<vmem_shared>> -> memref<120x128xf32, #tpu.memory_space<vmem_shared>>
      tpu.wait_dma2 semaphore(%run_scoped3A : memref<!tpu.dma_semaphore, #tpu.memory_space<semaphore_mem>>) src(%dma_wait3A_456 : memref<120x128xf32, #tpu.memory_space<vmem_shared>>) dst(%dma_wait3A_454 : memref<120x128xf32, #tpu.memory_space<vmem>>)
      tpu.yield
    }) : () -> ()
    %dma_start3A_287 = arith.constant 0 : i32
    %dma_start3A_288 = arith.constant 0 : i32
    %dma_start3A_289 = tpu.memref_slice %arg10[%dma_start3A_287, %dma_start3A_288] : memref<125x128xf32, #tpu.memory_space<vmem>> -> memref<120x128xf32, #tpu.memory_space<vmem>>
    %dma_start3A_290 = arith.constant 0 : i32
    %dma_start3A_291 = arith.constant 0 : i32
    %dma_start3A_292 = tpu.memref_slice %arg6[%arg0, %dma_start3A_290, %dma_start3A_291] : memref<2x10112x128xf32, #tpu.memory_space<hbm>> -> memref<1x10112x128xf32, #tpu.memory_space<hbm>>
    %dma_start3A_293 = tpu.memref_squeeze %dma_start3A_292 : memref<1x10112x128xf32, #tpu.memory_space<hbm>> -> memref<10112x128xf32, #tpu.memory_space<hbm>>
    %dma_start3A_294 = arith.constant 0 : i32
    %dma_start3A_295 = tpu.memref_slice %dma_start3A_293[%add3A_264, %dma_start3A_294] : memref<10112x128xf32, #tpu.memory_space<hbm>> -> memref<120x128xf32, #tpu.memory_space<hbm>>
    %dma_start3A_296 = arith.constant 0 : i32
    %dma_start3A_297 = arith.constant 0 : i32
    %dma_start3A_298 = tpu.memref_slice %arg6[%arg0, %dma_start3A_296, %dma_start3A_297] : memref<2x10112x128xf32, #tpu.memory_space<hbm>> -> memref<1x10112x128xf32, #tpu.memory_space<hbm>>
    %dma_start3A_299 = tpu.memref_squeeze %dma_start3A_298 : memref<1x10112x128xf32, #tpu.memory_space<hbm>> -> memref<10112x128xf32, #tpu.memory_space<hbm>>
    %dma_start3A_300 = arith.constant 0 : i32
    %dma_start3A_301 = tpu.memref_slice %dma_start3A_299[%add3A_264, %dma_start3A_300] : memref<10112x128xf32, #tpu.memory_space<hbm>> -> memref<120x128xf32, #tpu.memory_space<hbm>>
    %dma_start3A_302 = arith.constant 0 : i32
    %dma_start3A_303 = arith.constant 0 : i32
    %dma_start3A_304 = tpu.memref_slice %arg10[%dma_start3A_302, %dma_start3A_303] : memref<125x128xf32, #tpu.memory_space<vmem>> -> memref<120x128xf32, #tpu.memory_space<vmem>>
    tpu.enqueue_dma source(%dma_start3A_304 : memref<120x128xf32, #tpu.memory_space<vmem>>) target(%dma_start3A_301 : memref<120x128xf32, #tpu.memory_space<hbm>>) target_semaphore(%arg13 : memref<!tpu.dma_semaphore, #tpu.memory_space<semaphore_mem>>)
    %mul3A_305 = arith.constant 632 : i32
    %mul3A_306 = arith.muli %arg1, %mul3A_305 : i32
    %add3A_307 = arith.constant 480 : i32
    %add3A_308 = arith.addi %mul3A_306, %add3A_307 : i32
    %mul3A_309 = arith.constant 632 : i32
    %mul3A_310 = arith.muli %arg1, %mul3A_309 : i32
    %add3A_311 = arith.constant 240 : i32
    %add3A_312 = arith.addi %mul3A_310, %add3A_311 : i32
    %dma_wait3A_313 = arith.constant 0 : i32
    %dma_wait3A_314 = arith.constant 0 : i32
    %dma_wait3A_315 = tpu.memref_slice %arg9[%dma_wait3A_313, %dma_wait3A_314] : memref<125x128xf32, #tpu.memory_space<vmem>> -> memref<120x128xf32, #tpu.memory_space<vmem>>
    %dma_wait3A_316 = arith.constant 0 : i32
    %dma_wait3A_317 = arith.constant 0 : i32
    %dma_wait3A_318 = tpu.memref_slice %arg6[%arg0, %dma_wait3A_316, %dma_wait3A_317] : memref<2x10112x128xf32, #tpu.memory_space<hbm>> -> memref<1x10112x128xf32, #tpu.memory_space<hbm>>
    %dma_wait3A_319 = tpu.memref_squeeze %dma_wait3A_318 : memref<1x10112x128xf32, #tpu.memory_space<hbm>> -> memref<10112x128xf32, #tpu.memory_space<hbm>>
    %dma_wait3A_320 = arith.constant 0 : i32
    %dma_wait3A_321 = tpu.memref_slice %dma_wait3A_319[%add3A_312, %dma_wait3A_320] : memref<10112x128xf32, #tpu.memory_space<hbm>> -> memref<120x128xf32, #tpu.memory_space<hbm>>
    %dma_wait3A_322 = arith.constant 0 : i32
    %dma_wait3A_323 = arith.constant 0 : i32
    %dma_wait3A_324 = tpu.memref_slice %arg6[%arg0, %dma_wait3A_322, %dma_wait3A_323] : memref<2x10112x128xf32, #tpu.memory_space<hbm>> -> memref<1x10112x128xf32, #tpu.memory_space<hbm>>
    %dma_wait3A_325 = tpu.memref_squeeze %dma_wait3A_324 : memref<1x10112x128xf32, #tpu.memory_space<hbm>> -> memref<10112x128xf32, #tpu.memory_space<hbm>>
    %dma_wait3A_326 = arith.constant 0 : i32
    %dma_wait3A_327 = tpu.memref_slice %dma_wait3A_325[%add3A_312, %dma_wait3A_326] : memref<10112x128xf32, #tpu.memory_space<hbm>> -> memref<120x128xf32, #tpu.memory_space<hbm>>
    %dma_wait3A_328 = arith.constant 0 : i32
    %dma_wait3A_329 = arith.constant 0 : i32
    %dma_wait3A_330 = tpu.memref_slice %arg9[%dma_wait3A_328, %dma_wait3A_329] : memref<125x128xf32, #tpu.memory_space<vmem>> -> memref<120x128xf32, #tpu.memory_space<vmem>>
    tpu.wait_dma2 semaphore(%arg12 : memref<!tpu.dma_semaphore, #tpu.memory_space<semaphore_mem>>) src(%dma_wait3A_330 : memref<120x128xf32, #tpu.memory_space<vmem>>) dst(%dma_wait3A_327 : memref<120x128xf32, #tpu.memory_space<hbm>>)
    "tpu.region"() ({
      %run_scoped3A = tpu.sem_alloc : memref<!tpu.dma_semaphore, #tpu.memory_space<semaphore_mem>>
      %dma_start3A_437 = arith.constant 0 : i32
      %dma_start3A_438 = arith.constant 0 : i32
      %dma_start3A_439 = tpu.memref_slice %arg9[%dma_start3A_437, %dma_start3A_438] : memref<125x128xf32, #tpu.memory_space<vmem>> -> memref<120x128xf32, #tpu.memory_space<vmem>>
      %dma_start3A_440 = arith.constant 0 : i32
      %dma_start3A_441 = tpu.memref_slice %arg11[%add3A_308, %dma_start3A_440] : memref<10112x128xf32, #tpu.memory_space<vmem_shared>> -> memref<120x128xf32, #tpu.memory_space<vmem_shared>>
      %dma_start3A_442 = arith.constant 0 : i32
      %dma_start3A_443 = arith.constant 0 : i32
      %dma_start3A_444 = tpu.memref_slice %arg9[%dma_start3A_442, %dma_start3A_443] : memref<125x128xf32, #tpu.memory_space<vmem>> -> memref<120x128xf32, #tpu.memory_space<vmem>>
      %dma_start3A_445 = arith.constant 0 : i32
      %dma_start3A_446 = tpu.memref_slice %arg11[%add3A_308, %dma_start3A_445] : memref<10112x128xf32, #tpu.memory_space<vmem_shared>> -> memref<120x128xf32, #tpu.memory_space<vmem_shared>>
      tpu.enqueue_dma source(%dma_start3A_446 : memref<120x128xf32, #tpu.memory_space<vmem_shared>>) target(%dma_start3A_444 : memref<120x128xf32, #tpu.memory_space<vmem>>) target_semaphore(%run_scoped3A : memref<!tpu.dma_semaphore, #tpu.memory_space<semaphore_mem>>)
      %dma_wait3A_447 = arith.constant 0 : i32
      %dma_wait3A_448 = arith.constant 0 : i32
      %dma_wait3A_449 = tpu.memref_slice %arg9[%dma_wait3A_447, %dma_wait3A_448] : memref<125x128xf32, #tpu.memory_space<vmem>> -> memref<120x128xf32, #tpu.memory_space<vmem>>
      %dma_wait3A_450 = arith.constant 0 : i32
      %dma_wait3A_451 = tpu.memref_slice %arg11[%add3A_308, %dma_wait3A_450] : memref<10112x128xf32, #tpu.memory_space<vmem_shared>> -> memref<120x128xf32, #tpu.memory_space<vmem_shared>>
      %dma_wait3A_452 = arith.constant 0 : i32
      %dma_wait3A_453 = arith.constant 0 : i32
      %dma_wait3A_454 = tpu.memref_slice %arg9[%dma_wait3A_452, %dma_wait3A_453] : memref<125x128xf32, #tpu.memory_space<vmem>> -> memref<120x128xf32, #tpu.memory_space<vmem>>
      %dma_wait3A_455 = arith.constant 0 : i32
      %dma_wait3A_456 = tpu.memref_slice %arg11[%add3A_308, %dma_wait3A_455] : memref<10112x128xf32, #tpu.memory_space<vmem_shared>> -> memref<120x128xf32, #tpu.memory_space<vmem_shared>>
      tpu.wait_dma2 semaphore(%run_scoped3A : memref<!tpu.dma_semaphore, #tpu.memory_space<semaphore_mem>>) src(%dma_wait3A_456 : memref<120x128xf32, #tpu.memory_space<vmem_shared>>) dst(%dma_wait3A_454 : memref<120x128xf32, #tpu.memory_space<vmem>>)
      tpu.yield
    }) : () -> ()
    %dma_start3A_331 = arith.constant 0 : i32
    %dma_start3A_332 = arith.constant 0 : i32
    %dma_start3A_333 = tpu.memref_slice %arg9[%dma_start3A_331, %dma_start3A_332] : memref<125x128xf32, #tpu.memory_space<vmem>> -> memref<120x128xf32, #tpu.memory_space<vmem>>
    %dma_start3A_334 = arith.constant 0 : i32
    %dma_start3A_335 = arith.constant 0 : i32
    %dma_start3A_336 = tpu.memref_slice %arg6[%arg0, %dma_start3A_334, %dma_start3A_335] : memref<2x10112x128xf32, #tpu.memory_space<hbm>> -> memref<1x10112x128xf32, #tpu.memory_space<hbm>>
    %dma_start3A_337 = tpu.memref_squeeze %dma_start3A_336 : memref<1x10112x128xf32, #tpu.memory_space<hbm>> -> memref<10112x128xf32, #tpu.memory_space<hbm>>
    %dma_start3A_338 = arith.constant 0 : i32
    %dma_start3A_339 = tpu.memref_slice %dma_start3A_337[%add3A_308, %dma_start3A_338] : memref<10112x128xf32, #tpu.memory_space<hbm>> -> memref<120x128xf32, #tpu.memory_space<hbm>>
    %dma_start3A_340 = arith.constant 0 : i32
    %dma_start3A_341 = arith.constant 0 : i32
    %dma_start3A_342 = tpu.memref_slice %arg6[%arg0, %dma_start3A_340, %dma_start3A_341] : memref<2x10112x128xf32, #tpu.memory_space<hbm>> -> memref<1x10112x128xf32, #tpu.memory_space<hbm>>
    %dma_start3A_343 = tpu.memref_squeeze %dma_start3A_342 : memref<1x10112x128xf32, #tpu.memory_space<hbm>> -> memref<10112x128xf32, #tpu.memory_space<hbm>>
    %dma_start3A_344 = arith.constant 0 : i32
    %dma_start3A_345 = tpu.memref_slice %dma_start3A_343[%add3A_308, %dma_start3A_344] : memref<10112x128xf32, #tpu.memory_space<hbm>> -> memref<120x128xf32, #tpu.memory_space<hbm>>
    %dma_start3A_346 = arith.constant 0 : i32
    %dma_start3A_347 = arith.constant 0 : i32
    %dma_start3A_348 = tpu.memref_slice %arg9[%dma_start3A_346, %dma_start3A_347] : memref<125x128xf32, #tpu.memory_space<vmem>> -> memref<120x128xf32, #tpu.memory_space<vmem>>
    tpu.enqueue_dma source(%dma_start3A_348 : memref<120x128xf32, #tpu.memory_space<vmem>>) target(%dma_start3A_345 : memref<120x128xf32, #tpu.memory_space<hbm>>) target_semaphore(%arg12 : memref<!tpu.dma_semaphore, #tpu.memory_space<semaphore_mem>>)
    %mul3A_349 = arith.constant 632 : i32
    %mul3A_350 = arith.muli %arg1, %mul3A_349 : i32
    %add3A_351 = arith.constant 600 : i32
    %add3A_352 = arith.addi %mul3A_350, %add3A_351 : i32
    %mul3A_353 = arith.constant 632 : i32
    %mul3A_354 = arith.muli %arg1, %mul3A_353 : i32
    %add3A_355 = arith.constant 360 : i32
    %add3A_356 = arith.addi %mul3A_354, %add3A_355 : i32
    %dma_wait3A_357 = arith.constant 0 : i32
    %dma_wait3A_358 = arith.constant 0 : i32
    %dma_wait3A_359 = tpu.memref_slice %arg10[%dma_wait3A_357, %dma_wait3A_358] : memref<125x128xf32, #tpu.memory_space<vmem>> -> memref<120x128xf32, #tpu.memory_space<vmem>>
    %dma_wait3A_360 = arith.constant 0 : i32
    %dma_wait3A_361 = arith.constant 0 : i32
    %dma_wait3A_362 = tpu.memref_slice %arg6[%arg0, %dma_wait3A_360, %dma_wait3A_361] : memref<2x10112x128xf32, #tpu.memory_space<hbm>> -> memref<1x10112x128xf32, #tpu.memory_space<hbm>>
    %dma_wait3A_363 = tpu.memref_squeeze %dma_wait3A_362 : memref<1x10112x128xf32, #tpu.memory_space<hbm>> -> memref<10112x128xf32, #tpu.memory_space<hbm>>
    %dma_wait3A_364 = arith.constant 0 : i32
    %dma_wait3A_365 = tpu.memref_slice %dma_wait3A_363[%add3A_356, %dma_wait3A_364] : memref<10112x128xf32, #tpu.memory_space<hbm>> -> memref<120x128xf32, #tpu.memory_space<hbm>>
    %dma_wait3A_366 = arith.constant 0 : i32
    %dma_wait3A_367 = arith.constant 0 : i32
    %dma_wait3A_368 = tpu.memref_slice %arg6[%arg0, %dma_wait3A_366, %dma_wait3A_367] : memref<2x10112x128xf32, #tpu.memory_space<hbm>> -> memref<1x10112x128xf32, #tpu.memory_space<hbm>>
    %dma_wait3A_369 = tpu.memref_squeeze %dma_wait3A_368 : memref<1x10112x128xf32, #tpu.memory_space<hbm>> -> memref<10112x128xf32, #tpu.memory_space<hbm>>
    %dma_wait3A_370 = arith.constant 0 : i32
    %dma_wait3A_371 = tpu.memref_slice %dma_wait3A_369[%add3A_356, %dma_wait3A_370] : memref<10112x128xf32, #tpu.memory_space<hbm>> -> memref<120x128xf32, #tpu.memory_space<hbm>>
    %dma_wait3A_372 = arith.constant 0 : i32
    %dma_wait3A_373 = arith.constant 0 : i32
    %dma_wait3A_374 = tpu.memref_slice %arg10[%dma_wait3A_372, %dma_wait3A_373] : memref<125x128xf32, #tpu.memory_space<vmem>> -> memref<120x128xf32, #tpu.memory_space<vmem>>
    tpu.wait_dma2 semaphore(%arg13 : memref<!tpu.dma_semaphore, #tpu.memory_space<semaphore_mem>>) src(%dma_wait3A_374 : memref<120x128xf32, #tpu.memory_space<vmem>>) dst(%dma_wait3A_371 : memref<120x128xf32, #tpu.memory_space<hbm>>)
    "tpu.region"() ({
      %run_scoped3A = tpu.sem_alloc : memref<!tpu.dma_semaphore, #tpu.memory_space<semaphore_mem>>
      %dma_start3A_437 = arith.constant 0 : i32
      %dma_start3A_438 = arith.constant 0 : i32
      %dma_start3A_439 = tpu.memref_slice %arg10[%dma_start3A_437, %dma_start3A_438] : memref<125x128xf32, #tpu.memory_space<vmem>> -> memref<32x128xf32, #tpu.memory_space<vmem>>
      %dma_start3A_440 = arith.constant 0 : i32
      %dma_start3A_441 = tpu.memref_slice %arg11[%add3A_352, %dma_start3A_440] : memref<10112x128xf32, #tpu.memory_space<vmem_shared>> -> memref<32x128xf32, #tpu.memory_space<vmem_shared>>
      %dma_start3A_442 = arith.constant 0 : i32
      %dma_start3A_443 = arith.constant 0 : i32
      %dma_start3A_444 = tpu.memref_slice %arg10[%dma_start3A_442, %dma_start3A_443] : memref<125x128xf32, #tpu.memory_space<vmem>> -> memref<32x128xf32, #tpu.memory_space<vmem>>
      %dma_start3A_445 = arith.constant 0 : i32
      %dma_start3A_446 = tpu.memref_slice %arg11[%add3A_352, %dma_start3A_445] : memref<10112x128xf32, #tpu.memory_space<vmem_shared>> -> memref<32x128xf32, #tpu.memory_space<vmem_shared>>
      tpu.enqueue_dma source(%dma_start3A_446 : memref<32x128xf32, #tpu.memory_space<vmem_shared>>) target(%dma_start3A_444 : memref<32x128xf32, #tpu.memory_space<vmem>>) target_semaphore(%run_scoped3A : memref<!tpu.dma_semaphore, #tpu.memory_space<semaphore_mem>>)
      %dma_wait3A_447 = arith.constant 0 : i32
      %dma_wait3A_448 = arith.constant 0 : i32
      %dma_wait3A_449 = tpu.memref_slice %arg10[%dma_wait3A_447, %dma_wait3A_448] : memref<125x128xf32, #tpu.memory_space<vmem>> -> memref<32x128xf32, #tpu.memory_space<vmem>>
      %dma_wait3A_450 = arith.constant 0 : i32
      %dma_wait3A_451 = tpu.memref_slice %arg11[%add3A_352, %dma_wait3A_450] : memref<10112x128xf32, #tpu.memory_space<vmem_shared>> -> memref<32x128xf32, #tpu.memory_space<vmem_shared>>
      %dma_wait3A_452 = arith.constant 0 : i32
      %dma_wait3A_453 = arith.constant 0 : i32
      %dma_wait3A_454 = tpu.memref_slice %arg10[%dma_wait3A_452, %dma_wait3A_453] : memref<125x128xf32, #tpu.memory_space<vmem>> -> memref<32x128xf32, #tpu.memory_space<vmem>>
      %dma_wait3A_455 = arith.constant 0 : i32
      %dma_wait3A_456 = tpu.memref_slice %arg11[%add3A_352, %dma_wait3A_455] : memref<10112x128xf32, #tpu.memory_space<vmem_shared>> -> memref<32x128xf32, #tpu.memory_space<vmem_shared>>
      tpu.wait_dma2 semaphore(%run_scoped3A : memref<!tpu.dma_semaphore, #tpu.memory_space<semaphore_mem>>) src(%dma_wait3A_456 : memref<32x128xf32, #tpu.memory_space<vmem_shared>>) dst(%dma_wait3A_454 : memref<32x128xf32, #tpu.memory_space<vmem>>)
      tpu.yield
    }) : () -> ()
    %dma_start3A_375 = arith.constant 0 : i32
    %dma_start3A_376 = arith.constant 0 : i32
    %dma_start3A_377 = tpu.memref_slice %arg10[%dma_start3A_375, %dma_start3A_376] : memref<125x128xf32, #tpu.memory_space<vmem>> -> memref<32x128xf32, #tpu.memory_space<vmem>>
    %dma_start3A_378 = arith.constant 0 : i32
    %dma_start3A_379 = arith.constant 0 : i32
    %dma_start3A_380 = tpu.memref_slice %arg6[%arg0, %dma_start3A_378, %dma_start3A_379] : memref<2x10112x128xf32, #tpu.memory_space<hbm>> -> memref<1x10112x128xf32, #tpu.memory_space<hbm>>
    %dma_start3A_381 = tpu.memref_squeeze %dma_start3A_380 : memref<1x10112x128xf32, #tpu.memory_space<hbm>> -> memref<10112x128xf32, #tpu.memory_space<hbm>>
    %dma_start3A_382 = arith.constant 0 : i32
    %dma_start3A_383 = tpu.memref_slice %dma_start3A_381[%add3A_352, %dma_start3A_382] : memref<10112x128xf32, #tpu.memory_space<hbm>> -> memref<32x128xf32, #tpu.memory_space<hbm>>
    %dma_start3A_384 = arith.constant 0 : i32
    %dma_start3A_385 = arith.constant 0 : i32
    %dma_start3A_386 = tpu.memref_slice %arg6[%arg0, %dma_start3A_384, %dma_start3A_385] : memref<2x10112x128xf32, #tpu.memory_space<hbm>> -> memref<1x10112x128xf32, #tpu.memory_space<hbm>>
    %dma_start3A_387 = tpu.memref_squeeze %dma_start3A_386 : memref<1x10112x128xf32, #tpu.memory_space<hbm>> -> memref<10112x128xf32, #tpu.memory_space<hbm>>
    %dma_start3A_388 = arith.constant 0 : i32
    %dma_start3A_389 = tpu.memref_slice %dma_start3A_387[%add3A_352, %dma_start3A_388] : memref<10112x128xf32, #tpu.memory_space<hbm>> -> memref<32x128xf32, #tpu.memory_space<hbm>>
    %dma_start3A_390 = arith.constant 0 : i32
    %dma_start3A_391 = arith.constant 0 : i32
    %dma_start3A_392 = tpu.memref_slice %arg10[%dma_start3A_390, %dma_start3A_391] : memref<125x128xf32, #tpu.memory_space<vmem>> -> memref<32x128xf32, #tpu.memory_space<vmem>>
    tpu.enqueue_dma source(%dma_start3A_392 : memref<32x128xf32, #tpu.memory_space<vmem>>) target(%dma_start3A_389 : memref<32x128xf32, #tpu.memory_space<hbm>>) target_semaphore(%arg13 : memref<!tpu.dma_semaphore, #tpu.memory_space<semaphore_mem>>)
    %mul3A_393 = arith.constant 632 : i32
    %mul3A_394 = arith.muli %arg1, %mul3A_393 : i32
    %add3A_395 = arith.constant 480 : i32
    %add3A_396 = arith.addi %mul3A_394, %add3A_395 : i32
    %dma_wait3A_397 = arith.constant 0 : i32
    %dma_wait3A_398 = arith.constant 0 : i32
    %dma_wait3A_399 = tpu.memref_slice %arg9[%dma_wait3A_397, %dma_wait3A_398] : memref<125x128xf32, #tpu.memory_space<vmem>> -> memref<120x128xf32, #tpu.memory_space<vmem>>
    %dma_wait3A_400 = arith.constant 0 : i32
    %dma_wait3A_401 = arith.constant 0 : i32
    %dma_wait3A_402 = tpu.memref_slice %arg6[%arg0, %dma_wait3A_400, %dma_wait3A_401] : memref<2x10112x128xf32, #tpu.memory_space<hbm>> -> memref<1x10112x128xf32, #tpu.memory_space<hbm>>
    %dma_wait3A_403 = tpu.memref_squeeze %dma_wait3A_402 : memref<1x10112x128xf32, #tpu.memory_space<hbm>> -> memref<10112x128xf32, #tpu.memory_space<hbm>>
    %dma_wait3A_404 = arith.constant 0 : i32
    %dma_wait3A_405 = tpu.memref_slice %dma_wait3A_403[%add3A_396, %dma_wait3A_404] : memref<10112x128xf32, #tpu.memory_space<hbm>> -> memref<120x128xf32, #tpu.memory_space<hbm>>
    %dma_wait3A_406 = arith.constant 0 : i32
    %dma_wait3A_407 = arith.constant 0 : i32
    %dma_wait3A_408 = tpu.memref_slice %arg6[%arg0, %dma_wait3A_406, %dma_wait3A_407] : memref<2x10112x128xf32, #tpu.memory_space<hbm>> -> memref<1x10112x128xf32, #tpu.memory_space<hbm>>
    %dma_wait3A_409 = tpu.memref_squeeze %dma_wait3A_408 : memref<1x10112x128xf32, #tpu.memory_space<hbm>> -> memref<10112x128xf32, #tpu.memory_space<hbm>>
    %dma_wait3A_410 = arith.constant 0 : i32
    %dma_wait3A_411 = tpu.memref_slice %dma_wait3A_409[%add3A_396, %dma_wait3A_410] : memref<10112x128xf32, #tpu.memory_space<hbm>> -> memref<120x128xf32, #tpu.memory_space<hbm>>
    %dma_wait3A_412 = arith.constant 0 : i32
    %dma_wait3A_413 = arith.constant 0 : i32
    %dma_wait3A_414 = tpu.memref_slice %arg9[%dma_wait3A_412, %dma_wait3A_413] : memref<125x128xf32, #tpu.memory_space<vmem>> -> memref<120x128xf32, #tpu.memory_space<vmem>>
    tpu.wait_dma2 semaphore(%arg12 : memref<!tpu.dma_semaphore, #tpu.memory_space<semaphore_mem>>) src(%dma_wait3A_414 : memref<120x128xf32, #tpu.memory_space<vmem>>) dst(%dma_wait3A_411 : memref<120x128xf32, #tpu.memory_space<hbm>>)
    %mul3A_415 = arith.constant 632 : i32
    %mul3A_416 = arith.muli %arg1, %mul3A_415 : i32
    %add3A_417 = arith.constant 600 : i32
    %add3A_418 = arith.addi %mul3A_416, %add3A_417 : i32
    %dma_wait3A_419 = arith.constant 0 : i32
    %dma_wait3A_420 = arith.constant 0 : i32
    %dma_wait3A_421 = tpu.memref_slice %arg10[%dma_wait3A_419, %dma_wait3A_420] : memref<125x128xf32, #tpu.memory_space<vmem>> -> memref<32x128xf32, #tpu.memory_space<vmem>>
    %dma_wait3A_422 = arith.constant 0 : i32
    %dma_wait3A_423 = arith.constant 0 : i32
    %dma_wait3A_424 = tpu.memref_slice %arg6[%arg0, %dma_wait3A_422, %dma_wait3A_423] : memref<2x10112x128xf32, #tpu.memory_space<hbm>> -> memref<1x10112x128xf32, #tpu.memory_space<hbm>>
    %dma_wait3A_425 = tpu.memref_squeeze %dma_wait3A_424 : memref<1x10112x128xf32, #tpu.memory_space<hbm>> -> memref<10112x128xf32, #tpu.memory_space<hbm>>
    %dma_wait3A_426 = arith.constant 0 : i32
    %dma_wait3A_427 = tpu.memref_slice %dma_wait3A_425[%add3A_418, %dma_wait3A_426] : memref<10112x128xf32, #tpu.memory_space<hbm>> -> memref<32x128xf32, #tpu.memory_space<hbm>>
    %dma_wait3A_428 = arith.constant 0 : i32
    %dma_wait3A_429 = arith.constant 0 : i32
    %dma_wait3A_430 = tpu.memref_slice %arg6[%arg0, %dma_wait3A_428, %dma_wait3A_429] : memref<2x10112x128xf32, #tpu.memory_space<hbm>> -> memref<1x10112x128xf32, #tpu.memory_space<hbm>>
    %dma_wait3A_431 = tpu.memref_squeeze %dma_wait3A_430 : memref<1x10112x128xf32, #tpu.memory_space<hbm>> -> memref<10112x128xf32, #tpu.memory_space<hbm>>
    %dma_wait3A_432 = arith.constant 0 : i32
    %dma_wait3A_433 = tpu.memref_slice %dma_wait3A_431[%add3A_418, %dma_wait3A_432] : memref<10112x128xf32, #tpu.memory_space<hbm>> -> memref<32x128xf32, #tpu.memory_space<hbm>>
    %dma_wait3A_434 = arith.constant 0 : i32
    %dma_wait3A_435 = arith.constant 0 : i32
    %dma_wait3A_436 = tpu.memref_slice %arg10[%dma_wait3A_434, %dma_wait3A_435] : memref<125x128xf32, #tpu.memory_space<vmem>> -> memref<32x128xf32, #tpu.memory_space<vmem>>
    tpu.wait_dma2 semaphore(%arg13 : memref<!tpu.dma_semaphore, #tpu.memory_space<semaphore_mem>>) src(%dma_wait3A_436 : memref<32x128xf32, #tpu.memory_space<vmem>>) dst(%dma_wait3A_433 : memref<32x128xf32, #tpu.memory_space<hbm>>)
    return
  }
}

#map = affine_map<(d0, d1) -> (0, 0)>
#map1 = affine_map<(d0, d1) -> (0, 0, 0)>
module attributes {stable_mosaic.version = 14 : i64} {
  func.func @_edge_call(%arg0: i32, %arg1: i32, %arg2: memref<10000x128xf32, #tpu.memory_space<hbm>>, %arg3: memref<2560x125xi32, #tpu.memory_space<hbm>>, %arg4: memref<2560x125xi32, #tpu.memory_space<hbm>>, %arg5: memref<125x128xf32, #tpu.memory_space<hbm>>, %arg6: memref<2x10112x128xf32, #tpu.memory_space<hbm>>, %arg7: memref<16x125xi32, #tpu.memory_space<vmem>>, %arg8: memref<16x125xi32, #tpu.memory_space<vmem>>, %arg9: memref<125x128xf32, #tpu.memory_space<vmem>>, %arg10: memref<125x128xf32, #tpu.memory_space<vmem>>, %arg11: memref<10112x128xf32, #tpu.memory_space<vmem_shared>>, %arg12: memref<!tpu.dma_semaphore, #tpu.memory_space<semaphore_mem>>, %arg13: memref<!tpu.dma_semaphore, #tpu.memory_space<semaphore_mem>>) attributes {dimension_semantics = [#tpu.dimension_semantics<core_parallel>, #tpu.dimension_semantics<subcore_parallel>], iteration_bounds = array<i64: 2, 16>, scalar_prefetch = 0 : i64, scratch_operands = 7 : i64, tpu.core_type = #tpu.core_type<sc_vector_subcore>, window_params = [{transform_indices = #map}, {transform_indices = #map}, {transform_indices = #map}, {transform_indices = #map}, {transform_indices = #map1}]} {
    %mul3A = arith.constant 2 : i32
    %mul3A_0 = arith.muli %arg1, %mul3A : i32
    %add3A = arith.addi %mul3A_0, %arg0 : i32
    "tpu.region"() ({
      %run_scoped3A = tpu.sem_alloc : memref<!tpu.dma_semaphore, #tpu.memory_space<semaphore_mem>>
      tpu.enqueue_dma source(%arg5 : memref<125x128xf32, #tpu.memory_space<hbm>>) target(%arg9 : memref<125x128xf32, #tpu.memory_space<vmem>>) target_semaphore(%run_scoped3A : memref<!tpu.dma_semaphore, #tpu.memory_space<semaphore_mem>>)
      tpu.wait_dma2 semaphore(%run_scoped3A : memref<!tpu.dma_semaphore, #tpu.memory_space<semaphore_mem>>) src(%arg5 : memref<125x128xf32, #tpu.memory_space<hbm>>) dst(%arg9 : memref<125x128xf32, #tpu.memory_space<vmem>>)
      tpu.yield
    }) : () -> ()
    %mul3A_1 = arith.constant 632 : i32
    %mul3A_2 = arith.muli %arg1, %mul3A_1 : i32
    %add3A_3 = arith.constant 0 : i32
    %add3A_4 = arith.addi %mul3A_2, %add3A_3 : i32
    %dma_start3A = arith.constant 0 : i32
    %dma_start3A_5 = arith.constant 0 : i32
    %dma_start3A_6 = tpu.memref_slice %arg9[%dma_start3A, %dma_start3A_5] : memref<125x128xf32, #tpu.memory_space<vmem>> -> memref<120x128xf32, #tpu.memory_space<vmem>>
    %dma_start3A_7 = arith.constant 0 : i32
    %dma_start3A_8 = tpu.memref_slice %arg11[%add3A_4, %dma_start3A_7] : memref<10112x128xf32, #tpu.memory_space<vmem_shared>> -> memref<120x128xf32, #tpu.memory_space<vmem_shared>>
    %dma_start3A_9 = arith.constant 0 : i32
    %dma_start3A_10 = tpu.memref_slice %arg11[%add3A_4, %dma_start3A_9] : memref<10112x128xf32, #tpu.memory_space<vmem_shared>> -> memref<120x128xf32, #tpu.memory_space<vmem_shared>>
    %dma_start3A_11 = arith.constant 0 : i32
    %dma_start3A_12 = arith.constant 0 : i32
    %dma_start3A_13 = tpu.memref_slice %arg9[%dma_start3A_11, %dma_start3A_12] : memref<125x128xf32, #tpu.memory_space<vmem>> -> memref<120x128xf32, #tpu.memory_space<vmem>>
    tpu.enqueue_dma source(%dma_start3A_13 : memref<120x128xf32, #tpu.memory_space<vmem>>) target(%dma_start3A_10 : memref<120x128xf32, #tpu.memory_space<vmem_shared>>) target_semaphore(%arg12 : memref<!tpu.dma_semaphore, #tpu.memory_space<semaphore_mem>>)
    %mul3A_14 = arith.constant 632 : i32
    %mul3A_15 = arith.muli %arg1, %mul3A_14 : i32
    %add3A_16 = arith.constant 120 : i32
    %add3A_17 = arith.addi %mul3A_15, %add3A_16 : i32
    %dma_start3A_18 = arith.constant 0 : i32
    %dma_start3A_19 = arith.constant 0 : i32
    %dma_start3A_20 = tpu.memref_slice %arg9[%dma_start3A_18, %dma_start3A_19] : memref<125x128xf32, #tpu.memory_space<vmem>> -> memref<120x128xf32, #tpu.memory_space<vmem>>
    %dma_start3A_21 = arith.constant 0 : i32
    %dma_start3A_22 = tpu.memref_slice %arg11[%add3A_17, %dma_start3A_21] : memref<10112x128xf32, #tpu.memory_space<vmem_shared>> -> memref<120x128xf32, #tpu.memory_space<vmem_shared>>
    %dma_start3A_23 = arith.constant 0 : i32
    %dma_start3A_24 = tpu.memref_slice %arg11[%add3A_17, %dma_start3A_23] : memref<10112x128xf32, #tpu.memory_space<vmem_shared>> -> memref<120x128xf32, #tpu.memory_space<vmem_shared>>
    %dma_start3A_25 = arith.constant 0 : i32
    %dma_start3A_26 = arith.constant 0 : i32
    %dma_start3A_27 = tpu.memref_slice %arg9[%dma_start3A_25, %dma_start3A_26] : memref<125x128xf32, #tpu.memory_space<vmem>> -> memref<120x128xf32, #tpu.memory_space<vmem>>
    tpu.enqueue_dma source(%dma_start3A_27 : memref<120x128xf32, #tpu.memory_space<vmem>>) target(%dma_start3A_24 : memref<120x128xf32, #tpu.memory_space<vmem_shared>>) target_semaphore(%arg12 : memref<!tpu.dma_semaphore, #tpu.memory_space<semaphore_mem>>)
    %mul3A_28 = arith.constant 632 : i32
    %mul3A_29 = arith.muli %arg1, %mul3A_28 : i32
    %add3A_30 = arith.constant 240 : i32
    %add3A_31 = arith.addi %mul3A_29, %add3A_30 : i32
    %dma_start3A_32 = arith.constant 0 : i32
    %dma_start3A_33 = arith.constant 0 : i32
    %dma_start3A_34 = tpu.memref_slice %arg9[%dma_start3A_32, %dma_start3A_33] : memref<125x128xf32, #tpu.memory_space<vmem>> -> memref<120x128xf32, #tpu.memory_space<vmem>>
    %dma_start3A_35 = arith.constant 0 : i32
    %dma_start3A_36 = tpu.memref_slice %arg11[%add3A_31, %dma_start3A_35] : memref<10112x128xf32, #tpu.memory_space<vmem_shared>> -> memref<120x128xf32, #tpu.memory_space<vmem_shared>>
    %dma_start3A_37 = arith.constant 0 : i32
    %dma_start3A_38 = tpu.memref_slice %arg11[%add3A_31, %dma_start3A_37] : memref<10112x128xf32, #tpu.memory_space<vmem_shared>> -> memref<120x128xf32, #tpu.memory_space<vmem_shared>>
    %dma_start3A_39 = arith.constant 0 : i32
    %dma_start3A_40 = arith.constant 0 : i32
    %dma_start3A_41 = tpu.memref_slice %arg9[%dma_start3A_39, %dma_start3A_40] : memref<125x128xf32, #tpu.memory_space<vmem>> -> memref<120x128xf32, #tpu.memory_space<vmem>>
    tpu.enqueue_dma source(%dma_start3A_41 : memref<120x128xf32, #tpu.memory_space<vmem>>) target(%dma_start3A_38 : memref<120x128xf32, #tpu.memory_space<vmem_shared>>) target_semaphore(%arg12 : memref<!tpu.dma_semaphore, #tpu.memory_space<semaphore_mem>>)
    %mul3A_42 = arith.constant 632 : i32
    %mul3A_43 = arith.muli %arg1, %mul3A_42 : i32
    %add3A_44 = arith.constant 360 : i32
    %add3A_45 = arith.addi %mul3A_43, %add3A_44 : i32
    %dma_start3A_46 = arith.constant 0 : i32
    %dma_start3A_47 = arith.constant 0 : i32
    %dma_start3A_48 = tpu.memref_slice %arg9[%dma_start3A_46, %dma_start3A_47] : memref<125x128xf32, #tpu.memory_space<vmem>> -> memref<120x128xf32, #tpu.memory_space<vmem>>
    %dma_start3A_49 = arith.constant 0 : i32
    %dma_start3A_50 = tpu.memref_slice %arg11[%add3A_45, %dma_start3A_49] : memref<10112x128xf32, #tpu.memory_space<vmem_shared>> -> memref<120x128xf32, #tpu.memory_space<vmem_shared>>
    %dma_start3A_51 = arith.constant 0 : i32
    %dma_start3A_52 = tpu.memref_slice %arg11[%add3A_45, %dma_start3A_51] : memref<10112x128xf32, #tpu.memory_space<vmem_shared>> -> memref<120x128xf32, #tpu.memory_space<vmem_shared>>
    %dma_start3A_53 = arith.constant 0 : i32
    %dma_start3A_54 = arith.constant 0 : i32
    %dma_start3A_55 = tpu.memref_slice %arg9[%dma_start3A_53, %dma_start3A_54] : memref<125x128xf32, #tpu.memory_space<vmem>> -> memref<120x128xf32, #tpu.memory_space<vmem>>
    tpu.enqueue_dma source(%dma_start3A_55 : memref<120x128xf32, #tpu.memory_space<vmem>>) target(%dma_start3A_52 : memref<120x128xf32, #tpu.memory_space<vmem_shared>>) target_semaphore(%arg12 : memref<!tpu.dma_semaphore, #tpu.memory_space<semaphore_mem>>)
    %mul3A_56 = arith.constant 632 : i32
    %mul3A_57 = arith.muli %arg1, %mul3A_56 : i32
    %add3A_58 = arith.constant 480 : i32
    %add3A_59 = arith.addi %mul3A_57, %add3A_58 : i32
    %dma_start3A_60 = arith.constant 0 : i32
    %dma_start3A_61 = arith.constant 0 : i32
    %dma_start3A_62 = tpu.memref_slice %arg9[%dma_start3A_60, %dma_start3A_61] : memref<125x128xf32, #tpu.memory_space<vmem>> -> memref<120x128xf32, #tpu.memory_space<vmem>>
    %dma_start3A_63 = arith.constant 0 : i32
    %dma_start3A_64 = tpu.memref_slice %arg11[%add3A_59, %dma_start3A_63] : memref<10112x128xf32, #tpu.memory_space<vmem_shared>> -> memref<120x128xf32, #tpu.memory_space<vmem_shared>>
    %dma_start3A_65 = arith.constant 0 : i32
    %dma_start3A_66 = tpu.memref_slice %arg11[%add3A_59, %dma_start3A_65] : memref<10112x128xf32, #tpu.memory_space<vmem_shared>> -> memref<120x128xf32, #tpu.memory_space<vmem_shared>>
    %dma_start3A_67 = arith.constant 0 : i32
    %dma_start3A_68 = arith.constant 0 : i32
    %dma_start3A_69 = tpu.memref_slice %arg9[%dma_start3A_67, %dma_start3A_68] : memref<125x128xf32, #tpu.memory_space<vmem>> -> memref<120x128xf32, #tpu.memory_space<vmem>>
    tpu.enqueue_dma source(%dma_start3A_69 : memref<120x128xf32, #tpu.memory_space<vmem>>) target(%dma_start3A_66 : memref<120x128xf32, #tpu.memory_space<vmem_shared>>) target_semaphore(%arg12 : memref<!tpu.dma_semaphore, #tpu.memory_space<semaphore_mem>>)
    %mul3A_70 = arith.constant 632 : i32
    %mul3A_71 = arith.muli %arg1, %mul3A_70 : i32
    %add3A_72 = arith.constant 600 : i32
    %add3A_73 = arith.addi %mul3A_71, %add3A_72 : i32
    %dma_start3A_74 = arith.constant 0 : i32
    %dma_start3A_75 = arith.constant 0 : i32
    %dma_start3A_76 = tpu.memref_slice %arg9[%dma_start3A_74, %dma_start3A_75] : memref<125x128xf32, #tpu.memory_space<vmem>> -> memref<32x128xf32, #tpu.memory_space<vmem>>
    %dma_start3A_77 = arith.constant 0 : i32
    %dma_start3A_78 = tpu.memref_slice %arg11[%add3A_73, %dma_start3A_77] : memref<10112x128xf32, #tpu.memory_space<vmem_shared>> -> memref<32x128xf32, #tpu.memory_space<vmem_shared>>
    %dma_start3A_79 = arith.constant 0 : i32
    %dma_start3A_80 = tpu.memref_slice %arg11[%add3A_73, %dma_start3A_79] : memref<10112x128xf32, #tpu.memory_space<vmem_shared>> -> memref<32x128xf32, #tpu.memory_space<vmem_shared>>
    %dma_start3A_81 = arith.constant 0 : i32
    %dma_start3A_82 = arith.constant 0 : i32
    %dma_start3A_83 = tpu.memref_slice %arg9[%dma_start3A_81, %dma_start3A_82] : memref<125x128xf32, #tpu.memory_space<vmem>> -> memref<32x128xf32, #tpu.memory_space<vmem>>
    tpu.enqueue_dma source(%dma_start3A_83 : memref<32x128xf32, #tpu.memory_space<vmem>>) target(%dma_start3A_80 : memref<32x128xf32, #tpu.memory_space<vmem_shared>>) target_semaphore(%arg13 : memref<!tpu.dma_semaphore, #tpu.memory_space<semaphore_mem>>)
    %mul3A_84 = arith.constant 632 : i32
    %mul3A_85 = arith.muli %arg1, %mul3A_84 : i32
    %add3A_86 = arith.constant 0 : i32
    %add3A_87 = arith.addi %mul3A_85, %add3A_86 : i32
    %dma_wait3A = arith.constant 0 : i32
    %dma_wait3A_88 = arith.constant 0 : i32
    %dma_wait3A_89 = tpu.memref_slice %arg9[%dma_wait3A, %dma_wait3A_88] : memref<125x128xf32, #tpu.memory_space<vmem>> -> memref<120x128xf32, #tpu.memory_space<vmem>>
    %dma_wait3A_90 = arith.constant 0 : i32
    %dma_wait3A_91 = tpu.memref_slice %arg11[%add3A_87, %dma_wait3A_90] : memref<10112x128xf32, #tpu.memory_space<vmem_shared>> -> memref<120x128xf32, #tpu.memory_space<vmem_shared>>
    %dma_wait3A_92 = arith.constant 0 : i32
    %dma_wait3A_93 = tpu.memref_slice %arg11[%add3A_87, %dma_wait3A_92] : memref<10112x128xf32, #tpu.memory_space<vmem_shared>> -> memref<120x128xf32, #tpu.memory_space<vmem_shared>>
    %dma_wait3A_94 = arith.constant 0 : i32
    %dma_wait3A_95 = arith.constant 0 : i32
    %dma_wait3A_96 = tpu.memref_slice %arg9[%dma_wait3A_94, %dma_wait3A_95] : memref<125x128xf32, #tpu.memory_space<vmem>> -> memref<120x128xf32, #tpu.memory_space<vmem>>
    tpu.wait_dma2 semaphore(%arg12 : memref<!tpu.dma_semaphore, #tpu.memory_space<semaphore_mem>>) src(%dma_wait3A_96 : memref<120x128xf32, #tpu.memory_space<vmem>>) dst(%dma_wait3A_93 : memref<120x128xf32, #tpu.memory_space<vmem_shared>>)
    %mul3A_97 = arith.constant 632 : i32
    %mul3A_98 = arith.muli %arg1, %mul3A_97 : i32
    %add3A_99 = arith.constant 120 : i32
    %add3A_100 = arith.addi %mul3A_98, %add3A_99 : i32
    %dma_wait3A_101 = arith.constant 0 : i32
    %dma_wait3A_102 = arith.constant 0 : i32
    %dma_wait3A_103 = tpu.memref_slice %arg9[%dma_wait3A_101, %dma_wait3A_102] : memref<125x128xf32, #tpu.memory_space<vmem>> -> memref<120x128xf32, #tpu.memory_space<vmem>>
    %dma_wait3A_104 = arith.constant 0 : i32
    %dma_wait3A_105 = tpu.memref_slice %arg11[%add3A_100, %dma_wait3A_104] : memref<10112x128xf32, #tpu.memory_space<vmem_shared>> -> memref<120x128xf32, #tpu.memory_space<vmem_shared>>
    %dma_wait3A_106 = arith.constant 0 : i32
    %dma_wait3A_107 = tpu.memref_slice %arg11[%add3A_100, %dma_wait3A_106] : memref<10112x128xf32, #tpu.memory_space<vmem_shared>> -> memref<120x128xf32, #tpu.memory_space<vmem_shared>>
    %dma_wait3A_108 = arith.constant 0 : i32
    %dma_wait3A_109 = arith.constant 0 : i32
    %dma_wait3A_110 = tpu.memref_slice %arg9[%dma_wait3A_108, %dma_wait3A_109] : memref<125x128xf32, #tpu.memory_space<vmem>> -> memref<120x128xf32, #tpu.memory_space<vmem>>
    tpu.wait_dma2 semaphore(%arg12 : memref<!tpu.dma_semaphore, #tpu.memory_space<semaphore_mem>>) src(%dma_wait3A_110 : memref<120x128xf32, #tpu.memory_space<vmem>>) dst(%dma_wait3A_107 : memref<120x128xf32, #tpu.memory_space<vmem_shared>>)
    %mul3A_111 = arith.constant 632 : i32
    %mul3A_112 = arith.muli %arg1, %mul3A_111 : i32
    %add3A_113 = arith.constant 240 : i32
    %add3A_114 = arith.addi %mul3A_112, %add3A_113 : i32
    %dma_wait3A_115 = arith.constant 0 : i32
    %dma_wait3A_116 = arith.constant 0 : i32
    %dma_wait3A_117 = tpu.memref_slice %arg9[%dma_wait3A_115, %dma_wait3A_116] : memref<125x128xf32, #tpu.memory_space<vmem>> -> memref<120x128xf32, #tpu.memory_space<vmem>>
    %dma_wait3A_118 = arith.constant 0 : i32
    %dma_wait3A_119 = tpu.memref_slice %arg11[%add3A_114, %dma_wait3A_118] : memref<10112x128xf32, #tpu.memory_space<vmem_shared>> -> memref<120x128xf32, #tpu.memory_space<vmem_shared>>
    %dma_wait3A_120 = arith.constant 0 : i32
    %dma_wait3A_121 = tpu.memref_slice %arg11[%add3A_114, %dma_wait3A_120] : memref<10112x128xf32, #tpu.memory_space<vmem_shared>> -> memref<120x128xf32, #tpu.memory_space<vmem_shared>>
    %dma_wait3A_122 = arith.constant 0 : i32
    %dma_wait3A_123 = arith.constant 0 : i32
    %dma_wait3A_124 = tpu.memref_slice %arg9[%dma_wait3A_122, %dma_wait3A_123] : memref<125x128xf32, #tpu.memory_space<vmem>> -> memref<120x128xf32, #tpu.memory_space<vmem>>
    tpu.wait_dma2 semaphore(%arg12 : memref<!tpu.dma_semaphore, #tpu.memory_space<semaphore_mem>>) src(%dma_wait3A_124 : memref<120x128xf32, #tpu.memory_space<vmem>>) dst(%dma_wait3A_121 : memref<120x128xf32, #tpu.memory_space<vmem_shared>>)
    %mul3A_125 = arith.constant 632 : i32
    %mul3A_126 = arith.muli %arg1, %mul3A_125 : i32
    %add3A_127 = arith.constant 360 : i32
    %add3A_128 = arith.addi %mul3A_126, %add3A_127 : i32
    %dma_wait3A_129 = arith.constant 0 : i32
    %dma_wait3A_130 = arith.constant 0 : i32
    %dma_wait3A_131 = tpu.memref_slice %arg9[%dma_wait3A_129, %dma_wait3A_130] : memref<125x128xf32, #tpu.memory_space<vmem>> -> memref<120x128xf32, #tpu.memory_space<vmem>>
    %dma_wait3A_132 = arith.constant 0 : i32
    %dma_wait3A_133 = tpu.memref_slice %arg11[%add3A_128, %dma_wait3A_132] : memref<10112x128xf32, #tpu.memory_space<vmem_shared>> -> memref<120x128xf32, #tpu.memory_space<vmem_shared>>
    %dma_wait3A_134 = arith.constant 0 : i32
    %dma_wait3A_135 = tpu.memref_slice %arg11[%add3A_128, %dma_wait3A_134] : memref<10112x128xf32, #tpu.memory_space<vmem_shared>> -> memref<120x128xf32, #tpu.memory_space<vmem_shared>>
    %dma_wait3A_136 = arith.constant 0 : i32
    %dma_wait3A_137 = arith.constant 0 : i32
    %dma_wait3A_138 = tpu.memref_slice %arg9[%dma_wait3A_136, %dma_wait3A_137] : memref<125x128xf32, #tpu.memory_space<vmem>> -> memref<120x128xf32, #tpu.memory_space<vmem>>
    tpu.wait_dma2 semaphore(%arg12 : memref<!tpu.dma_semaphore, #tpu.memory_space<semaphore_mem>>) src(%dma_wait3A_138 : memref<120x128xf32, #tpu.memory_space<vmem>>) dst(%dma_wait3A_135 : memref<120x128xf32, #tpu.memory_space<vmem_shared>>)
    %mul3A_139 = arith.constant 632 : i32
    %mul3A_140 = arith.muli %arg1, %mul3A_139 : i32
    %add3A_141 = arith.constant 480 : i32
    %add3A_142 = arith.addi %mul3A_140, %add3A_141 : i32
    %dma_wait3A_143 = arith.constant 0 : i32
    %dma_wait3A_144 = arith.constant 0 : i32
    %dma_wait3A_145 = tpu.memref_slice %arg9[%dma_wait3A_143, %dma_wait3A_144] : memref<125x128xf32, #tpu.memory_space<vmem>> -> memref<120x128xf32, #tpu.memory_space<vmem>>
    %dma_wait3A_146 = arith.constant 0 : i32
    %dma_wait3A_147 = tpu.memref_slice %arg11[%add3A_142, %dma_wait3A_146] : memref<10112x128xf32, #tpu.memory_space<vmem_shared>> -> memref<120x128xf32, #tpu.memory_space<vmem_shared>>
    %dma_wait3A_148 = arith.constant 0 : i32
    %dma_wait3A_149 = tpu.memref_slice %arg11[%add3A_142, %dma_wait3A_148] : memref<10112x128xf32, #tpu.memory_space<vmem_shared>> -> memref<120x128xf32, #tpu.memory_space<vmem_shared>>
    %dma_wait3A_150 = arith.constant 0 : i32
    %dma_wait3A_151 = arith.constant 0 : i32
    %dma_wait3A_152 = tpu.memref_slice %arg9[%dma_wait3A_150, %dma_wait3A_151] : memref<125x128xf32, #tpu.memory_space<vmem>> -> memref<120x128xf32, #tpu.memory_space<vmem>>
    tpu.wait_dma2 semaphore(%arg12 : memref<!tpu.dma_semaphore, #tpu.memory_space<semaphore_mem>>) src(%dma_wait3A_152 : memref<120x128xf32, #tpu.memory_space<vmem>>) dst(%dma_wait3A_149 : memref<120x128xf32, #tpu.memory_space<vmem_shared>>)
    %mul3A_153 = arith.constant 632 : i32
    %mul3A_154 = arith.muli %arg1, %mul3A_153 : i32
    %add3A_155 = arith.constant 600 : i32
    %add3A_156 = arith.addi %mul3A_154, %add3A_155 : i32
    %dma_wait3A_157 = arith.constant 0 : i32
    %dma_wait3A_158 = arith.constant 0 : i32
    %dma_wait3A_159 = tpu.memref_slice %arg9[%dma_wait3A_157, %dma_wait3A_158] : memref<125x128xf32, #tpu.memory_space<vmem>> -> memref<32x128xf32, #tpu.memory_space<vmem>>
    %dma_wait3A_160 = arith.constant 0 : i32
    %dma_wait3A_161 = tpu.memref_slice %arg11[%add3A_156, %dma_wait3A_160] : memref<10112x128xf32, #tpu.memory_space<vmem_shared>> -> memref<32x128xf32, #tpu.memory_space<vmem_shared>>
    %dma_wait3A_162 = arith.constant 0 : i32
    %dma_wait3A_163 = tpu.memref_slice %arg11[%add3A_156, %dma_wait3A_162] : memref<10112x128xf32, #tpu.memory_space<vmem_shared>> -> memref<32x128xf32, #tpu.memory_space<vmem_shared>>
    %dma_wait3A_164 = arith.constant 0 : i32
    %dma_wait3A_165 = arith.constant 0 : i32
    %dma_wait3A_166 = tpu.memref_slice %arg9[%dma_wait3A_164, %dma_wait3A_165] : memref<125x128xf32, #tpu.memory_space<vmem>> -> memref<32x128xf32, #tpu.memory_space<vmem>>
    tpu.wait_dma2 semaphore(%arg13 : memref<!tpu.dma_semaphore, #tpu.memory_space<semaphore_mem>>) src(%dma_wait3A_166 : memref<32x128xf32, #tpu.memory_space<vmem>>) dst(%dma_wait3A_163 : memref<32x128xf32, #tpu.memory_space<vmem_shared>>)
    %barrier3A = arith.constant 0 : index
    tpu.barrier barrier_id(%barrier3A)
    %scan3A = arith.constant 0 : i32
    %scan3A_167 = arith.constant 0 : i32
    %scan3A_168 = arith.constant 5 : i32
    %scan3A_169 = arith.addi %scan3A_167, %scan3A_168 : i32
    %scan3A_170 = arith.constant 1 : i32
    scf.for %scan3A_437 = %scan3A_167 to %scan3A_169 step %scan3A_170  : i32 {
      %mul3A_438 = arith.constant 80 : i32
      %mul3A_439 = arith.muli %add3A, %mul3A_438 : i32
      %mul3A_440 = arith.constant 16 : i32
      %mul3A_441 = arith.muli %scan3A_437, %mul3A_440 : i32
      %add3A_442 = arith.addi %mul3A_439, %mul3A_441 : i32
      "tpu.region"() ({
        %run_scoped3A = tpu.sem_alloc : memref<!tpu.dma_semaphore, #tpu.memory_space<semaphore_mem>>
        %dma_start3A_456 = arith.constant 0 : i32
        %dma_start3A_457 = tpu.memref_slice %arg3[%add3A_442, %dma_start3A_456] : memref<2560x125xi32, #tpu.memory_space<hbm>> -> memref<16x125xi32, #tpu.memory_space<hbm>>
        %dma_start3A_458 = arith.constant 0 : i32
        %dma_start3A_459 = tpu.memref_slice %arg3[%add3A_442, %dma_start3A_458] : memref<2560x125xi32, #tpu.memory_space<hbm>> -> memref<16x125xi32, #tpu.memory_space<hbm>>
        tpu.enqueue_dma source(%dma_start3A_459 : memref<16x125xi32, #tpu.memory_space<hbm>>) target(%arg7 : memref<16x125xi32, #tpu.memory_space<vmem>>) target_semaphore(%run_scoped3A : memref<!tpu.dma_semaphore, #tpu.memory_space<semaphore_mem>>)
        %dma_wait3A_460 = arith.constant 0 : i32
        %dma_wait3A_461 = tpu.memref_slice %arg3[%add3A_442, %dma_wait3A_460] : memref<2560x125xi32, #tpu.memory_space<hbm>> -> memref<16x125xi32, #tpu.memory_space<hbm>>
        %dma_wait3A_462 = arith.constant 0 : i32
        %dma_wait3A_463 = tpu.memref_slice %arg3[%add3A_442, %dma_wait3A_462] : memref<2560x125xi32, #tpu.memory_space<hbm>> -> memref<16x125xi32, #tpu.memory_space<hbm>>
        tpu.wait_dma2 semaphore(%run_scoped3A : memref<!tpu.dma_semaphore, #tpu.memory_space<semaphore_mem>>) src(%dma_wait3A_463 : memref<16x125xi32, #tpu.memory_space<hbm>>) dst(%arg7 : memref<16x125xi32, #tpu.memory_space<vmem>>)
        tpu.yield
      }) : () -> ()
      "tpu.region"() ({
        %run_scoped3A = tpu.sem_alloc : memref<!tpu.dma_semaphore, #tpu.memory_space<semaphore_mem>>
        %dma_start3A_456 = arith.constant 0 : i32
        %dma_start3A_457 = tpu.memref_slice %arg4[%add3A_442, %dma_start3A_456] : memref<2560x125xi32, #tpu.memory_space<hbm>> -> memref<16x125xi32, #tpu.memory_space<hbm>>
        %dma_start3A_458 = arith.constant 0 : i32
        %dma_start3A_459 = tpu.memref_slice %arg4[%add3A_442, %dma_start3A_458] : memref<2560x125xi32, #tpu.memory_space<hbm>> -> memref<16x125xi32, #tpu.memory_space<hbm>>
        tpu.enqueue_dma source(%dma_start3A_459 : memref<16x125xi32, #tpu.memory_space<hbm>>) target(%arg8 : memref<16x125xi32, #tpu.memory_space<vmem>>) target_semaphore(%run_scoped3A : memref<!tpu.dma_semaphore, #tpu.memory_space<semaphore_mem>>)
        %dma_wait3A_460 = arith.constant 0 : i32
        %dma_wait3A_461 = tpu.memref_slice %arg4[%add3A_442, %dma_wait3A_460] : memref<2560x125xi32, #tpu.memory_space<hbm>> -> memref<16x125xi32, #tpu.memory_space<hbm>>
        %dma_wait3A_462 = arith.constant 0 : i32
        %dma_wait3A_463 = tpu.memref_slice %arg4[%add3A_442, %dma_wait3A_462] : memref<2560x125xi32, #tpu.memory_space<hbm>> -> memref<16x125xi32, #tpu.memory_space<hbm>>
        tpu.wait_dma2 semaphore(%run_scoped3A : memref<!tpu.dma_semaphore, #tpu.memory_space<semaphore_mem>>) src(%dma_wait3A_463 : memref<16x125xi32, #tpu.memory_space<hbm>>) dst(%arg8 : memref<16x125xi32, #tpu.memory_space<vmem>>)
        tpu.yield
      }) : () -> ()
      %dma_start3A_443 = arith.constant 0 : i32
      %dma_start3A_444 = arith.constant 0 : i32
      %dma_start3A_445 = tpu.memref_slice %arg7[%dma_start3A_443, %dma_start3A_444] : memref<16x125xi32, #tpu.memory_space<vmem>> -> memref<1x125xi32, #tpu.memory_space<vmem>>
      %dma_start3A_446 = tpu.memref_squeeze %dma_start3A_445 : memref<1x125xi32, #tpu.memory_space<vmem>> -> memref<125xi32, #tpu.memory_space<vmem>>
      %dma_start3A_447 = arith.constant 0 : i32
      %dma_start3A_448 = arith.constant 0 : i32
      %dma_start3A_449 = tpu.memref_slice %arg2[%dma_start3A_447, %dma_start3A_448] : memref<10000x128xf32, #tpu.memory_space<hbm>> -> memref<10000x128xf32, #tpu.memory_space<hbm>>
      tpu.enqueue_indirect_dma source(%dma_start3A_449 : memref<10000x128xf32, #tpu.memory_space<hbm>>) target(%arg9 : memref<125x128xf32, #tpu.memory_space<vmem>>) offsets(%dma_start3A_446 : memref<125xi32, #tpu.memory_space<vmem>>) semaphore(%arg12 : memref<!tpu.dma_semaphore, #tpu.memory_space<semaphore_mem>>)
      %scan3A_450 = arith.constant 0 : i32
      %scan3A_451 = arith.constant 0 : i32
      %scan3A_452 = arith.constant 8 : i32
      %scan3A_453 = arith.addi %scan3A_451, %scan3A_452 : i32
      %scan3A_454 = arith.constant 1 : i32
      scf.for %scan3A_456 = %scan3A_451 to %scan3A_453 step %scan3A_454  : i32 {
        %mul3A_457 = arith.constant 2 : i32
        %mul3A_458 = arith.muli %scan3A_456, %mul3A_457 : i32
        %add3A_459 = arith.constant 0 : i32
        %add3A_460 = arith.addi %mul3A_458, %add3A_459 : i32
        %add3A_461 = arith.constant 1 : i32
        %add3A_462 = arith.addi %add3A_460, %add3A_461 : i32
        %lt3A = arith.constant 16 : i32
        %lt3A_463 = arith.cmpi slt, %add3A_462, %lt3A : i32
        %convert_element_type3A = arith.extui %lt3A_463 : i1 to i32
        %cond3A = arith.constant 0 : i32
        %cond3A_464 = arith.cmpi ne, %convert_element_type3A, %cond3A : i32
        scf.if %cond3A_464 {
          %add3A_486 = arith.constant 1 : i32
          %add3A_487 = arith.addi %add3A_460, %add3A_486 : i32
          %dma_start3A_488 = arith.constant 0 : i32
          %dma_start3A_489 = tpu.memref_slice %arg7[%add3A_487, %dma_start3A_488] : memref<16x125xi32, #tpu.memory_space<vmem>> -> memref<1x125xi32, #tpu.memory_space<vmem>>
          %dma_start3A_490 = tpu.memref_squeeze %dma_start3A_489 : memref<1x125xi32, #tpu.memory_space<vmem>> -> memref<125xi32, #tpu.memory_space<vmem>>
          %dma_start3A_491 = arith.constant 0 : i32
          %dma_start3A_492 = arith.constant 0 : i32
          %dma_start3A_493 = tpu.memref_slice %arg2[%dma_start3A_491, %dma_start3A_492] : memref<10000x128xf32, #tpu.memory_space<hbm>> -> memref<10000x128xf32, #tpu.memory_space<hbm>>
          tpu.enqueue_indirect_dma source(%dma_start3A_493 : memref<10000x128xf32, #tpu.memory_space<hbm>>) target(%arg10 : memref<125x128xf32, #tpu.memory_space<vmem>>) offsets(%dma_start3A_490 : memref<125xi32, #tpu.memory_space<vmem>>) semaphore(%arg13 : memref<!tpu.dma_semaphore, #tpu.memory_space<semaphore_mem>>)
        } else {
        }
        %dma_wait3A_465 = arith.constant 0 : i32
        %dma_wait3A_466 = tpu.memref_slice %arg7[%add3A_460, %dma_wait3A_465] : memref<16x125xi32, #tpu.memory_space<vmem>> -> memref<1x125xi32, #tpu.memory_space<vmem>>
        %dma_wait3A_467 = tpu.memref_squeeze %dma_wait3A_466 : memref<1x125xi32, #tpu.memory_space<vmem>> -> memref<125xi32, #tpu.memory_space<vmem>>
        %dma_wait3A_468 = arith.constant 0 : i32
        %dma_wait3A_469 = arith.constant 0 : i32
        %dma_wait3A_470 = tpu.memref_slice %arg2[%dma_wait3A_468, %dma_wait3A_469] : memref<10000x128xf32, #tpu.memory_space<hbm>> -> memref<10000x128xf32, #tpu.memory_space<hbm>>
        tpu.wait_indirect_dma semaphore(%arg12 : memref<!tpu.dma_semaphore, #tpu.memory_space<semaphore_mem>>) src(%dma_wait3A_470 : memref<10000x128xf32, #tpu.memory_space<hbm>>) dst(%arg9 : memref<125x128xf32, #tpu.memory_space<vmem>>)
        "tpu.region"() ({
          %run_scoped3A = tpu.sem_alloc : memref<!tpu.dma_semaphore, #tpu.memory_space<semaphore_mem>>
          %dma_start3A_486 = arith.constant 0 : i32
          %dma_start3A_487 = tpu.memref_slice %arg8[%add3A_460, %dma_start3A_486] : memref<16x125xi32, #tpu.memory_space<vmem>> -> memref<1x125xi32, #tpu.memory_space<vmem>>
          %dma_start3A_488 = tpu.memref_squeeze %dma_start3A_487 : memref<1x125xi32, #tpu.memory_space<vmem>> -> memref<125xi32, #tpu.memory_space<vmem>>
          %dma_start3A_489 = arith.constant 0 : i32
          %dma_start3A_490 = arith.constant 0 : i32
          %dma_start3A_491 = tpu.memref_slice %arg11[%dma_start3A_489, %dma_start3A_490] : memref<10112x128xf32, #tpu.memory_space<vmem_shared>> -> memref<10112x128xf32, #tpu.memory_space<vmem_shared>>
          tpu.enqueue_indirect_dma source(%arg9 : memref<125x128xf32, #tpu.memory_space<vmem>>) target(%dma_start3A_491 : memref<10112x128xf32, #tpu.memory_space<vmem_shared>>) offsets(%dma_start3A_488 : memref<125xi32, #tpu.memory_space<vmem>>) semaphore(%run_scoped3A : memref<!tpu.dma_semaphore, #tpu.memory_space<semaphore_mem>>) {add = true}
          %dma_wait3A_492 = arith.constant 0 : i32
          %dma_wait3A_493 = tpu.memref_slice %arg8[%add3A_460, %dma_wait3A_492] : memref<16x125xi32, #tpu.memory_space<vmem>> -> memref<1x125xi32, #tpu.memory_space<vmem>>
          %dma_wait3A_494 = tpu.memref_squeeze %dma_wait3A_493 : memref<1x125xi32, #tpu.memory_space<vmem>> -> memref<125xi32, #tpu.memory_space<vmem>>
          %dma_wait3A_495 = arith.constant 0 : i32
          %dma_wait3A_496 = arith.constant 0 : i32
          %dma_wait3A_497 = tpu.memref_slice %arg11[%dma_wait3A_495, %dma_wait3A_496] : memref<10112x128xf32, #tpu.memory_space<vmem_shared>> -> memref<10112x128xf32, #tpu.memory_space<vmem_shared>>
          tpu.wait_indirect_dma semaphore(%run_scoped3A : memref<!tpu.dma_semaphore, #tpu.memory_space<semaphore_mem>>) src(%arg9 : memref<125x128xf32, #tpu.memory_space<vmem>>) dst(%dma_wait3A_497 : memref<10112x128xf32, #tpu.memory_space<vmem_shared>>)
          tpu.yield
        }) : () -> ()
        %add3A_471 = arith.constant 1 : i32
        %add3A_472 = arith.addi %mul3A_458, %add3A_471 : i32
        %add3A_473 = arith.constant 1 : i32
        %add3A_474 = arith.addi %add3A_472, %add3A_473 : i32
        %lt3A_475 = arith.constant 16 : i32
        %lt3A_476 = arith.cmpi slt, %add3A_474, %lt3A_475 : i32
        %convert_element_type3A_477 = arith.extui %lt3A_476 : i1 to i32
        %cond3A_478 = arith.constant 0 : i32
        %cond3A_479 = arith.cmpi ne, %convert_element_type3A_477, %cond3A_478 : i32
        scf.if %cond3A_479 {
          %add3A_486 = arith.constant 1 : i32
          %add3A_487 = arith.addi %add3A_472, %add3A_486 : i32
          %dma_start3A_488 = arith.constant 0 : i32
          %dma_start3A_489 = tpu.memref_slice %arg7[%add3A_487, %dma_start3A_488] : memref<16x125xi32, #tpu.memory_space<vmem>> -> memref<1x125xi32, #tpu.memory_space<vmem>>
          %dma_start3A_490 = tpu.memref_squeeze %dma_start3A_489 : memref<1x125xi32, #tpu.memory_space<vmem>> -> memref<125xi32, #tpu.memory_space<vmem>>
          %dma_start3A_491 = arith.constant 0 : i32
          %dma_start3A_492 = arith.constant 0 : i32
          %dma_start3A_493 = tpu.memref_slice %arg2[%dma_start3A_491, %dma_start3A_492] : memref<10000x128xf32, #tpu.memory_space<hbm>> -> memref<10000x128xf32, #tpu.memory_space<hbm>>
          tpu.enqueue_indirect_dma source(%dma_start3A_493 : memref<10000x128xf32, #tpu.memory_space<hbm>>) target(%arg9 : memref<125x128xf32, #tpu.memory_space<vmem>>) offsets(%dma_start3A_490 : memref<125xi32, #tpu.memory_space<vmem>>) semaphore(%arg12 : memref<!tpu.dma_semaphore, #tpu.memory_space<semaphore_mem>>)
        } else {
        }
        %dma_wait3A_480 = arith.constant 0 : i32
        %dma_wait3A_481 = tpu.memref_slice %arg7[%add3A_472, %dma_wait3A_480] : memref<16x125xi32, #tpu.memory_space<vmem>> -> memref<1x125xi32, #tpu.memory_space<vmem>>
        %dma_wait3A_482 = tpu.memref_squeeze %dma_wait3A_481 : memref<1x125xi32, #tpu.memory_space<vmem>> -> memref<125xi32, #tpu.memory_space<vmem>>
        %dma_wait3A_483 = arith.constant 0 : i32
        %dma_wait3A_484 = arith.constant 0 : i32
        %dma_wait3A_485 = tpu.memref_slice %arg2[%dma_wait3A_483, %dma_wait3A_484] : memref<10000x128xf32, #tpu.memory_space<hbm>> -> memref<10000x128xf32, #tpu.memory_space<hbm>>
        tpu.wait_indirect_dma semaphore(%arg13 : memref<!tpu.dma_semaphore, #tpu.memory_space<semaphore_mem>>) src(%dma_wait3A_485 : memref<10000x128xf32, #tpu.memory_space<hbm>>) dst(%arg10 : memref<125x128xf32, #tpu.memory_space<vmem>>)
        "tpu.region"() ({
          %run_scoped3A = tpu.sem_alloc : memref<!tpu.dma_semaphore, #tpu.memory_space<semaphore_mem>>
          %dma_start3A_486 = arith.constant 0 : i32
          %dma_start3A_487 = tpu.memref_slice %arg8[%add3A_472, %dma_start3A_486] : memref<16x125xi32, #tpu.memory_space<vmem>> -> memref<1x125xi32, #tpu.memory_space<vmem>>
          %dma_start3A_488 = tpu.memref_squeeze %dma_start3A_487 : memref<1x125xi32, #tpu.memory_space<vmem>> -> memref<125xi32, #tpu.memory_space<vmem>>
          %dma_start3A_489 = arith.constant 0 : i32
          %dma_start3A_490 = arith.constant 0 : i32
          %dma_start3A_491 = tpu.memref_slice %arg11[%dma_start3A_489, %dma_start3A_490] : memref<10112x128xf32, #tpu.memory_space<vmem_shared>> -> memref<10112x128xf32, #tpu.memory_space<vmem_shared>>
          tpu.enqueue_indirect_dma source(%arg10 : memref<125x128xf32, #tpu.memory_space<vmem>>) target(%dma_start3A_491 : memref<10112x128xf32, #tpu.memory_space<vmem_shared>>) offsets(%dma_start3A_488 : memref<125xi32, #tpu.memory_space<vmem>>) semaphore(%run_scoped3A : memref<!tpu.dma_semaphore, #tpu.memory_space<semaphore_mem>>) {add = true}
          %dma_wait3A_492 = arith.constant 0 : i32
          %dma_wait3A_493 = tpu.memref_slice %arg8[%add3A_472, %dma_wait3A_492] : memref<16x125xi32, #tpu.memory_space<vmem>> -> memref<1x125xi32, #tpu.memory_space<vmem>>
          %dma_wait3A_494 = tpu.memref_squeeze %dma_wait3A_493 : memref<1x125xi32, #tpu.memory_space<vmem>> -> memref<125xi32, #tpu.memory_space<vmem>>
          %dma_wait3A_495 = arith.constant 0 : i32
          %dma_wait3A_496 = arith.constant 0 : i32
          %dma_wait3A_497 = tpu.memref_slice %arg11[%dma_wait3A_495, %dma_wait3A_496] : memref<10112x128xf32, #tpu.memory_space<vmem_shared>> -> memref<10112x128xf32, #tpu.memory_space<vmem_shared>>
          tpu.wait_indirect_dma semaphore(%run_scoped3A : memref<!tpu.dma_semaphore, #tpu.memory_space<semaphore_mem>>) src(%arg10 : memref<125x128xf32, #tpu.memory_space<vmem>>) dst(%dma_wait3A_497 : memref<10112x128xf32, #tpu.memory_space<vmem_shared>>)
          tpu.yield
        }) : () -> ()
      }
      %scan3A_455 = arith.constant 8 : i32
    }
    %scan3A_171 = arith.constant 5 : i32
    %barrier3A_172 = arith.constant 0 : index
    tpu.barrier barrier_id(%barrier3A_172)
    %mul3A_173 = arith.constant 632 : i32
    %mul3A_174 = arith.muli %arg1, %mul3A_173 : i32
    %add3A_175 = arith.constant 0 : i32
    %add3A_176 = arith.addi %mul3A_174, %add3A_175 : i32
    "tpu.region"() ({
      %run_scoped3A = tpu.sem_alloc : memref<!tpu.dma_semaphore, #tpu.memory_space<semaphore_mem>>
      %dma_start3A_437 = arith.constant 0 : i32
      %dma_start3A_438 = arith.constant 0 : i32
      %dma_start3A_439 = tpu.memref_slice %arg9[%dma_start3A_437, %dma_start3A_438] : memref<125x128xf32, #tpu.memory_space<vmem>> -> memref<120x128xf32, #tpu.memory_space<vmem>>
      %dma_start3A_440 = arith.constant 0 : i32
      %dma_start3A_441 = tpu.memref_slice %arg11[%add3A_176, %dma_start3A_440] : memref<10112x128xf32, #tpu.memory_space<vmem_shared>> -> memref<120x128xf32, #tpu.memory_space<vmem_shared>>
      %dma_start3A_442 = arith.constant 0 : i32
      %dma_start3A_443 = arith.constant 0 : i32
      %dma_start3A_444 = tpu.memref_slice %arg9[%dma_start3A_442, %dma_start3A_443] : memref<125x128xf32, #tpu.memory_space<vmem>> -> memref<120x128xf32, #tpu.memory_space<vmem>>
      %dma_start3A_445 = arith.constant 0 : i32
      %dma_start3A_446 = tpu.memref_slice %arg11[%add3A_176, %dma_start3A_445] : memref<10112x128xf32, #tpu.memory_space<vmem_shared>> -> memref<120x128xf32, #tpu.memory_space<vmem_shared>>
      tpu.enqueue_dma source(%dma_start3A_446 : memref<120x128xf32, #tpu.memory_space<vmem_shared>>) target(%dma_start3A_444 : memref<120x128xf32, #tpu.memory_space<vmem>>) target_semaphore(%run_scoped3A : memref<!tpu.dma_semaphore, #tpu.memory_space<semaphore_mem>>)
      %dma_wait3A_447 = arith.constant 0 : i32
      %dma_wait3A_448 = arith.constant 0 : i32
      %dma_wait3A_449 = tpu.memref_slice %arg9[%dma_wait3A_447, %dma_wait3A_448] : memref<125x128xf32, #tpu.memory_space<vmem>> -> memref<120x128xf32, #tpu.memory_space<vmem>>
      %dma_wait3A_450 = arith.constant 0 : i32
      %dma_wait3A_451 = tpu.memref_slice %arg11[%add3A_176, %dma_wait3A_450] : memref<10112x128xf32, #tpu.memory_space<vmem_shared>> -> memref<120x128xf32, #tpu.memory_space<vmem_shared>>
      %dma_wait3A_452 = arith.constant 0 : i32
      %dma_wait3A_453 = arith.constant 0 : i32
      %dma_wait3A_454 = tpu.memref_slice %arg9[%dma_wait3A_452, %dma_wait3A_453] : memref<125x128xf32, #tpu.memory_space<vmem>> -> memref<120x128xf32, #tpu.memory_space<vmem>>
      %dma_wait3A_455 = arith.constant 0 : i32
      %dma_wait3A_456 = tpu.memref_slice %arg11[%add3A_176, %dma_wait3A_455] : memref<10112x128xf32, #tpu.memory_space<vmem_shared>> -> memref<120x128xf32, #tpu.memory_space<vmem_shared>>
      tpu.wait_dma2 semaphore(%run_scoped3A : memref<!tpu.dma_semaphore, #tpu.memory_space<semaphore_mem>>) src(%dma_wait3A_456 : memref<120x128xf32, #tpu.memory_space<vmem_shared>>) dst(%dma_wait3A_454 : memref<120x128xf32, #tpu.memory_space<vmem>>)
      tpu.yield
    }) : () -> ()
    %dma_start3A_177 = arith.constant 0 : i32
    %dma_start3A_178 = arith.constant 0 : i32
    %dma_start3A_179 = tpu.memref_slice %arg9[%dma_start3A_177, %dma_start3A_178] : memref<125x128xf32, #tpu.memory_space<vmem>> -> memref<120x128xf32, #tpu.memory_space<vmem>>
    %dma_start3A_180 = arith.constant 0 : i32
    %dma_start3A_181 = arith.constant 0 : i32
    %dma_start3A_182 = tpu.memref_slice %arg6[%arg0, %dma_start3A_180, %dma_start3A_181] : memref<2x10112x128xf32, #tpu.memory_space<hbm>> -> memref<1x10112x128xf32, #tpu.memory_space<hbm>>
    %dma_start3A_183 = tpu.memref_squeeze %dma_start3A_182 : memref<1x10112x128xf32, #tpu.memory_space<hbm>> -> memref<10112x128xf32, #tpu.memory_space<hbm>>
    %dma_start3A_184 = arith.constant 0 : i32
    %dma_start3A_185 = tpu.memref_slice %dma_start3A_183[%add3A_176, %dma_start3A_184] : memref<10112x128xf32, #tpu.memory_space<hbm>> -> memref<120x128xf32, #tpu.memory_space<hbm>>
    %dma_start3A_186 = arith.constant 0 : i32
    %dma_start3A_187 = arith.constant 0 : i32
    %dma_start3A_188 = tpu.memref_slice %arg6[%arg0, %dma_start3A_186, %dma_start3A_187] : memref<2x10112x128xf32, #tpu.memory_space<hbm>> -> memref<1x10112x128xf32, #tpu.memory_space<hbm>>
    %dma_start3A_189 = tpu.memref_squeeze %dma_start3A_188 : memref<1x10112x128xf32, #tpu.memory_space<hbm>> -> memref<10112x128xf32, #tpu.memory_space<hbm>>
    %dma_start3A_190 = arith.constant 0 : i32
    %dma_start3A_191 = tpu.memref_slice %dma_start3A_189[%add3A_176, %dma_start3A_190] : memref<10112x128xf32, #tpu.memory_space<hbm>> -> memref<120x128xf32, #tpu.memory_space<hbm>>
    %dma_start3A_192 = arith.constant 0 : i32
    %dma_start3A_193 = arith.constant 0 : i32
    %dma_start3A_194 = tpu.memref_slice %arg9[%dma_start3A_192, %dma_start3A_193] : memref<125x128xf32, #tpu.memory_space<vmem>> -> memref<120x128xf32, #tpu.memory_space<vmem>>
    tpu.enqueue_dma source(%dma_start3A_194 : memref<120x128xf32, #tpu.memory_space<vmem>>) target(%dma_start3A_191 : memref<120x128xf32, #tpu.memory_space<hbm>>) target_semaphore(%arg12 : memref<!tpu.dma_semaphore, #tpu.memory_space<semaphore_mem>>)
    %mul3A_195 = arith.constant 632 : i32
    %mul3A_196 = arith.muli %arg1, %mul3A_195 : i32
    %add3A_197 = arith.constant 120 : i32
    %add3A_198 = arith.addi %mul3A_196, %add3A_197 : i32
    "tpu.region"() ({
      %run_scoped3A = tpu.sem_alloc : memref<!tpu.dma_semaphore, #tpu.memory_space<semaphore_mem>>
      %dma_start3A_437 = arith.constant 0 : i32
      %dma_start3A_438 = arith.constant 0 : i32
      %dma_start3A_439 = tpu.memref_slice %arg10[%dma_start3A_437, %dma_start3A_438] : memref<125x128xf32, #tpu.memory_space<vmem>> -> memref<120x128xf32, #tpu.memory_space<vmem>>
      %dma_start3A_440 = arith.constant 0 : i32
      %dma_start3A_441 = tpu.memref_slice %arg11[%add3A_198, %dma_start3A_440] : memref<10112x128xf32, #tpu.memory_space<vmem_shared>> -> memref<120x128xf32, #tpu.memory_space<vmem_shared>>
      %dma_start3A_442 = arith.constant 0 : i32
      %dma_start3A_443 = arith.constant 0 : i32
      %dma_start3A_444 = tpu.memref_slice %arg10[%dma_start3A_442, %dma_start3A_443] : memref<125x128xf32, #tpu.memory_space<vmem>> -> memref<120x128xf32, #tpu.memory_space<vmem>>
      %dma_start3A_445 = arith.constant 0 : i32
      %dma_start3A_446 = tpu.memref_slice %arg11[%add3A_198, %dma_start3A_445] : memref<10112x128xf32, #tpu.memory_space<vmem_shared>> -> memref<120x128xf32, #tpu.memory_space<vmem_shared>>
      tpu.enqueue_dma source(%dma_start3A_446 : memref<120x128xf32, #tpu.memory_space<vmem_shared>>) target(%dma_start3A_444 : memref<120x128xf32, #tpu.memory_space<vmem>>) target_semaphore(%run_scoped3A : memref<!tpu.dma_semaphore, #tpu.memory_space<semaphore_mem>>)
      %dma_wait3A_447 = arith.constant 0 : i32
      %dma_wait3A_448 = arith.constant 0 : i32
      %dma_wait3A_449 = tpu.memref_slice %arg10[%dma_wait3A_447, %dma_wait3A_448] : memref<125x128xf32, #tpu.memory_space<vmem>> -> memref<120x128xf32, #tpu.memory_space<vmem>>
      %dma_wait3A_450 = arith.constant 0 : i32
      %dma_wait3A_451 = tpu.memref_slice %arg11[%add3A_198, %dma_wait3A_450] : memref<10112x128xf32, #tpu.memory_space<vmem_shared>> -> memref<120x128xf32, #tpu.memory_space<vmem_shared>>
      %dma_wait3A_452 = arith.constant 0 : i32
      %dma_wait3A_453 = arith.constant 0 : i32
      %dma_wait3A_454 = tpu.memref_slice %arg10[%dma_wait3A_452, %dma_wait3A_453] : memref<125x128xf32, #tpu.memory_space<vmem>> -> memref<120x128xf32, #tpu.memory_space<vmem>>
      %dma_wait3A_455 = arith.constant 0 : i32
      %dma_wait3A_456 = tpu.memref_slice %arg11[%add3A_198, %dma_wait3A_455] : memref<10112x128xf32, #tpu.memory_space<vmem_shared>> -> memref<120x128xf32, #tpu.memory_space<vmem_shared>>
      tpu.wait_dma2 semaphore(%run_scoped3A : memref<!tpu.dma_semaphore, #tpu.memory_space<semaphore_mem>>) src(%dma_wait3A_456 : memref<120x128xf32, #tpu.memory_space<vmem_shared>>) dst(%dma_wait3A_454 : memref<120x128xf32, #tpu.memory_space<vmem>>)
      tpu.yield
    }) : () -> ()
    %dma_start3A_199 = arith.constant 0 : i32
    %dma_start3A_200 = arith.constant 0 : i32
    %dma_start3A_201 = tpu.memref_slice %arg10[%dma_start3A_199, %dma_start3A_200] : memref<125x128xf32, #tpu.memory_space<vmem>> -> memref<120x128xf32, #tpu.memory_space<vmem>>
    %dma_start3A_202 = arith.constant 0 : i32
    %dma_start3A_203 = arith.constant 0 : i32
    %dma_start3A_204 = tpu.memref_slice %arg6[%arg0, %dma_start3A_202, %dma_start3A_203] : memref<2x10112x128xf32, #tpu.memory_space<hbm>> -> memref<1x10112x128xf32, #tpu.memory_space<hbm>>
    %dma_start3A_205 = tpu.memref_squeeze %dma_start3A_204 : memref<1x10112x128xf32, #tpu.memory_space<hbm>> -> memref<10112x128xf32, #tpu.memory_space<hbm>>
    %dma_start3A_206 = arith.constant 0 : i32
    %dma_start3A_207 = tpu.memref_slice %dma_start3A_205[%add3A_198, %dma_start3A_206] : memref<10112x128xf32, #tpu.memory_space<hbm>> -> memref<120x128xf32, #tpu.memory_space<hbm>>
    %dma_start3A_208 = arith.constant 0 : i32
    %dma_start3A_209 = arith.constant 0 : i32
    %dma_start3A_210 = tpu.memref_slice %arg6[%arg0, %dma_start3A_208, %dma_start3A_209] : memref<2x10112x128xf32, #tpu.memory_space<hbm>> -> memref<1x10112x128xf32, #tpu.memory_space<hbm>>
    %dma_start3A_211 = tpu.memref_squeeze %dma_start3A_210 : memref<1x10112x128xf32, #tpu.memory_space<hbm>> -> memref<10112x128xf32, #tpu.memory_space<hbm>>
    %dma_start3A_212 = arith.constant 0 : i32
    %dma_start3A_213 = tpu.memref_slice %dma_start3A_211[%add3A_198, %dma_start3A_212] : memref<10112x128xf32, #tpu.memory_space<hbm>> -> memref<120x128xf32, #tpu.memory_space<hbm>>
    %dma_start3A_214 = arith.constant 0 : i32
    %dma_start3A_215 = arith.constant 0 : i32
    %dma_start3A_216 = tpu.memref_slice %arg10[%dma_start3A_214, %dma_start3A_215] : memref<125x128xf32, #tpu.memory_space<vmem>> -> memref<120x128xf32, #tpu.memory_space<vmem>>
    tpu.enqueue_dma source(%dma_start3A_216 : memref<120x128xf32, #tpu.memory_space<vmem>>) target(%dma_start3A_213 : memref<120x128xf32, #tpu.memory_space<hbm>>) target_semaphore(%arg13 : memref<!tpu.dma_semaphore, #tpu.memory_space<semaphore_mem>>)
    %mul3A_217 = arith.constant 632 : i32
    %mul3A_218 = arith.muli %arg1, %mul3A_217 : i32
    %add3A_219 = arith.constant 240 : i32
    %add3A_220 = arith.addi %mul3A_218, %add3A_219 : i32
    %mul3A_221 = arith.constant 632 : i32
    %mul3A_222 = arith.muli %arg1, %mul3A_221 : i32
    %add3A_223 = arith.constant 0 : i32
    %add3A_224 = arith.addi %mul3A_222, %add3A_223 : i32
    %dma_wait3A_225 = arith.constant 0 : i32
    %dma_wait3A_226 = arith.constant 0 : i32
    %dma_wait3A_227 = tpu.memref_slice %arg9[%dma_wait3A_225, %dma_wait3A_226] : memref<125x128xf32, #tpu.memory_space<vmem>> -> memref<120x128xf32, #tpu.memory_space<vmem>>
    %dma_wait3A_228 = arith.constant 0 : i32
    %dma_wait3A_229 = arith.constant 0 : i32
    %dma_wait3A_230 = tpu.memref_slice %arg6[%arg0, %dma_wait3A_228, %dma_wait3A_229] : memref<2x10112x128xf32, #tpu.memory_space<hbm>> -> memref<1x10112x128xf32, #tpu.memory_space<hbm>>
    %dma_wait3A_231 = tpu.memref_squeeze %dma_wait3A_230 : memref<1x10112x128xf32, #tpu.memory_space<hbm>> -> memref<10112x128xf32, #tpu.memory_space<hbm>>
    %dma_wait3A_232 = arith.constant 0 : i32
    %dma_wait3A_233 = tpu.memref_slice %dma_wait3A_231[%add3A_224, %dma_wait3A_232] : memref<10112x128xf32, #tpu.memory_space<hbm>> -> memref<120x128xf32, #tpu.memory_space<hbm>>
    %dma_wait3A_234 = arith.constant 0 : i32
    %dma_wait3A_235 = arith.constant 0 : i32
    %dma_wait3A_236 = tpu.memref_slice %arg6[%arg0, %dma_wait3A_234, %dma_wait3A_235] : memref<2x10112x128xf32, #tpu.memory_space<hbm>> -> memref<1x10112x128xf32, #tpu.memory_space<hbm>>
    %dma_wait3A_237 = tpu.memref_squeeze %dma_wait3A_236 : memref<1x10112x128xf32, #tpu.memory_space<hbm>> -> memref<10112x128xf32, #tpu.memory_space<hbm>>
    %dma_wait3A_238 = arith.constant 0 : i32
    %dma_wait3A_239 = tpu.memref_slice %dma_wait3A_237[%add3A_224, %dma_wait3A_238] : memref<10112x128xf32, #tpu.memory_space<hbm>> -> memref<120x128xf32, #tpu.memory_space<hbm>>
    %dma_wait3A_240 = arith.constant 0 : i32
    %dma_wait3A_241 = arith.constant 0 : i32
    %dma_wait3A_242 = tpu.memref_slice %arg9[%dma_wait3A_240, %dma_wait3A_241] : memref<125x128xf32, #tpu.memory_space<vmem>> -> memref<120x128xf32, #tpu.memory_space<vmem>>
    tpu.wait_dma2 semaphore(%arg12 : memref<!tpu.dma_semaphore, #tpu.memory_space<semaphore_mem>>) src(%dma_wait3A_242 : memref<120x128xf32, #tpu.memory_space<vmem>>) dst(%dma_wait3A_239 : memref<120x128xf32, #tpu.memory_space<hbm>>)
    "tpu.region"() ({
      %run_scoped3A = tpu.sem_alloc : memref<!tpu.dma_semaphore, #tpu.memory_space<semaphore_mem>>
      %dma_start3A_437 = arith.constant 0 : i32
      %dma_start3A_438 = arith.constant 0 : i32
      %dma_start3A_439 = tpu.memref_slice %arg9[%dma_start3A_437, %dma_start3A_438] : memref<125x128xf32, #tpu.memory_space<vmem>> -> memref<120x128xf32, #tpu.memory_space<vmem>>
      %dma_start3A_440 = arith.constant 0 : i32
      %dma_start3A_441 = tpu.memref_slice %arg11[%add3A_220, %dma_start3A_440] : memref<10112x128xf32, #tpu.memory_space<vmem_shared>> -> memref<120x128xf32, #tpu.memory_space<vmem_shared>>
      %dma_start3A_442 = arith.constant 0 : i32
      %dma_start3A_443 = arith.constant 0 : i32
      %dma_start3A_444 = tpu.memref_slice %arg9[%dma_start3A_442, %dma_start3A_443] : memref<125x128xf32, #tpu.memory_space<vmem>> -> memref<120x128xf32, #tpu.memory_space<vmem>>
      %dma_start3A_445 = arith.constant 0 : i32
      %dma_start3A_446 = tpu.memref_slice %arg11[%add3A_220, %dma_start3A_445] : memref<10112x128xf32, #tpu.memory_space<vmem_shared>> -> memref<120x128xf32, #tpu.memory_space<vmem_shared>>
      tpu.enqueue_dma source(%dma_start3A_446 : memref<120x128xf32, #tpu.memory_space<vmem_shared>>) target(%dma_start3A_444 : memref<120x128xf32, #tpu.memory_space<vmem>>) target_semaphore(%run_scoped3A : memref<!tpu.dma_semaphore, #tpu.memory_space<semaphore_mem>>)
      %dma_wait3A_447 = arith.constant 0 : i32
      %dma_wait3A_448 = arith.constant 0 : i32
      %dma_wait3A_449 = tpu.memref_slice %arg9[%dma_wait3A_447, %dma_wait3A_448] : memref<125x128xf32, #tpu.memory_space<vmem>> -> memref<120x128xf32, #tpu.memory_space<vmem>>
      %dma_wait3A_450 = arith.constant 0 : i32
      %dma_wait3A_451 = tpu.memref_slice %arg11[%add3A_220, %dma_wait3A_450] : memref<10112x128xf32, #tpu.memory_space<vmem_shared>> -> memref<120x128xf32, #tpu.memory_space<vmem_shared>>
      %dma_wait3A_452 = arith.constant 0 : i32
      %dma_wait3A_453 = arith.constant 0 : i32
      %dma_wait3A_454 = tpu.memref_slice %arg9[%dma_wait3A_452, %dma_wait3A_453] : memref<125x128xf32, #tpu.memory_space<vmem>> -> memref<120x128xf32, #tpu.memory_space<vmem>>
      %dma_wait3A_455 = arith.constant 0 : i32
      %dma_wait3A_456 = tpu.memref_slice %arg11[%add3A_220, %dma_wait3A_455] : memref<10112x128xf32, #tpu.memory_space<vmem_shared>> -> memref<120x128xf32, #tpu.memory_space<vmem_shared>>
      tpu.wait_dma2 semaphore(%run_scoped3A : memref<!tpu.dma_semaphore, #tpu.memory_space<semaphore_mem>>) src(%dma_wait3A_456 : memref<120x128xf32, #tpu.memory_space<vmem_shared>>) dst(%dma_wait3A_454 : memref<120x128xf32, #tpu.memory_space<vmem>>)
      tpu.yield
    }) : () -> ()
    %dma_start3A_243 = arith.constant 0 : i32
    %dma_start3A_244 = arith.constant 0 : i32
    %dma_start3A_245 = tpu.memref_slice %arg9[%dma_start3A_243, %dma_start3A_244] : memref<125x128xf32, #tpu.memory_space<vmem>> -> memref<120x128xf32, #tpu.memory_space<vmem>>
    %dma_start3A_246 = arith.constant 0 : i32
    %dma_start3A_247 = arith.constant 0 : i32
    %dma_start3A_248 = tpu.memref_slice %arg6[%arg0, %dma_start3A_246, %dma_start3A_247] : memref<2x10112x128xf32, #tpu.memory_space<hbm>> -> memref<1x10112x128xf32, #tpu.memory_space<hbm>>
    %dma_start3A_249 = tpu.memref_squeeze %dma_start3A_248 : memref<1x10112x128xf32, #tpu.memory_space<hbm>> -> memref<10112x128xf32, #tpu.memory_space<hbm>>
    %dma_start3A_250 = arith.constant 0 : i32
    %dma_start3A_251 = tpu.memref_slice %dma_start3A_249[%add3A_220, %dma_start3A_250] : memref<10112x128xf32, #tpu.memory_space<hbm>> -> memref<120x128xf32, #tpu.memory_space<hbm>>
    %dma_start3A_252 = arith.constant 0 : i32
    %dma_start3A_253 = arith.constant 0 : i32
    %dma_start3A_254 = tpu.memref_slice %arg6[%arg0, %dma_start3A_252, %dma_start3A_253] : memref<2x10112x128xf32, #tpu.memory_space<hbm>> -> memref<1x10112x128xf32, #tpu.memory_space<hbm>>
    %dma_start3A_255 = tpu.memref_squeeze %dma_start3A_254 : memref<1x10112x128xf32, #tpu.memory_space<hbm>> -> memref<10112x128xf32, #tpu.memory_space<hbm>>
    %dma_start3A_256 = arith.constant 0 : i32
    %dma_start3A_257 = tpu.memref_slice %dma_start3A_255[%add3A_220, %dma_start3A_256] : memref<10112x128xf32, #tpu.memory_space<hbm>> -> memref<120x128xf32, #tpu.memory_space<hbm>>
    %dma_start3A_258 = arith.constant 0 : i32
    %dma_start3A_259 = arith.constant 0 : i32
    %dma_start3A_260 = tpu.memref_slice %arg9[%dma_start3A_258, %dma_start3A_259] : memref<125x128xf32, #tpu.memory_space<vmem>> -> memref<120x128xf32, #tpu.memory_space<vmem>>
    tpu.enqueue_dma source(%dma_start3A_260 : memref<120x128xf32, #tpu.memory_space<vmem>>) target(%dma_start3A_257 : memref<120x128xf32, #tpu.memory_space<hbm>>) target_semaphore(%arg12 : memref<!tpu.dma_semaphore, #tpu.memory_space<semaphore_mem>>)
    %mul3A_261 = arith.constant 632 : i32
    %mul3A_262 = arith.muli %arg1, %mul3A_261 : i32
    %add3A_263 = arith.constant 360 : i32
    %add3A_264 = arith.addi %mul3A_262, %add3A_263 : i32
    %mul3A_265 = arith.constant 632 : i32
    %mul3A_266 = arith.muli %arg1, %mul3A_265 : i32
    %add3A_267 = arith.constant 120 : i32
    %add3A_268 = arith.addi %mul3A_266, %add3A_267 : i32
    %dma_wait3A_269 = arith.constant 0 : i32
    %dma_wait3A_270 = arith.constant 0 : i32
    %dma_wait3A_271 = tpu.memref_slice %arg10[%dma_wait3A_269, %dma_wait3A_270] : memref<125x128xf32, #tpu.memory_space<vmem>> -> memref<120x128xf32, #tpu.memory_space<vmem>>
    %dma_wait3A_272 = arith.constant 0 : i32
    %dma_wait3A_273 = arith.constant 0 : i32
    %dma_wait3A_274 = tpu.memref_slice %arg6[%arg0, %dma_wait3A_272, %dma_wait3A_273] : memref<2x10112x128xf32, #tpu.memory_space<hbm>> -> memref<1x10112x128xf32, #tpu.memory_space<hbm>>
    %dma_wait3A_275 = tpu.memref_squeeze %dma_wait3A_274 : memref<1x10112x128xf32, #tpu.memory_space<hbm>> -> memref<10112x128xf32, #tpu.memory_space<hbm>>
    %dma_wait3A_276 = arith.constant 0 : i32
    %dma_wait3A_277 = tpu.memref_slice %dma_wait3A_275[%add3A_268, %dma_wait3A_276] : memref<10112x128xf32, #tpu.memory_space<hbm>> -> memref<120x128xf32, #tpu.memory_space<hbm>>
    %dma_wait3A_278 = arith.constant 0 : i32
    %dma_wait3A_279 = arith.constant 0 : i32
    %dma_wait3A_280 = tpu.memref_slice %arg6[%arg0, %dma_wait3A_278, %dma_wait3A_279] : memref<2x10112x128xf32, #tpu.memory_space<hbm>> -> memref<1x10112x128xf32, #tpu.memory_space<hbm>>
    %dma_wait3A_281 = tpu.memref_squeeze %dma_wait3A_280 : memref<1x10112x128xf32, #tpu.memory_space<hbm>> -> memref<10112x128xf32, #tpu.memory_space<hbm>>
    %dma_wait3A_282 = arith.constant 0 : i32
    %dma_wait3A_283 = tpu.memref_slice %dma_wait3A_281[%add3A_268, %dma_wait3A_282] : memref<10112x128xf32, #tpu.memory_space<hbm>> -> memref<120x128xf32, #tpu.memory_space<hbm>>
    %dma_wait3A_284 = arith.constant 0 : i32
    %dma_wait3A_285 = arith.constant 0 : i32
    %dma_wait3A_286 = tpu.memref_slice %arg10[%dma_wait3A_284, %dma_wait3A_285] : memref<125x128xf32, #tpu.memory_space<vmem>> -> memref<120x128xf32, #tpu.memory_space<vmem>>
    tpu.wait_dma2 semaphore(%arg13 : memref<!tpu.dma_semaphore, #tpu.memory_space<semaphore_mem>>) src(%dma_wait3A_286 : memref<120x128xf32, #tpu.memory_space<vmem>>) dst(%dma_wait3A_283 : memref<120x128xf32, #tpu.memory_space<hbm>>)
    "tpu.region"() ({
      %run_scoped3A = tpu.sem_alloc : memref<!tpu.dma_semaphore, #tpu.memory_space<semaphore_mem>>
      %dma_start3A_437 = arith.constant 0 : i32
      %dma_start3A_438 = arith.constant 0 : i32
      %dma_start3A_439 = tpu.memref_slice %arg10[%dma_start3A_437, %dma_start3A_438] : memref<125x128xf32, #tpu.memory_space<vmem>> -> memref<120x128xf32, #tpu.memory_space<vmem>>
      %dma_start3A_440 = arith.constant 0 : i32
      %dma_start3A_441 = tpu.memref_slice %arg11[%add3A_264, %dma_start3A_440] : memref<10112x128xf32, #tpu.memory_space<vmem_shared>> -> memref<120x128xf32, #tpu.memory_space<vmem_shared>>
      %dma_start3A_442 = arith.constant 0 : i32
      %dma_start3A_443 = arith.constant 0 : i32
      %dma_start3A_444 = tpu.memref_slice %arg10[%dma_start3A_442, %dma_start3A_443] : memref<125x128xf32, #tpu.memory_space<vmem>> -> memref<120x128xf32, #tpu.memory_space<vmem>>
      %dma_start3A_445 = arith.constant 0 : i32
      %dma_start3A_446 = tpu.memref_slice %arg11[%add3A_264, %dma_start3A_445] : memref<10112x128xf32, #tpu.memory_space<vmem_shared>> -> memref<120x128xf32, #tpu.memory_space<vmem_shared>>
      tpu.enqueue_dma source(%dma_start3A_446 : memref<120x128xf32, #tpu.memory_space<vmem_shared>>) target(%dma_start3A_444 : memref<120x128xf32, #tpu.memory_space<vmem>>) target_semaphore(%run_scoped3A : memref<!tpu.dma_semaphore, #tpu.memory_space<semaphore_mem>>)
      %dma_wait3A_447 = arith.constant 0 : i32
      %dma_wait3A_448 = arith.constant 0 : i32
      %dma_wait3A_449 = tpu.memref_slice %arg10[%dma_wait3A_447, %dma_wait3A_448] : memref<125x128xf32, #tpu.memory_space<vmem>> -> memref<120x128xf32, #tpu.memory_space<vmem>>
      %dma_wait3A_450 = arith.constant 0 : i32
      %dma_wait3A_451 = tpu.memref_slice %arg11[%add3A_264, %dma_wait3A_450] : memref<10112x128xf32, #tpu.memory_space<vmem_shared>> -> memref<120x128xf32, #tpu.memory_space<vmem_shared>>
      %dma_wait3A_452 = arith.constant 0 : i32
      %dma_wait3A_453 = arith.constant 0 : i32
      %dma_wait3A_454 = tpu.memref_slice %arg10[%dma_wait3A_452, %dma_wait3A_453] : memref<125x128xf32, #tpu.memory_space<vmem>> -> memref<120x128xf32, #tpu.memory_space<vmem>>
      %dma_wait3A_455 = arith.constant 0 : i32
      %dma_wait3A_456 = tpu.memref_slice %arg11[%add3A_264, %dma_wait3A_455] : memref<10112x128xf32, #tpu.memory_space<vmem_shared>> -> memref<120x128xf32, #tpu.memory_space<vmem_shared>>
      tpu.wait_dma2 semaphore(%run_scoped3A : memref<!tpu.dma_semaphore, #tpu.memory_space<semaphore_mem>>) src(%dma_wait3A_456 : memref<120x128xf32, #tpu.memory_space<vmem_shared>>) dst(%dma_wait3A_454 : memref<120x128xf32, #tpu.memory_space<vmem>>)
      tpu.yield
    }) : () -> ()
    %dma_start3A_287 = arith.constant 0 : i32
    %dma_start3A_288 = arith.constant 0 : i32
    %dma_start3A_289 = tpu.memref_slice %arg10[%dma_start3A_287, %dma_start3A_288] : memref<125x128xf32, #tpu.memory_space<vmem>> -> memref<120x128xf32, #tpu.memory_space<vmem>>
    %dma_start3A_290 = arith.constant 0 : i32
    %dma_start3A_291 = arith.constant 0 : i32
    %dma_start3A_292 = tpu.memref_slice %arg6[%arg0, %dma_start3A_290, %dma_start3A_291] : memref<2x10112x128xf32, #tpu.memory_space<hbm>> -> memref<1x10112x128xf32, #tpu.memory_space<hbm>>
    %dma_start3A_293 = tpu.memref_squeeze %dma_start3A_292 : memref<1x10112x128xf32, #tpu.memory_space<hbm>> -> memref<10112x128xf32, #tpu.memory_space<hbm>>
    %dma_start3A_294 = arith.constant 0 : i32
    %dma_start3A_295 = tpu.memref_slice %dma_start3A_293[%add3A_264, %dma_start3A_294] : memref<10112x128xf32, #tpu.memory_space<hbm>> -> memref<120x128xf32, #tpu.memory_space<hbm>>
    %dma_start3A_296 = arith.constant 0 : i32
    %dma_start3A_297 = arith.constant 0 : i32
    %dma_start3A_298 = tpu.memref_slice %arg6[%arg0, %dma_start3A_296, %dma_start3A_297] : memref<2x10112x128xf32, #tpu.memory_space<hbm>> -> memref<1x10112x128xf32, #tpu.memory_space<hbm>>
    %dma_start3A_299 = tpu.memref_squeeze %dma_start3A_298 : memref<1x10112x128xf32, #tpu.memory_space<hbm>> -> memref<10112x128xf32, #tpu.memory_space<hbm>>
    %dma_start3A_300 = arith.constant 0 : i32
    %dma_start3A_301 = tpu.memref_slice %dma_start3A_299[%add3A_264, %dma_start3A_300] : memref<10112x128xf32, #tpu.memory_space<hbm>> -> memref<120x128xf32, #tpu.memory_space<hbm>>
    %dma_start3A_302 = arith.constant 0 : i32
    %dma_start3A_303 = arith.constant 0 : i32
    %dma_start3A_304 = tpu.memref_slice %arg10[%dma_start3A_302, %dma_start3A_303] : memref<125x128xf32, #tpu.memory_space<vmem>> -> memref<120x128xf32, #tpu.memory_space<vmem>>
    tpu.enqueue_dma source(%dma_start3A_304 : memref<120x128xf32, #tpu.memory_space<vmem>>) target(%dma_start3A_301 : memref<120x128xf32, #tpu.memory_space<hbm>>) target_semaphore(%arg13 : memref<!tpu.dma_semaphore, #tpu.memory_space<semaphore_mem>>)
    %mul3A_305 = arith.constant 632 : i32
    %mul3A_306 = arith.muli %arg1, %mul3A_305 : i32
    %add3A_307 = arith.constant 480 : i32
    %add3A_308 = arith.addi %mul3A_306, %add3A_307 : i32
    %mul3A_309 = arith.constant 632 : i32
    %mul3A_310 = arith.muli %arg1, %mul3A_309 : i32
    %add3A_311 = arith.constant 240 : i32
    %add3A_312 = arith.addi %mul3A_310, %add3A_311 : i32
    %dma_wait3A_313 = arith.constant 0 : i32
    %dma_wait3A_314 = arith.constant 0 : i32
    %dma_wait3A_315 = tpu.memref_slice %arg9[%dma_wait3A_313, %dma_wait3A_314] : memref<125x128xf32, #tpu.memory_space<vmem>> -> memref<120x128xf32, #tpu.memory_space<vmem>>
    %dma_wait3A_316 = arith.constant 0 : i32
    %dma_wait3A_317 = arith.constant 0 : i32
    %dma_wait3A_318 = tpu.memref_slice %arg6[%arg0, %dma_wait3A_316, %dma_wait3A_317] : memref<2x10112x128xf32, #tpu.memory_space<hbm>> -> memref<1x10112x128xf32, #tpu.memory_space<hbm>>
    %dma_wait3A_319 = tpu.memref_squeeze %dma_wait3A_318 : memref<1x10112x128xf32, #tpu.memory_space<hbm>> -> memref<10112x128xf32, #tpu.memory_space<hbm>>
    %dma_wait3A_320 = arith.constant 0 : i32
    %dma_wait3A_321 = tpu.memref_slice %dma_wait3A_319[%add3A_312, %dma_wait3A_320] : memref<10112x128xf32, #tpu.memory_space<hbm>> -> memref<120x128xf32, #tpu.memory_space<hbm>>
    %dma_wait3A_322 = arith.constant 0 : i32
    %dma_wait3A_323 = arith.constant 0 : i32
    %dma_wait3A_324 = tpu.memref_slice %arg6[%arg0, %dma_wait3A_322, %dma_wait3A_323] : memref<2x10112x128xf32, #tpu.memory_space<hbm>> -> memref<1x10112x128xf32, #tpu.memory_space<hbm>>
    %dma_wait3A_325 = tpu.memref_squeeze %dma_wait3A_324 : memref<1x10112x128xf32, #tpu.memory_space<hbm>> -> memref<10112x128xf32, #tpu.memory_space<hbm>>
    %dma_wait3A_326 = arith.constant 0 : i32
    %dma_wait3A_327 = tpu.memref_slice %dma_wait3A_325[%add3A_312, %dma_wait3A_326] : memref<10112x128xf32, #tpu.memory_space<hbm>> -> memref<120x128xf32, #tpu.memory_space<hbm>>
    %dma_wait3A_328 = arith.constant 0 : i32
    %dma_wait3A_329 = arith.constant 0 : i32
    %dma_wait3A_330 = tpu.memref_slice %arg9[%dma_wait3A_328, %dma_wait3A_329] : memref<125x128xf32, #tpu.memory_space<vmem>> -> memref<120x128xf32, #tpu.memory_space<vmem>>
    tpu.wait_dma2 semaphore(%arg12 : memref<!tpu.dma_semaphore, #tpu.memory_space<semaphore_mem>>) src(%dma_wait3A_330 : memref<120x128xf32, #tpu.memory_space<vmem>>) dst(%dma_wait3A_327 : memref<120x128xf32, #tpu.memory_space<hbm>>)
    "tpu.region"() ({
      %run_scoped3A = tpu.sem_alloc : memref<!tpu.dma_semaphore, #tpu.memory_space<semaphore_mem>>
      %dma_start3A_437 = arith.constant 0 : i32
      %dma_start3A_438 = arith.constant 0 : i32
      %dma_start3A_439 = tpu.memref_slice %arg9[%dma_start3A_437, %dma_start3A_438] : memref<125x128xf32, #tpu.memory_space<vmem>> -> memref<120x128xf32, #tpu.memory_space<vmem>>
      %dma_start3A_440 = arith.constant 0 : i32
      %dma_start3A_441 = tpu.memref_slice %arg11[%add3A_308, %dma_start3A_440] : memref<10112x128xf32, #tpu.memory_space<vmem_shared>> -> memref<120x128xf32, #tpu.memory_space<vmem_shared>>
      %dma_start3A_442 = arith.constant 0 : i32
      %dma_start3A_443 = arith.constant 0 : i32
      %dma_start3A_444 = tpu.memref_slice %arg9[%dma_start3A_442, %dma_start3A_443] : memref<125x128xf32, #tpu.memory_space<vmem>> -> memref<120x128xf32, #tpu.memory_space<vmem>>
      %dma_start3A_445 = arith.constant 0 : i32
      %dma_start3A_446 = tpu.memref_slice %arg11[%add3A_308, %dma_start3A_445] : memref<10112x128xf32, #tpu.memory_space<vmem_shared>> -> memref<120x128xf32, #tpu.memory_space<vmem_shared>>
      tpu.enqueue_dma source(%dma_start3A_446 : memref<120x128xf32, #tpu.memory_space<vmem_shared>>) target(%dma_start3A_444 : memref<120x128xf32, #tpu.memory_space<vmem>>) target_semaphore(%run_scoped3A : memref<!tpu.dma_semaphore, #tpu.memory_space<semaphore_mem>>)
      %dma_wait3A_447 = arith.constant 0 : i32
      %dma_wait3A_448 = arith.constant 0 : i32
      %dma_wait3A_449 = tpu.memref_slice %arg9[%dma_wait3A_447, %dma_wait3A_448] : memref<125x128xf32, #tpu.memory_space<vmem>> -> memref<120x128xf32, #tpu.memory_space<vmem>>
      %dma_wait3A_450 = arith.constant 0 : i32
      %dma_wait3A_451 = tpu.memref_slice %arg11[%add3A_308, %dma_wait3A_450] : memref<10112x128xf32, #tpu.memory_space<vmem_shared>> -> memref<120x128xf32, #tpu.memory_space<vmem_shared>>
      %dma_wait3A_452 = arith.constant 0 : i32
      %dma_wait3A_453 = arith.constant 0 : i32
      %dma_wait3A_454 = tpu.memref_slice %arg9[%dma_wait3A_452, %dma_wait3A_453] : memref<125x128xf32, #tpu.memory_space<vmem>> -> memref<120x128xf32, #tpu.memory_space<vmem>>
      %dma_wait3A_455 = arith.constant 0 : i32
      %dma_wait3A_456 = tpu.memref_slice %arg11[%add3A_308, %dma_wait3A_455] : memref<10112x128xf32, #tpu.memory_space<vmem_shared>> -> memref<120x128xf32, #tpu.memory_space<vmem_shared>>
      tpu.wait_dma2 semaphore(%run_scoped3A : memref<!tpu.dma_semaphore, #tpu.memory_space<semaphore_mem>>) src(%dma_wait3A_456 : memref<120x128xf32, #tpu.memory_space<vmem_shared>>) dst(%dma_wait3A_454 : memref<120x128xf32, #tpu.memory_space<vmem>>)
      tpu.yield
    }) : () -> ()
    %dma_start3A_331 = arith.constant 0 : i32
    %dma_start3A_332 = arith.constant 0 : i32
    %dma_start3A_333 = tpu.memref_slice %arg9[%dma_start3A_331, %dma_start3A_332] : memref<125x128xf32, #tpu.memory_space<vmem>> -> memref<120x128xf32, #tpu.memory_space<vmem>>
    %dma_start3A_334 = arith.constant 0 : i32
    %dma_start3A_335 = arith.constant 0 : i32
    %dma_start3A_336 = tpu.memref_slice %arg6[%arg0, %dma_start3A_334, %dma_start3A_335] : memref<2x10112x128xf32, #tpu.memory_space<hbm>> -> memref<1x10112x128xf32, #tpu.memory_space<hbm>>
    %dma_start3A_337 = tpu.memref_squeeze %dma_start3A_336 : memref<1x10112x128xf32, #tpu.memory_space<hbm>> -> memref<10112x128xf32, #tpu.memory_space<hbm>>
    %dma_start3A_338 = arith.constant 0 : i32
    %dma_start3A_339 = tpu.memref_slice %dma_start3A_337[%add3A_308, %dma_start3A_338] : memref<10112x128xf32, #tpu.memory_space<hbm>> -> memref<120x128xf32, #tpu.memory_space<hbm>>
    %dma_start3A_340 = arith.constant 0 : i32
    %dma_start3A_341 = arith.constant 0 : i32
    %dma_start3A_342 = tpu.memref_slice %arg6[%arg0, %dma_start3A_340, %dma_start3A_341] : memref<2x10112x128xf32, #tpu.memory_space<hbm>> -> memref<1x10112x128xf32, #tpu.memory_space<hbm>>
    %dma_start3A_343 = tpu.memref_squeeze %dma_start3A_342 : memref<1x10112x128xf32, #tpu.memory_space<hbm>> -> memref<10112x128xf32, #tpu.memory_space<hbm>>
    %dma_start3A_344 = arith.constant 0 : i32
    %dma_start3A_345 = tpu.memref_slice %dma_start3A_343[%add3A_308, %dma_start3A_344] : memref<10112x128xf32, #tpu.memory_space<hbm>> -> memref<120x128xf32, #tpu.memory_space<hbm>>
    %dma_start3A_346 = arith.constant 0 : i32
    %dma_start3A_347 = arith.constant 0 : i32
    %dma_start3A_348 = tpu.memref_slice %arg9[%dma_start3A_346, %dma_start3A_347] : memref<125x128xf32, #tpu.memory_space<vmem>> -> memref<120x128xf32, #tpu.memory_space<vmem>>
    tpu.enqueue_dma source(%dma_start3A_348 : memref<120x128xf32, #tpu.memory_space<vmem>>) target(%dma_start3A_345 : memref<120x128xf32, #tpu.memory_space<hbm>>) target_semaphore(%arg12 : memref<!tpu.dma_semaphore, #tpu.memory_space<semaphore_mem>>)
    %mul3A_349 = arith.constant 632 : i32
    %mul3A_350 = arith.muli %arg1, %mul3A_349 : i32
    %add3A_351 = arith.constant 600 : i32
    %add3A_352 = arith.addi %mul3A_350, %add3A_351 : i32
    %mul3A_353 = arith.constant 632 : i32
    %mul3A_354 = arith.muli %arg1, %mul3A_353 : i32
    %add3A_355 = arith.constant 360 : i32
    %add3A_356 = arith.addi %mul3A_354, %add3A_355 : i32
    %dma_wait3A_357 = arith.constant 0 : i32
    %dma_wait3A_358 = arith.constant 0 : i32
    %dma_wait3A_359 = tpu.memref_slice %arg10[%dma_wait3A_357, %dma_wait3A_358] : memref<125x128xf32, #tpu.memory_space<vmem>> -> memref<120x128xf32, #tpu.memory_space<vmem>>
    %dma_wait3A_360 = arith.constant 0 : i32
    %dma_wait3A_361 = arith.constant 0 : i32
    %dma_wait3A_362 = tpu.memref_slice %arg6[%arg0, %dma_wait3A_360, %dma_wait3A_361] : memref<2x10112x128xf32, #tpu.memory_space<hbm>> -> memref<1x10112x128xf32, #tpu.memory_space<hbm>>
    %dma_wait3A_363 = tpu.memref_squeeze %dma_wait3A_362 : memref<1x10112x128xf32, #tpu.memory_space<hbm>> -> memref<10112x128xf32, #tpu.memory_space<hbm>>
    %dma_wait3A_364 = arith.constant 0 : i32
    %dma_wait3A_365 = tpu.memref_slice %dma_wait3A_363[%add3A_356, %dma_wait3A_364] : memref<10112x128xf32, #tpu.memory_space<hbm>> -> memref<120x128xf32, #tpu.memory_space<hbm>>
    %dma_wait3A_366 = arith.constant 0 : i32
    %dma_wait3A_367 = arith.constant 0 : i32
    %dma_wait3A_368 = tpu.memref_slice %arg6[%arg0, %dma_wait3A_366, %dma_wait3A_367] : memref<2x10112x128xf32, #tpu.memory_space<hbm>> -> memref<1x10112x128xf32, #tpu.memory_space<hbm>>
    %dma_wait3A_369 = tpu.memref_squeeze %dma_wait3A_368 : memref<1x10112x128xf32, #tpu.memory_space<hbm>> -> memref<10112x128xf32, #tpu.memory_space<hbm>>
    %dma_wait3A_370 = arith.constant 0 : i32
    %dma_wait3A_371 = tpu.memref_slice %dma_wait3A_369[%add3A_356, %dma_wait3A_370] : memref<10112x128xf32, #tpu.memory_space<hbm>> -> memref<120x128xf32, #tpu.memory_space<hbm>>
    %dma_wait3A_372 = arith.constant 0 : i32
    %dma_wait3A_373 = arith.constant 0 : i32
    %dma_wait3A_374 = tpu.memref_slice %arg10[%dma_wait3A_372, %dma_wait3A_373] : memref<125x128xf32, #tpu.memory_space<vmem>> -> memref<120x128xf32, #tpu.memory_space<vmem>>
    tpu.wait_dma2 semaphore(%arg13 : memref<!tpu.dma_semaphore, #tpu.memory_space<semaphore_mem>>) src(%dma_wait3A_374 : memref<120x128xf32, #tpu.memory_space<vmem>>) dst(%dma_wait3A_371 : memref<120x128xf32, #tpu.memory_space<hbm>>)
    "tpu.region"() ({
      %run_scoped3A = tpu.sem_alloc : memref<!tpu.dma_semaphore, #tpu.memory_space<semaphore_mem>>
      %dma_start3A_437 = arith.constant 0 : i32
      %dma_start3A_438 = arith.constant 0 : i32
      %dma_start3A_439 = tpu.memref_slice %arg10[%dma_start3A_437, %dma_start3A_438] : memref<125x128xf32, #tpu.memory_space<vmem>> -> memref<32x128xf32, #tpu.memory_space<vmem>>
      %dma_start3A_440 = arith.constant 0 : i32
      %dma_start3A_441 = tpu.memref_slice %arg11[%add3A_352, %dma_start3A_440] : memref<10112x128xf32, #tpu.memory_space<vmem_shared>> -> memref<32x128xf32, #tpu.memory_space<vmem_shared>>
      %dma_start3A_442 = arith.constant 0 : i32
      %dma_start3A_443 = arith.constant 0 : i32
      %dma_start3A_444 = tpu.memref_slice %arg10[%dma_start3A_442, %dma_start3A_443] : memref<125x128xf32, #tpu.memory_space<vmem>> -> memref<32x128xf32, #tpu.memory_space<vmem>>
      %dma_start3A_445 = arith.constant 0 : i32
      %dma_start3A_446 = tpu.memref_slice %arg11[%add3A_352, %dma_start3A_445] : memref<10112x128xf32, #tpu.memory_space<vmem_shared>> -> memref<32x128xf32, #tpu.memory_space<vmem_shared>>
      tpu.enqueue_dma source(%dma_start3A_446 : memref<32x128xf32, #tpu.memory_space<vmem_shared>>) target(%dma_start3A_444 : memref<32x128xf32, #tpu.memory_space<vmem>>) target_semaphore(%run_scoped3A : memref<!tpu.dma_semaphore, #tpu.memory_space<semaphore_mem>>)
      %dma_wait3A_447 = arith.constant 0 : i32
      %dma_wait3A_448 = arith.constant 0 : i32
      %dma_wait3A_449 = tpu.memref_slice %arg10[%dma_wait3A_447, %dma_wait3A_448] : memref<125x128xf32, #tpu.memory_space<vmem>> -> memref<32x128xf32, #tpu.memory_space<vmem>>
      %dma_wait3A_450 = arith.constant 0 : i32
      %dma_wait3A_451 = tpu.memref_slice %arg11[%add3A_352, %dma_wait3A_450] : memref<10112x128xf32, #tpu.memory_space<vmem_shared>> -> memref<32x128xf32, #tpu.memory_space<vmem_shared>>
      %dma_wait3A_452 = arith.constant 0 : i32
      %dma_wait3A_453 = arith.constant 0 : i32
      %dma_wait3A_454 = tpu.memref_slice %arg10[%dma_wait3A_452, %dma_wait3A_453] : memref<125x128xf32, #tpu.memory_space<vmem>> -> memref<32x128xf32, #tpu.memory_space<vmem>>
      %dma_wait3A_455 = arith.constant 0 : i32
      %dma_wait3A_456 = tpu.memref_slice %arg11[%add3A_352, %dma_wait3A_455] : memref<10112x128xf32, #tpu.memory_space<vmem_shared>> -> memref<32x128xf32, #tpu.memory_space<vmem_shared>>
      tpu.wait_dma2 semaphore(%run_scoped3A : memref<!tpu.dma_semaphore, #tpu.memory_space<semaphore_mem>>) src(%dma_wait3A_456 : memref<32x128xf32, #tpu.memory_space<vmem_shared>>) dst(%dma_wait3A_454 : memref<32x128xf32, #tpu.memory_space<vmem>>)
      tpu.yield
    }) : () -> ()
    %dma_start3A_375 = arith.constant 0 : i32
    %dma_start3A_376 = arith.constant 0 : i32
    %dma_start3A_377 = tpu.memref_slice %arg10[%dma_start3A_375, %dma_start3A_376] : memref<125x128xf32, #tpu.memory_space<vmem>> -> memref<32x128xf32, #tpu.memory_space<vmem>>
    %dma_start3A_378 = arith.constant 0 : i32
    %dma_start3A_379 = arith.constant 0 : i32
    %dma_start3A_380 = tpu.memref_slice %arg6[%arg0, %dma_start3A_378, %dma_start3A_379] : memref<2x10112x128xf32, #tpu.memory_space<hbm>> -> memref<1x10112x128xf32, #tpu.memory_space<hbm>>
    %dma_start3A_381 = tpu.memref_squeeze %dma_start3A_380 : memref<1x10112x128xf32, #tpu.memory_space<hbm>> -> memref<10112x128xf32, #tpu.memory_space<hbm>>
    %dma_start3A_382 = arith.constant 0 : i32
    %dma_start3A_383 = tpu.memref_slice %dma_start3A_381[%add3A_352, %dma_start3A_382] : memref<10112x128xf32, #tpu.memory_space<hbm>> -> memref<32x128xf32, #tpu.memory_space<hbm>>
    %dma_start3A_384 = arith.constant 0 : i32
    %dma_start3A_385 = arith.constant 0 : i32
    %dma_start3A_386 = tpu.memref_slice %arg6[%arg0, %dma_start3A_384, %dma_start3A_385] : memref<2x10112x128xf32, #tpu.memory_space<hbm>> -> memref<1x10112x128xf32, #tpu.memory_space<hbm>>
    %dma_start3A_387 = tpu.memref_squeeze %dma_start3A_386 : memref<1x10112x128xf32, #tpu.memory_space<hbm>> -> memref<10112x128xf32, #tpu.memory_space<hbm>>
    %dma_start3A_388 = arith.constant 0 : i32
    %dma_start3A_389 = tpu.memref_slice %dma_start3A_387[%add3A_352, %dma_start3A_388] : memref<10112x128xf32, #tpu.memory_space<hbm>> -> memref<32x128xf32, #tpu.memory_space<hbm>>
    %dma_start3A_390 = arith.constant 0 : i32
    %dma_start3A_391 = arith.constant 0 : i32
    %dma_start3A_392 = tpu.memref_slice %arg10[%dma_start3A_390, %dma_start3A_391] : memref<125x128xf32, #tpu.memory_space<vmem>> -> memref<32x128xf32, #tpu.memory_space<vmem>>
    tpu.enqueue_dma source(%dma_start3A_392 : memref<32x128xf32, #tpu.memory_space<vmem>>) target(%dma_start3A_389 : memref<32x128xf32, #tpu.memory_space<hbm>>) target_semaphore(%arg13 : memref<!tpu.dma_semaphore, #tpu.memory_space<semaphore_mem>>)
    %mul3A_393 = arith.constant 632 : i32
    %mul3A_394 = arith.muli %arg1, %mul3A_393 : i32
    %add3A_395 = arith.constant 480 : i32
    %add3A_396 = arith.addi %mul3A_394, %add3A_395 : i32
    %dma_wait3A_397 = arith.constant 0 : i32
    %dma_wait3A_398 = arith.constant 0 : i32
    %dma_wait3A_399 = tpu.memref_slice %arg9[%dma_wait3A_397, %dma_wait3A_398] : memref<125x128xf32, #tpu.memory_space<vmem>> -> memref<120x128xf32, #tpu.memory_space<vmem>>
    %dma_wait3A_400 = arith.constant 0 : i32
    %dma_wait3A_401 = arith.constant 0 : i32
    %dma_wait3A_402 = tpu.memref_slice %arg6[%arg0, %dma_wait3A_400, %dma_wait3A_401] : memref<2x10112x128xf32, #tpu.memory_space<hbm>> -> memref<1x10112x128xf32, #tpu.memory_space<hbm>>
    %dma_wait3A_403 = tpu.memref_squeeze %dma_wait3A_402 : memref<1x10112x128xf32, #tpu.memory_space<hbm>> -> memref<10112x128xf32, #tpu.memory_space<hbm>>
    %dma_wait3A_404 = arith.constant 0 : i32
    %dma_wait3A_405 = tpu.memref_slice %dma_wait3A_403[%add3A_396, %dma_wait3A_404] : memref<10112x128xf32, #tpu.memory_space<hbm>> -> memref<120x128xf32, #tpu.memory_space<hbm>>
    %dma_wait3A_406 = arith.constant 0 : i32
    %dma_wait3A_407 = arith.constant 0 : i32
    %dma_wait3A_408 = tpu.memref_slice %arg6[%arg0, %dma_wait3A_406, %dma_wait3A_407] : memref<2x10112x128xf32, #tpu.memory_space<hbm>> -> memref<1x10112x128xf32, #tpu.memory_space<hbm>>
    %dma_wait3A_409 = tpu.memref_squeeze %dma_wait3A_408 : memref<1x10112x128xf32, #tpu.memory_space<hbm>> -> memref<10112x128xf32, #tpu.memory_space<hbm>>
    %dma_wait3A_410 = arith.constant 0 : i32
    %dma_wait3A_411 = tpu.memref_slice %dma_wait3A_409[%add3A_396, %dma_wait3A_410] : memref<10112x128xf32, #tpu.memory_space<hbm>> -> memref<120x128xf32, #tpu.memory_space<hbm>>
    %dma_wait3A_412 = arith.constant 0 : i32
    %dma_wait3A_413 = arith.constant 0 : i32
    %dma_wait3A_414 = tpu.memref_slice %arg9[%dma_wait3A_412, %dma_wait3A_413] : memref<125x128xf32, #tpu.memory_space<vmem>> -> memref<120x128xf32, #tpu.memory_space<vmem>>
    tpu.wait_dma2 semaphore(%arg12 : memref<!tpu.dma_semaphore, #tpu.memory_space<semaphore_mem>>) src(%dma_wait3A_414 : memref<120x128xf32, #tpu.memory_space<vmem>>) dst(%dma_wait3A_411 : memref<120x128xf32, #tpu.memory_space<hbm>>)
    %mul3A_415 = arith.constant 632 : i32
    %mul3A_416 = arith.muli %arg1, %mul3A_415 : i32
    %add3A_417 = arith.constant 600 : i32
    %add3A_418 = arith.addi %mul3A_416, %add3A_417 : i32
    %dma_wait3A_419 = arith.constant 0 : i32
    %dma_wait3A_420 = arith.constant 0 : i32
    %dma_wait3A_421 = tpu.memref_slice %arg10[%dma_wait3A_419, %dma_wait3A_420] : memref<125x128xf32, #tpu.memory_space<vmem>> -> memref<32x128xf32, #tpu.memory_space<vmem>>
    %dma_wait3A_422 = arith.constant 0 : i32
    %dma_wait3A_423 = arith.constant 0 : i32
    %dma_wait3A_424 = tpu.memref_slice %arg6[%arg0, %dma_wait3A_422, %dma_wait3A_423] : memref<2x10112x128xf32, #tpu.memory_space<hbm>> -> memref<1x10112x128xf32, #tpu.memory_space<hbm>>
    %dma_wait3A_425 = tpu.memref_squeeze %dma_wait3A_424 : memref<1x10112x128xf32, #tpu.memory_space<hbm>> -> memref<10112x128xf32, #tpu.memory_space<hbm>>
    %dma_wait3A_426 = arith.constant 0 : i32
    %dma_wait3A_427 = tpu.memref_slice %dma_wait3A_425[%add3A_418, %dma_wait3A_426] : memref<10112x128xf32, #tpu.memory_space<hbm>> -> memref<32x128xf32, #tpu.memory_space<hbm>>
    %dma_wait3A_428 = arith.constant 0 : i32
    %dma_wait3A_429 = arith.constant 0 : i32
    %dma_wait3A_430 = tpu.memref_slice %arg6[%arg0, %dma_wait3A_428, %dma_wait3A_429] : memref<2x10112x128xf32, #tpu.memory_space<hbm>> -> memref<1x10112x128xf32, #tpu.memory_space<hbm>>
    %dma_wait3A_431 = tpu.memref_squeeze %dma_wait3A_430 : memref<1x10112x128xf32, #tpu.memory_space<hbm>> -> memref<10112x128xf32, #tpu.memory_space<hbm>>
    %dma_wait3A_432 = arith.constant 0 : i32
    %dma_wait3A_433 = tpu.memref_slice %dma_wait3A_431[%add3A_418, %dma_wait3A_432] : memref<10112x128xf32, #tpu.memory_space<hbm>> -> memref<32x128xf32, #tpu.memory_space<hbm>>
    %dma_wait3A_434 = arith.constant 0 : i32
    %dma_wait3A_435 = arith.constant 0 : i32
    %dma_wait3A_436 = tpu.memref_slice %arg10[%dma_wait3A_434, %dma_wait3A_435] : memref<125x128xf32, #tpu.memory_space<vmem>> -> memref<32x128xf32, #tpu.memory_space<vmem>>
    tpu.wait_dma2 semaphore(%arg13 : memref<!tpu.dma_semaphore, #tpu.memory_space<semaphore_mem>>) src(%dma_wait3A_436 : memref<32x128xf32, #tpu.memory_space<vmem>>) dst(%dma_wait3A_433 : memref<32x128xf32, #tpu.memory_space<hbm>>)
    return
  }
}

module attributes {stable_mosaic.version = 14 : i64} {
  func.func @_tca_body(%arg0: i32, %arg1: memref<1x1000x1xf32, #tpu.memory_space<vmem>>, %arg2: memref<1x1000x1xf32, #tpu.memory_space<vmem>>, %arg3: memref<1000x128xf32, #tpu.memory_space<vmem>>, %arg4: memref<128x128xf32, #tpu.memory_space<vmem>>, %arg5: memref<1000x128xf32, #tpu.memory_space<vmem>>, %arg6: memref<1x1000x1xf32, #tpu.memory_space<vmem>>) attributes {dimension_semantics = [#tpu.dimension_semantics<arbitrary>], iteration_bounds = array<i64: 10>, scalar_prefetch = 0 : i64, scratch_operands = 0 : i64, tpu.core_type = #tpu.core_type<tc>, window_params = [{transform_indices = @transform_0, window_bounds = array<i64: 1, 1000, 1>}, {transform_indices = @transform_1, window_bounds = array<i64: 1, 1000, 1>}, {transform_indices = @transform_2, window_bounds = array<i64: 1000, 128>}, {pipeline_mode = #tpu.pipeline_mode<synchronous>, transform_indices = @transform_3, window_bounds = array<i64: 128, 128>}, {transform_indices = @transform_4, window_bounds = array<i64: 1000, 128>}, {transform_indices = @transform_5, window_bounds = array<i64: 1, 1000, 1>}]} {
    %get3A = arith.constant 0 : index
    %get3A_0 = arith.constant 0 : index
    %get3A_1 = arith.constant 0 : index
    %get3A_2 = vector.load %arg1[%get3A, %get3A_0, %get3A_1] : memref<1x1000x1xf32, #tpu.memory_space<vmem>>, vector<1x1000x1xf32>
    %get3A_3 = vector.shape_cast %get3A_2 : vector<1x1000x1xf32> to vector<1000x1xf32>
    %get3A_4 = arith.constant 0 : index
    %get3A_5 = arith.constant 0 : index
    %get3A_6 = arith.constant 0 : index
    %get3A_7 = vector.load %arg2[%get3A_4, %get3A_5, %get3A_6] : memref<1x1000x1xf32, #tpu.memory_space<vmem>>, vector<1x1000x1xf32>
    %get3A_8 = vector.shape_cast %get3A_7 : vector<1x1000x1xf32> to vector<1000x1xf32>
    %add3A = arith.addf %get3A_3, %get3A_8 : vector<1000x1xf32>
    %add3A_9 = arith.constant 1.000000e+00 : f32
    %add3A_10 = vector.broadcast %add3A_9 : f32 to vector<1000x1xf32>
    %add3A_11 = arith.addf %add3A, %add3A_10 : vector<1000x1xf32>
    %rsqrt3A = math.rsqrt %add3A_11 : vector<1000x1xf32>
    %get3A_12 = arith.constant 0 : index
    %get3A_13 = arith.constant 0 : index
    %get3A_14 = vector.load %arg3[%get3A_12, %get3A_13] : memref<1000x128xf32, #tpu.memory_space<vmem>>, vector<1000x128xf32>
    %get3A_15 = arith.constant 0 : index
    %get3A_16 = arith.constant 0 : index
    %get3A_17 = vector.load %arg4[%get3A_15, %get3A_16] : memref<128x128xf32, #tpu.memory_space<vmem>>, vector<128x128xf32>
    %dot_general3A = arith.constant dense<0.000000e+00> : vector<1000x128xf32>
    %dot_general3A_18 = tpu.matmul %get3A_14, %get3A_17, %dot_general3A {dimension_numbers = #tpu.dot_dimension_numbers<[1], [0], [0], [1], [0, 0, 1, 1], [], []>, transpose_lhs_hint = false} : vector<1000x128xf32>, vector<128x128xf32>, vector<1000x128xf32> -> vector<1000x128xf32>
    %mul3A = vector.broadcast %rsqrt3A : vector<1000x1xf32> to vector<1000x128xf32>
    %mul3A_19 = arith.mulf %dot_general3A_18, %mul3A : vector<1000x128xf32>
    %swap3A = arith.constant 0 : index
    %swap3A_20 = arith.constant 0 : index
    %swap3A_21 = vector.load %arg5[%swap3A, %swap3A_20] : memref<1000x128xf32, #tpu.memory_space<vmem>>, vector<1000x128xf32>
    tpu.vector_store %arg5[%swap3A, %swap3A_20], %mul3A_19 {strides = array<i32>} : memref<1000x128xf32, #tpu.memory_space<vmem>>, vector<1000x128xf32>,
    %swap3A_22 = arith.constant 0 : index
    %swap3A_23 = arith.constant 0 : index
    %swap3A_24 = arith.constant 0 : index
    %swap3A_25 = vector.load %arg6[%swap3A_22, %swap3A_23, %swap3A_24] : memref<1x1000x1xf32, #tpu.memory_space<vmem>>, vector<1x1000x1xf32>
    %swap3A_26 = vector.shape_cast %swap3A_25 : vector<1x1000x1xf32> to vector<1000x1xf32>
    %swap3A_27 = vector.shape_cast %rsqrt3A : vector<1000x1xf32> to vector<1x1000x1xf32>
    tpu.vector_store %arg6[%swap3A_22, %swap3A_23, %swap3A_24], %swap3A_27 {strides = array<i32>} : memref<1x1000x1xf32, #tpu.memory_space<vmem>>, vector<1x1000x1xf32>,
    return
  }
  func.func @transform_0(%arg0: i32) -> (i32, i32, i32) {
    %c0_i32 = arith.constant 0 : i32
    %c0_i32_0 = arith.constant 0 : i32
    %c0_i32_1 = arith.constant 0 : i32
    return %arg0, %c0_i32, %c0_i32_0 : i32, i32, i32
  }
  func.func @transform_1(%arg0: i32) -> (i32, i32, i32) {
    %c0_i32 = arith.constant 0 : i32
    %c0_i32_0 = arith.constant 0 : i32
    %c0_i32_1 = arith.constant 0 : i32
    return %arg0, %c0_i32, %c0_i32_0 : i32, i32, i32
  }
  func.func @transform_2(%arg0: i32) -> (i32, i32) {
    %c0_i32 = arith.constant 0 : i32
    %c0_i32_0 = arith.constant 0 : i32
    return %arg0, %c0_i32 : i32, i32
  }
  func.func @transform_3(%arg0: i32) -> (i32, i32) {
    %c0_i32 = arith.constant 0 : i32
    %c0_i32_0 = arith.constant 0 : i32
    %c0_i32_1 = arith.constant 0 : i32
    return %c0_i32, %c0_i32_0 : i32, i32
  }
  func.func @transform_4(%arg0: i32) -> (i32, i32) {
    %c0_i32 = arith.constant 0 : i32
    %c0_i32_0 = arith.constant 0 : i32
    return %arg0, %c0_i32 : i32, i32
  }
  func.func @transform_5(%arg0: i32) -> (i32, i32, i32) {
    %c0_i32 = arith.constant 0 : i32
    %c0_i32_0 = arith.constant 0 : i32
    %c0_i32_1 = arith.constant 0 : i32
    return %arg0, %c0_i32, %c0_i32_0 : i32, i32, i32
  }
}

module attributes {stable_mosaic.version = 14 : i64} {
  func.func @_tcb_body(%arg0: i32, %arg1: memref<2x1000x128xf32, #tpu.memory_space<vmem>>, %arg2: memref<1000x128xf32, #tpu.memory_space<vmem>>, %arg3: memref<1x1000x1xf32, #tpu.memory_space<vmem>>, %arg4: memref<1x128xf32, #tpu.memory_space<vmem>>, %arg5: memref<128x128xf32, #tpu.memory_space<vmem>>, %arg6: memref<1000x128xf32, #tpu.memory_space<vmem>>) attributes {dimension_semantics = [#tpu.dimension_semantics<arbitrary>], iteration_bounds = array<i64: 10>, scalar_prefetch = 0 : i64, scratch_operands = 0 : i64, tpu.core_type = #tpu.core_type<tc>, window_params = [{transform_indices = @transform_0, window_bounds = array<i64: 2, 1000, 128>}, {transform_indices = @transform_1, window_bounds = array<i64: 1000, 128>}, {transform_indices = @transform_2, window_bounds = array<i64: 1, 1000, 1>}, {pipeline_mode = #tpu.pipeline_mode<synchronous>, transform_indices = @transform_3, window_bounds = array<i64: 1, 128>}, {pipeline_mode = #tpu.pipeline_mode<synchronous>, transform_indices = @transform_4, window_bounds = array<i64: 128, 128>}, {transform_indices = @transform_5, window_bounds = array<i64: 1000, 128>}]} {
    %get3A = arith.constant 0 : index
    %get3A_0 = arith.constant 0 : index
    %get3A_1 = arith.constant 0 : index
    %get3A_2 = vector.load %arg3[%get3A, %get3A_0, %get3A_1] : memref<1x1000x1xf32, #tpu.memory_space<vmem>>, vector<1x1000x1xf32>
    %get3A_3 = vector.shape_cast %get3A_2 : vector<1x1000x1xf32> to vector<1000x1xf32>
    %get3A_4 = arith.constant 0 : index
    %get3A_5 = arith.constant 0 : index
    %get3A_6 = arith.constant 0 : index
    %get3A_7 = vector.load %arg1[%get3A_4, %get3A_5, %get3A_6] : memref<2x1000x128xf32, #tpu.memory_space<vmem>>, vector<1x1000x128xf32>
    %get3A_8 = vector.shape_cast %get3A_7 : vector<1x1000x128xf32> to vector<1000x128xf32>
    %get3A_9 = arith.constant 1 : index
    %get3A_10 = arith.constant 0 : index
    %get3A_11 = arith.constant 0 : index
    %get3A_12 = vector.load %arg1[%get3A_9, %get3A_10, %get3A_11] : memref<2x1000x128xf32, #tpu.memory_space<vmem>>, vector<1x1000x128xf32>
    %get3A_13 = vector.shape_cast %get3A_12 : vector<1x1000x128xf32> to vector<1000x128xf32>
    %add3A = arith.addf %get3A_8, %get3A_13 : vector<1000x128xf32>
    %get3A_14 = arith.constant 0 : index
    %get3A_15 = arith.constant 0 : index
    %get3A_16 = vector.load %arg2[%get3A_14, %get3A_15] : memref<1000x128xf32, #tpu.memory_space<vmem>>, vector<1000x128xf32>
    %add3A_17 = arith.addf %add3A, %get3A_16 : vector<1000x128xf32>
    %mul3A = vector.broadcast %get3A_3 : vector<1000x1xf32> to vector<1000x128xf32>
    %mul3A_18 = arith.mulf %add3A_17, %mul3A : vector<1000x128xf32>
    %get3A_19 = arith.constant 0 : index
    %get3A_20 = arith.constant 0 : index
    %get3A_21 = vector.load %arg4[%get3A_19, %get3A_20] : memref<1x128xf32, #tpu.memory_space<vmem>>, vector<1x128xf32>
    %add3A_22 = vector.broadcast %get3A_21 : vector<1x128xf32> to vector<1000x128xf32>
    %add3A_23 = arith.addf %mul3A_18, %add3A_22 : vector<1000x128xf32>
    %max3A = arith.constant 0.000000e+00 : f32
    %max3A_24 = vector.broadcast %max3A : f32 to vector<1000x128xf32>
    %max3A_25 = arith.maximumf %add3A_23, %max3A_24 : vector<1000x128xf32>
    %get3A_26 = arith.constant 0 : index
    %get3A_27 = arith.constant 0 : index
    %get3A_28 = vector.load %arg5[%get3A_26, %get3A_27] : memref<128x128xf32, #tpu.memory_space<vmem>>, vector<128x128xf32>
    %dot_general3A = arith.constant dense<0.000000e+00> : vector<1000x128xf32>
    %dot_general3A_29 = tpu.matmul %max3A_25, %get3A_28, %dot_general3A {dimension_numbers = #tpu.dot_dimension_numbers<[1], [0], [0], [1], [0, 0, 1, 1], [], []>, transpose_lhs_hint = false} : vector<1000x128xf32>, vector<128x128xf32>, vector<1000x128xf32> -> vector<1000x128xf32>
    %mul3A_30 = vector.broadcast %get3A_3 : vector<1000x1xf32> to vector<1000x128xf32>
    %mul3A_31 = arith.mulf %dot_general3A_29, %mul3A_30 : vector<1000x128xf32>
    %swap3A = arith.constant 0 : index
    %swap3A_32 = arith.constant 0 : index
    %swap3A_33 = vector.load %arg6[%swap3A, %swap3A_32] : memref<1000x128xf32, #tpu.memory_space<vmem>>, vector<1000x128xf32>
    tpu.vector_store %arg6[%swap3A, %swap3A_32], %mul3A_31 {strides = array<i32>} : memref<1000x128xf32, #tpu.memory_space<vmem>>, vector<1000x128xf32>,
    return
  }
  func.func @transform_0(%arg0: i32) -> (i32, i32, i32) {
    %c0_i32 = arith.constant 0 : i32
    %c0_i32_0 = arith.constant 0 : i32
    %c0_i32_1 = arith.constant 0 : i32
    return %c0_i32, %arg0, %c0_i32_0 : i32, i32, i32
  }
  func.func @transform_1(%arg0: i32) -> (i32, i32) {
    %c0_i32 = arith.constant 0 : i32
    %c0_i32_0 = arith.constant 0 : i32
    return %arg0, %c0_i32 : i32, i32
  }
  func.func @transform_2(%arg0: i32) -> (i32, i32, i32) {
    %c0_i32 = arith.constant 0 : i32
    %c0_i32_0 = arith.constant 0 : i32
    %c0_i32_1 = arith.constant 0 : i32
    return %arg0, %c0_i32, %c0_i32_0 : i32, i32, i32
  }
  func.func @transform_3(%arg0: i32) -> (i32, i32) {
    %c0_i32 = arith.constant 0 : i32
    %c0_i32_0 = arith.constant 0 : i32
    %c0_i32_1 = arith.constant 0 : i32
    return %c0_i32, %c0_i32_0 : i32, i32
  }
  func.func @transform_4(%arg0: i32) -> (i32, i32) {
    %c0_i32 = arith.constant 0 : i32
    %c0_i32_0 = arith.constant 0 : i32
    %c0_i32_1 = arith.constant 0 : i32
    return %c0_i32, %c0_i32_0 : i32, i32
  }
  func.func @transform_5(%arg0: i32) -> (i32, i32) {
    %c0_i32 = arith.constant 0 : i32
    %c0_i32_0 = arith.constant 0 : i32
    return %arg0, %c0_i32 : i32, i32
  }
}

module attributes {stable_mosaic.version = 14 : i64} {
  func.func @_tcc_body(%arg0: i32, %arg1: memref<2x1000x128xf32, #tpu.memory_space<vmem>>, %arg2: memref<1000x128xf32, #tpu.memory_space<vmem>>, %arg3: memref<1x1000x1xf32, #tpu.memory_space<vmem>>, %arg4: memref<1x128xf32, #tpu.memory_space<vmem>>, %arg5: memref<1x1x1000xi32, #tpu.memory_space<vmem>>, %arg6: memref<128x4xf32, #tpu.memory_space<vmem>>, %arg7: memref<128x81xf32, #tpu.memory_space<vmem>>, %arg8: memref<128x9xf32, #tpu.memory_space<vmem>>, %arg9: memref<128x16xf32, #tpu.memory_space<vmem>>, %arg10: memref<1x4xf32, #tpu.memory_space<vmem>>, %arg11: memref<1x81xf32, #tpu.memory_space<vmem>>, %arg12: memref<1x9xf32, #tpu.memory_space<vmem>>, %arg13: memref<1x16xf32, #tpu.memory_space<vmem>>, %arg14: memref<128x4xf32, #tpu.memory_space<vmem>>, %arg15: memref<128x81xf32, #tpu.memory_space<vmem>>, %arg16: memref<128x9xf32, #tpu.memory_space<vmem>>, %arg17: memref<128x16xf32, #tpu.memory_space<vmem>>, %arg18: memref<128x128xf32, #tpu.memory_space<vmem>>, %arg19: memref<128x1xf32, #tpu.memory_space<vmem>>) attributes {dimension_semantics = [#tpu.dimension_semantics<arbitrary>], iteration_bounds = array<i64: 10>, scalar_prefetch = 0 : i64, scratch_operands = 2 : i64, tpu.core_type = #tpu.core_type<tc>, window_params = [{transform_indices = @transform_0, window_bounds = array<i64: 2, 1000, 128>}, {transform_indices = @transform_1, window_bounds = array<i64: 1000, 128>}, {transform_indices = @transform_2, window_bounds = array<i64: 1, 1000, 1>}, {pipeline_mode = #tpu.pipeline_mode<synchronous>, transform_indices = @transform_3, window_bounds = array<i64: 1, 128>}, {transform_indices = @transform_4, window_bounds = array<i64: 1, 1, 1000>}, {pipeline_mode = #tpu.pipeline_mode<synchronous>, transform_indices = @transform_5, window_bounds = array<i64: 128, 4>}, {pipeline_mode = #tpu.pipeline_mode<synchronous>, transform_indices = @transform_6, window_bounds = array<i64: 128, 81>}, {pipeline_mode = #tpu.pipeline_mode<synchronous>, transform_indices = @transform_7, window_bounds = array<i64: 128, 9>}, {pipeline_mode = #tpu.pipeline_mode<synchronous>, transform_indices = @transform_8, window_bounds = array<i64: 128, 16>}, {pipeline_mode = #tpu.pipeline_mode<synchronous>, transform_indices = @transform_9, window_bounds = array<i64: 1, 4>}, {pipeline_mode = #tpu.pipeline_mode<synchronous>, transform_indices = @transform_10, window_bounds = array<i64: 1, 81>}, {pipeline_mode = #tpu.pipeline_mode<synchronous>, transform_indices = @transform_11, window_bounds = array<i64: 1, 9>}, {pipeline_mode = #tpu.pipeline_mode<synchronous>, transform_indices = @transform_12, window_bounds = array<i64: 1, 16>}, {pipeline_mode = #tpu.pipeline_mode<synchronous>, transform_indices = @transform_13, window_bounds = array<i64: 128, 4>}, {pipeline_mode = #tpu.pipeline_mode<synchronous>, transform_indices = @transform_14, window_bounds = array<i64: 128, 81>}, {pipeline_mode = #tpu.pipeline_mode<synchronous>, transform_indices = @transform_15, window_bounds = array<i64: 128, 9>}, {pipeline_mode = #tpu.pipeline_mode<synchronous>, transform_indices = @transform_16, window_bounds = array<i64: 128, 16>}]} {
    %eq3A = arith.constant 0 : i32
    %eq3A_0 = arith.cmpi eq, %arg0, %eq3A : i32
    %convert_element_type3A = arith.extui %eq3A_0 : i1 to i32
    %cond3A = arith.constant 0 : i32
    %cond3A_1 = arith.cmpi ne, %convert_element_type3A, %cond3A : i32
    scf.if %cond3A_1 {
      %broadcast_in_dim3A_58 = arith.constant 0.000000e+00 : f32
      %broadcast_in_dim3A_59 = vector.broadcast %broadcast_in_dim3A_58 : f32 to vector<128x128xf32>
      %swap3A_60 = arith.constant 0 : index
      %swap3A_61 = arith.constant 0 : index
      %swap3A_62 = vector.load %arg18[%swap3A_60, %swap3A_61] : memref<128x128xf32, #tpu.memory_space<vmem>>, vector<128x128xf32>
      tpu.vector_store %arg18[%swap3A_60, %swap3A_61], %broadcast_in_dim3A_59 {strides = array<i32>} : memref<128x128xf32, #tpu.memory_space<vmem>>, vector<128x128xf32>,
      %broadcast_in_dim3A_63 = arith.constant 0.000000e+00 : f32
      %broadcast_in_dim3A_64 = vector.broadcast %broadcast_in_dim3A_63 : f32 to vector<128x1xf32>
      %swap3A_65 = arith.constant 0 : index
      %swap3A_66 = arith.constant 0 : index
      %swap3A_67 = vector.load %arg19[%swap3A_65, %swap3A_66] : memref<128x1xf32, #tpu.memory_space<vmem>>, vector<128x1xf32>
      tpu.vector_store %arg19[%swap3A_65, %swap3A_66], %broadcast_in_dim3A_64 {strides = array<i32>} : memref<128x1xf32, #tpu.memory_space<vmem>>, vector<128x1xf32>,
    } else {
    }
    %get3A = arith.constant 0 : index
    %get3A_2 = arith.constant 0 : index
    %get3A_3 = arith.constant 0 : index
    %get3A_4 = vector.load %arg3[%get3A, %get3A_2, %get3A_3] : memref<1x1000x1xf32, #tpu.memory_space<vmem>>, vector<1x1000x1xf32>
    %get3A_5 = vector.shape_cast %get3A_4 : vector<1x1000x1xf32> to vector<1000x1xf32>
    %get3A_6 = arith.constant 0 : index
    %get3A_7 = arith.constant 0 : index
    %get3A_8 = arith.constant 0 : index
    %get3A_9 = vector.load %arg1[%get3A_6, %get3A_7, %get3A_8] : memref<2x1000x128xf32, #tpu.memory_space<vmem>>, vector<1x1000x128xf32>
    %get3A_10 = vector.shape_cast %get3A_9 : vector<1x1000x128xf32> to vector<1000x128xf32>
    %get3A_11 = arith.constant 1 : index
    %get3A_12 = arith.constant 0 : index
    %get3A_13 = arith.constant 0 : index
    %get3A_14 = vector.load %arg1[%get3A_11, %get3A_12, %get3A_13] : memref<2x1000x128xf32, #tpu.memory_space<vmem>>, vector<1x1000x128xf32>
    %get3A_15 = vector.shape_cast %get3A_14 : vector<1x1000x128xf32> to vector<1000x128xf32>
    %add3A = arith.addf %get3A_10, %get3A_15 : vector<1000x128xf32>
    %get3A_16 = arith.constant 0 : index
    %get3A_17 = arith.constant 0 : index
    %get3A_18 = vector.load %arg2[%get3A_16, %get3A_17] : memref<1000x128xf32, #tpu.memory_space<vmem>>, vector<1000x128xf32>
    %add3A_19 = arith.addf %add3A, %get3A_18 : vector<1000x128xf32>
    %mul3A = vector.broadcast %get3A_5 : vector<1000x1xf32> to vector<1000x128xf32>
    %mul3A_20 = arith.mulf %add3A_19, %mul3A : vector<1000x128xf32>
    %get3A_21 = arith.constant 0 : index
    %get3A_22 = arith.constant 0 : index
    %get3A_23 = vector.load %arg4[%get3A_21, %get3A_22] : memref<1x128xf32, #tpu.memory_space<vmem>>, vector<1x128xf32>
    %add3A_24 = vector.broadcast %get3A_23 : vector<1x128xf32> to vector<1000x128xf32>
    %add3A_25 = arith.addf %mul3A_20, %add3A_24 : vector<1000x128xf32>
    %max3A = arith.constant 0.000000e+00 : f32
    %max3A_26 = vector.broadcast %max3A : f32 to vector<1000x128xf32>
    %max3A_27 = arith.maximumf %add3A_25, %max3A_26 : vector<1000x128xf32>
    %get3A_28 = arith.constant 0 : index
    %get3A_29 = arith.constant 0 : index
    %get3A_30 = arith.constant 0 : index
    %get3A_31 = vector.load %arg5[%get3A_28, %get3A_29, %get3A_30] : memref<1x1x1000xi32, #tpu.memory_space<vmem>>, vector<1x1x1000xi32>
    %get3A_32 = vector.shape_cast %get3A_31 : vector<1x1x1000xi32> to vector<1x1000xi32>
    %iota3A = tpu.iota {dimensions = array<i32: 0>} : vector<128x1xi32>
    %eq3A_33 = vector.broadcast %get3A_32 : vector<1x1000xi32> to vector<128x1000xi32>
    %eq3A_34 = vector.broadcast %iota3A : vector<128x1xi32> to vector<128x1000xi32>
    %eq3A_35 = arith.cmpi eq, %eq3A_33, %eq3A_34 : vector<128x1000xi32>
    %convert_element_type3A_36 = arith.extui %eq3A_35 : vector<128x1000xi1> to vector<128x1000xi32>
    %convert_element_type3A_37 = arith.sitofp %convert_element_type3A_36 : vector<128x1000xi32> to vector<128x1000xf32>
    %get3A_38 = arith.constant 0 : index
    %get3A_39 = arith.constant 0 : index
    %get3A_40 = vector.load %arg18[%get3A_38, %get3A_39] : memref<128x128xf32, #tpu.memory_space<vmem>>, vector<128x128xf32>
    %dot_general3A = arith.constant dense<0.000000e+00> : vector<128x128xf32>
    %dot_general3A_41 = tpu.matmul %convert_element_type3A_37, %max3A_27, %dot_general3A {dimension_numbers = #tpu.dot_dimension_numbers<[1], [0], [0], [1], [0, 0, 1, 1], [], []>, transpose_lhs_hint = false} : vector<128x1000xf32>, vector<1000x128xf32>, vector<128x128xf32> -> vector<128x128xf32>
    %add3A_42 = arith.addf %get3A_40, %dot_general3A_41 : vector<128x128xf32>
    %swap3A = arith.constant 0 : index
    %swap3A_43 = arith.constant 0 : index
    %swap3A_44 = vector.load %arg18[%swap3A, %swap3A_43] : memref<128x128xf32, #tpu.memory_space<vmem>>, vector<128x128xf32>
    tpu.vector_store %arg18[%swap3A, %swap3A_43], %add3A_42 {strides = array<i32>} : memref<128x128xf32, #tpu.memory_space<vmem>>, vector<128x128xf32>,
    %get3A_45 = arith.constant 0 : index
    %get3A_46 = arith.constant 0 : index
    %get3A_47 = vector.load %arg19[%get3A_45, %get3A_46] : memref<128x1xf32, #tpu.memory_space<vmem>>, vector<128x1xf32>
    %reduce_sum3A = arith.constant dense<0.000000e+00> : vector<128xf32>
    %reduce_sum3A_48 = vector.multi_reduction <add>, %convert_element_type3A_37, %reduce_sum3A [1] : vector<128x1000xf32> to vector<128xf32>
    %broadcast_in_dim3A = vector.shape_cast %reduce_sum3A_48 : vector<128xf32> to vector<128x1xf32>
    %add3A_49 = arith.addf %get3A_47, %broadcast_in_dim3A : vector<128x1xf32>
    %swap3A_50 = arith.constant 0 : index
    %swap3A_51 = arith.constant 0 : index
    %swap3A_52 = vector.load %arg19[%swap3A_50, %swap3A_51] : memref<128x1xf32, #tpu.memory_space<vmem>>, vector<128x1xf32>
    tpu.vector_store %arg19[%swap3A_50, %swap3A_51], %add3A_49 {strides = array<i32>} : memref<128x1xf32, #tpu.memory_space<vmem>>, vector<128x1xf32>,
    %eq3A_53 = arith.constant 9 : i32
    %eq3A_54 = arith.cmpi eq, %arg0, %eq3A_53 : i32
    %convert_element_type3A_55 = arith.extui %eq3A_54 : i1 to i32
    %cond3A_56 = arith.constant 0 : i32
    %cond3A_57 = arith.cmpi ne, %convert_element_type3A_55, %cond3A_56 : i32
    scf.if %cond3A_57 {
      %get3A_58 = arith.constant 0 : index
      %get3A_59 = arith.constant 0 : index
      %get3A_60 = vector.load %arg18[%get3A_58, %get3A_59] : memref<128x128xf32, #tpu.memory_space<vmem>>, vector<128x128xf32>
      %get3A_61 = arith.constant 0 : index
      %get3A_62 = arith.constant 0 : index
      %get3A_63 = vector.load %arg19[%get3A_61, %get3A_62] : memref<128x1xf32, #tpu.memory_space<vmem>>, vector<128x1xf32>
      %max3A_64 = arith.constant 1.000000e+00 : f32
      %max3A_65 = vector.broadcast %max3A_64 : f32 to vector<128x1xf32>
      %max3A_66 = arith.maximumf %get3A_63, %max3A_65 : vector<128x1xf32>
      %div3A = vector.broadcast %max3A_66 : vector<128x1xf32> to vector<128x128xf32>
      %div3A_67 = arith.divf %get3A_60, %div3A : vector<128x128xf32>
      %get3A_68 = arith.constant 0 : index
      %get3A_69 = arith.constant 0 : index
      %get3A_70 = vector.load %arg6[%get3A_68, %get3A_69] : memref<128x4xf32, #tpu.memory_space<vmem>>, vector<128x4xf32>
      %dot_general3A_71 = arith.constant dense<0.000000e+00> : vector<128x4xf32>
      %dot_general3A_72 = tpu.matmul %div3A_67, %get3A_70, %dot_general3A_71 {dimension_numbers = #tpu.dot_dimension_numbers<[1], [0], [0], [1], [0, 0, 1, 1], [], []>, transpose_lhs_hint = false} : vector<128x128xf32>, vector<128x4xf32>, vector<128x4xf32> -> vector<128x4xf32>
      %get3A_73 = arith.constant 0 : index
      %get3A_74 = arith.constant 0 : index
      %get3A_75 = vector.load %arg10[%get3A_73, %get3A_74] : memref<1x4xf32, #tpu.memory_space<vmem>>, vector<1x4xf32>
      %add3A_76 = vector.broadcast %get3A_75 : vector<1x4xf32> to vector<128x4xf32>
      %add3A_77 = arith.addf %dot_general3A_72, %add3A_76 : vector<128x4xf32>
      %swap3A_78 = arith.constant 0 : index
      %swap3A_79 = arith.constant 0 : index
      %swap3A_80 = vector.load %arg14[%swap3A_78, %swap3A_79] : memref<128x4xf32, #tpu.memory_space<vmem>>, vector<128x4xf32>
      tpu.vector_store %arg14[%swap3A_78, %swap3A_79], %add3A_77 {strides = array<i32>} : memref<128x4xf32, #tpu.memory_space<vmem>>, vector<128x4xf32>,
      %get3A_81 = arith.constant 0 : index
      %get3A_82 = arith.constant 0 : index
      %get3A_83 = vector.load %arg7[%get3A_81, %get3A_82] : memref<128x81xf32, #tpu.memory_space<vmem>>, vector<128x81xf32>
      %dot_general3A_84 = arith.constant dense<0.000000e+00> : vector<128x81xf32>
      %dot_general3A_85 = tpu.matmul %div3A_67, %get3A_83, %dot_general3A_84 {dimension_numbers = #tpu.dot_dimension_numbers<[1], [0], [0], [1], [0, 0, 1, 1], [], []>, transpose_lhs_hint = false} : vector<128x128xf32>, vector<128x81xf32>, vector<128x81xf32> -> vector<128x81xf32>
      %get3A_86 = arith.constant 0 : index
      %get3A_87 = arith.constant 0 : index
      %get3A_88 = vector.load %arg11[%get3A_86, %get3A_87] : memref<1x81xf32, #tpu.memory_space<vmem>>, vector<1x81xf32>
      %add3A_89 = vector.broadcast %get3A_88 : vector<1x81xf32> to vector<128x81xf32>
      %add3A_90 = arith.addf %dot_general3A_85, %add3A_89 : vector<128x81xf32>
      %swap3A_91 = arith.constant 0 : index
      %swap3A_92 = arith.constant 0 : index
      %swap3A_93 = vector.load %arg15[%swap3A_91, %swap3A_92] : memref<128x81xf32, #tpu.memory_space<vmem>>, vector<128x81xf32>
      tpu.vector_store %arg15[%swap3A_91, %swap3A_92], %add3A_90 {strides = array<i32>} : memref<128x81xf32, #tpu.memory_space<vmem>>, vector<128x81xf32>,
      %get3A_94 = arith.constant 0 : index
      %get3A_95 = arith.constant 0 : index
      %get3A_96 = vector.load %arg8[%get3A_94, %get3A_95] : memref<128x9xf32, #tpu.memory_space<vmem>>, vector<128x9xf32>
      %dot_general3A_97 = arith.constant dense<0.000000e+00> : vector<128x9xf32>
      %dot_general3A_98 = tpu.matmul %div3A_67, %get3A_96, %dot_general3A_97 {dimension_numbers = #tpu.dot_dimension_numbers<[1], [0], [0], [1], [0, 0, 1, 1], [], []>, transpose_lhs_hint = false} : vector<128x128xf32>, vector<128x9xf32>, vector<128x9xf32> -> vector<128x9xf32>
      %get3A_99 = arith.constant 0 : index
      %get3A_100 = arith.constant 0 : index
      %get3A_101 = vector.load %arg12[%get3A_99, %get3A_100] : memref<1x9xf32, #tpu.memory_space<vmem>>, vector<1x9xf32>
      %add3A_102 = vector.broadcast %get3A_101 : vector<1x9xf32> to vector<128x9xf32>
      %add3A_103 = arith.addf %dot_general3A_98, %add3A_102 : vector<128x9xf32>
      %swap3A_104 = arith.constant 0 : index
      %swap3A_105 = arith.constant 0 : index
      %swap3A_106 = vector.load %arg16[%swap3A_104, %swap3A_105] : memref<128x9xf32, #tpu.memory_space<vmem>>, vector<128x9xf32>
      tpu.vector_store %arg16[%swap3A_104, %swap3A_105], %add3A_103 {strides = array<i32>} : memref<128x9xf32, #tpu.memory_space<vmem>>, vector<128x9xf32>,
      %get3A_107 = arith.constant 0 : index
      %get3A_108 = arith.constant 0 : index
      %get3A_109 = vector.load %arg9[%get3A_107, %get3A_108] : memref<128x16xf32, #tpu.memory_space<vmem>>, vector<128x16xf32>
      %dot_general3A_110 = arith.constant dense<0.000000e+00> : vector<128x16xf32>
      %dot_general3A_111 = tpu.matmul %div3A_67, %get3A_109, %dot_general3A_110 {dimension_numbers = #tpu.dot_dimension_numbers<[1], [0], [0], [1], [0, 0, 1, 1], [], []>, transpose_lhs_hint = false} : vector<128x128xf32>, vector<128x16xf32>, vector<128x16xf32> -> vector<128x16xf32>
      %get3A_112 = arith.constant 0 : index
      %get3A_113 = arith.constant 0 : index
      %get3A_114 = vector.load %arg13[%get3A_112, %get3A_113] : memref<1x16xf32, #tpu.memory_space<vmem>>, vector<1x16xf32>
      %add3A_115 = vector.broadcast %get3A_114 : vector<1x16xf32> to vector<128x16xf32>
      %add3A_116 = arith.addf %dot_general3A_111, %add3A_115 : vector<128x16xf32>
      %swap3A_117 = arith.constant 0 : index
      %swap3A_118 = arith.constant 0 : index
      %swap3A_119 = vector.load %arg17[%swap3A_117, %swap3A_118] : memref<128x16xf32, #tpu.memory_space<vmem>>, vector<128x16xf32>
      tpu.vector_store %arg17[%swap3A_117, %swap3A_118], %add3A_116 {strides = array<i32>} : memref<128x16xf32, #tpu.memory_space<vmem>>, vector<128x16xf32>,
    } else {
    }
    return
  }
  func.func @transform_0(%arg0: i32) -> (i32, i32, i32) {
    %c0_i32 = arith.constant 0 : i32
    %c0_i32_0 = arith.constant 0 : i32
    %c0_i32_1 = arith.constant 0 : i32
    return %c0_i32, %arg0, %c0_i32_0 : i32, i32, i32
  }
  func.func @transform_1(%arg0: i32) -> (i32, i32) {
    %c0_i32 = arith.constant 0 : i32
    %c0_i32_0 = arith.constant 0 : i32
    return %arg0, %c0_i32 : i32, i32
  }
  func.func @transform_2(%arg0: i32) -> (i32, i32, i32) {
    %c0_i32 = arith.constant 0 : i32
    %c0_i32_0 = arith.constant 0 : i32
    %c0_i32_1 = arith.constant 0 : i32
    return %arg0, %c0_i32, %c0_i32_0 : i32, i32, i32
  }
  func.func @transform_3(%arg0: i32) -> (i32, i32) {
    %c0_i32 = arith.constant 0 : i32
    %c0_i32_0 = arith.constant 0 : i32
    %c0_i32_1 = arith.constant 0 : i32
    return %c0_i32, %c0_i32_0 : i32, i32
  }
  func.func @transform_4(%arg0: i32) -> (i32, i32, i32) {
    %c0_i32 = arith.constant 0 : i32
    %c0_i32_0 = arith.constant 0 : i32
    %c0_i32_1 = arith.constant 0 : i32
    return %arg0, %c0_i32, %c0_i32_0 : i32, i32, i32
  }
  func.func @transform_5(%arg0: i32) -> (i32, i32) {
    %c0_i32 = arith.constant 0 : i32
    %c0_i32_0 = arith.constant 0 : i32
    %c0_i32_1 = arith.constant 0 : i32
    return %c0_i32, %c0_i32_0 : i32, i32
  }
  func.func @transform_6(%arg0: i32) -> (i32, i32) {
    %c0_i32 = arith.constant 0 : i32
    %c0_i32_0 = arith.constant 0 : i32
    %c0_i32_1 = arith.constant 0 : i32
    return %c0_i32, %c0_i32_0 : i32, i32
  }
  func.func @transform_7(%arg0: i32) -> (i32, i32) {
    %c0_i32 = arith.constant 0 : i32
    %c0_i32_0 = arith.constant 0 : i32
    %c0_i32_1 = arith.constant 0 : i32
    return %c0_i32, %c0_i32_0 : i32, i32
  }
  func.func @transform_8(%arg0: i32) -> (i32, i32) {
    %c0_i32 = arith.constant 0 : i32
    %c0_i32_0 = arith.constant 0 : i32
    %c0_i32_1 = arith.constant 0 : i32
    return %c0_i32, %c0_i32_0 : i32, i32
  }
  func.func @transform_9(%arg0: i32) -> (i32, i32) {
    %c0_i32 = arith.constant 0 : i32
    %c0_i32_0 = arith.constant 0 : i32
    %c0_i32_1 = arith.constant 0 : i32
    return %c0_i32, %c0_i32_0 : i32, i32
  }
  func.func @transform_10(%arg0: i32) -> (i32, i32) {
    %c0_i32 = arith.constant 0 : i32
    %c0_i32_0 = arith.constant 0 : i32
    %c0_i32_1 = arith.constant 0 : i32
    return %c0_i32, %c0_i32_0 : i32, i32
  }
  func.func @transform_11(%arg0: i32) -> (i32, i32) {
    %c0_i32 = arith.constant 0 : i32
    %c0_i32_0 = arith.constant 0 : i32
    %c0_i32_1 = arith.constant 0 : i32
    return %c0_i32, %c0_i32_0 : i32, i32
  }
  func.func @transform_12(%arg0: i32) -> (i32, i32) {
    %c0_i32 = arith.constant 0 : i32
    %c0_i32_0 = arith.constant 0 : i32
    %c0_i32_1 = arith.constant 0 : i32
    return %c0_i32, %c0_i32_0 : i32, i32
  }
  func.func @transform_13(%arg0: i32) -> (i32, i32) {
    %c0_i32 = arith.constant 0 : i32
    %c0_i32_0 = arith.constant 0 : i32
    %c0_i32_1 = arith.constant 0 : i32
    return %c0_i32, %c0_i32_0 : i32, i32
  }
  func.func @transform_14(%arg0: i32) -> (i32, i32) {
    %c0_i32 = arith.constant 0 : i32
    %c0_i32_0 = arith.constant 0 : i32
    %c0_i32_1 = arith.constant 0 : i32
    return %c0_i32, %c0_i32_0 : i32, i32
  }
  func.func @transform_15(%arg0: i32) -> (i32, i32) {
    %c0_i32 = arith.constant 0 : i32
    %c0_i32_0 = arith.constant 0 : i32
    %c0_i32_1 = arith.constant 0 : i32
    return %c0_i32, %c0_i32_0 : i32, i32
  }
  func.func @transform_16(%arg0: i32) -> (i32, i32) {
    %c0_i32 = arith.constant 0 : i32
    %c0_i32_0 = arith.constant 0 : i32
    %c0_i32_1 = arith.constant 0 : i32
    return %c0_i32, %c0_i32_0 : i32, i32
  }
}

</mosaic_0001>

<sc_bundles>
// kernel: kernel.11.cloned.1.call-start
scs
__scs_entry_jumppad:
0x0: {  	(pc) =	sbr.rel $0x88, $3  }
0x1: {  	(tag) =	ssettag $0x0;
	lr =	simm.s32 $0x1  }
0x2: {  	[smem:$0x3F92] =	sst lr;
	_ =	strace $0xD0000000  }
0x3: {  	_ = 	snop  }
0x4: {  	_ = 	snop  }
0x5: {  	_ = 	snop  }
0x6: {  	_ = 	snop  }
0x7: {  	_ = 	snop  }
__scs_overlays_trampoline_lowered:
0x8: {  	[smem:$0x3FA1] =	sst s0  }
0x9: {  	[smem:$0x3FA2] =	sst s1  }
0xa: {  	[smem:$0x3FA3] =	sst s2  }
0xb: {  	[smem:$0x3FA4] =	sst s3  }
0xc: {  	[smem:$0x3FA5] =	sst s4  }
0xd: {  	[smem:$0x3FA6] =	sst s5  }
0xe: {  	[smem:$0x3FA7] =	sst s6  }
0xf: {  	[smem:$0x3FA8] =	sst s7  }
0x10: {  	[smem:$0x3FA9] =	sst s8  }
0x11: {  	[smem:$0x3FAA] =	sst s9;
	s0 =	simm.s32 @!p0 $0x0  }
0x12: {  	s1 =	sld [smem:$0x3F90];
	s0 =	simm.s32 @p0 $0x1  }
0x13: {  	[smem:$0x3FAB] =	sst s0;
	s0 =	simm.s32 @!p1 $0x0  }
0x14: {  	s2 =	sld [smem:$0x3F8F];
	s0 =	simm.s32 @p1 $0x1  }
0x15: {  	[smem:$0x3FAC] =	sst s0;
	s0 =	simm.s32 @!p2 $0x0  }
0x16: {  	s3 =	sld [smem:$0x3FDB];
	s0 =	simm.s32 @p2 $0x1  }
0x17: {  	s4 =	simm.s32 $0x1BF5;
	[smem:$0x3FAE] =	sst s0  }
0x18: {  	s0 =	sld [smem:$0x3F91];
	_ =	swait.ge [sflag:s4], $0x0  }
0x19: {  	s7 =	sld [smem:$0x3F92]  }
0x1a: {  	s8 =	sadd.s32 $0xFFFFE003, lr  }
0x1b: {  	s9 =	sadd.s32 $0xFFFFFEF7, lr;
	s5 =	simm.s32 $0xFFFFFFFF;
	p2 =	slt.u32 s8, $0xFFFFF086  }
0x1c: {  	p1 =	slt.u32 s9, $0xF7A;
	s5 =	simm.s32 @!p2 $0x0  }
0x1d: {  	s5 =	simm.s32 @p1 $0x1;
	p0 =	seq.s32 s7, s2  }
0x1e: {  	s7 =	smul.u32 @!p0 $0xF7A, s2;
	p2 =	seq.s32 @!p0 s5, $0x0  }
0x1f: {  	s9 =	smul.u32 $0xF7A, s1;
	s8 =	simm.s32 @!p0 $0x1BF5;
	p2 =	por !p2, p0  }
0x20: {  	[sflag:s8] =	ssyncset.s32 @!p0 $0xFFFFF086;
	s6 =	sadd.s32 @!p0 s3, s7;
	s7 =	simm.s32 @!p0 $0x108  }
0x21: {  	s3 =	sadd.s32 s3, s9;
	s6 =	sadd.s32 @!p0 $0x88, s6;
	s7 =	simm.s32 @p2 $0x1082  }
0x22: {  	[simem:s7], [sflag:s8] =	dma.local @!p0 [hbm:s6], $0xF7A  }
0x23: {  	s9 =	sor.u32 $0xD0000000, s2;
	s6 =	simm.s32 $0x108;
	_ =	swait.ge @!p0 [sflag:s8], $0x0  }
0x24: {  	s3 =	sadd.s32 $0x88, s3;
	s6 =	simm.s32 @!p1 $0x1082;
	[sflag:s4] =	ssyncset.s32 $0xFFFFF086  }
0x25: {  	[simem:s6], [sflag:s4] =	dma.local [hbm:s3], $0xF7A  }
0x26: {  	[smem:$0x3F92] =	sst s1;
	(tag) =	ssettag s2;
	_ =	strace s9  }
0x27: {  	s1 =	sld [smem:$0x3FA2]  }
0x28: {  	s2 =	sld [smem:$0x3FA3]  }
0x29: {  	s4 =	sld [smem:$0x3FA5]  }
0x2a: {  	p0 =	seq.s32 s5, $0x0;
	s5 =	sld [smem:$0x3FA6]  }
0x2b: {  	s6 =	sld [smem:$0x3FA7]  }
0x2c: {  	s7 =	sld [smem:$0x3FA8]  }
0x2d: {  	s3 =	simm.s32 $0x108;
	s8 =	sld [smem:$0x3FA9]  }
0x2e: {  	s3 =	simm.s32 @!p0 $0x1082;
	s9 =	sld [smem:$0x3FAA]  }
0x2f: {  	lr =	sadd.s32 s0, s3;
	s0 =	sld [smem:$0x3FA1]  }
0x30: {  	s3 =	sld [smem:$0x3FA4]  }
0x31: {  	[smem:$0x3FAD] =	sst s10  }
0x32: {  	s10 =	sld [smem:$0x3FAB];
	_ =	sdelay $0x3  }
0x33: {  	p0 =	seq.s32 s10, $0x1;
	s10 =	sld [smem:$0x3FAD];
	_ =	sdelay $0x3  }
0x34: {  	[smem:$0x3FAD] =	sst s10  }
0x35: {  	s10 =	sld [smem:$0x3FAC];
	_ =	sdelay $0x3  }
0x36: {  	p1 =	seq.s32 s10, $0x1;
	s10 =	sld [smem:$0x3FAD];
	_ =	sdelay $0x3  }
0x37: {  	[smem:$0x3FAD] =	sst s10  }
0x38: {  	s10 =	sld [smem:$0x3FAE]  }
0x39: {  	_ = 	snop;
	(pc) =	sbr.ind lr, $3  }
0x3a: {  	_ = 	snop  }
0x3b: {  	_ = 	snop  }
0x3c: {  	p2 =	seq.s32 s10, $0x1;
	s10 =	sld [smem:$0x3FAD]  }
0x3d: {  	_ =	shalt  }
0x3e: {  	_ =	shalt  }
0x3f: {  	_ =	shalt  }
0x40: {  	_ =	shalt  }
0x41: {  	_ =	shalt  }
0x42: {  	_ =	shalt  }
0x43: {  	_ =	shalt  }
0x44: {  	_ =	shalt  }
0x45: {  	_ =	shalt  }
0x46: {  	_ =	shalt  }
0x47: {  	_ =	shalt  }
0x48: {  	_ =	shalt  }
0x49: {  	_ =	shalt  }
0x4a: {  	_ =	shalt  }
0x4b: {  	_ =	shalt  }
0x4c: {  	_ =	shalt  }
0x4d: {  	_ =	shalt  }
0x4e: {  	_ =	shalt  }
0x4f: {  	_ =	shalt  }
0x50: {  	_ =	shalt  }
0x51: {  	_ =	shalt  }
0x52: {  	_ =	shalt  }
0x53: {  	_ =	shalt  }
0x54: {  	_ =	shalt  }
0x55: {  	_ =	shalt  }
0x56: {  	_ =	shalt  }
0x57: {  	_ =	shalt  }
0x58: {  	_ =	shalt  }
0x59: {  	_ =	shalt  }
0x5a: {  	_ =	shalt  }
0x5b: {  	_ =	shalt  }
0x5c: {  	_ =	shalt  }
0x5d: {  	_ =	shalt  }
0x5e: {  	_ =	shalt  }
0x5f: {  	_ =	shalt  }
0x60: {  	_ =	shalt  }
0x61: {  	_ =	shalt  }
0x62: {  	_ =	shalt  }
0x63: {  	_ =	shalt  }
0x64: {  	_ =	shalt  }
0x65: {  	_ =	shalt  }
0x66: {  	_ =	shalt  }
0x67: {  	_ =	shalt  }
0x68: {  	_ =	shalt  }
0x69: {  	_ =	shalt  }
0x6a: {  	_ =	shalt  }
0x6b: {  	_ =	shalt  }
0x6c: {  	_ =	shalt  }
0x6d: {  	_ =	shalt  }
0x6e: {  	_ =	shalt  }
0x6f: {  	_ =	shalt  }
0x70: {  	_ =	shalt  }
0x71: {  	_ =	shalt  }
0x72: {  	_ =	shalt  }
0x73: {  	_ =	shalt  }
0x74: {  	_ =	shalt  }
0x75: {  	_ =	shalt  }
0x76: {  	_ =	shalt  }
0x77: {  	_ =	shalt  }
0x78: {  	_ =	shalt  }
0x79: {  	_ =	shalt  }
0x7a: {  	_ =	shalt  }
0x7b: {  	_ =	shalt  }
0x7c: {  	_ =	shalt  }
0x7d: {  	_ =	shalt  }
0x7e: {  	_ =	shalt  }
0x7f: {  	_ =	shalt  }
0x80: {  	_ =	shalt  }
0x81: {  	_ =	shalt  }
0x82: {  	_ =	shalt  }
0x83: {  	_ =	shalt  }
0x84: {  	_ =	shalt  }
0x85: {  	_ =	shalt  }
0x86: {  	_ =	shalt  }
0x87: {  	_ =	shalt  }
.Lfunc_end0:
.L_simem_size_0:
called_computation.1_lowered:
.L_overlay_start_0:
0x88: {  	s2 =	sld [smem:$0x3FD9]  }
0x89: {  	s3 =	sld [smem:$0x3FFE];
	_ =	sdelay $0x1  }
0x8a: {  	s1 =	srdreg.scid  }
0x8b: {  	s0 =	sand.u32 $0x1, s1  }
0x8c: {  	s16 =	sshll.u32 s0, $0xA;
	s2 =	sadd.s32 s3, s2  }
0x8d: {  	s2 =	sadd.s32 s2, s16  }
0x8e: {  	[smem:$0x3FB9] =	sst s2  }
0x8f: {  	_ = 	snop  }
0x90: {  	(tm) =	ssettm $0x1  }
0x91: {  	s17 =	sld [smem:$0x3FFB];
	_ =	sdelay $0x3  }
0x92: {  	_ =	strace s17  }
0x93: {  	s2 =	sld [smem:$0x3FFC];
	_ =	sdelay $0x3  }
0x94: {  	_ =	strace s2  }
0x95: {  	s2 =	sld [smem:$0x3FFD];
	_ =	sdelay $0x3  }
0x96: {  	_ =	strace s2  }
0x97: {  	_ =	strace $0x8FFFFFFF  }
0x98: {  	s18 =	sld [smem:$0x3FDB];
	_ =	sdelay $0x1  }
0x99: {  	s19 =	simm.s32 $_scs_section_size  }
0x9a: {  	s4 =	simm.s32 $_size__tile_overlayer_lowered;
	s5 =	simm.s32 $_tile_overlayer_lowered  }
0x9b: {  	s22 =	simm.s32 $0x1BFF;
	s21 =	sshll.u32 s5, $0x1;
	s2 =	sadd.s32 s19, s18  }
0x9c: {  	s6 =	simm.s32 $0x0;
	s20 =	sshll.u32 s4, $0x1;
	s4 =	sadd.s32 s21, s2  }
0x9d: {  	[timem:s6], [sflag:s22] =	dma.local [hbm:s4], s20  }
0x9e: {  	_ =	swait.ge [sflag:s22], s20  }
0x9f: {  	s3 =	ssub.s32 $0x0, s20;
	[sflag:s22] =	ssyncset.done $0x0  }
0xa0: {  	[sflag:s22] =	ssyncadd.s32 s3;
	_ =	sdelay $0x1  }
0xa1: {  	s23 =	simm.s32 $0x1B8B  }
0xa2: {  	_ =	swait.ge [sflag:s23], $0x1  }
0xa3: {  	[sflag:s23] =	ssyncset.done $0x0  }
0xa4: {  	s25 =	simm.s32 $0x1B8E;
	s24 =	sld [smem:$0x3FFE];
	[sflag:s23] =	ssyncadd.s32 $0xFFFFFFFF  }
0xa5: {  	s26 =	simm.s32 $execute0_lowered;
	[smem:$0x3FD2] =	sst s25  }
0xa6: {  	s4 =	sshll.u32 s26, $0x1;
	_ =	strace $0x80000049;
	[dreg:$0x1] =	wrdreg $0xFFFFFFFF  }
0xa7: {  	s28 =	simm.s32 $_size_execute0_lowered;
	s2 =	sadd.s32 s2, s4;
	[dreg:$0x0] =	wrdreg $0x0  }
0xa8: {  	s4 =	sshll.u32 s28, $0x1;
	[dreg:$0x2] =	wrdreg s2  }
0xa9: {  	[dreg:$0x3] =	wrdreg s4  }
0xaa: {  	[dreg:$0x4] =	wrdreg $0xC0  }
0xab: {  	_ =	task [dreg:s6], $0x5FFFF  }
0xac: {  	[dreg:$0x1] =	wrdreg $0xFFFFFFFF  }
0xad: {  	[dreg:$0x0] =	wrdreg $0x60  }
0xae: {  	[dreg:$0x2] =	wrdreg s24  }
0xaf: {  	[dreg:$0x3] =	wrdreg $0x90000  }
0xb0: {  	[dreg:$0x4] =	wrdreg $0x9  }
0xb1: {  	_ =	task.clear_ibuf [dreg:s6], $0x5FFFF;
	_ =	strace $0x90000049  }
0xb2: {  	s29 =	simm.s32 $0x9;
	_ =	strace $0x8000004B  }
0xb3: {  	_ =	swait.ge [sflag:s29], $0x1  }
0xb4: {  	[sflag:s29] =	ssyncadd.s32 $0xFFFFFFFF  }
0xb5: {  	_ =	strace $0x9000004B  }
0xb6: {  	_ =	sfence  }
0xb7: {  	s30 =	sld [smem:$0x0];
	_ =	sdelay $0x2  }
0xb8: {  	s31 =	sshll.u32 s1, $0xD;
	s1 =	sshrl.u32 s1, $0x2  }
0xb9: {  	s3 =	sand.u32 $0x4000, s31;
	s1 =	sadd.s32 s1, s30  }
0xba: {  	s0 =	sor.u32 s3, s0;
	s1 =	sshll.u32 s1, $0x11  }
0xbb: {  	s0 =	sor.u32 s1, s0  }
0xbc: {  	s0 =	sadd.s32 $0x8F2B, s0  }
0xbd: {  	[sflag:s0] =	ssyncadd.remote.s32 $0x1  }
0xbe: {  	_ =	sfence.sel $0xFFFF  }
0xbf: {  	[dreg:$0x0] =	wrdreg $0xFFFFFFFF;
	(pc) =	sbr.abs _section_cstart, $3  }
0xc0: {  	[dreg:$0x1] =	wrdreg $0xFFFFFFFF  }
0xc1: {  	_ =	task.clear_ibuf [dreg:s6], $0x2FFFF;
	_ =	strace $0x9FFFFFFF  }
0xc2: {  	(tm) =	ssettm $0x7FFFFFFF  }
0xc3: {  	_ =	shalt  }
tec
execute0_lowered:
.L_overlay_start_1:
0x0: {  	(tag) =	ssettag $0x1  }
0x1: {  	s0 =	rddreg [dreg:$0x0]  }
0x2: {  	s1 =	srdreg.scid;
	s13 =	stileid.u32  }
0x3: {  	s2 =	rddreg [dreg:$0x1];
	s3 =	simm.s32 $0x0;
	s14 =	simm.s32 $0x80  }
0x4: {  	s15 =	simm.s32 $0x100;
	s28 =	simm.s32 $0xB80;
	s29 =	simm.s32 $0x480  }
0x5: {  	s30 =	simm.s32 $0xC00;
	s1 =	sand.u32 $0x1, s1;
	s4 =	smul.u32 $0x5000, s13  }
0x6: {  	[smem:$0x7FF] =	sst s3;
	s7 =	smul.u32 $0x278, s13;
	s9 =	sadd.s32 $0xCE00, s0  }
0x7: {  	s8 =	smul.u32 $0x4F000, s13;
	_ =	strace $0x8000004A;
	[dreg:$0x12] =	wrdreg s9  }
0x8: {  	s31 =	simm.s32 $0x500;
	s5 =	smul.u32 $0x2800, s1;
	[dreg:$0x5] =	wrdreg s14  }
0x9: {  	s6 =	smul.u32 $0x27800, s1;
	s1 =	ssub.s32 $0x2, s1;
	[dreg:$0x6] =	wrdreg s15  }
0xa: {  	s14 =	simm.s32 $0x3;
	s15 =	simm.s32 $0x1;
	s16 =	sshrl.u32 s1, $0x1  }
0xb: {  	s17 =	sshrl.u32 s8, $0x2;
	s18 =	sadd.s32 $0x78, s7;
	s22 =	sadd.s32 $0xF0, s7  }
0xc: {  	s10 =	sadd.s32 $0x168, s7;
	s11 =	sadd.s32 $0x1E0, s7;
	s7 =	sadd.s32 $0x258, s7  }
0xd: {  	s5 =	sadd.s32 s5, s4;
	s4 =	sadd.s32 $0x17800, s0;
	s1 =	ssub.s32 s1, s16  }
0xe: {  	s19 =	sadd.s32 s17, s2;
	s21 =	sshll.u32 s18, $0x7;
	s23 =	sshll.u32 s22, $0x7  }
0xf: {  	s24 =	sshll.u32 s10, $0x7;
	s25 =	sshll.u32 s11, $0x7;
	s26 =	sshll.u32 s7, $0x7  }
0x10: {  	s8 =	sshll.u32 s18, $0x4;
	s16 =	simm.s32 $0x880;
	s9 =	sshll.u32 s22, $0x4  }
0x11: {  	s17 =	simm.s32 $0x180;
	s10 =	sshll.u32 s10, $0x4;
	[dreg:$0x7] =	wrdreg s16  }
0x12: {  	s18 =	simm.s32 $0x900;
	s11 =	sshll.u32 s11, $0x4;
	[dreg:$0x8] =	wrdreg s17  }
0x13: {  	s22 =	simm.s32 $0x200;
	s5 =	sshrl.u32 s5, $0x3;
	[dreg:$0x9] =	wrdreg s18  }
0x14: {  	s20 =	sadd.s32 s21, s2;
	[dreg:$0xa] =	wrdreg s22;
	s1 =	smax.u32 s1, $0x1  }
0x15: {  	s21 =	sadd.s32 s23, s2;
	s23 =	simm.s32 $0x980;
	[dreg:$0x19] =	wrdreg s1  }
0x16: {  	s18 =	simm.s32 $0xB00;
	s5 =	sadd.s32 s5, s0;
	[dreg:$0xb] =	wrdreg s23  }
0x17: {  	s0 =	sadd.s32 s6, s0;
	s6 =	sadd.s32 s24, s2;
	[dreg:$0x11] =	wrdreg s18  }
0x18: {  	s7 =	sshll.u32 s7, $0x4;
	s24 =	simm.s32 $0x280;
	[dreg:$0x16] =	wrdreg s6  }
0x19: {  	s16 =	simm.s32 $0x2;
	s6 =	sadd.s32 s25, s2;
	[dreg:$0xc] =	wrdreg s24  }
0x1a: {  	s17 =	simm.s32 $0x800;
	s12 =	sadd.s32 $0x2E00, s5;
	[dreg:$0x17] =	wrdreg s6  }
0x1b: {  	s18 =	simm.s32 $0x7D;
	s5 =	sadd.s32 $0xD800, s5;
	[dreg:$0x3] =	wrdreg s12  }
0x1c: {  	s1 =	simm.s32 $0xC80;
	s25 =	simm.s32 $0xA00;
	[dreg:$0x4] =	wrdreg s5  }
0x1d: {  	s0 =	sadd.s32 $0x3EA00, s0;
	s6 =	sadd.s32 s26, s2;
	[dreg:$0xd] =	wrdreg s25  }
0x1e: {  	s26 =	simm.s32 $0x300;
	s5 =	simm.s32 $0xA80;
	[dreg:$0x18] =	wrdreg s6  }
0x1f: {  	s12 =	simm.s32 $0x380;
	s23 =	sadd.s32 s8, s0;
	[dreg:$0xe] =	wrdreg s26  }
0x20: {  	s24 =	sadd.s32 s9, s0;
	s9 =	smov.u32 s19;
	[dreg:$0xf] =	wrdreg s5  }
0x21: {  	s25 =	sadd.s32 s10, s0;
	s10 =	smov.u32 s20;
	[dreg:$0x10] =	wrdreg s12  }
0x22: {  	s19 =	simm.s32 $0xD80;
	s20 =	simm.s32 $0x680;
	[dreg:$0x1b] =	wrdreg s23  }
0x23: {  	s8 =	simm.s32 $0x0;
	s6 =	smul.u32 $0x2780, s13;
	[dreg:$0x1c] =	wrdreg s24  }
0x24: {  	s13 =	simm.s32 $0x1000;
	[dreg:$0x1d] =	wrdreg s25;
	s26 =	sadd.s32 s11, s0  }
0x25: {  	s11 =	smov.u32 s21;
	s25 =	simm.s32 $0x5000;
	[smem:$0x7FD] =	sst s8  }
0x26: {  	s5 =	simm.s32 $0xD00;
	s12 =	simm.s32 $0x600;
	[dreg:$0x13] =	wrdreg s9  }
0x27: {  	s21 =	simm.s32 $0xE00;
	s23 =	simm.s32 $0xE80;
	[dreg:$0x14] =	wrdreg s10  }
0x28: {  	s24 =	simm.s32 $0x780;
	[dreg:$0x1e] =	wrdreg s26;
	s26 =	simm.s32 $0x400  }
0x29: {  	[dreg:$0x15] =	wrdreg s11;
	s22 =	sadd.s32 s6, s0;
	s0 =	sadd.s32 s7, s0  }
0x2a: {  	s6 =	simm.s32 $0xF00;
	s7 =	simm.s32 $0xF80;
	[dreg:$0x1a] =	wrdreg s22  }
0x2b: {  	[dreg:$0x1f] =	wrdreg s0;
	s0 =	simm.s32 $0x580;
	s22 =	simm.s32 $0x700  }
.LBB2_1:
0x2c: {  	s8 =	rddreg [dreg:$0x12]  }
0x2d: {  	[tilespmem:s13], [sflag:$0x3] =	stream.linear.gather [hbm4b:s8+s3], $0x3E80, $0x38;
	[tilespmem:$0x1CC00] =	vst v63  }
0x2e: {  	_ =	swait.ge [sflag:s14], $0x3E80  }
0x2f: {  	[sflag:s14] =	ssyncset.done $0x0  }
0x30: {  	[sflag:s14] =	ssyncadd.s32 $0xFFFFC180  }
0x31: {  	[spmem:s9] =	stream.linear.scatter [tilespmem:s13], [sflag:$0x1], $0x3C00, $0x38;
	[tilespmem:$0x1CC00] =	vst v63  }
0x32: {  	_ = 	snop  }
0x33: {  	[spmem:s10] =	stream.linear.scatter [tilespmem:s13], [sflag:$0x1], $0x3C00, $0x38;
	[tilespmem:$0x1CC00] =	vst v63  }
0x34: {  	_ = 	snop  }
0x35: {  	[spmem:s11] =	stream.linear.scatter [tilespmem:s13], [sflag:$0x1], $0x3C00, $0x38;
	[tilespmem:$0x1CC00] =	vst v63  }
0x36: {  	s9 =	rddreg [dreg:$0x16]  }
0x37: {  	[spmem:s9] =	stream.linear.scatter [tilespmem:s13], [sflag:$0x1], $0x3C00, $0x38;
	[tilespmem:$0x1CC00] =	vst v63  }
0x38: {  	s10 =	rddreg [dreg:$0x17]  }
0x39: {  	[spmem:s10] =	stream.linear.scatter [tilespmem:s13], [sflag:$0x1], $0x3C00, $0x38;
	[tilespmem:$0x1CC00] =	vst v63  }
0x3a: {  	s11 =	rddreg [dreg:$0x18]  }
0x3b: {  	[spmem:s11] =	stream.linear.scatter [tilespmem:s13], [sflag:$0x2], $0x1000, $0x38;
	[tilespmem:$0x1CC00] =	vst v63  }
0x3c: {  	_ =	swait.ge [sflag:s15], $0x3C00  }
0x3d: {  	[sflag:s15] =	ssyncset.done $0x0  }
0x3e: {  	[sflag:s15] =	ssyncadd.s32 $0xFFFFC400  }
0x3f: {  	_ =	swait.ge [sflag:s15], $0x3C00  }
0x40: {  	[sflag:s15] =	ssyncset.done $0x0  }
0x41: {  	[sflag:s15] =	ssyncadd.s32 $0xFFFFC400  }
0x42: {  	_ =	swait.ge [sflag:s15], $0x3C00  }
0x43: {  	[sflag:s15] =	ssyncset.done $0x0  }
0x44: {  	[sflag:s15] =	ssyncadd.s32 $0xFFFFC400  }
0x45: {  	_ =	swait.ge [sflag:s15], $0x3C00  }
0x46: {  	[sflag:s15] =	ssyncset.done $0x0  }
0x47: {  	[sflag:s15] =	ssyncadd.s32 $0xFFFFC400  }
0x48: {  	_ =	swait.ge [sflag:s15], $0x3C00  }
0x49: {  	[sflag:s15] =	ssyncset.done $0x0  }
0x4a: {  	[sflag:s15] =	ssyncadd.s32 $0xFFFFC400  }
0x4b: {  	_ =	swait.ge [sflag:s16], $0x1000  }
0x4c: {  	[sflag:s16] =	ssyncset.done $0x0  }
0x4d: {  	[sflag:s16] =	ssyncadd.s32 $0xFFFFF000  }
0x4e: {  	[bflag:$0x0] =	sbarrier.arrive $0xFFFF  }
0x4f: {  	s8 =	rddreg [dreg:$0x4]  }
0x50: {  	s9 =	sadd.s32 $0x0, s8  }
0x51: {  	[tilespmem:s3], [sflag:$0x3] =	stream.linear.gather [hbm4b:s9+s3], $0x800, $0x38;
	[tilespmem:$0x1CC00] =	vst v63  }
0x52: {  	_ =	swait.ge [sflag:s14], $0x800  }
0x53: {  	s10 =	rddreg [dreg:$0x3];
	[sflag:s14] =	ssyncset.done $0x0  }
0x54: {  	[sflag:s14] =	ssyncadd.s32 $0xFFFFF800;
	s9 =	sadd.s32 $0x0, s10  }
0x55: {  	[tilespmem:s17], [sflag:$0x3] =	stream.linear.gather [hbm4b:s9+s3], $0x800, $0x38;
	[tilespmem:$0x1CC00] =	vst v63  }
0x56: {  	_ =	swait.ge [sflag:s14], $0x800  }
0x57: {  	[sflag:s14] =	ssyncset.done $0x0  }
0x58: {  	[sflag:s14] =	ssyncadd.s32 $0xFFFFF800  }
0x59: {  	[tilespmem:s13], [sflag:$0x1] =	stream.indirect.gather [hbm4b:s4+s18], $0x80, s3, s18, $0xb8;
	[tilespmem:$0x1CC00] =	vst v63  }
0x5a: {  	s11 =	rddreg [dreg:$0x5]  }
0x5b: {  	[tilespmem:s25], [sflag:$0x2] =	stream.indirect.gather [hbm4b:s4+s18], $0x80, s11, s18, $0xb8;
	[tilespmem:$0x1CC00] =	vst v63  }
0x5c: {  	_ =	swait.ge [sflag:s15], $0x3E80  }
0x5d: {  	[sflag:s15] =	ssyncset.done $0x0  }
0x5e: {  	[sflag:s15] =	ssyncadd.s32 $0xFFFFC180  }
0x5f: {  	[spmem:s2] =	stream.indirect.scatter.add.f32 [tilespmem:s13], [sflag:$0x3], $0x80, s17, s18, $0xb8;
	[tilespmem:$0x1CC00] =	vst v63  }
0x60: {  	_ =	swait.ge [sflag:s14], $0x3E80  }
0x61: {  	[sflag:s14] =	ssyncset.done $0x0  }
0x62: {  	s8 =	rddreg [dreg:$0x6];
	[sflag:s14] =	ssyncadd.s32 $0xFFFFC180  }
0x63: {  	[tilespmem:s13], [sflag:$0x1] =	stream.indirect.gather [hbm4b:s4+s18], $0x80, s8, s18, $0xb8;
	[tilespmem:$0x1CC00] =	vst v63  }
0x64: {  	_ =	swait.ge [sflag:s16], $0x3E80  }
0x65: {  	[sflag:s16] =	ssyncset.done $0x0  }
0x66: {  	s10 =	rddreg [dreg:$0x7];
	[sflag:s16] =	ssyncadd.s32 $0xFFFFC180  }
0x67: {  	[spmem:s2] =	stream.indirect.scatter.add.f32 [tilespmem:s25], [sflag:$0x3], $0x80, s10, s18, $0xb8;
	[tilespmem:$0x1CC00] =	vst v63  }
0x68: {  	_ =	swait.ge [sflag:s14], $0x3E80  }
0x69: {  	[sflag:s14] =	ssyncset.done $0x0  }
0x6a: {  	s11 =	rddreg [dreg:$0x8];
	[sflag:s14] =	ssyncadd.s32 $0xFFFFC180  }
0x6b: {  	[tilespmem:s25], [sflag:$0x2] =	stream.indirect.gather [hbm4b:s4+s18], $0x80, s11, s18, $0xb8;
	[tilespmem:$0x1CC00] =	vst v63  }
0x6c: {  	_ =	swait.ge [sflag:s15], $0x3E80  }
0x6d: {  	[sflag:s15] =	ssyncset.done $0x0  }
0x6e: {  	s8 =	rddreg [dreg:$0x9];
	[sflag:s15] =	ssyncadd.s32 $0xFFFFC180  }
0x6f: {  	[spmem:s2] =	stream.indirect.scatter.add.f32 [tilespmem:s13], [sflag:$0x3], $0x80, s8, s18, $0xb8;
	[tilespmem:$0x1CC00] =	vst v63  }
0x70: {  	_ =	swait.ge [sflag:s14], $0x3E80  }
0x71: {  	[sflag:s14] =	ssyncset.done $0x0  }
0x72: {  	s10 =	rddreg [dreg:$0xa];
	[sflag:s14] =	ssyncadd.s32 $0xFFFFC180  }
0x73: {  	[tilespmem:s13], [sflag:$0x1] =	stream.indirect.gather [hbm4b:s4+s18], $0x80, s10, s18, $0xb8;
	[tilespmem:$0x1CC00] =	vst v63  }
0x74: {  	_ =	swait.ge [sflag:s16], $0x3E80  }
0x75: {  	[sflag:s16] =	ssyncset.done $0x0  }
0x76: {  	s11 =	rddreg [dreg:$0xb];
	[sflag:s16] =	ssyncadd.s32 $0xFFFFC180  }
0x77: {  	[spmem:s2] =	stream.indirect.scatter.add.f32 [tilespmem:s25], [sflag:$0x3], $0x80, s11, s18, $0xb8;
	[tilespmem:$0x1CC00] =	vst v63  }
0x78: {  	_ =	swait.ge [sflag:s14], $0x3E80  }
0x79: {  	[sflag:s14] =	ssyncset.done $0x0  }
0x7a: {  	s8 =	rddreg [dreg:$0xc];
	[sflag:s14] =	ssyncadd.s32 $0xFFFFC180  }
0x7b: {  	[tilespmem:s25], [sflag:$0x2] =	stream.indirect.gather [hbm4b:s4+s18], $0x80, s8, s18, $0xb8;
	[tilespmem:$0x1CC00] =	vst v63  }
0x7c: {  	_ =	swait.ge [sflag:s15], $0x3E80  }
0x7d: {  	[sflag:s15] =	ssyncset.done $0x0  }
0x7e: {  	s10 =	rddreg [dreg:$0xd];
	[sflag:s15] =	ssyncadd.s32 $0xFFFFC180  }
0x7f: {  	[spmem:s2] =	stream.indirect.scatter.add.f32 [tilespmem:s13], [sflag:$0x3], $0x80, s10, s18, $0xb8;
	[tilespmem:$0x1CC00] =	vst v63  }
0x80: {  	_ =	swait.ge [sflag:s14], $0x3E80  }
0x81: {  	[sflag:s14] =	ssyncset.done $0x0  }
0x82: {  	s11 =	rddreg [dreg:$0xe];
	[sflag:s14] =	ssyncadd.s32 $0xFFFFC180  }
0x83: {  	[tilespmem:s13], [sflag:$0x1] =	stream.indirect.gather [hbm4b:s4+s18], $0x80, s11, s18, $0xb8;
	[tilespmem:$0x1CC00] =	vst v63  }
0x84: {  	_ =	swait.ge [sflag:s16], $0x3E80  }
0x85: {  	[sflag:s16] =	ssyncset.done $0x0  }
0x86: {  	s8 =	rddreg [dreg:$0xf];
	[sflag:s16] =	ssyncadd.s32 $0xFFFFC180  }
0x87: {  	[spmem:s2] =	stream.indirect.scatter.add.f32 [tilespmem:s25], [sflag:$0x3], $0x80, s8, s18, $0xb8;
	[tilespmem:$0x1CC00] =	vst v63  }
0x88: {  	_ =	swait.ge [sflag:s14], $0x3E80  }
0x89: {  	[sflag:s14] =	ssyncset.done $0x0  }
0x8a: {  	s10 =	rddreg [dreg:$0x10];
	[sflag:s14] =	ssyncadd.s32 $0xFFFFC180  }
0x8b: {  	[tilespmem:s25], [sflag:$0x2] =	stream.indirect.gather [hbm4b:s4+s18], $0x80, s10, s18, $0xb8;
	[tilespmem:$0x1CC00] =	vst v63  }
0x8c: {  	_ =	swait.ge [sflag:s15], $0x3E80  }
0x8d: {  	[sflag:s15] =	ssyncset.done $0x0  }
0x8e: {  	s11 =	rddreg [dreg:$0x11];
	[sflag:s15] =	ssyncadd.s32 $0xFFFFC180  }
0x8f: {  	[spmem:s2] =	stream.indirect.scatter.add.f32 [tilespmem:s13], [sflag:$0x3], $0x80, s11, s18, $0xb8;
	[tilespmem:$0x1CC00] =	vst v63  }
0x90: {  	_ =	swait.ge [sflag:s14], $0x3E80  }
0x91: {  	[sflag:s14] =	ssyncset.done $0x0  }
0x92: {  	[sflag:s14] =	ssyncadd.s32 $0xFFFFC180  }
0x93: {  	[tilespmem:s13], [sflag:$0x1] =	stream.indirect.gather [hbm4b:s4+s18], $0x80, s26, s18, $0xb8;
	[tilespmem:$0x1CC00] =	vst v63  }
0x94: {  	_ =	swait.ge [sflag:s16], $0x3E80  }
0x95: {  	[sflag:s16] =	ssyncset.done $0x0  }
0x96: {  	[sflag:s16] =	ssyncadd.s32 $0xFFFFC180  }
0x97: {  	[spmem:s2] =	stream.indirect.scatter.add.f32 [tilespmem:s25], [sflag:$0x3], $0x80, s28, s18, $0xb8;
	[tilespmem:$0x1CC00] =	vst v63  }
0x98: {  	_ =	swait.ge [sflag:s14], $0x3E80  }
0x99: {  	[sflag:s14] =	ssyncset.done $0x0  }
0x9a: {  	[sflag:s14] =	ssyncadd.s32 $0xFFFFC180  }
0x9b: {  	[tilespmem:s25], [sflag:$0x2] =	stream.indirect.gather [hbm4b:s4+s18], $0x80, s29, s18, $0xb8;
	[tilespmem:$0x1CC00] =	vst v63  }
0x9c: {  	_ =	swait.ge [sflag:s15], $0x3E80  }
0x9d: {  	[sflag:s15] =	ssyncset.done $0x0  }
0x9e: {  	[sflag:s15] =	ssyncadd.s32 $0xFFFFC180  }
0x9f: {  	[spmem:s2] =	stream.indirect.scatter.add.f32 [tilespmem:s13], [sflag:$0x3], $0x80, s30, s18, $0xb8;
	[tilespmem:$0x1CC00] =	vst v63  }
0xa0: {  	_ =	swait.ge [sflag:s14], $0x3E80  }
0xa1: {  	[sflag:s14] =	ssyncset.done $0x0  }
0xa2: {  	[sflag:s14] =	ssyncadd.s32 $0xFFFFC180  }
0xa3: {  	[tilespmem:s13], [sflag:$0x1] =	stream.indirect.gather [hbm4b:s4+s18], $0x80, s31, s18, $0xb8;
	[tilespmem:$0x1CC00] =	vst v63  }
0xa4: {  	_ =	swait.ge [sflag:s16], $0x3E80  }
0xa5: {  	[sflag:s16] =	ssyncset.done $0x0  }
0xa6: {  	[sflag:s16] =	ssyncadd.s32 $0xFFFFC180  }
0xa7: {  	[spmem:s2] =	stream.indirect.scatter.add.f32 [tilespmem:s25], [sflag:$0x3], $0x80, s1, s18, $0xb8;
	[tilespmem:$0x1CC00] =	vst v63  }
0xa8: {  	_ =	swait.ge [sflag:s14], $0x3E80  }
0xa9: {  	[sflag:s14] =	ssyncset.done $0x0  }
0xaa: {  	[sflag:s14] =	ssyncadd.s32 $0xFFFFC180  }
0xab: {  	[tilespmem:s25], [sflag:$0x2] =	stream.indirect.gather [hbm4b:s4+s18], $0x80, s0, s18, $0xb8;
	[tilespmem:$0x1CC00] =	vst v63  }
0xac: {  	_ =	swait.ge [sflag:s15], $0x3E80  }
0xad: {  	[sflag:s15] =	ssyncset.done $0x0  }
0xae: {  	[sflag:s15] =	ssyncadd.s32 $0xFFFFC180  }
0xaf: {  	[spmem:s2] =	stream.indirect.scatter.add.f32 [tilespmem:s13], [sflag:$0x3], $0x80, s5, s18, $0xb8;
	[tilespmem:$0x1CC00] =	vst v63  }
0xb0: {  	_ =	swait.ge [sflag:s14], $0x3E80  }
0xb1: {  	[sflag:s14] =	ssyncset.done $0x0  }
0xb2: {  	[sflag:s14] =	ssyncadd.s32 $0xFFFFC180  }
0xb3: {  	[tilespmem:s13], [sflag:$0x1] =	stream.indirect.gather [hbm4b:s4+s18], $0x80, s12, s18, $0xb8;
	[tilespmem:$0x1CC00] =	vst v63  }
0xb4: {  	_ =	swait.ge [sflag:s16], $0x3E80  }
0xb5: {  	[sflag:s16] =	ssyncset.done $0x0  }
0xb6: {  	[sflag:s16] =	ssyncadd.s32 $0xFFFFC180  }
0xb7: {  	[spmem:s2] =	stream.indirect.scatter.add.f32 [tilespmem:s25], [sflag:$0x3], $0x80, s19, s18, $0xb8;
	[tilespmem:$0x1CC00] =	vst v63  }
0xb8: {  	_ =	swait.ge [sflag:s14], $0x3E80  }
0xb9: {  	[sflag:s14] =	ssyncset.done $0x0  }
0xba: {  	[sflag:s14] =	ssyncadd.s32 $0xFFFFC180  }
0xbb: {  	[tilespmem:s25], [sflag:$0x2] =	stream.indirect.gather [hbm4b:s4+s18], $0x80, s20, s18, $0xb8;
	[tilespmem:$0x1CC00] =	vst v63  }
0xbc: {  	_ =	swait.ge [sflag:s15], $0x3E80  }
0xbd: {  	[sflag:s15] =	ssyncset.done $0x0  }
0xbe: {  	[sflag:s15] =	ssyncadd.s32 $0xFFFFC180  }
0xbf: {  	[spmem:s2] =	stream.indirect.scatter.add.f32 [tilespmem:s13], [sflag:$0x3], $0x80, s21, s18, $0xb8;
	[tilespmem:$0x1CC00] =	vst v63  }
0xc0: {  	_ =	swait.ge [sflag:s14], $0x3E80  }
0xc1: {  	[sflag:s14] =	ssyncset.done $0x0  }
0xc2: {  	[sflag:s14] =	ssyncadd.s32 $0xFFFFC180  }
0xc3: {  	[tilespmem:s13], [sflag:$0x1] =	stream.indirect.gather [hbm4b:s4+s18], $0x80, s22, s18, $0xb8;
	[tilespmem:$0x1CC00] =	vst v63  }
0xc4: {  	_ =	swait.ge [sflag:s16], $0x3E80  }
0xc5: {  	[sflag:s16] =	ssyncset.done $0x0  }
0xc6: {  	[sflag:s16] =	ssyncadd.s32 $0xFFFFC180  }
0xc7: {  	[spmem:s2] =	stream.indirect.scatter.add.f32 [tilespmem:s25], [sflag:$0x3], $0x80, s23, s18, $0xb8;
	[tilespmem:$0x1CC00] =	vst v63  }
0xc8: {  	_ =	swait.ge [sflag:s14], $0x3E80  }
0xc9: {  	[sflag:s14] =	ssyncset.done $0x0  }
0xca: {  	[sflag:s14] =	ssyncadd.s32 $0xFFFFC180  }
0xcb: {  	[tilespmem:s25], [sflag:$0x2] =	stream.indirect.gather [hbm4b:s4+s18], $0x80, s24, s18, $0xb8;
	[tilespmem:$0x1CC00] =	vst v63  }
0xcc: {  	_ =	swait.ge [sflag:s15], $0x3E80  }
0xcd: {  	[sflag:s15] =	ssyncset.done $0x0  }
0xce: {  	[sflag:s15] =	ssyncadd.s32 $0xFFFFC180  }
0xcf: {  	[spmem:s2] =	stream.indirect.scatter.add.f32 [tilespmem:s13], [sflag:$0x3], $0x80, s6, s18, $0xb8;
	[tilespmem:$0x1CC00] =	vst v63  }
0xd0: {  	_ =	swait.ge [sflag:s14], $0x3E80  }
0xd1: {  	[sflag:s14] =	ssyncset.done $0x0  }
0xd2: {  	[sflag:s14] =	ssyncadd.s32 $0xFFFFC180  }
0xd3: {  	_ =	swait.ge [sflag:s16], $0x3E80  }
0xd4: {  	[sflag:s16] =	ssyncset.done $0x0  }
0xd5: {  	[sflag:s16] =	ssyncadd.s32 $0xFFFFC180  }
0xd6: {  	[spmem:s2] =	stream.indirect.scatter.add.f32 [tilespmem:s25], [sflag:$0x3], $0x80, s7, s18, $0xb8;
	[tilespmem:$0x1CC00] =	vst v63  }
0xd7: {  	s9 =	simm.s32 $0x100;
	_ =	swait.ge [sflag:s14], $0x3E80  }
0xd8: {  	s10 =	simm.s32 $0x200;
	s11 =	rddreg [dreg:$0x4];
	[sflag:s14] =	ssyncset.done $0x0  }
.LBB2_2:
0xd9: {  	[sflag:s14] =	ssyncadd.s32 $0xFFFFC180;
	s11 =	sadd.s32 s9, s11  }
0xda: {  	[tilespmem:s3], [sflag:$0x3] =	stream.linear.gather [hbm4b:s11+s3], $0x800, $0x38;
	[tilespmem:$0x1CC00] =	vst v63  }
0xdb: {  	_ =	swait.ge [sflag:s14], $0x800  }
0xdc: {  	s11 =	rddreg [dreg:$0x3];
	[sflag:s14] =	ssyncset.done $0x0  }
0xdd: {  	[sflag:s14] =	ssyncadd.s32 $0xFFFFF800;
	s11 =	sadd.s32 s9, s11  }
0xde: {  	[tilespmem:s17], [sflag:$0x3] =	stream.linear.gather [hbm4b:s11+s3], $0x800, $0x38;
	[tilespmem:$0x1CC00] =	vst v63  }
0xdf: {  	_ =	swait.ge [sflag:s14], $0x800  }
0xe0: {  	[sflag:s14] =	ssyncset.done $0x0  }
0xe1: {  	[sflag:s14] =	ssyncadd.s32 $0xFFFFF800  }
0xe2: {  	[tilespmem:s13], [sflag:$0x1] =	stream.indirect.gather [hbm4b:s4+s18], $0x80, s3, s18, $0xb8;
	[tilespmem:$0x1CC00] =	vst v63  }
0xe3: {  	s11 =	rddreg [dreg:$0x5]  }
0xe4: {  	[tilespmem:s25], [sflag:$0x2] =	stream.indirect.gather [hbm4b:s4+s18], $0x80, s11, s18, $0xb8;
	[tilespmem:$0x1CC00] =	vst v63  }
0xe5: {  	_ =	swait.ge [sflag:s15], $0x3E80  }
0xe6: {  	[sflag:s15] =	ssyncset.done $0x0  }
0xe7: {  	[sflag:s15] =	ssyncadd.s32 $0xFFFFC180  }
0xe8: {  	[spmem:s2] =	stream.indirect.scatter.add.f32 [tilespmem:s13], [sflag:$0x3], $0x80, s17, s18, $0xb8;
	[tilespmem:$0x1CC00] =	vst v63  }
0xe9: {  	_ =	swait.ge [sflag:s14], $0x3E80  }
0xea: {  	[sflag:s14] =	ssyncset.done $0x0  }
0xeb: {  	s11 =	rddreg [dreg:$0x6];
	[sflag:s14] =	ssyncadd.s32 $0xFFFFC180  }
0xec: {  	[tilespmem:s13], [sflag:$0x1] =	stream.indirect.gather [hbm4b:s4+s18], $0x80, s11, s18, $0xb8;
	[tilespmem:$0x1CC00] =	vst v63  }
0xed: {  	_ =	swait.ge [sflag:s16], $0x3E80  }
0xee: {  	[sflag:s16] =	ssyncset.done $0x0  }
0xef: {  	s11 =	rddreg [dreg:$0x7];
	[sflag:s16] =	ssyncadd.s32 $0xFFFFC180  }
0xf0: {  	[spmem:s2] =	stream.indirect.scatter.add.f32 [tilespmem:s25], [sflag:$0x3], $0x80, s11, s18, $0xb8;
	[tilespmem:$0x1CC00] =	vst v63  }
0xf1: {  	_ =	swait.ge [sflag:s14], $0x3E80  }
0xf2: {  	[sflag:s14] =	ssyncset.done $0x0  }
0xf3: {  	s11 =	rddreg [dreg:$0x8];
	[sflag:s14] =	ssyncadd.s32 $0xFFFFC180  }
0xf4: {  	[tilespmem:s25], [sflag:$0x2] =	stream.indirect.gather [hbm4b:s4+s18], $0x80, s11, s18, $0xb8;
	[tilespmem:$0x1CC00] =	vst v63  }
0xf5: {  	_ =	swait.ge [sflag:s15], $0x3E80  }
0xf6: {  	[sflag:s15] =	ssyncset.done $0x0  }
0xf7: {  	s11 =	rddreg [dreg:$0x9];
	[sflag:s15] =	ssyncadd.s32 $0xFFFFC180  }
0xf8: {  	[spmem:s2] =	stream.indirect.scatter.add.f32 [tilespmem:s13], [sflag:$0x3], $0x80, s11, s18, $0xb8;
	[tilespmem:$0x1CC00] =	vst v63  }
0xf9: {  	_ =	swait.ge [sflag:s14], $0x3E80  }
0xfa: {  	[sflag:s14] =	ssyncset.done $0x0  }
0xfb: {  	s11 =	rddreg [dreg:$0xa];
	[sflag:s14] =	ssyncadd.s32 $0xFFFFC180  }
0xfc: {  	[tilespmem:s13], [sflag:$0x1] =	stream.indirect.gather [hbm4b:s4+s18], $0x80, s11, s18, $0xb8;
	[tilespmem:$0x1CC00] =	vst v63  }
0xfd: {  	_ =	swait.ge [sflag:s16], $0x3E80  }
0xfe: {  	[sflag:s16] =	ssyncset.done $0x0  }
0xff: {  	s11 =	rddreg [dreg:$0xb];
	[sflag:s16] =	ssyncadd.s32 $0xFFFFC180  }
0x100: {  	[spmem:s2] =	stream.indirect.scatter.add.f32 [tilespmem:s25], [sflag:$0x3], $0x80, s11, s18, $0xb8;
	[tilespmem:$0x1CC00] =	vst v63  }
0x101: {  	_ =	swait.ge [sflag:s14], $0x3E80  }
0x102: {  	[sflag:s14] =	ssyncset.done $0x0  }
0x103: {  	s11 =	rddreg [dreg:$0xc];
	[sflag:s14] =	ssyncadd.s32 $0xFFFFC180  }
0x104: {  	[tilespmem:s25], [sflag:$0x2] =	stream.indirect.gather [hbm4b:s4+s18], $0x80, s11, s18, $0xb8;
	[tilespmem:$0x1CC00] =	vst v63  }
0x105: {  	_ =	swait.ge [sflag:s15], $0x3E80  }
0x106: {  	[sflag:s15] =	ssyncset.done $0x0  }
0x107: {  	s11 =	rddreg [dreg:$0xd];
	[sflag:s15] =	ssyncadd.s32 $0xFFFFC180  }
0x108: {  	[spmem:s2] =	stream.indirect.scatter.add.f32 [tilespmem:s13], [sflag:$0x3], $0x80, s11, s18, $0xb8;
	[tilespmem:$0x1CC00] =	vst v63  }
0x109: {  	_ =	swait.ge [sflag:s14], $0x3E80  }
0x10a: {  	[sflag:s14] =	ssyncset.done $0x0  }
0x10b: {  	s11 =	rddreg [dreg:$0xe];
	[sflag:s14] =	ssyncadd.s32 $0xFFFFC180  }
0x10c: {  	[tilespmem:s13], [sflag:$0x1] =	stream.indirect.gather [hbm4b:s4+s18], $0x80, s11, s18, $0xb8;
	[tilespmem:$0x1CC00] =	vst v63  }
0x10d: {  	_ =	swait.ge [sflag:s16], $0x3E80  }
0x10e: {  	[sflag:s16] =	ssyncset.done $0x0  }
0x10f: {  	s11 =	rddreg [dreg:$0xf];
	[sflag:s16] =	ssyncadd.s32 $0xFFFFC180  }
0x110: {  	[spmem:s2] =	stream.indirect.scatter.add.f32 [tilespmem:s25], [sflag:$0x3], $0x80, s11, s18, $0xb8;
	[tilespmem:$0x1CC00] =	vst v63  }
0x111: {  	_ =	swait.ge [sflag:s14], $0x3E80  }
0x112: {  	[sflag:s14] =	ssyncset.done $0x0  }
0x113: {  	s11 =	rddreg [dreg:$0x10];
	[sflag:s14] =	ssyncadd.s32 $0xFFFFC180  }
0x114: {  	[tilespmem:s25], [sflag:$0x2] =	stream.indirect.gather [hbm4b:s4+s18], $0x80, s11, s18, $0xb8;
	[tilespmem:$0x1CC00] =	vst v63  }
0x115: {  	_ =	swait.ge [sflag:s15], $0x3E80  }
0x116: {  	[sflag:s15] =	ssyncset.done $0x0  }
0x117: {  	s11 =	rddreg [dreg:$0x11];
	[sflag:s15] =	ssyncadd.s32 $0xFFFFC180  }
0x118: {  	[spmem:s2] =	stream.indirect.scatter.add.f32 [tilespmem:s13], [sflag:$0x3], $0x80, s11, s18, $0xb8;
	[tilespmem:$0x1CC00] =	vst v63  }
0x119: {  	_ =	swait.ge [sflag:s14], $0x3E80  }
0x11a: {  	[sflag:s14] =	ssyncset.done $0x0  }
0x11b: {  	[sflag:s14] =	ssyncadd.s32 $0xFFFFC180  }
0x11c: {  	[tilespmem:s13], [sflag:$0x1] =	stream.indirect.gather [hbm4b:s4+s18], $0x80, s26, s18, $0xb8;
	[tilespmem:$0x1CC00] =	vst v63  }
0x11d: {  	_ =	swait.ge [sflag:s16], $0x3E80  }
0x11e: {  	[sflag:s16] =	ssyncset.done $0x0  }
0x11f: {  	[sflag:s16] =	ssyncadd.s32 $0xFFFFC180  }
0x120: {  	[spmem:s2] =	stream.indirect.scatter.add.f32 [tilespmem:s25], [sflag:$0x3], $0x80, s28, s18, $0xb8;
	[tilespmem:$0x1CC00] =	vst v63  }
0x121: {  	_ =	swait.ge [sflag:s14], $0x3E80  }
0x122: {  	[sflag:s14] =	ssyncset.done $0x0  }
0x123: {  	[sflag:s14] =	ssyncadd.s32 $0xFFFFC180  }
0x124: {  	[tilespmem:s25], [sflag:$0x2] =	stream.indirect.gather [hbm4b:s4+s18], $0x80, s29, s18, $0xb8;
	[tilespmem:$0x1CC00] =	vst v63  }
0x125: {  	_ =	swait.ge [sflag:s15], $0x3E80  }
0x126: {  	[sflag:s15] =	ssyncset.done $0x0  }
0x127: {  	[sflag:s15] =	ssyncadd.s32 $0xFFFFC180  }
0x128: {  	[spmem:s2] =	stream.indirect.scatter.add.f32 [tilespmem:s13], [sflag:$0x3], $0x80, s30, s18, $0xb8;
	[tilespmem:$0x1CC00] =	vst v63  }
0x129: {  	_ =	swait.ge [sflag:s14], $0x3E80  }
0x12a: {  	[sflag:s14] =	ssyncset.done $0x0  }
0x12b: {  	[sflag:s14] =	ssyncadd.s32 $0xFFFFC180  }
0x12c: {  	[tilespmem:s13], [sflag:$0x1] =	stream.indirect.gather [hbm4b:s4+s18], $0x80, s31, s18, $0xb8;
	[tilespmem:$0x1CC00] =	vst v63  }
0x12d: {  	_ =	swait.ge [sflag:s16], $0x3E80  }
0x12e: {  	[sflag:s16] =	ssyncset.done $0x0  }
0x12f: {  	[sflag:s16] =	ssyncadd.s32 $0xFFFFC180  }
0x130: {  	[spmem:s2] =	stream.indirect.scatter.add.f32 [tilespmem:s25], [sflag:$0x3], $0x80, s1, s18, $0xb8;
	[tilespmem:$0x1CC00] =	vst v63  }
0x131: {  	_ =	swait.ge [sflag:s14], $0x3E80  }
0x132: {  	[sflag:s14] =	ssyncset.done $0x0  }
0x133: {  	[sflag:s14] =	ssyncadd.s32 $0xFFFFC180  }
0x134: {  	[tilespmem:s25], [sflag:$0x2] =	stream.indirect.gather [hbm4b:s4+s18], $0x80, s0, s18, $0xb8;
	[tilespmem:$0x1CC00] =	vst v63  }
0x135: {  	_ =	swait.ge [sflag:s15], $0x3E80  }
0x136: {  	[sflag:s15] =	ssyncset.done $0x0  }
0x137: {  	[sflag:s15] =	ssyncadd.s32 $0xFFFFC180  }
0x138: {  	[spmem:s2] =	stream.indirect.scatter.add.f32 [tilespmem:s13], [sflag:$0x3], $0x80, s5, s18, $0xb8;
	[tilespmem:$0x1CC00] =	vst v63  }
0x139: {  	_ =	swait.ge [sflag:s14], $0x3E80  }
0x13a: {  	[sflag:s14] =	ssyncset.done $0x0  }
0x13b: {  	[sflag:s14] =	ssyncadd.s32 $0xFFFFC180  }
0x13c: {  	[tilespmem:s13], [sflag:$0x1] =	stream.indirect.gather [hbm4b:s4+s18], $0x80, s12, s18, $0xb8;
	[tilespmem:$0x1CC00] =	vst v63  }
0x13d: {  	_ =	swait.ge [sflag:s16], $0x3E80  }
0x13e: {  	[sflag:s16] =	ssyncset.done $0x0  }
0x13f: {  	[sflag:s16] =	ssyncadd.s32 $0xFFFFC180  }
0x140: {  	[spmem:s2] =	stream.indirect.scatter.add.f32 [tilespmem:s25], [sflag:$0x3], $0x80, s19, s18, $0xb8;
	[tilespmem:$0x1CC00] =	vst v63  }
0x141: {  	_ =	swait.ge [sflag:s14], $0x3E80  }
0x142: {  	[sflag:s14] =	ssyncset.done $0x0  }
0x143: {  	[sflag:s14] =	ssyncadd.s32 $0xFFFFC180  }
0x144: {  	[tilespmem:s25], [sflag:$0x2] =	stream.indirect.gather [hbm4b:s4+s18], $0x80, s20, s18, $0xb8;
	[tilespmem:$0x1CC00] =	vst v63  }
0x145: {  	_ =	swait.ge [sflag:s15], $0x3E80  }
0x146: {  	[sflag:s15] =	ssyncset.done $0x0  }
0x147: {  	[sflag:s15] =	ssyncadd.s32 $0xFFFFC180  }
0x148: {  	[spmem:s2] =	stream.indirect.scatter.add.f32 [tilespmem:s13], [sflag:$0x3], $0x80, s21, s18, $0xb8;
	[tilespmem:$0x1CC00] =	vst v63  }
0x149: {  	_ =	swait.ge [sflag:s14], $0x3E80  }
0x14a: {  	[sflag:s14] =	ssyncset.done $0x0  }
0x14b: {  	[sflag:s14] =	ssyncadd.s32 $0xFFFFC180  }
0x14c: {  	[tilespmem:s13], [sflag:$0x1] =	stream.indirect.gather [hbm4b:s4+s18], $0x80, s22, s18, $0xb8;
	[tilespmem:$0x1CC00] =	vst v63  }
0x14d: {  	_ =	swait.ge [sflag:s16], $0x3E80  }
0x14e: {  	[sflag:s16] =	ssyncset.done $0x0  }
0x14f: {  	[sflag:s16] =	ssyncadd.s32 $0xFFFFC180  }
0x150: {  	[spmem:s2] =	stream.indirect.scatter.add.f32 [tilespmem:s25], [sflag:$0x3], $0x80, s23, s18, $0xb8;
	[tilespmem:$0x1CC00] =	vst v63  }
0x151: {  	_ =	swait.ge [sflag:s14], $0x3E80  }
0x152: {  	[sflag:s14] =	ssyncset.done $0x0  }
0x153: {  	[sflag:s14] =	ssyncadd.s32 $0xFFFFC180  }
0x154: {  	[tilespmem:s25], [sflag:$0x2] =	stream.indirect.gather [hbm4b:s4+s18], $0x80, s24, s18, $0xb8;
	[tilespmem:$0x1CC00] =	vst v63  }
0x155: {  	_ =	swait.ge [sflag:s15], $0x3E80  }
0x156: {  	[sflag:s15] =	ssyncset.done $0x0  }
0x157: {  	[sflag:s15] =	ssyncadd.s32 $0xFFFFC180  }
0x158: {  	[spmem:s2] =	stream.indirect.scatter.add.f32 [tilespmem:s13], [sflag:$0x3], $0x80, s6, s18, $0xb8;
	[tilespmem:$0x1CC00] =	vst v63  }
0x159: {  	_ =	swait.ge [sflag:s14], $0x3E80  }
0x15a: {  	[sflag:s14] =	ssyncset.done $0x0  }
0x15b: {  	[sflag:s14] =	ssyncadd.s32 $0xFFFFC180  }
0x15c: {  	p0 =	sne.s32 s10, $0x400;
	_ =	swait.ge [sflag:s16], $0x3E80  }
.Ltmp0:
0x15d: {  	[sflag:s16] =	ssyncset.done $0x0;
	(pc) =	sbr.rel @p0 .LBB2_2-.Ltmp0, $4  }
0x15e: {  	[sflag:s16] =	ssyncadd.s32 $0xFFFFC180  }
0x15f: {  	[spmem:s2] =	stream.indirect.scatter.add.f32 [tilespmem:s25], [sflag:$0x3], $0x80, s7, s18, $0xb8;
	[tilespmem:$0x1CC00] =	vst v63  }
0x160: {  	s8 =	smov.u32 s10;
	s10 =	sadd.s32 $0x100, s10;
	_ =	swait.ge [sflag:s14], $0x3E80  }
0x161: {  	s9 =	smov.u32 s8;
	s11 =	rddreg [dreg:$0x4];
	[sflag:s14] =	ssyncset.done $0x0  }
0x162: {  	[sflag:s14] =	ssyncadd.s32 $0xFFFFC180;
	s8 =	sadd.s32 s9, s11  }
0x163: {  	[tilespmem:s3], [sflag:$0x3] =	stream.linear.gather [hbm4b:s8+s3], $0x800, $0x38;
	[tilespmem:$0x1CC00] =	vst v63  }
0x164: {  	_ =	swait.ge [sflag:s14], $0x800  }
0x165: {  	s10 =	rddreg [dreg:$0x3];
	[sflag:s14] =	ssyncset.done $0x0  }
0x166: {  	s8 =	sadd.s32 s9, s10;
	[sflag:s14] =	ssyncadd.s32 $0xFFFFF800  }
0x167: {  	[tilespmem:s17], [sflag:$0x3] =	stream.linear.gather [hbm4b:s8+s3], $0x800, $0x38;
	[tilespmem:$0x1CC00] =	vst v63  }
0x168: {  	_ =	swait.ge [sflag:s14], $0x800  }
0x169: {  	[sflag:s14] =	ssyncset.done $0x0  }
0x16a: {  	[sflag:s14] =	ssyncadd.s32 $0xFFFFF800  }
0x16b: {  	[tilespmem:s13], [sflag:$0x1] =	stream.indirect.gather [hbm4b:s4+s18], $0x80, s3, s18, $0xb8;
	[tilespmem:$0x1CC00] =	vst v63  }
0x16c: {  	s11 =	rddreg [dreg:$0x5]  }
0x16d: {  	[tilespmem:s25], [sflag:$0x2] =	stream.indirect.gather [hbm4b:s4+s18], $0x80, s11, s18, $0xb8;
	[tilespmem:$0x1CC00] =	vst v63  }
0x16e: {  	_ =	swait.ge [sflag:s15], $0x3E80  }
0x16f: {  	[sflag:s15] =	ssyncset.done $0x0  }
0x170: {  	[sflag:s15] =	ssyncadd.s32 $0xFFFFC180  }
0x171: {  	[spmem:s2] =	stream.indirect.scatter.add.f32 [tilespmem:s13], [sflag:$0x3], $0x80, s17, s18, $0xb8;
	[tilespmem:$0x1CC00] =	vst v63  }
0x172: {  	_ =	swait.ge [sflag:s14], $0x3E80  }
0x173: {  	[sflag:s14] =	ssyncset.done $0x0  }
0x174: {  	s9 =	rddreg [dreg:$0x6];
	[sflag:s14] =	ssyncadd.s32 $0xFFFFC180  }
0x175: {  	[tilespmem:s13], [sflag:$0x1] =	stream.indirect.gather [hbm4b:s4+s18], $0x80, s9, s18, $0xb8;
	[tilespmem:$0x1CC00] =	vst v63  }
0x176: {  	_ =	swait.ge [sflag:s16], $0x3E80  }
0x177: {  	[sflag:s16] =	ssyncset.done $0x0  }
0x178: {  	s10 =	rddreg [dreg:$0x7];
	[sflag:s16] =	ssyncadd.s32 $0xFFFFC180  }
0x179: {  	[spmem:s2] =	stream.indirect.scatter.add.f32 [tilespmem:s25], [sflag:$0x3], $0x80, s10, s18, $0xb8;
	[tilespmem:$0x1CC00] =	vst v63  }
0x17a: {  	_ =	swait.ge [sflag:s14], $0x3E80  }
0x17b: {  	[sflag:s14] =	ssyncset.done $0x0  }
0x17c: {  	s11 =	rddreg [dreg:$0x8];
	[sflag:s14] =	ssyncadd.s32 $0xFFFFC180  }
0x17d: {  	[tilespmem:s25], [sflag:$0x2] =	stream.indirect.gather [hbm4b:s4+s18], $0x80, s11, s18, $0xb8;
	[tilespmem:$0x1CC00] =	vst v63  }
0x17e: {  	_ =	swait.ge [sflag:s15], $0x3E80  }
0x17f: {  	[sflag:s15] =	ssyncset.done $0x0  }
0x180: {  	s9 =	rddreg [dreg:$0x9];
	[sflag:s15] =	ssyncadd.s32 $0xFFFFC180  }
0x181: {  	[spmem:s2] =	stream.indirect.scatter.add.f32 [tilespmem:s13], [sflag:$0x3], $0x80, s9, s18, $0xb8;
	[tilespmem:$0x1CC00] =	vst v63  }
0x182: {  	_ =	swait.ge [sflag:s14], $0x3E80  }
0x183: {  	[sflag:s14] =	ssyncset.done $0x0  }
0x184: {  	s10 =	rddreg [dreg:$0xa];
	[sflag:s14] =	ssyncadd.s32 $0xFFFFC180  }
0x185: {  	[tilespmem:s13], [sflag:$0x1] =	stream.indirect.gather [hbm4b:s4+s18], $0x80, s10, s18, $0xb8;
	[tilespmem:$0x1CC00] =	vst v63  }
0x186: {  	_ =	swait.ge [sflag:s16], $0x3E80  }
0x187: {  	[sflag:s16] =	ssyncset.done $0x0  }
0x188: {  	s11 =	rddreg [dreg:$0xb];
	[sflag:s16] =	ssyncadd.s32 $0xFFFFC180  }
0x189: {  	[spmem:s2] =	stream.indirect.scatter.add.f32 [tilespmem:s25], [sflag:$0x3], $0x80, s11, s18, $0xb8;
	[tilespmem:$0x1CC00] =	vst v63  }
0x18a: {  	_ =	swait.ge [sflag:s14], $0x3E80  }
0x18b: {  	[sflag:s14] =	ssyncset.done $0x0  }
0x18c: {  	s9 =	rddreg [dreg:$0xc];
	[sflag:s14] =	ssyncadd.s32 $0xFFFFC180  }
0x18d: {  	[tilespmem:s25], [sflag:$0x2] =	stream.indirect.gather [hbm4b:s4+s18], $0x80, s9, s18, $0xb8;
	[tilespmem:$0x1CC00] =	vst v63  }
0x18e: {  	_ =	swait.ge [sflag:s15], $0x3E80  }
0x18f: {  	[sflag:s15] =	ssyncset.done $0x0  }
0x190: {  	s10 =	rddreg [dreg:$0xd];
	[sflag:s15] =	ssyncadd.s32 $0xFFFFC180  }
0x191: {  	[spmem:s2] =	stream.indirect.scatter.add.f32 [tilespmem:s13], [sflag:$0x3], $0x80, s10, s18, $0xb8;
	[tilespmem:$0x1CC00] =	vst v63  }
0x192: {  	_ =	swait.ge [sflag:s14], $0x3E80  }
0x193: {  	[sflag:s14] =	ssyncset.done $0x0  }
0x194: {  	s11 =	rddreg [dreg:$0xe];
	[sflag:s14] =	ssyncadd.s32 $0xFFFFC180  }
0x195: {  	[tilespmem:s13], [sflag:$0x1] =	stream.indirect.gather [hbm4b:s4+s18], $0x80, s11, s18, $0xb8;
	[tilespmem:$0x1CC00] =	vst v63  }
0x196: {  	_ =	swait.ge [sflag:s16], $0x3E80  }
0x197: {  	[sflag:s16] =	ssyncset.done $0x0  }
0x198: {  	s9 =	rddreg [dreg:$0xf];
	[sflag:s16] =	ssyncadd.s32 $0xFFFFC180  }
0x199: {  	[spmem:s2] =	stream.indirect.scatter.add.f32 [tilespmem:s25], [sflag:$0x3], $0x80, s9, s18, $0xb8;
	[tilespmem:$0x1CC00] =	vst v63  }
0x19a: {  	_ =	swait.ge [sflag:s14], $0x3E80  }
0x19b: {  	[sflag:s14] =	ssyncset.done $0x0  }
0x19c: {  	s10 =	rddreg [dreg:$0x10];
	[sflag:s14] =	ssyncadd.s32 $0xFFFFC180  }
0x19d: {  	[tilespmem:s25], [sflag:$0x2] =	stream.indirect.gather [hbm4b:s4+s18], $0x80, s10, s18, $0xb8;
	[tilespmem:$0x1CC00] =	vst v63  }
0x19e: {  	_ =	swait.ge [sflag:s15], $0x3E80  }
0x19f: {  	[sflag:s15] =	ssyncset.done $0x0  }
0x1a0: {  	s11 =	rddreg [dreg:$0x11];
	[sflag:s15] =	ssyncadd.s32 $0xFFFFC180  }
0x1a1: {  	[spmem:s2] =	stream.indirect.scatter.add.f32 [tilespmem:s13], [sflag:$0x3], $0x80, s11, s18, $0xb8;
	[tilespmem:$0x1CC00] =	vst v63  }
0x1a2: {  	_ =	swait.ge [sflag:s14], $0x3E80  }
0x1a3: {  	[sflag:s14] =	ssyncset.done $0x0  }
0x1a4: {  	[sflag:s14] =	ssyncadd.s32 $0xFFFFC180  }
0x1a5: {  	[tilespmem:s13], [sflag:$0x1] =	stream.indirect.gather [hbm4b:s4+s18], $0x80, s26, s18, $0xb8;
	[tilespmem:$0x1CC00] =	vst v63  }
0x1a6: {  	_ =	swait.ge [sflag:s16], $0x3E80  }
0x1a7: {  	[sflag:s16] =	ssyncset.done $0x0  }
0x1a8: {  	[sflag:s16] =	ssyncadd.s32 $0xFFFFC180  }
0x1a9: {  	[spmem:s2] =	stream.indirect.scatter.add.f32 [tilespmem:s25], [sflag:$0x3], $0x80, s28, s18, $0xb8;
	[tilespmem:$0x1CC00] =	vst v63  }
0x1aa: {  	_ =	swait.ge [sflag:s14], $0x3E80  }
0x1ab: {  	[sflag:s14] =	ssyncset.done $0x0  }
0x1ac: {  	[sflag:s14] =	ssyncadd.s32 $0xFFFFC180  }
0x1ad: {  	[tilespmem:s25], [sflag:$0x2] =	stream.indirect.gather [hbm4b:s4+s18], $0x80, s29, s18, $0xb8;
	[tilespmem:$0x1CC00] =	vst v63  }
0x1ae: {  	_ =	swait.ge [sflag:s15], $0x3E80  }
0x1af: {  	[sflag:s15] =	ssyncset.done $0x0  }
0x1b0: {  	[sflag:s15] =	ssyncadd.s32 $0xFFFFC180  }
0x1b1: {  	[spmem:s2] =	stream.indirect.scatter.add.f32 [tilespmem:s13], [sflag:$0x3], $0x80, s30, s18, $0xb8;
	[tilespmem:$0x1CC00] =	vst v63  }
0x1b2: {  	_ =	swait.ge [sflag:s14], $0x3E80  }
0x1b3: {  	[sflag:s14] =	ssyncset.done $0x0  }
0x1b4: {  	[sflag:s14] =	ssyncadd.s32 $0xFFFFC180  }
0x1b5: {  	[tilespmem:s13], [sflag:$0x1] =	stream.indirect.gather [hbm4b:s4+s18], $0x80, s31, s18, $0xb8;
	[tilespmem:$0x1CC00] =	vst v63  }
0x1b6: {  	_ =	swait.ge [sflag:s16], $0x3E80  }
0x1b7: {  	[sflag:s16] =	ssyncset.done $0x0  }
0x1b8: {  	[sflag:s16] =	ssyncadd.s32 $0xFFFFC180  }
0x1b9: {  	[spmem:s2] =	stream.indirect.scatter.add.f32 [tilespmem:s25], [sflag:$0x3], $0x80, s1, s18, $0xb8;
	[tilespmem:$0x1CC00] =	vst v63  }
0x1ba: {  	_ =	swait.ge [sflag:s14], $0x3E80  }
0x1bb: {  	[sflag:s14] =	ssyncset.done $0x0  }
0x1bc: {  	[sflag:s14] =	ssyncadd.s32 $0xFFFFC180  }
0x1bd: {  	[tilespmem:s25], [sflag:$0x2] =	stream.indirect.gather [hbm4b:s4+s18], $0x80, s0, s18, $0xb8;
	[tilespmem:$0x1CC00] =	vst v63  }
0x1be: {  	_ =	swait.ge [sflag:s15], $0x3E80  }
0x1bf: {  	[sflag:s15] =	ssyncset.done $0x0  }
0x1c0: {  	[sflag:s15] =	ssyncadd.s32 $0xFFFFC180  }
0x1c1: {  	[spmem:s2] =	stream.indirect.scatter.add.f32 [tilespmem:s13], [sflag:$0x3], $0x80, s5, s18, $0xb8;
	[tilespmem:$0x1CC00] =	vst v63  }
0x1c2: {  	_ =	swait.ge [sflag:s14], $0x3E80  }
0x1c3: {  	[sflag:s14] =	ssyncset.done $0x0  }
0x1c4: {  	[sflag:s14] =	ssyncadd.s32 $0xFFFFC180  }
0x1c5: {  	[tilespmem:s13], [sflag:$0x1] =	stream.indirect.gather [hbm4b:s4+s18], $0x80, s12, s18, $0xb8;
	[tilespmem:$0x1CC00] =	vst v63  }
0x1c6: {  	_ =	swait.ge [sflag:s16], $0x3E80  }
0x1c7: {  	[sflag:s16] =	ssyncset.done $0x0  }
0x1c8: {  	[sflag:s16] =	ssyncadd.s32 $0xFFFFC180  }
0x1c9: {  	[spmem:s2] =	stream.indirect.scatter.add.f32 [tilespmem:s25], [sflag:$0x3], $0x80, s19, s18, $0xb8;
	[tilespmem:$0x1CC00] =	vst v63  }
0x1ca: {  	_ =	swait.ge [sflag:s14], $0x3E80  }
0x1cb: {  	[sflag:s14] =	ssyncset.done $0x0  }
0x1cc: {  	[sflag:s14] =	ssyncadd.s32 $0xFFFFC180  }
0x1cd: {  	[tilespmem:s25], [sflag:$0x2] =	stream.indirect.gather [hbm4b:s4+s18], $0x80, s20, s18, $0xb8;
	[tilespmem:$0x1CC00] =	vst v63  }
0x1ce: {  	_ =	swait.ge [sflag:s15], $0x3E80  }
0x1cf: {  	[sflag:s15] =	ssyncset.done $0x0  }
0x1d0: {  	[sflag:s15] =	ssyncadd.s32 $0xFFFFC180  }
0x1d1: {  	[spmem:s2] =	stream.indirect.scatter.add.f32 [tilespmem:s13], [sflag:$0x3], $0x80, s21, s18, $0xb8;
	[tilespmem:$0x1CC00] =	vst v63  }
0x1d2: {  	_ =	swait.ge [sflag:s14], $0x3E80  }
0x1d3: {  	[sflag:s14] =	ssyncset.done $0x0  }
0x1d4: {  	[sflag:s14] =	ssyncadd.s32 $0xFFFFC180  }
0x1d5: {  	[tilespmem:s13], [sflag:$0x1] =	stream.indirect.gather [hbm4b:s4+s18], $0x80, s22, s18, $0xb8;
	[tilespmem:$0x1CC00] =	vst v63  }
0x1d6: {  	_ =	swait.ge [sflag:s16], $0x3E80  }
0x1d7: {  	[sflag:s16] =	ssyncset.done $0x0  }
0x1d8: {  	[sflag:s16] =	ssyncadd.s32 $0xFFFFC180  }
0x1d9: {  	[spmem:s2] =	stream.indirect.scatter.add.f32 [tilespmem:s25], [sflag:$0x3], $0x80, s23, s18, $0xb8;
	[tilespmem:$0x1CC00] =	vst v63  }
0x1da: {  	_ =	swait.ge [sflag:s14], $0x3E80  }
0x1db: {  	[sflag:s14] =	ssyncset.done $0x0  }
0x1dc: {  	[sflag:s14] =	ssyncadd.s32 $0xFFFFC180  }
0x1dd: {  	[tilespmem:s25], [sflag:$0x2] =	stream.indirect.gather [hbm4b:s4+s18], $0x80, s24, s18, $0xb8;
	[tilespmem:$0x1CC00] =	vst v63  }
0x1de: {  	_ =	swait.ge [sflag:s15], $0x3E80  }
0x1df: {  	[sflag:s15] =	ssyncset.done $0x0  }
0x1e0: {  	[sflag:s15] =	ssyncadd.s32 $0xFFFFC180  }
0x1e1: {  	[spmem:s2] =	stream.indirect.scatter.add.f32 [tilespmem:s13], [sflag:$0x3], $0x80, s6, s18, $0xb8;
	[tilespmem:$0x1CC00] =	vst v63  }
0x1e2: {  	_ =	swait.ge [sflag:s14], $0x3E80  }
0x1e3: {  	[sflag:s14] =	ssyncset.done $0x0  }
0x1e4: {  	[sflag:s14] =	ssyncadd.s32 $0xFFFFC180  }
0x1e5: {  	_ =	swait.ge [sflag:s16], $0x3E80  }
0x1e6: {  	[sflag:s16] =	ssyncset.done $0x0  }
0x1e7: {  	[sflag:s16] =	ssyncadd.s32 $0xFFFFC180  }
0x1e8: {  	[spmem:s2] =	stream.indirect.scatter.add.f32 [tilespmem:s25], [sflag:$0x3], $0x80, s7, s18, $0xb8;
	[tilespmem:$0x1CC00] =	vst v63  }
0x1e9: {  	_ =	swait.ge [sflag:s14], $0x3E80  }
0x1ea: {  	[sflag:s14] =	ssyncset.done $0x0  }
0x1eb: {  	[sflag:s14] =	ssyncadd.s32 $0xFFFFC180  }
0x1ec: {  	[bflag:$0x0] =	sbarrier.arrive $0xFFFF  }
0x1ed: {  	s9 =	rddreg [dreg:$0x13]  }
0x1ee: {  	[tilespmem:s13], [sflag:$0x3] =	stream.linear.gather [spmem:s9], $0x3C00, $0x38;
	[tilespmem:$0x1CC00] =	vst v63  }
0x1ef: {  	_ =	swait.ge [sflag:s14], $0x3C00  }
0x1f0: {  	[sflag:s14] =	ssyncset.done $0x0  }
0x1f1: {  	s10 =	rddreg [dreg:$0x1a];
	[sflag:s14] =	ssyncadd.s32 $0xFFFFC400  }
0x1f2: {  	[hbm4b:s10+s3] =	stream.linear.scatter [tilespmem:s13], [sflag:$0x1], $0x3C00, $0x38;
	[tilespmem:$0x1CC00] =	vst v63  }
0x1f3: {  	s10 =	rddreg [dreg:$0x14]  }
0x1f4: {  	[tilespmem:s25], [sflag:$0x3] =	stream.linear.gather [spmem:s10], $0x3C00, $0x38;
	[tilespmem:$0x1CC00] =	vst v63  }
0x1f5: {  	_ =	swait.ge [sflag:s14], $0x3C00  }
0x1f6: {  	[sflag:s14] =	ssyncset.done $0x0  }
0x1f7: {  	s11 =	rddreg [dreg:$0x1b];
	[sflag:s14] =	ssyncadd.s32 $0xFFFFC400  }
0x1f8: {  	[hbm4b:s11+s3] =	stream.linear.scatter [tilespmem:s25], [sflag:$0x2], $0x3C00, $0x38;
	[tilespmem:$0x1CC00] =	vst v63  }
0x1f9: {  	_ =	swait.ge [sflag:s15], $0x3C00  }
0x1fa: {  	[sflag:s15] =	ssyncset.done $0x0  }
0x1fb: {  	s11 =	rddreg [dreg:$0x15];
	[sflag:s15] =	ssyncadd.s32 $0xFFFFC400  }
0x1fc: {  	[tilespmem:s13], [sflag:$0x3] =	stream.linear.gather [spmem:s11], $0x3C00, $0x38;
	[tilespmem:$0x1CC00] =	vst v63  }
0x1fd: {  	_ =	swait.ge [sflag:s14], $0x3C00  }
0x1fe: {  	[sflag:s14] =	ssyncset.done $0x0  }
0x1ff: {  	s9 =	rddreg [dreg:$0x1c];
	[sflag:s14] =	ssyncadd.s32 $0xFFFFC400  }
0x200: {  	[hbm4b:s9+s3] =	stream.linear.scatter [tilespmem:s13], [sflag:$0x1], $0x3C00, $0x38;
	[tilespmem:$0x1CC00] =	vst v63  }
0x201: {  	_ =	swait.ge [sflag:s16], $0x3C00  }
0x202: {  	[sflag:s16] =	ssyncset.done $0x0  }
0x203: {  	s9 =	rddreg [dreg:$0x16];
	[sflag:s16] =	ssyncadd.s32 $0xFFFFC400  }
0x204: {  	[tilespmem:s25], [sflag:$0x3] =	stream.linear.gather [spmem:s9], $0x3C00, $0x38;
	[tilespmem:$0x1CC00] =	vst v63  }
0x205: {  	_ =	swait.ge [sflag:s14], $0x3C00  }
0x206: {  	[sflag:s14] =	ssyncset.done $0x0  }
0x207: {  	s9 =	rddreg [dreg:$0x1d];
	[sflag:s14] =	ssyncadd.s32 $0xFFFFC400  }
0x208: {  	[hbm4b:s9+s3] =	stream.linear.scatter [tilespmem:s25], [sflag:$0x2], $0x3C00, $0x38;
	[tilespmem:$0x1CC00] =	vst v63  }
0x209: {  	_ =	swait.ge [sflag:s15], $0x3C00  }
0x20a: {  	[sflag:s15] =	ssyncset.done $0x0  }
0x20b: {  	s9 =	rddreg [dreg:$0x17];
	[sflag:s15] =	ssyncadd.s32 $0xFFFFC400  }
0x20c: {  	[tilespmem:s13], [sflag:$0x3] =	stream.linear.gather [spmem:s9], $0x3C00, $0x38;
	[tilespmem:$0x1CC00] =	vst v63  }
0x20d: {  	_ =	swait.ge [sflag:s14], $0x3C00  }
0x20e: {  	[sflag:s14] =	ssyncset.done $0x0  }
0x20f: {  	s9 =	rddreg [dreg:$0x1e];
	[sflag:s14] =	ssyncadd.s32 $0xFFFFC400  }
0x210: {  	[hbm4b:s9+s3] =	stream.linear.scatter [tilespmem:s13], [sflag:$0x1], $0x3C00, $0x38;
	[tilespmem:$0x1CC00] =	vst v63  }
0x211: {  	_ =	swait.ge [sflag:s16], $0x3C00  }
0x212: {  	[sflag:s16] =	ssyncset.done $0x0  }
0x213: {  	s9 =	rddreg [dreg:$0x18];
	[sflag:s16] =	ssyncadd.s32 $0xFFFFC400  }
0x214: {  	[tilespmem:s25], [sflag:$0x3] =	stream.linear.gather [spmem:s9], $0x1000, $0x38;
	[tilespmem:$0x1CC00] =	vst v63  }
0x215: {  	_ =	swait.ge [sflag:s14], $0x1000  }
0x216: {  	[sflag:s14] =	ssyncset.done $0x0  }
0x217: {  	s9 =	rddreg [dreg:$0x1f];
	[sflag:s14] =	ssyncadd.s32 $0xFFFFF000  }
0x218: {  	[hbm4b:s9+s3] =	stream.linear.scatter [tilespmem:s25], [sflag:$0x2], $0x1000, $0x38;
	[tilespmem:$0x1CC00] =	vst v63  }
0x219: {  	_ =	swait.ge [sflag:s15], $0x3C00  }
0x21a: {  	[sflag:s15] =	ssyncset.done $0x0  }
0x21b: {  	[sflag:s15] =	ssyncadd.s32 $0xFFFFC400  }
0x21c: {  	_ =	swait.ge [sflag:s16], $0x1000  }
0x21d: {  	s8 =	sld [smem:$0x7FD];
	_ =	sdelay $0x2  }
0x21e: {  	s9 =	sadd.s32 $0x1, s8;
	s8 =	rddreg [dreg:$0x19]  }
0x21f: {  	p0 =	sne.s32 s9, s8  }
.Ltmp1:
0x220: {  	_ = 	snop;
	(pc) =	sbr.rel @p0 .LBB2_1-.Ltmp1, $3  }
0x221: {  	_ =	sdelay $0x1  }
0x222: {  	[sflag:s16] =	ssyncset.done $0x0;
	[smem:$0x7FD] =	sst s9  }
0x223: {  	[sflag:s16] =	ssyncadd.s32 $0xFFFFF000;
	s9 =	rddreg [dreg:$0x13]  }
0x224: {  	_ =	sfence.sel $0x180000  }
0x225: {  	[bflag:$0x0] =	sbarrier.arrive $0xFFFF  }
0x226: {  	_ =	strace $0x9000004A  }
0x227: {  	s0 =	stileid.u32;
	[bflag:$0x2] =	sbarrier.arrive $0xFFFF  }
0x228: {  	p0 =	sne.s32 s0, $0x0;
	s0 =	rddreg [dreg:$0x2]  }
0x229: {  	s0 =	sadd.s32 @!p0 $0x100000, s0  }
0x22a: {  	[sflag:s0] =	ssyncadd.tile.s32 @!p0 $0x1;
	_ =	shalt  }
.Lfunc_end2:
_tile_overlayer_lowered:
.L_overlay_start_2:
0x22b: {  	(tag) =	ssettag $0x2  }
0x22c: {  	s0 =	rddreg [dreg:$0x0];
	s2 =	stileid.u32  }
0x22d: {  	s1 =	rddreg [dreg:$0x1];
	p0 =	sne.s32 s2, $0x0  }
0x22e: {  	s3 =	rddreg [dreg:$0x2];
	[bflag:$0x3] =	sbarrier.arrive $0xFFFF;
	s2 =	simm.s32 @!p0 $0x1C03  }
0x22f: {  	[timem:s3], [sflag:s2] =	dma.local @!p0 [hbm:s0], s1  }
0x230: {  	s0 =	simm.s32 @!p0 $0x3  }
0x231: {  	_ =	swait.ge @!p0 [sflag:s0], s1  }
0x232: {  	s1 =	ssub.s32 @!p0 $0x0, s1;
	[sflag:s0] =	ssyncset.done @!p0 $0x0  }
0x233: {  	[sflag:s0] =	ssyncadd.s32 @!p0 s1  }
0x234: {  	[bflag:$0x3] =	sbarrier.arrive $0xFFFF  }
0x235: {  	_ =	shalt  }

// kernel: kernel.14.cloned.1.call-start
scs
__scs_entry_jumppad:
0x0: {  	(pc) =	sbr.rel $0x88, $3  }
0x1: {  	(tag) =	ssettag $0x0;
	lr =	simm.s32 $0x1  }
0x2: {  	[smem:$0x3F92] =	sst lr;
	_ =	strace $0xD0000000  }
0x3: {  	_ = 	snop  }
0x4: {  	_ = 	snop  }
0x5: {  	_ = 	snop  }
0x6: {  	_ = 	snop  }
0x7: {  	_ = 	snop  }
__scs_overlays_trampoline_lowered:
0x8: {  	[smem:$0x3FA1] =	sst s0  }
0x9: {  	[smem:$0x3FA2] =	sst s1  }
0xa: {  	[smem:$0x3FA3] =	sst s2  }
0xb: {  	[smem:$0x3FA4] =	sst s3  }
0xc: {  	[smem:$0x3FA5] =	sst s4  }
0xd: {  	[smem:$0x3FA6] =	sst s5  }
0xe: {  	[smem:$0x3FA7] =	sst s6  }
0xf: {  	[smem:$0x3FA8] =	sst s7  }
0x10: {  	[smem:$0x3FA9] =	sst s8  }
0x11: {  	[smem:$0x3FAA] =	sst s9;
	s0 =	simm.s32 @!p0 $0x0  }
0x12: {  	s1 =	sld [smem:$0x3F90];
	s0 =	simm.s32 @p0 $0x1  }
0x13: {  	[smem:$0x3FAB] =	sst s0;
	s0 =	simm.s32 @!p1 $0x0  }
0x14: {  	s2 =	sld [smem:$0x3F8F];
	s0 =	simm.s32 @p1 $0x1  }
0x15: {  	[smem:$0x3FAC] =	sst s0;
	s0 =	simm.s32 @!p2 $0x0  }
0x16: {  	s3 =	sld [smem:$0x3FDB];
	s0 =	simm.s32 @p2 $0x1  }
0x17: {  	s4 =	simm.s32 $0x1BF5;
	[smem:$0x3FAE] =	sst s0  }
0x18: {  	s0 =	sld [smem:$0x3F91];
	_ =	swait.ge [sflag:s4], $0x0  }
0x19: {  	s7 =	sld [smem:$0x3F92]  }
0x1a: {  	s8 =	sadd.s32 $0xFFFFE003, lr  }
0x1b: {  	s9 =	sadd.s32 $0xFFFFFEF7, lr;
	s5 =	simm.s32 $0xFFFFFFFF;
	p2 =	slt.u32 s8, $0xFFFFF086  }
0x1c: {  	p1 =	slt.u32 s9, $0xF7A;
	s5 =	simm.s32 @!p2 $0x0  }
0x1d: {  	s5 =	simm.s32 @p1 $0x1;
	p0 =	seq.s32 s7, s2  }
0x1e: {  	s7 =	smul.u32 @!p0 $0xF7A, s2;
	p2 =	seq.s32 @!p0 s5, $0x0  }
0x1f: {  	s9 =	smul.u32 $0xF7A, s1;
	s8 =	simm.s32 @!p0 $0x1BF5;
	p2 =	por !p2, p0  }
0x20: {  	[sflag:s8] =	ssyncset.s32 @!p0 $0xFFFFF086;
	s6 =	sadd.s32 @!p0 s3, s7;
	s7 =	simm.s32 @!p0 $0x108  }
0x21: {  	s3 =	sadd.s32 s3, s9;
	s6 =	sadd.s32 @!p0 $0x88, s6;
	s7 =	simm.s32 @p2 $0x1082  }
0x22: {  	[simem:s7], [sflag:s8] =	dma.local @!p0 [hbm:s6], $0xF7A  }
0x23: {  	s9 =	sor.u32 $0xD0000000, s2;
	s6 =	simm.s32 $0x108;
	_ =	swait.ge @!p0 [sflag:s8], $0x0  }
0x24: {  	s3 =	sadd.s32 $0x88, s3;
	s6 =	simm.s32 @!p1 $0x1082;
	[sflag:s4] =	ssyncset.s32 $0xFFFFF086  }
0x25: {  	[simem:s6], [sflag:s4] =	dma.local [hbm:s3], $0xF7A  }
0x26: {  	[smem:$0x3F92] =	sst s1;
	(tag) =	ssettag s2;
	_ =	strace s9  }
0x27: {  	s1 =	sld [smem:$0x3FA2]  }
0x28: {  	s2 =	sld [smem:$0x3FA3]  }
0x29: {  	s4 =	sld [smem:$0x3FA5]  }
0x2a: {  	p0 =	seq.s32 s5, $0x0;
	s5 =	sld [smem:$0x3FA6]  }
0x2b: {  	s6 =	sld [smem:$0x3FA7]  }
0x2c: {  	s7 =	sld [smem:$0x3FA8]  }
0x2d: {  	s3 =	simm.s32 $0x108;
	s8 =	sld [smem:$0x3FA9]  }
0x2e: {  	s3 =	simm.s32 @!p0 $0x1082;
	s9 =	sld [smem:$0x3FAA]  }
0x2f: {  	lr =	sadd.s32 s0, s3;
	s0 =	sld [smem:$0x3FA1]  }
0x30: {  	s3 =	sld [smem:$0x3FA4]  }
0x31: {  	[smem:$0x3FAD] =	sst s10  }
0x32: {  	s10 =	sld [smem:$0x3FAB];
	_ =	sdelay $0x3  }
0x33: {  	p0 =	seq.s32 s10, $0x1;
	s10 =	sld [smem:$0x3FAD];
	_ =	sdelay $0x3  }
0x34: {  	[smem:$0x3FAD] =	sst s10  }
0x35: {  	s10 =	sld [smem:$0x3FAC];
	_ =	sdelay $0x3  }
0x36: {  	p1 =	seq.s32 s10, $0x1;
	s10 =	sld [smem:$0x3FAD];
	_ =	sdelay $0x3  }
0x37: {  	[smem:$0x3FAD] =	sst s10  }
0x38: {  	s10 =	sld [smem:$0x3FAE]  }
0x39: {  	_ = 	snop;
	(pc) =	sbr.ind lr, $3  }
0x3a: {  	_ = 	snop  }
0x3b: {  	_ = 	snop  }
0x3c: {  	p2 =	seq.s32 s10, $0x1;
	s10 =	sld [smem:$0x3FAD]  }
0x3d: {  	_ =	shalt  }
0x3e: {  	_ =	shalt  }
0x3f: {  	_ =	shalt  }
0x40: {  	_ =	shalt  }
0x41: {  	_ =	shalt  }
0x42: {  	_ =	shalt  }
0x43: {  	_ =	shalt  }
0x44: {  	_ =	shalt  }
0x45: {  	_ =	shalt  }
0x46: {  	_ =	shalt  }
0x47: {  	_ =	shalt  }
0x48: {  	_ =	shalt  }
0x49: {  	_ =	shalt  }
0x4a: {  	_ =	shalt  }
0x4b: {  	_ =	shalt  }
0x4c: {  	_ =	shalt  }
0x4d: {  	_ =	shalt  }
0x4e: {  	_ =	shalt  }
0x4f: {  	_ =	shalt  }
0x50: {  	_ =	shalt  }
0x51: {  	_ =	shalt  }
0x52: {  	_ =	shalt  }
0x53: {  	_ =	shalt  }
0x54: {  	_ =	shalt  }
0x55: {  	_ =	shalt  }
0x56: {  	_ =	shalt  }
0x57: {  	_ =	shalt  }
0x58: {  	_ =	shalt  }
0x59: {  	_ =	shalt  }
0x5a: {  	_ =	shalt  }
0x5b: {  	_ =	shalt  }
0x5c: {  	_ =	shalt  }
0x5d: {  	_ =	shalt  }
0x5e: {  	_ =	shalt  }
0x5f: {  	_ =	shalt  }
0x60: {  	_ =	shalt  }
0x61: {  	_ =	shalt  }
0x62: {  	_ =	shalt  }
0x63: {  	_ =	shalt  }
0x64: {  	_ =	shalt  }
0x65: {  	_ =	shalt  }
0x66: {  	_ =	shalt  }
0x67: {  	_ =	shalt  }
0x68: {  	_ =	shalt  }
0x69: {  	_ =	shalt  }
0x6a: {  	_ =	shalt  }
0x6b: {  	_ =	shalt  }
0x6c: {  	_ =	shalt  }
0x6d: {  	_ =	shalt  }
0x6e: {  	_ =	shalt  }
0x6f: {  	_ =	shalt  }
0x70: {  	_ =	shalt  }
0x71: {  	_ =	shalt  }
0x72: {  	_ =	shalt  }
0x73: {  	_ =	shalt  }
0x74: {  	_ =	shalt  }
0x75: {  	_ =	shalt  }
0x76: {  	_ =	shalt  }
0x77: {  	_ =	shalt  }
0x78: {  	_ =	shalt  }
0x79: {  	_ =	shalt  }
0x7a: {  	_ =	shalt  }
0x7b: {  	_ =	shalt  }
0x7c: {  	_ =	shalt  }
0x7d: {  	_ =	shalt  }
0x7e: {  	_ =	shalt  }
0x7f: {  	_ =	shalt  }
0x80: {  	_ =	shalt  }
0x81: {  	_ =	shalt  }
0x82: {  	_ =	shalt  }
0x83: {  	_ =	shalt  }
0x84: {  	_ =	shalt  }
0x85: {  	_ =	shalt  }
0x86: {  	_ =	shalt  }
0x87: {  	_ =	shalt  }
.Lfunc_end0:
.L_simem_size_0:
called_computation.2_lowered:
.L_overlay_start_0:
0x88: {  	s2 =	sld [smem:$0x3FD9]  }
0x89: {  	s3 =	sld [smem:$0x3FFE];
	_ =	sdelay $0x1  }
0x8a: {  	s1 =	srdreg.scid  }
0x8b: {  	s0 =	sand.u32 $0x1, s1  }
0x8c: {  	s16 =	sshll.u32 s0, $0xA;
	s2 =	sadd.s32 s3, s2  }
0x8d: {  	s2 =	sadd.s32 s2, s16  }
0x8e: {  	[smem:$0x3FB9] =	sst s2  }
0x8f: {  	_ = 	snop  }
0x90: {  	(tm) =	ssettm $0x1  }
0x91: {  	s17 =	sld [smem:$0x3FFB];
	_ =	sdelay $0x3  }
0x92: {  	_ =	strace s17  }
0x93: {  	s2 =	sld [smem:$0x3FFC];
	_ =	sdelay $0x3  }
0x94: {  	_ =	strace s2  }
0x95: {  	s2 =	sld [smem:$0x3FFD];
	_ =	sdelay $0x3  }
0x96: {  	_ =	strace s2  }
0x97: {  	_ =	strace $0x8FFFFFFF  }
0x98: {  	s18 =	sld [smem:$0x3FDB];
	_ =	sdelay $0x1  }
0x99: {  	s19 =	simm.s32 $_scs_section_size  }
0x9a: {  	s4 =	simm.s32 $_size__tile_overlayer_lowered;
	s5 =	simm.s32 $_tile_overlayer_lowered  }
0x9b: {  	s22 =	simm.s32 $0x1BFF;
	s21 =	sshll.u32 s5, $0x1;
	s2 =	sadd.s32 s19, s18  }
0x9c: {  	s6 =	simm.s32 $0x0;
	s20 =	sshll.u32 s4, $0x1;
	s4 =	sadd.s32 s21, s2  }
0x9d: {  	[timem:s6], [sflag:s22] =	dma.local [hbm:s4], s20  }
0x9e: {  	_ =	swait.ge [sflag:s22], s20  }
0x9f: {  	s3 =	ssub.s32 $0x0, s20;
	[sflag:s22] =	ssyncset.done $0x0  }
0xa0: {  	[sflag:s22] =	ssyncadd.s32 s3;
	_ =	sdelay $0x1  }
0xa1: {  	s23 =	simm.s32 $0x1B8B  }
0xa2: {  	_ =	swait.ge [sflag:s23], $0x1  }
0xa3: {  	[sflag:s23] =	ssyncset.done $0x0  }
0xa4: {  	s25 =	simm.s32 $0x1B8E;
	s24 =	sld [smem:$0x3FFE];
	[sflag:s23] =	ssyncadd.s32 $0xFFFFFFFF  }
0xa5: {  	s26 =	simm.s32 $execute0_lowered;
	[smem:$0x3FD2] =	sst s25  }
0xa6: {  	s4 =	sshll.u32 s26, $0x1;
	_ =	strace $0x8000004C;
	[dreg:$0x1] =	wrdreg $0xFFFFFFFF  }
0xa7: {  	s28 =	simm.s32 $_size_execute0_lowered;
	s2 =	sadd.s32 s2, s4;
	[dreg:$0x0] =	wrdreg $0x0  }
0xa8: {  	s4 =	sshll.u32 s28, $0x1;
	[dreg:$0x2] =	wrdreg s2  }
0xa9: {  	[dreg:$0x3] =	wrdreg s4  }
0xaa: {  	[dreg:$0x4] =	wrdreg $0xC0  }
0xab: {  	_ =	task [dreg:s6], $0x5FFFF  }
0xac: {  	[dreg:$0x1] =	wrdreg $0xFFFFFFFF  }
0xad: {  	[dreg:$0x0] =	wrdreg $0x60  }
0xae: {  	[dreg:$0x2] =	wrdreg s24  }
0xaf: {  	[dreg:$0x3] =	wrdreg $0x90000  }
0xb0: {  	[dreg:$0x4] =	wrdreg $0x9  }
0xb1: {  	_ =	task.clear_ibuf [dreg:s6], $0x5FFFF;
	_ =	strace $0x9000004C  }
0xb2: {  	s29 =	simm.s32 $0x9;
	_ =	strace $0x8000004E  }
0xb3: {  	_ =	swait.ge [sflag:s29], $0x1  }
0xb4: {  	[sflag:s29] =	ssyncadd.s32 $0xFFFFFFFF  }
0xb5: {  	_ =	strace $0x9000004E  }
0xb6: {  	_ =	sfence  }
0xb7: {  	s30 =	sld [smem:$0x0];
	_ =	sdelay $0x2  }
0xb8: {  	s31 =	sshll.u32 s1, $0xD;
	s1 =	sshrl.u32 s1, $0x2  }
0xb9: {  	s3 =	sand.u32 $0x4000, s31;
	s1 =	sadd.s32 s1, s30  }
0xba: {  	s0 =	sor.u32 s3, s0;
	s1 =	sshll.u32 s1, $0x11  }
0xbb: {  	s0 =	sor.u32 s1, s0  }
0xbc: {  	s0 =	sadd.s32 $0x8F2B, s0  }
0xbd: {  	[sflag:s0] =	ssyncadd.remote.s32 $0x1  }
0xbe: {  	_ =	sfence.sel $0xFFFF  }
0xbf: {  	[dreg:$0x0] =	wrdreg $0xFFFFFFFF;
	(pc) =	sbr.abs _section_cstart, $3  }
0xc0: {  	[dreg:$0x1] =	wrdreg $0xFFFFFFFF  }
0xc1: {  	_ =	task.clear_ibuf [dreg:s6], $0x2FFFF;
	_ =	strace $0x9FFFFFFF  }
0xc2: {  	(tm) =	ssettm $0x7FFFFFFF  }
0xc3: {  	_ =	shalt  }
tec
execute0_lowered:
.L_overlay_start_1:
0x0: {  	(tag) =	ssettag $0x1  }
0x1: {  	s0 =	rddreg [dreg:$0x0]  }
0x2: {  	s1 =	srdreg.scid;
	s13 =	stileid.u32  }
0x3: {  	s2 =	rddreg [dreg:$0x1];
	s3 =	simm.s32 $0x0;
	s14 =	simm.s32 $0x80  }
0x4: {  	s15 =	simm.s32 $0x100;
	s28 =	simm.s32 $0xB80;
	s29 =	simm.s32 $0x480  }
0x5: {  	s30 =	simm.s32 $0xC00;
	s1 =	sand.u32 $0x1, s1;
	s4 =	smul.u32 $0x5000, s13  }
0x6: {  	[smem:$0x7FF] =	sst s3;
	s7 =	smul.u32 $0x278, s13;
	s9 =	sadd.s32 $0xCE00, s0  }
0x7: {  	s8 =	smul.u32 $0x4F000, s13;
	_ =	strace $0x8000004D;
	[dreg:$0x12] =	wrdreg s9  }
0x8: {  	s31 =	simm.s32 $0x500;
	s5 =	smul.u32 $0x2800, s1;
	[dreg:$0x5] =	wrdreg s14  }
0x9: {  	s6 =	smul.u32 $0x27800, s1;
	s1 =	ssub.s32 $0x2, s1;
	[dreg:$0x6] =	wrdreg s15  }
0xa: {  	s14 =	simm.s32 $0x3;
	s15 =	simm.s32 $0x1;
	s16 =	sshrl.u32 s1, $0x1  }
0xb: {  	s17 =	sshrl.u32 s8, $0x2;
	s18 =	sadd.s32 $0x78, s7;
	s22 =	sadd.s32 $0xF0, s7  }
0xc: {  	s10 =	sadd.s32 $0x168, s7;
	s11 =	sadd.s32 $0x1E0, s7;
	s7 =	sadd.s32 $0x258, s7  }
0xd: {  	s5 =	sadd.s32 s5, s4;
	s4 =	sadd.s32 $0x17800, s0;
	s1 =	ssub.s32 s1, s16  }
0xe: {  	s19 =	sadd.s32 s17, s2;
	s21 =	sshll.u32 s18, $0x7;
	s23 =	sshll.u32 s22, $0x7  }
0xf: {  	s24 =	sshll.u32 s10, $0x7;
	s25 =	sshll.u32 s11, $0x7;
	s26 =	sshll.u32 s7, $0x7  }
0x10: {  	s8 =	sshll.u32 s18, $0x4;
	s16 =	simm.s32 $0x880;
	s9 =	sshll.u32 s22, $0x4  }
0x11: {  	s17 =	simm.s32 $0x180;
	s10 =	sshll.u32 s10, $0x4;
	[dreg:$0x7] =	wrdreg s16  }
0x12: {  	s18 =	simm.s32 $0x900;
	s11 =	sshll.u32 s11, $0x4;
	[dreg:$0x8] =	wrdreg s17  }
0x13: {  	s22 =	simm.s32 $0x200;
	s5 =	sshrl.u32 s5, $0x3;
	[dreg:$0x9] =	wrdreg s18  }
0x14: {  	s20 =	sadd.s32 s21, s2;
	[dreg:$0xa] =	wrdreg s22;
	s1 =	smax.u32 s1, $0x1  }
0x15: {  	s21 =	sadd.s32 s23, s2;
	s23 =	simm.s32 $0x980;
	[dreg:$0x19] =	wrdreg s1  }
0x16: {  	s18 =	simm.s32 $0xB00;
	s5 =	sadd.s32 s5, s0;
	[dreg:$0xb] =	wrdreg s23  }
0x17: {  	s0 =	sadd.s32 s6, s0;
	s6 =	sadd.s32 s24, s2;
	[dreg:$0x11] =	wrdreg s18  }
0x18: {  	s7 =	sshll.u32 s7, $0x4;
	s24 =	simm.s32 $0x280;
	[dreg:$0x16] =	wrdreg s6  }
0x19: {  	s16 =	simm.s32 $0x2;
	s6 =	sadd.s32 s25, s2;
	[dreg:$0xc] =	wrdreg s24  }
0x1a: {  	s17 =	simm.s32 $0x800;
	s12 =	sadd.s32 $0x2E00, s5;
	[dreg:$0x17] =	wrdreg s6  }
0x1b: {  	s18 =	simm.s32 $0x7D;
	s5 =	sadd.s32 $0xD800, s5;
	[dreg:$0x3] =	wrdreg s12  }
0x1c: {  	s1 =	simm.s32 $0xC80;
	s25 =	simm.s32 $0xA00;
	[dreg:$0x4] =	wrdreg s5  }
0x1d: {  	s0 =	sadd.s32 $0x3EA00, s0;
	s6 =	sadd.s32 s26, s2;
	[dreg:$0xd] =	wrdreg s25  }
0x1e: {  	s26 =	simm.s32 $0x300;
	s5 =	simm.s32 $0xA80;
	[dreg:$0x18] =	wrdreg s6  }
0x1f: {  	s12 =	simm.s32 $0x380;
	s23 =	sadd.s32 s8, s0;
	[dreg:$0xe] =	wrdreg s26  }
0x20: {  	s24 =	sadd.s32 s9, s0;
	s9 =	smov.u32 s19;
	[dreg:$0xf] =	wrdreg s5  }
0x21: {  	s25 =	sadd.s32 s10, s0;
	s10 =	smov.u32 s20;
	[dreg:$0x10] =	wrdreg s12  }
0x22: {  	s19 =	simm.s32 $0xD80;
	s20 =	simm.s32 $0x680;
	[dreg:$0x1b] =	wrdreg s23  }
0x23: {  	s8 =	simm.s32 $0x0;
	s6 =	smul.u32 $0x2780, s13;
	[dreg:$0x1c] =	wrdreg s24  }
0x24: {  	s13 =	simm.s32 $0x1000;
	[dreg:$0x1d] =	wrdreg s25;
	s26 =	sadd.s32 s11, s0  }
0x25: {  	s11 =	smov.u32 s21;
	s25 =	simm.s32 $0x5000;
	[smem:$0x7FD] =	sst s8  }
0x26: {  	s5 =	simm.s32 $0xD00;
	s12 =	simm.s32 $0x600;
	[dreg:$0x13] =	wrdreg s9  }
0x27: {  	s21 =	simm.s32 $0xE00;
	s23 =	simm.s32 $0xE80;
	[dreg:$0x14] =	wrdreg s10  }
0x28: {  	s24 =	simm.s32 $0x780;
	[dreg:$0x1e] =	wrdreg s26;
	s26 =	simm.s32 $0x400  }
0x29: {  	[dreg:$0x15] =	wrdreg s11;
	s22 =	sadd.s32 s6, s0;
	s0 =	sadd.s32 s7, s0  }
0x2a: {  	s6 =	simm.s32 $0xF00;
	s7 =	simm.s32 $0xF80;
	[dreg:$0x1a] =	wrdreg s22  }
0x2b: {  	[dreg:$0x1f] =	wrdreg s0;
	s0 =	simm.s32 $0x580;
	s22 =	simm.s32 $0x700  }
.LBB2_1:
0x2c: {  	s8 =	rddreg [dreg:$0x12]  }
0x2d: {  	[tilespmem:s13], [sflag:$0x3] =	stream.linear.gather [hbm4b:s8+s3], $0x3E80, $0x38;
	[tilespmem:$0x1CC00] =	vst v63  }
0x2e: {  	_ =	swait.ge [sflag:s14], $0x3E80  }
0x2f: {  	[sflag:s14] =	ssyncset.done $0x0  }
0x30: {  	[sflag:s14] =	ssyncadd.s32 $0xFFFFC180  }
0x31: {  	[spmem:s9] =	stream.linear.scatter [tilespmem:s13], [sflag:$0x1], $0x3C00, $0x38;
	[tilespmem:$0x1CC00] =	vst v63  }
0x32: {  	_ = 	snop  }
0x33: {  	[spmem:s10] =	stream.linear.scatter [tilespmem:s13], [sflag:$0x1], $0x3C00, $0x38;
	[tilespmem:$0x1CC00] =	vst v63  }
0x34: {  	_ = 	snop  }
0x35: {  	[spmem:s11] =	stream.linear.scatter [tilespmem:s13], [sflag:$0x1], $0x3C00, $0x38;
	[tilespmem:$0x1CC00] =	vst v63  }
0x36: {  	s9 =	rddreg [dreg:$0x16]  }
0x37: {  	[spmem:s9] =	stream.linear.scatter [tilespmem:s13], [sflag:$0x1], $0x3C00, $0x38;
	[tilespmem:$0x1CC00] =	vst v63  }
0x38: {  	s10 =	rddreg [dreg:$0x17]  }
0x39: {  	[spmem:s10] =	stream.linear.scatter [tilespmem:s13], [sflag:$0x1], $0x3C00, $0x38;
	[tilespmem:$0x1CC00] =	vst v63  }
0x3a: {  	s11 =	rddreg [dreg:$0x18]  }
0x3b: {  	[spmem:s11] =	stream.linear.scatter [tilespmem:s13], [sflag:$0x2], $0x1000, $0x38;
	[tilespmem:$0x1CC00] =	vst v63  }
0x3c: {  	_ =	swait.ge [sflag:s15], $0x3C00  }
0x3d: {  	[sflag:s15] =	ssyncset.done $0x0  }
0x3e: {  	[sflag:s15] =	ssyncadd.s32 $0xFFFFC400  }
0x3f: {  	_ =	swait.ge [sflag:s15], $0x3C00  }
0x40: {  	[sflag:s15] =	ssyncset.done $0x0  }
0x41: {  	[sflag:s15] =	ssyncadd.s32 $0xFFFFC400  }
0x42: {  	_ =	swait.ge [sflag:s15], $0x3C00  }
0x43: {  	[sflag:s15] =	ssyncset.done $0x0  }
0x44: {  	[sflag:s15] =	ssyncadd.s32 $0xFFFFC400  }
0x45: {  	_ =	swait.ge [sflag:s15], $0x3C00  }
0x46: {  	[sflag:s15] =	ssyncset.done $0x0  }
0x47: {  	[sflag:s15] =	ssyncadd.s32 $0xFFFFC400  }
0x48: {  	_ =	swait.ge [sflag:s15], $0x3C00  }
0x49: {  	[sflag:s15] =	ssyncset.done $0x0  }
0x4a: {  	[sflag:s15] =	ssyncadd.s32 $0xFFFFC400  }
0x4b: {  	_ =	swait.ge [sflag:s16], $0x1000  }
0x4c: {  	[sflag:s16] =	ssyncset.done $0x0  }
0x4d: {  	[sflag:s16] =	ssyncadd.s32 $0xFFFFF000  }
0x4e: {  	[bflag:$0x0] =	sbarrier.arrive $0xFFFF  }
0x4f: {  	s8 =	rddreg [dreg:$0x4]  }
0x50: {  	s9 =	sadd.s32 $0x0, s8  }
0x51: {  	[tilespmem:s3], [sflag:$0x3] =	stream.linear.gather [hbm4b:s9+s3], $0x800, $0x38;
	[tilespmem:$0x1CC00] =	vst v63  }
0x52: {  	_ =	swait.ge [sflag:s14], $0x800  }
0x53: {  	s10 =	rddreg [dreg:$0x3];
	[sflag:s14] =	ssyncset.done $0x0  }
0x54: {  	[sflag:s14] =	ssyncadd.s32 $0xFFFFF800;
	s9 =	sadd.s32 $0x0, s10  }
0x55: {  	[tilespmem:s17], [sflag:$0x3] =	stream.linear.gather [hbm4b:s9+s3], $0x800, $0x38;
	[tilespmem:$0x1CC00] =	vst v63  }
0x56: {  	_ =	swait.ge [sflag:s14], $0x800  }
0x57: {  	[sflag:s14] =	ssyncset.done $0x0  }
0x58: {  	[sflag:s14] =	ssyncadd.s32 $0xFFFFF800  }
0x59: {  	[tilespmem:s13], [sflag:$0x1] =	stream.indirect.gather [hbm4b:s4+s18], $0x80, s3, s18, $0xb8;
	[tilespmem:$0x1CC00] =	vst v63  }
0x5a: {  	s11 =	rddreg [dreg:$0x5]  }
0x5b: {  	[tilespmem:s25], [sflag:$0x2] =	stream.indirect.gather [hbm4b:s4+s18], $0x80, s11, s18, $0xb8;
	[tilespmem:$0x1CC00] =	vst v63  }
0x5c: {  	_ =	swait.ge [sflag:s15], $0x3E80  }
0x5d: {  	[sflag:s15] =	ssyncset.done $0x0  }
0x5e: {  	[sflag:s15] =	ssyncadd.s32 $0xFFFFC180  }
0x5f: {  	[spmem:s2] =	stream.indirect.scatter.add.f32 [tilespmem:s13], [sflag:$0x3], $0x80, s17, s18, $0xb8;
	[tilespmem:$0x1CC00] =	vst v63  }
0x60: {  	_ =	swait.ge [sflag:s14], $0x3E80  }
0x61: {  	[sflag:s14] =	ssyncset.done $0x0  }
0x62: {  	s8 =	rddreg [dreg:$0x6];
	[sflag:s14] =	ssyncadd.s32 $0xFFFFC180  }
0x63: {  	[tilespmem:s13], [sflag:$0x1] =	stream.indirect.gather [hbm4b:s4+s18], $0x80, s8, s18, $0xb8;
	[tilespmem:$0x1CC00] =	vst v63  }
0x64: {  	_ =	swait.ge [sflag:s16], $0x3E80  }
0x65: {  	[sflag:s16] =	ssyncset.done $0x0  }
0x66: {  	s10 =	rddreg [dreg:$0x7];
	[sflag:s16] =	ssyncadd.s32 $0xFFFFC180  }
0x67: {  	[spmem:s2] =	stream.indirect.scatter.add.f32 [tilespmem:s25], [sflag:$0x3], $0x80, s10, s18, $0xb8;
	[tilespmem:$0x1CC00] =	vst v63  }
0x68: {  	_ =	swait.ge [sflag:s14], $0x3E80  }
0x69: {  	[sflag:s14] =	ssyncset.done $0x0  }
0x6a: {  	s11 =	rddreg [dreg:$0x8];
	[sflag:s14] =	ssyncadd.s32 $0xFFFFC180  }
0x6b: {  	[tilespmem:s25], [sflag:$0x2] =	stream.indirect.gather [hbm4b:s4+s18], $0x80, s11, s18, $0xb8;
	[tilespmem:$0x1CC00] =	vst v63  }
0x6c: {  	_ =	swait.ge [sflag:s15], $0x3E80  }
0x6d: {  	[sflag:s15] =	ssyncset.done $0x0  }
0x6e: {  	s8 =	rddreg [dreg:$0x9];
	[sflag:s15] =	ssyncadd.s32 $0xFFFFC180  }
0x6f: {  	[spmem:s2] =	stream.indirect.scatter.add.f32 [tilespmem:s13], [sflag:$0x3], $0x80, s8, s18, $0xb8;
	[tilespmem:$0x1CC00] =	vst v63  }
0x70: {  	_ =	swait.ge [sflag:s14], $0x3E80  }
0x71: {  	[sflag:s14] =	ssyncset.done $0x0  }
0x72: {  	s10 =	rddreg [dreg:$0xa];
	[sflag:s14] =	ssyncadd.s32 $0xFFFFC180  }
0x73: {  	[tilespmem:s13], [sflag:$0x1] =	stream.indirect.gather [hbm4b:s4+s18], $0x80, s10, s18, $0xb8;
	[tilespmem:$0x1CC00] =	vst v63  }
0x74: {  	_ =	swait.ge [sflag:s16], $0x3E80  }
0x75: {  	[sflag:s16] =	ssyncset.done $0x0  }
0x76: {  	s11 =	rddreg [dreg:$0xb];
	[sflag:s16] =	ssyncadd.s32 $0xFFFFC180  }
0x77: {  	[spmem:s2] =	stream.indirect.scatter.add.f32 [tilespmem:s25], [sflag:$0x3], $0x80, s11, s18, $0xb8;
	[tilespmem:$0x1CC00] =	vst v63  }
0x78: {  	_ =	swait.ge [sflag:s14], $0x3E80  }
0x79: {  	[sflag:s14] =	ssyncset.done $0x0  }
0x7a: {  	s8 =	rddreg [dreg:$0xc];
	[sflag:s14] =	ssyncadd.s32 $0xFFFFC180  }
0x7b: {  	[tilespmem:s25], [sflag:$0x2] =	stream.indirect.gather [hbm4b:s4+s18], $0x80, s8, s18, $0xb8;
	[tilespmem:$0x1CC00] =	vst v63  }
0x7c: {  	_ =	swait.ge [sflag:s15], $0x3E80  }
0x7d: {  	[sflag:s15] =	ssyncset.done $0x0  }
0x7e: {  	s10 =	rddreg [dreg:$0xd];
	[sflag:s15] =	ssyncadd.s32 $0xFFFFC180  }
0x7f: {  	[spmem:s2] =	stream.indirect.scatter.add.f32 [tilespmem:s13], [sflag:$0x3], $0x80, s10, s18, $0xb8;
	[tilespmem:$0x1CC00] =	vst v63  }
0x80: {  	_ =	swait.ge [sflag:s14], $0x3E80  }
0x81: {  	[sflag:s14] =	ssyncset.done $0x0  }
0x82: {  	s11 =	rddreg [dreg:$0xe];
	[sflag:s14] =	ssyncadd.s32 $0xFFFFC180  }
0x83: {  	[tilespmem:s13], [sflag:$0x1] =	stream.indirect.gather [hbm4b:s4+s18], $0x80, s11, s18, $0xb8;
	[tilespmem:$0x1CC00] =	vst v63  }
0x84: {  	_ =	swait.ge [sflag:s16], $0x3E80  }
0x85: {  	[sflag:s16] =	ssyncset.done $0x0  }
0x86: {  	s8 =	rddreg [dreg:$0xf];
	[sflag:s16] =	ssyncadd.s32 $0xFFFFC180  }
0x87: {  	[spmem:s2] =	stream.indirect.scatter.add.f32 [tilespmem:s25], [sflag:$0x3], $0x80, s8, s18, $0xb8;
	[tilespmem:$0x1CC00] =	vst v63  }
0x88: {  	_ =	swait.ge [sflag:s14], $0x3E80  }
0x89: {  	[sflag:s14] =	ssyncset.done $0x0  }
0x8a: {  	s10 =	rddreg [dreg:$0x10];
	[sflag:s14] =	ssyncadd.s32 $0xFFFFC180  }
0x8b: {  	[tilespmem:s25], [sflag:$0x2] =	stream.indirect.gather [hbm4b:s4+s18], $0x80, s10, s18, $0xb8;
	[tilespmem:$0x1CC00] =	vst v63  }
0x8c: {  	_ =	swait.ge [sflag:s15], $0x3E80  }
0x8d: {  	[sflag:s15] =	ssyncset.done $0x0  }
0x8e: {  	s11 =	rddreg [dreg:$0x11];
	[sflag:s15] =	ssyncadd.s32 $0xFFFFC180  }
0x8f: {  	[spmem:s2] =	stream.indirect.scatter.add.f32 [tilespmem:s13], [sflag:$0x3], $0x80, s11, s18, $0xb8;
	[tilespmem:$0x1CC00] =	vst v63  }
0x90: {  	_ =	swait.ge [sflag:s14], $0x3E80  }
0x91: {  	[sflag:s14] =	ssyncset.done $0x0  }
0x92: {  	[sflag:s14] =	ssyncadd.s32 $0xFFFFC180  }
0x93: {  	[tilespmem:s13], [sflag:$0x1] =	stream.indirect.gather [hbm4b:s4+s18], $0x80, s26, s18, $0xb8;
	[tilespmem:$0x1CC00] =	vst v63  }
0x94: {  	_ =	swait.ge [sflag:s16], $0x3E80  }
0x95: {  	[sflag:s16] =	ssyncset.done $0x0  }
0x96: {  	[sflag:s16] =	ssyncadd.s32 $0xFFFFC180  }
0x97: {  	[spmem:s2] =	stream.indirect.scatter.add.f32 [tilespmem:s25], [sflag:$0x3], $0x80, s28, s18, $0xb8;
	[tilespmem:$0x1CC00] =	vst v63  }
0x98: {  	_ =	swait.ge [sflag:s14], $0x3E80  }
0x99: {  	[sflag:s14] =	ssyncset.done $0x0  }
0x9a: {  	[sflag:s14] =	ssyncadd.s32 $0xFFFFC180  }
0x9b: {  	[tilespmem:s25], [sflag:$0x2] =	stream.indirect.gather [hbm4b:s4+s18], $0x80, s29, s18, $0xb8;
	[tilespmem:$0x1CC00] =	vst v63  }
0x9c: {  	_ =	swait.ge [sflag:s15], $0x3E80  }
0x9d: {  	[sflag:s15] =	ssyncset.done $0x0  }
0x9e: {  	[sflag:s15] =	ssyncadd.s32 $0xFFFFC180  }
0x9f: {  	[spmem:s2] =	stream.indirect.scatter.add.f32 [tilespmem:s13], [sflag:$0x3], $0x80, s30, s18, $0xb8;
	[tilespmem:$0x1CC00] =	vst v63  }
0xa0: {  	_ =	swait.ge [sflag:s14], $0x3E80  }
0xa1: {  	[sflag:s14] =	ssyncset.done $0x0  }
0xa2: {  	[sflag:s14] =	ssyncadd.s32 $0xFFFFC180  }
0xa3: {  	[tilespmem:s13], [sflag:$0x1] =	stream.indirect.gather [hbm4b:s4+s18], $0x80, s31, s18, $0xb8;
	[tilespmem:$0x1CC00] =	vst v63  }
0xa4: {  	_ =	swait.ge [sflag:s16], $0x3E80  }
0xa5: {  	[sflag:s16] =	ssyncset.done $0x0  }
0xa6: {  	[sflag:s16] =	ssyncadd.s32 $0xFFFFC180  }
0xa7: {  	[spmem:s2] =	stream.indirect.scatter.add.f32 [tilespmem:s25], [sflag:$0x3], $0x80, s1, s18, $0xb8;
	[tilespmem:$0x1CC00] =	vst v63  }
0xa8: {  	_ =	swait.ge [sflag:s14], $0x3E80  }
0xa9: {  	[sflag:s14] =	ssyncset.done $0x0  }
0xaa: {  	[sflag:s14] =	ssyncadd.s32 $0xFFFFC180  }
0xab: {  	[tilespmem:s25], [sflag:$0x2] =	stream.indirect.gather [hbm4b:s4+s18], $0x80, s0, s18, $0xb8;
	[tilespmem:$0x1CC00] =	vst v63  }
0xac: {  	_ =	swait.ge [sflag:s15], $0x3E80  }
0xad: {  	[sflag:s15] =	ssyncset.done $0x0  }
0xae: {  	[sflag:s15] =	ssyncadd.s32 $0xFFFFC180  }
0xaf: {  	[spmem:s2] =	stream.indirect.scatter.add.f32 [tilespmem:s13], [sflag:$0x3], $0x80, s5, s18, $0xb8;
	[tilespmem:$0x1CC00] =	vst v63  }
0xb0: {  	_ =	swait.ge [sflag:s14], $0x3E80  }
0xb1: {  	[sflag:s14] =	ssyncset.done $0x0  }
0xb2: {  	[sflag:s14] =	ssyncadd.s32 $0xFFFFC180  }
0xb3: {  	[tilespmem:s13], [sflag:$0x1] =	stream.indirect.gather [hbm4b:s4+s18], $0x80, s12, s18, $0xb8;
	[tilespmem:$0x1CC00] =	vst v63  }
0xb4: {  	_ =	swait.ge [sflag:s16], $0x3E80  }
0xb5: {  	[sflag:s16] =	ssyncset.done $0x0  }
0xb6: {  	[sflag:s16] =	ssyncadd.s32 $0xFFFFC180  }
0xb7: {  	[spmem:s2] =	stream.indirect.scatter.add.f32 [tilespmem:s25], [sflag:$0x3], $0x80, s19, s18, $0xb8;
	[tilespmem:$0x1CC00] =	vst v63  }
0xb8: {  	_ =	swait.ge [sflag:s14], $0x3E80  }
0xb9: {  	[sflag:s14] =	ssyncset.done $0x0  }
0xba: {  	[sflag:s14] =	ssyncadd.s32 $0xFFFFC180  }
0xbb: {  	[tilespmem:s25], [sflag:$0x2] =	stream.indirect.gather [hbm4b:s4+s18], $0x80, s20, s18, $0xb8;
	[tilespmem:$0x1CC00] =	vst v63  }
0xbc: {  	_ =	swait.ge [sflag:s15], $0x3E80  }
0xbd: {  	[sflag:s15] =	ssyncset.done $0x0  }
0xbe: {  	[sflag:s15] =	ssyncadd.s32 $0xFFFFC180  }
0xbf: {  	[spmem:s2] =	stream.indirect.scatter.add.f32 [tilespmem:s13], [sflag:$0x3], $0x80, s21, s18, $0xb8;
	[tilespmem:$0x1CC00] =	vst v63  }
0xc0: {  	_ =	swait.ge [sflag:s14], $0x3E80  }
0xc1: {  	[sflag:s14] =	ssyncset.done $0x0  }
0xc2: {  	[sflag:s14] =	ssyncadd.s32 $0xFFFFC180  }
0xc3: {  	[tilespmem:s13], [sflag:$0x1] =	stream.indirect.gather [hbm4b:s4+s18], $0x80, s22, s18, $0xb8;
	[tilespmem:$0x1CC00] =	vst v63  }
0xc4: {  	_ =	swait.ge [sflag:s16], $0x3E80  }
0xc5: {  	[sflag:s16] =	ssyncset.done $0x0  }
0xc6: {  	[sflag:s16] =	ssyncadd.s32 $0xFFFFC180  }
0xc7: {  	[spmem:s2] =	stream.indirect.scatter.add.f32 [tilespmem:s25], [sflag:$0x3], $0x80, s23, s18, $0xb8;
	[tilespmem:$0x1CC00] =	vst v63  }
0xc8: {  	_ =	swait.ge [sflag:s14], $0x3E80  }
0xc9: {  	[sflag:s14] =	ssyncset.done $0x0  }
0xca: {  	[sflag:s14] =	ssyncadd.s32 $0xFFFFC180  }
0xcb: {  	[tilespmem:s25], [sflag:$0x2] =	stream.indirect.gather [hbm4b:s4+s18], $0x80, s24, s18, $0xb8;
	[tilespmem:$0x1CC00] =	vst v63  }
0xcc: {  	_ =	swait.ge [sflag:s15], $0x3E80  }
0xcd: {  	[sflag:s15] =	ssyncset.done $0x0  }
0xce: {  	[sflag:s15] =	ssyncadd.s32 $0xFFFFC180  }
0xcf: {  	[spmem:s2] =	stream.indirect.scatter.add.f32 [tilespmem:s13], [sflag:$0x3], $0x80, s6, s18, $0xb8;
	[tilespmem:$0x1CC00] =	vst v63  }
0xd0: {  	_ =	swait.ge [sflag:s14], $0x3E80  }
0xd1: {  	[sflag:s14] =	ssyncset.done $0x0  }
0xd2: {  	[sflag:s14] =	ssyncadd.s32 $0xFFFFC180  }
0xd3: {  	_ =	swait.ge [sflag:s16], $0x3E80  }
0xd4: {  	[sflag:s16] =	ssyncset.done $0x0  }
0xd5: {  	[sflag:s16] =	ssyncadd.s32 $0xFFFFC180  }
0xd6: {  	[spmem:s2] =	stream.indirect.scatter.add.f32 [tilespmem:s25], [sflag:$0x3], $0x80, s7, s18, $0xb8;
	[tilespmem:$0x1CC00] =	vst v63  }
0xd7: {  	s9 =	simm.s32 $0x100;
	_ =	swait.ge [sflag:s14], $0x3E80  }
0xd8: {  	s10 =	simm.s32 $0x200;
	s11 =	rddreg [dreg:$0x4];
	[sflag:s14] =	ssyncset.done $0x0  }
.LBB2_2:
0xd9: {  	[sflag:s14] =	ssyncadd.s32 $0xFFFFC180;
	s11 =	sadd.s32 s9, s11  }
0xda: {  	[tilespmem:s3], [sflag:$0x3] =	stream.linear.gather [hbm4b:s11+s3], $0x800, $0x38;
	[tilespmem:$0x1CC00] =	vst v63  }
0xdb: {  	_ =	swait.ge [sflag:s14], $0x800  }
0xdc: {  	s11 =	rddreg [dreg:$0x3];
	[sflag:s14] =	ssyncset.done $0x0  }
0xdd: {  	[sflag:s14] =	ssyncadd.s32 $0xFFFFF800;
	s11 =	sadd.s32 s9, s11  }
0xde: {  	[tilespmem:s17], [sflag:$0x3] =	stream.linear.gather [hbm4b:s11+s3], $0x800, $0x38;
	[tilespmem:$0x1CC00] =	vst v63  }
0xdf: {  	_ =	swait.ge [sflag:s14], $0x800  }
0xe0: {  	[sflag:s14] =	ssyncset.done $0x0  }
0xe1: {  	[sflag:s14] =	ssyncadd.s32 $0xFFFFF800  }
0xe2: {  	[tilespmem:s13], [sflag:$0x1] =	stream.indirect.gather [hbm4b:s4+s18], $0x80, s3, s18, $0xb8;
	[tilespmem:$0x1CC00] =	vst v63  }
0xe3: {  	s11 =	rddreg [dreg:$0x5]  }
0xe4: {  	[tilespmem:s25], [sflag:$0x2] =	stream.indirect.gather [hbm4b:s4+s18], $0x80, s11, s18, $0xb8;
	[tilespmem:$0x1CC00] =	vst v63  }
0xe5: {  	_ =	swait.ge [sflag:s15], $0x3E80  }
0xe6: {  	[sflag:s15] =	ssyncset.done $0x0  }
0xe7: {  	[sflag:s15] =	ssyncadd.s32 $0xFFFFC180  }
0xe8: {  	[spmem:s2] =	stream.indirect.scatter.add.f32 [tilespmem:s13], [sflag:$0x3], $0x80, s17, s18, $0xb8;
	[tilespmem:$0x1CC00] =	vst v63  }
0xe9: {  	_ =	swait.ge [sflag:s14], $0x3E80  }
0xea: {  	[sflag:s14] =	ssyncset.done $0x0  }
0xeb: {  	s11 =	rddreg [dreg:$0x6];
	[sflag:s14] =	ssyncadd.s32 $0xFFFFC180  }
0xec: {  	[tilespmem:s13], [sflag:$0x1] =	stream.indirect.gather [hbm4b:s4+s18], $0x80, s11, s18, $0xb8;
	[tilespmem:$0x1CC00] =	vst v63  }
0xed: {  	_ =	swait.ge [sflag:s16], $0x3E80  }
0xee: {  	[sflag:s16] =	ssyncset.done $0x0  }
0xef: {  	s11 =	rddreg [dreg:$0x7];
	[sflag:s16] =	ssyncadd.s32 $0xFFFFC180  }
0xf0: {  	[spmem:s2] =	stream.indirect.scatter.add.f32 [tilespmem:s25], [sflag:$0x3], $0x80, s11, s18, $0xb8;
	[tilespmem:$0x1CC00] =	vst v63  }
0xf1: {  	_ =	swait.ge [sflag:s14], $0x3E80  }
0xf2: {  	[sflag:s14] =	ssyncset.done $0x0  }
0xf3: {  	s11 =	rddreg [dreg:$0x8];
	[sflag:s14] =	ssyncadd.s32 $0xFFFFC180  }
0xf4: {  	[tilespmem:s25], [sflag:$0x2] =	stream.indirect.gather [hbm4b:s4+s18], $0x80, s11, s18, $0xb8;
	[tilespmem:$0x1CC00] =	vst v63  }
0xf5: {  	_ =	swait.ge [sflag:s15], $0x3E80  }
0xf6: {  	[sflag:s15] =	ssyncset.done $0x0  }
0xf7: {  	s11 =	rddreg [dreg:$0x9];
	[sflag:s15] =	ssyncadd.s32 $0xFFFFC180  }
0xf8: {  	[spmem:s2] =	stream.indirect.scatter.add.f32 [tilespmem:s13], [sflag:$0x3], $0x80, s11, s18, $0xb8;
	[tilespmem:$0x1CC00] =	vst v63  }
0xf9: {  	_ =	swait.ge [sflag:s14], $0x3E80  }
0xfa: {  	[sflag:s14] =	ssyncset.done $0x0  }
0xfb: {  	s11 =	rddreg [dreg:$0xa];
	[sflag:s14] =	ssyncadd.s32 $0xFFFFC180  }
0xfc: {  	[tilespmem:s13], [sflag:$0x1] =	stream.indirect.gather [hbm4b:s4+s18], $0x80, s11, s18, $0xb8;
	[tilespmem:$0x1CC00] =	vst v63  }
0xfd: {  	_ =	swait.ge [sflag:s16], $0x3E80  }
0xfe: {  	[sflag:s16] =	ssyncset.done $0x0  }
0xff: {  	s11 =	rddreg [dreg:$0xb];
	[sflag:s16] =	ssyncadd.s32 $0xFFFFC180  }
0x100: {  	[spmem:s2] =	stream.indirect.scatter.add.f32 [tilespmem:s25], [sflag:$0x3], $0x80, s11, s18, $0xb8;
	[tilespmem:$0x1CC00] =	vst v63  }
0x101: {  	_ =	swait.ge [sflag:s14], $0x3E80  }
0x102: {  	[sflag:s14] =	ssyncset.done $0x0  }
0x103: {  	s11 =	rddreg [dreg:$0xc];
	[sflag:s14] =	ssyncadd.s32 $0xFFFFC180  }
0x104: {  	[tilespmem:s25], [sflag:$0x2] =	stream.indirect.gather [hbm4b:s4+s18], $0x80, s11, s18, $0xb8;
	[tilespmem:$0x1CC00] =	vst v63  }
0x105: {  	_ =	swait.ge [sflag:s15], $0x3E80  }
0x106: {  	[sflag:s15] =	ssyncset.done $0x0  }
0x107: {  	s11 =	rddreg [dreg:$0xd];
	[sflag:s15] =	ssyncadd.s32 $0xFFFFC180  }
0x108: {  	[spmem:s2] =	stream.indirect.scatter.add.f32 [tilespmem:s13], [sflag:$0x3], $0x80, s11, s18, $0xb8;
	[tilespmem:$0x1CC00] =	vst v63  }
0x109: {  	_ =	swait.ge [sflag:s14], $0x3E80  }
0x10a: {  	[sflag:s14] =	ssyncset.done $0x0  }
0x10b: {  	s11 =	rddreg [dreg:$0xe];
	[sflag:s14] =	ssyncadd.s32 $0xFFFFC180  }
0x10c: {  	[tilespmem:s13], [sflag:$0x1] =	stream.indirect.gather [hbm4b:s4+s18], $0x80, s11, s18, $0xb8;
	[tilespmem:$0x1CC00] =	vst v63  }
0x10d: {  	_ =	swait.ge [sflag:s16], $0x3E80  }
0x10e: {  	[sflag:s16] =	ssyncset.done $0x0  }
0x10f: {  	s11 =	rddreg [dreg:$0xf];
	[sflag:s16] =	ssyncadd.s32 $0xFFFFC180  }
0x110: {  	[spmem:s2] =	stream.indirect.scatter.add.f32 [tilespmem:s25], [sflag:$0x3], $0x80, s11, s18, $0xb8;
	[tilespmem:$0x1CC00] =	vst v63  }
0x111: {  	_ =	swait.ge [sflag:s14], $0x3E80  }
0x112: {  	[sflag:s14] =	ssyncset.done $0x0  }
0x113: {  	s11 =	rddreg [dreg:$0x10];
	[sflag:s14] =	ssyncadd.s32 $0xFFFFC180  }
0x114: {  	[tilespmem:s25], [sflag:$0x2] =	stream.indirect.gather [hbm4b:s4+s18], $0x80, s11, s18, $0xb8;
	[tilespmem:$0x1CC00] =	vst v63  }
0x115: {  	_ =	swait.ge [sflag:s15], $0x3E80  }
0x116: {  	[sflag:s15] =	ssyncset.done $0x0  }
0x117: {  	s11 =	rddreg [dreg:$0x11];
	[sflag:s15] =	ssyncadd.s32 $0xFFFFC180  }
0x118: {  	[spmem:s2] =	stream.indirect.scatter.add.f32 [tilespmem:s13], [sflag:$0x3], $0x80, s11, s18, $0xb8;
	[tilespmem:$0x1CC00] =	vst v63  }
0x119: {  	_ =	swait.ge [sflag:s14], $0x3E80  }
0x11a: {  	[sflag:s14] =	ssyncset.done $0x0  }
0x11b: {  	[sflag:s14] =	ssyncadd.s32 $0xFFFFC180  }
0x11c: {  	[tilespmem:s13], [sflag:$0x1] =	stream.indirect.gather [hbm4b:s4+s18], $0x80, s26, s18, $0xb8;
	[tilespmem:$0x1CC00] =	vst v63  }
0x11d: {  	_ =	swait.ge [sflag:s16], $0x3E80  }
0x11e: {  	[sflag:s16] =	ssyncset.done $0x0  }
0x11f: {  	[sflag:s16] =	ssyncadd.s32 $0xFFFFC180  }
0x120: {  	[spmem:s2] =	stream.indirect.scatter.add.f32 [tilespmem:s25], [sflag:$0x3], $0x80, s28, s18, $0xb8;
	[tilespmem:$0x1CC00] =	vst v63  }
0x121: {  	_ =	swait.ge [sflag:s14], $0x3E80  }
0x122: {  	[sflag:s14] =	ssyncset.done $0x0  }
0x123: {  	[sflag:s14] =	ssyncadd.s32 $0xFFFFC180  }
0x124: {  	[tilespmem:s25], [sflag:$0x2] =	stream.indirect.gather [hbm4b:s4+s18], $0x80, s29, s18, $0xb8;
	[tilespmem:$0x1CC00] =	vst v63  }
0x125: {  	_ =	swait.ge [sflag:s15], $0x3E80  }
0x126: {  	[sflag:s15] =	ssyncset.done $0x0  }
0x127: {  	[sflag:s15] =	ssyncadd.s32 $0xFFFFC180  }
0x128: {  	[spmem:s2] =	stream.indirect.scatter.add.f32 [tilespmem:s13], [sflag:$0x3], $0x80, s30, s18, $0xb8;
	[tilespmem:$0x1CC00] =	vst v63  }
0x129: {  	_ =	swait.ge [sflag:s14], $0x3E80  }
0x12a: {  	[sflag:s14] =	ssyncset.done $0x0  }
0x12b: {  	[sflag:s14] =	ssyncadd.s32 $0xFFFFC180  }
0x12c: {  	[tilespmem:s13], [sflag:$0x1] =	stream.indirect.gather [hbm4b:s4+s18], $0x80, s31, s18, $0xb8;
	[tilespmem:$0x1CC00] =	vst v63  }
0x12d: {  	_ =	swait.ge [sflag:s16], $0x3E80  }
0x12e: {  	[sflag:s16] =	ssyncset.done $0x0  }
0x12f: {  	[sflag:s16] =	ssyncadd.s32 $0xFFFFC180  }
0x130: {  	[spmem:s2] =	stream.indirect.scatter.add.f32 [tilespmem:s25], [sflag:$0x3], $0x80, s1, s18, $0xb8;
	[tilespmem:$0x1CC00] =	vst v63  }
0x131: {  	_ =	swait.ge [sflag:s14], $0x3E80  }
0x132: {  	[sflag:s14] =	ssyncset.done $0x0  }
0x133: {  	[sflag:s14] =	ssyncadd.s32 $0xFFFFC180  }
0x134: {  	[tilespmem:s25], [sflag:$0x2] =	stream.indirect.gather [hbm4b:s4+s18], $0x80, s0, s18, $0xb8;
	[tilespmem:$0x1CC00] =	vst v63  }
0x135: {  	_ =	swait.ge [sflag:s15], $0x3E80  }
0x136: {  	[sflag:s15] =	ssyncset.done $0x0  }
0x137: {  	[sflag:s15] =	ssyncadd.s32 $0xFFFFC180  }
0x138: {  	[spmem:s2] =	stream.indirect.scatter.add.f32 [tilespmem:s13], [sflag:$0x3], $0x80, s5, s18, $0xb8;
	[tilespmem:$0x1CC00] =	vst v63  }
0x139: {  	_ =	swait.ge [sflag:s14], $0x3E80  }
0x13a: {  	[sflag:s14] =	ssyncset.done $0x0  }
0x13b: {  	[sflag:s14] =	ssyncadd.s32 $0xFFFFC180  }
0x13c: {  	[tilespmem:s13], [sflag:$0x1] =	stream.indirect.gather [hbm4b:s4+s18], $0x80, s12, s18, $0xb8;
	[tilespmem:$0x1CC00] =	vst v63  }
0x13d: {  	_ =	swait.ge [sflag:s16], $0x3E80  }
0x13e: {  	[sflag:s16] =	ssyncset.done $0x0  }
0x13f: {  	[sflag:s16] =	ssyncadd.s32 $0xFFFFC180  }
0x140: {  	[spmem:s2] =	stream.indirect.scatter.add.f32 [tilespmem:s25], [sflag:$0x3], $0x80, s19, s18, $0xb8;
	[tilespmem:$0x1CC00] =	vst v63  }
0x141: {  	_ =	swait.ge [sflag:s14], $0x3E80  }
0x142: {  	[sflag:s14] =	ssyncset.done $0x0  }
0x143: {  	[sflag:s14] =	ssyncadd.s32 $0xFFFFC180  }
0x144: {  	[tilespmem:s25], [sflag:$0x2] =	stream.indirect.gather [hbm4b:s4+s18], $0x80, s20, s18, $0xb8;
	[tilespmem:$0x1CC00] =	vst v63  }
0x145: {  	_ =	swait.ge [sflag:s15], $0x3E80  }
0x146: {  	[sflag:s15] =	ssyncset.done $0x0  }
0x147: {  	[sflag:s15] =	ssyncadd.s32 $0xFFFFC180  }
0x148: {  	[spmem:s2] =	stream.indirect.scatter.add.f32 [tilespmem:s13], [sflag:$0x3], $0x80, s21, s18, $0xb8;
	[tilespmem:$0x1CC00] =	vst v63  }
0x149: {  	_ =	swait.ge [sflag:s14], $0x3E80  }
0x14a: {  	[sflag:s14] =	ssyncset.done $0x0  }
0x14b: {  	[sflag:s14] =	ssyncadd.s32 $0xFFFFC180  }
0x14c: {  	[tilespmem:s13], [sflag:$0x1] =	stream.indirect.gather [hbm4b:s4+s18], $0x80, s22, s18, $0xb8;
	[tilespmem:$0x1CC00] =	vst v63  }
0x14d: {  	_ =	swait.ge [sflag:s16], $0x3E80  }
0x14e: {  	[sflag:s16] =	ssyncset.done $0x0  }
0x14f: {  	[sflag:s16] =	ssyncadd.s32 $0xFFFFC180  }
0x150: {  	[spmem:s2] =	stream.indirect.scatter.add.f32 [tilespmem:s25], [sflag:$0x3], $0x80, s23, s18, $0xb8;
	[tilespmem:$0x1CC00] =	vst v63  }
0x151: {  	_ =	swait.ge [sflag:s14], $0x3E80  }
0x152: {  	[sflag:s14] =	ssyncset.done $0x0  }
0x153: {  	[sflag:s14] =	ssyncadd.s32 $0xFFFFC180  }
0x154: {  	[tilespmem:s25], [sflag:$0x2] =	stream.indirect.gather [hbm4b:s4+s18], $0x80, s24, s18, $0xb8;
	[tilespmem:$0x1CC00] =	vst v63  }
0x155: {  	_ =	swait.ge [sflag:s15], $0x3E80  }
0x156: {  	[sflag:s15] =	ssyncset.done $0x0  }
0x157: {  	[sflag:s15] =	ssyncadd.s32 $0xFFFFC180  }
0x158: {  	[spmem:s2] =	stream.indirect.scatter.add.f32 [tilespmem:s13], [sflag:$0x3], $0x80, s6, s18, $0xb8;
	[tilespmem:$0x1CC00] =	vst v63  }
0x159: {  	_ =	swait.ge [sflag:s14], $0x3E80  }
0x15a: {  	[sflag:s14] =	ssyncset.done $0x0  }
0x15b: {  	[sflag:s14] =	ssyncadd.s32 $0xFFFFC180  }
0x15c: {  	p0 =	sne.s32 s10, $0x400;
	_ =	swait.ge [sflag:s16], $0x3E80  }
.Ltmp0:
0x15d: {  	[sflag:s16] =	ssyncset.done $0x0;
	(pc) =	sbr.rel @p0 .LBB2_2-.Ltmp0, $4  }
0x15e: {  	[sflag:s16] =	ssyncadd.s32 $0xFFFFC180  }
0x15f: {  	[spmem:s2] =	stream.indirect.scatter.add.f32 [tilespmem:s25], [sflag:$0x3], $0x80, s7, s18, $0xb8;
	[tilespmem:$0x1CC00] =	vst v63  }
0x160: {  	s8 =	smov.u32 s10;
	s10 =	sadd.s32 $0x100, s10;
	_ =	swait.ge [sflag:s14], $0x3E80  }
0x161: {  	s9 =	smov.u32 s8;
	s11 =	rddreg [dreg:$0x4];
	[sflag:s14] =	ssyncset.done $0x0  }
0x162: {  	[sflag:s14] =	ssyncadd.s32 $0xFFFFC180;
	s8 =	sadd.s32 s9, s11  }
0x163: {  	[tilespmem:s3], [sflag:$0x3] =	stream.linear.gather [hbm4b:s8+s3], $0x800, $0x38;
	[tilespmem:$0x1CC00] =	vst v63  }
0x164: {  	_ =	swait.ge [sflag:s14], $0x800  }
0x165: {  	s10 =	rddreg [dreg:$0x3];
	[sflag:s14] =	ssyncset.done $0x0  }
0x166: {  	s8 =	sadd.s32 s9, s10;
	[sflag:s14] =	ssyncadd.s32 $0xFFFFF800  }
0x167: {  	[tilespmem:s17], [sflag:$0x3] =	stream.linear.gather [hbm4b:s8+s3], $0x800, $0x38;
	[tilespmem:$0x1CC00] =	vst v63  }
0x168: {  	_ =	swait.ge [sflag:s14], $0x800  }
0x169: {  	[sflag:s14] =	ssyncset.done $0x0  }
0x16a: {  	[sflag:s14] =	ssyncadd.s32 $0xFFFFF800  }
0x16b: {  	[tilespmem:s13], [sflag:$0x1] =	stream.indirect.gather [hbm4b:s4+s18], $0x80, s3, s18, $0xb8;
	[tilespmem:$0x1CC00] =	vst v63  }
0x16c: {  	s11 =	rddreg [dreg:$0x5]  }
0x16d: {  	[tilespmem:s25], [sflag:$0x2] =	stream.indirect.gather [hbm4b:s4+s18], $0x80, s11, s18, $0xb8;
	[tilespmem:$0x1CC00] =	vst v63  }
0x16e: {  	_ =	swait.ge [sflag:s15], $0x3E80  }
0x16f: {  	[sflag:s15] =	ssyncset.done $0x0  }
0x170: {  	[sflag:s15] =	ssyncadd.s32 $0xFFFFC180  }
0x171: {  	[spmem:s2] =	stream.indirect.scatter.add.f32 [tilespmem:s13], [sflag:$0x3], $0x80, s17, s18, $0xb8;
	[tilespmem:$0x1CC00] =	vst v63  }
0x172: {  	_ =	swait.ge [sflag:s14], $0x3E80  }
0x173: {  	[sflag:s14] =	ssyncset.done $0x0  }
0x174: {  	s9 =	rddreg [dreg:$0x6];
	[sflag:s14] =	ssyncadd.s32 $0xFFFFC180  }
0x175: {  	[tilespmem:s13], [sflag:$0x1] =	stream.indirect.gather [hbm4b:s4+s18], $0x80, s9, s18, $0xb8;
	[tilespmem:$0x1CC00] =	vst v63  }
0x176: {  	_ =	swait.ge [sflag:s16], $0x3E80  }
0x177: {  	[sflag:s16] =	ssyncset.done $0x0  }
0x178: {  	s10 =	rddreg [dreg:$0x7];
	[sflag:s16] =	ssyncadd.s32 $0xFFFFC180  }
0x179: {  	[spmem:s2] =	stream.indirect.scatter.add.f32 [tilespmem:s25], [sflag:$0x3], $0x80, s10, s18, $0xb8;
	[tilespmem:$0x1CC00] =	vst v63  }
0x17a: {  	_ =	swait.ge [sflag:s14], $0x3E80  }
0x17b: {  	[sflag:s14] =	ssyncset.done $0x0  }
0x17c: {  	s11 =	rddreg [dreg:$0x8];
	[sflag:s14] =	ssyncadd.s32 $0xFFFFC180  }
0x17d: {  	[tilespmem:s25], [sflag:$0x2] =	stream.indirect.gather [hbm4b:s4+s18], $0x80, s11, s18, $0xb8;
	[tilespmem:$0x1CC00] =	vst v63  }
0x17e: {  	_ =	swait.ge [sflag:s15], $0x3E80  }
0x17f: {  	[sflag:s15] =	ssyncset.done $0x0  }
0x180: {  	s9 =	rddreg [dreg:$0x9];
	[sflag:s15] =	ssyncadd.s32 $0xFFFFC180  }
0x181: {  	[spmem:s2] =	stream.indirect.scatter.add.f32 [tilespmem:s13], [sflag:$0x3], $0x80, s9, s18, $0xb8;
	[tilespmem:$0x1CC00] =	vst v63  }
0x182: {  	_ =	swait.ge [sflag:s14], $0x3E80  }
0x183: {  	[sflag:s14] =	ssyncset.done $0x0  }
0x184: {  	s10 =	rddreg [dreg:$0xa];
	[sflag:s14] =	ssyncadd.s32 $0xFFFFC180  }
0x185: {  	[tilespmem:s13], [sflag:$0x1] =	stream.indirect.gather [hbm4b:s4+s18], $0x80, s10, s18, $0xb8;
	[tilespmem:$0x1CC00] =	vst v63  }
0x186: {  	_ =	swait.ge [sflag:s16], $0x3E80  }
0x187: {  	[sflag:s16] =	ssyncset.done $0x0  }
0x188: {  	s11 =	rddreg [dreg:$0xb];
	[sflag:s16] =	ssyncadd.s32 $0xFFFFC180  }
0x189: {  	[spmem:s2] =	stream.indirect.scatter.add.f32 [tilespmem:s25], [sflag:$0x3], $0x80, s11, s18, $0xb8;
	[tilespmem:$0x1CC00] =	vst v63  }
0x18a: {  	_ =	swait.ge [sflag:s14], $0x3E80  }
0x18b: {  	[sflag:s14] =	ssyncset.done $0x0  }
0x18c: {  	s9 =	rddreg [dreg:$0xc];
	[sflag:s14] =	ssyncadd.s32 $0xFFFFC180  }
0x18d: {  	[tilespmem:s25], [sflag:$0x2] =	stream.indirect.gather [hbm4b:s4+s18], $0x80, s9, s18, $0xb8;
	[tilespmem:$0x1CC00] =	vst v63  }
0x18e: {  	_ =	swait.ge [sflag:s15], $0x3E80  }
0x18f: {  	[sflag:s15] =	ssyncset.done $0x0  }
0x190: {  	s10 =	rddreg [dreg:$0xd];
	[sflag:s15] =	ssyncadd.s32 $0xFFFFC180  }
0x191: {  	[spmem:s2] =	stream.indirect.scatter.add.f32 [tilespmem:s13], [sflag:$0x3], $0x80, s10, s18, $0xb8;
	[tilespmem:$0x1CC00] =	vst v63  }
0x192: {  	_ =	swait.ge [sflag:s14], $0x3E80  }
0x193: {  	[sflag:s14] =	ssyncset.done $0x0  }
0x194: {  	s11 =	rddreg [dreg:$0xe];
	[sflag:s14] =	ssyncadd.s32 $0xFFFFC180  }
0x195: {  	[tilespmem:s13], [sflag:$0x1] =	stream.indirect.gather [hbm4b:s4+s18], $0x80, s11, s18, $0xb8;
	[tilespmem:$0x1CC00] =	vst v63  }
0x196: {  	_ =	swait.ge [sflag:s16], $0x3E80  }
0x197: {  	[sflag:s16] =	ssyncset.done $0x0  }
0x198: {  	s9 =	rddreg [dreg:$0xf];
	[sflag:s16] =	ssyncadd.s32 $0xFFFFC180  }
0x199: {  	[spmem:s2] =	stream.indirect.scatter.add.f32 [tilespmem:s25], [sflag:$0x3], $0x80, s9, s18, $0xb8;
	[tilespmem:$0x1CC00] =	vst v63  }
0x19a: {  	_ =	swait.ge [sflag:s14], $0x3E80  }
0x19b: {  	[sflag:s14] =	ssyncset.done $0x0  }
0x19c: {  	s10 =	rddreg [dreg:$0x10];
	[sflag:s14] =	ssyncadd.s32 $0xFFFFC180  }
0x19d: {  	[tilespmem:s25], [sflag:$0x2] =	stream.indirect.gather [hbm4b:s4+s18], $0x80, s10, s18, $0xb8;
	[tilespmem:$0x1CC00] =	vst v63  }
0x19e: {  	_ =	swait.ge [sflag:s15], $0x3E80  }
0x19f: {  	[sflag:s15] =	ssyncset.done $0x0  }
0x1a0: {  	s11 =	rddreg [dreg:$0x11];
	[sflag:s15] =	ssyncadd.s32 $0xFFFFC180  }
0x1a1: {  	[spmem:s2] =	stream.indirect.scatter.add.f32 [tilespmem:s13], [sflag:$0x3], $0x80, s11, s18, $0xb8;
	[tilespmem:$0x1CC00] =	vst v63  }
0x1a2: {  	_ =	swait.ge [sflag:s14], $0x3E80  }
0x1a3: {  	[sflag:s14] =	ssyncset.done $0x0  }
0x1a4: {  	[sflag:s14] =	ssyncadd.s32 $0xFFFFC180  }
0x1a5: {  	[tilespmem:s13], [sflag:$0x1] =	stream.indirect.gather [hbm4b:s4+s18], $0x80, s26, s18, $0xb8;
	[tilespmem:$0x1CC00] =	vst v63  }
0x1a6: {  	_ =	swait.ge [sflag:s16], $0x3E80  }
0x1a7: {  	[sflag:s16] =	ssyncset.done $0x0  }
0x1a8: {  	[sflag:s16] =	ssyncadd.s32 $0xFFFFC180  }
0x1a9: {  	[spmem:s2] =	stream.indirect.scatter.add.f32 [tilespmem:s25], [sflag:$0x3], $0x80, s28, s18, $0xb8;
	[tilespmem:$0x1CC00] =	vst v63  }
0x1aa: {  	_ =	swait.ge [sflag:s14], $0x3E80  }
0x1ab: {  	[sflag:s14] =	ssyncset.done $0x0  }
0x1ac: {  	[sflag:s14] =	ssyncadd.s32 $0xFFFFC180  }
0x1ad: {  	[tilespmem:s25], [sflag:$0x2] =	stream.indirect.gather [hbm4b:s4+s18], $0x80, s29, s18, $0xb8;
	[tilespmem:$0x1CC00] =	vst v63  }
0x1ae: {  	_ =	swait.ge [sflag:s15], $0x3E80  }
0x1af: {  	[sflag:s15] =	ssyncset.done $0x0  }
0x1b0: {  	[sflag:s15] =	ssyncadd.s32 $0xFFFFC180  }
0x1b1: {  	[spmem:s2] =	stream.indirect.scatter.add.f32 [tilespmem:s13], [sflag:$0x3], $0x80, s30, s18, $0xb8;
	[tilespmem:$0x1CC00] =	vst v63  }
0x1b2: {  	_ =	swait.ge [sflag:s14], $0x3E80  }
0x1b3: {  	[sflag:s14] =	ssyncset.done $0x0  }
0x1b4: {  	[sflag:s14] =	ssyncadd.s32 $0xFFFFC180  }
0x1b5: {  	[tilespmem:s13], [sflag:$0x1] =	stream.indirect.gather [hbm4b:s4+s18], $0x80, s31, s18, $0xb8;
	[tilespmem:$0x1CC00] =	vst v63  }
0x1b6: {  	_ =	swait.ge [sflag:s16], $0x3E80  }
0x1b7: {  	[sflag:s16] =	ssyncset.done $0x0  }
0x1b8: {  	[sflag:s16] =	ssyncadd.s32 $0xFFFFC180  }
0x1b9: {  	[spmem:s2] =	stream.indirect.scatter.add.f32 [tilespmem:s25], [sflag:$0x3], $0x80, s1, s18, $0xb8;
	[tilespmem:$0x1CC00] =	vst v63  }
0x1ba: {  	_ =	swait.ge [sflag:s14], $0x3E80  }
0x1bb: {  	[sflag:s14] =	ssyncset.done $0x0  }
0x1bc: {  	[sflag:s14] =	ssyncadd.s32 $0xFFFFC180  }
0x1bd: {  	[tilespmem:s25], [sflag:$0x2] =	stream.indirect.gather [hbm4b:s4+s18], $0x80, s0, s18, $0xb8;
	[tilespmem:$0x1CC00] =	vst v63  }
0x1be: {  	_ =	swait.ge [sflag:s15], $0x3E80  }
0x1bf: {  	[sflag:s15] =	ssyncset.done $0x0  }
0x1c0: {  	[sflag:s15] =	ssyncadd.s32 $0xFFFFC180  }
0x1c1: {  	[spmem:s2] =	stream.indirect.scatter.add.f32 [tilespmem:s13], [sflag:$0x3], $0x80, s5, s18, $0xb8;
	[tilespmem:$0x1CC00] =	vst v63  }
0x1c2: {  	_ =	swait.ge [sflag:s14], $0x3E80  }
0x1c3: {  	[sflag:s14] =	ssyncset.done $0x0  }
0x1c4: {  	[sflag:s14] =	ssyncadd.s32 $0xFFFFC180  }
0x1c5: {  	[tilespmem:s13], [sflag:$0x1] =	stream.indirect.gather [hbm4b:s4+s18], $0x80, s12, s18, $0xb8;
	[tilespmem:$0x1CC00] =	vst v63  }
0x1c6: {  	_ =	swait.ge [sflag:s16], $0x3E80  }
0x1c7: {  	[sflag:s16] =	ssyncset.done $0x0  }
0x1c8: {  	[sflag:s16] =	ssyncadd.s32 $0xFFFFC180  }
0x1c9: {  	[spmem:s2] =	stream.indirect.scatter.add.f32 [tilespmem:s25], [sflag:$0x3], $0x80, s19, s18, $0xb8;
	[tilespmem:$0x1CC00] =	vst v63  }
0x1ca: {  	_ =	swait.ge [sflag:s14], $0x3E80  }
0x1cb: {  	[sflag:s14] =	ssyncset.done $0x0  }
0x1cc: {  	[sflag:s14] =	ssyncadd.s32 $0xFFFFC180  }
0x1cd: {  	[tilespmem:s25], [sflag:$0x2] =	stream.indirect.gather [hbm4b:s4+s18], $0x80, s20, s18, $0xb8;
	[tilespmem:$0x1CC00] =	vst v63  }
0x1ce: {  	_ =	swait.ge [sflag:s15], $0x3E80  }
0x1cf: {  	[sflag:s15] =	ssyncset.done $0x0  }
0x1d0: {  	[sflag:s15] =	ssyncadd.s32 $0xFFFFC180  }
0x1d1: {  	[spmem:s2] =	stream.indirect.scatter.add.f32 [tilespmem:s13], [sflag:$0x3], $0x80, s21, s18, $0xb8;
	[tilespmem:$0x1CC00] =	vst v63  }
0x1d2: {  	_ =	swait.ge [sflag:s14], $0x3E80  }
0x1d3: {  	[sflag:s14] =	ssyncset.done $0x0  }
0x1d4: {  	[sflag:s14] =	ssyncadd.s32 $0xFFFFC180  }
0x1d5: {  	[tilespmem:s13], [sflag:$0x1] =	stream.indirect.gather [hbm4b:s4+s18], $0x80, s22, s18, $0xb8;
	[tilespmem:$0x1CC00] =	vst v63  }
0x1d6: {  	_ =	swait.ge [sflag:s16], $0x3E80  }
0x1d7: {  	[sflag:s16] =	ssyncset.done $0x0  }
0x1d8: {  	[sflag:s16] =	ssyncadd.s32 $0xFFFFC180  }
0x1d9: {  	[spmem:s2] =	stream.indirect.scatter.add.f32 [tilespmem:s25], [sflag:$0x3], $0x80, s23, s18, $0xb8;
	[tilespmem:$0x1CC00] =	vst v63  }
0x1da: {  	_ =	swait.ge [sflag:s14], $0x3E80  }
0x1db: {  	[sflag:s14] =	ssyncset.done $0x0  }
0x1dc: {  	[sflag:s14] =	ssyncadd.s32 $0xFFFFC180  }
0x1dd: {  	[tilespmem:s25], [sflag:$0x2] =	stream.indirect.gather [hbm4b:s4+s18], $0x80, s24, s18, $0xb8;
	[tilespmem:$0x1CC00] =	vst v63  }
0x1de: {  	_ =	swait.ge [sflag:s15], $0x3E80  }
0x1df: {  	[sflag:s15] =	ssyncset.done $0x0  }
0x1e0: {  	[sflag:s15] =	ssyncadd.s32 $0xFFFFC180  }
0x1e1: {  	[spmem:s2] =	stream.indirect.scatter.add.f32 [tilespmem:s13], [sflag:$0x3], $0x80, s6, s18, $0xb8;
	[tilespmem:$0x1CC00] =	vst v63  }
0x1e2: {  	_ =	swait.ge [sflag:s14], $0x3E80  }
0x1e3: {  	[sflag:s14] =	ssyncset.done $0x0  }
0x1e4: {  	[sflag:s14] =	ssyncadd.s32 $0xFFFFC180  }
0x1e5: {  	_ =	swait.ge [sflag:s16], $0x3E80  }
0x1e6: {  	[sflag:s16] =	ssyncset.done $0x0  }
0x1e7: {  	[sflag:s16] =	ssyncadd.s32 $0xFFFFC180  }
0x1e8: {  	[spmem:s2] =	stream.indirect.scatter.add.f32 [tilespmem:s25], [sflag:$0x3], $0x80, s7, s18, $0xb8;
	[tilespmem:$0x1CC00] =	vst v63  }
0x1e9: {  	_ =	swait.ge [sflag:s14], $0x3E80  }
0x1ea: {  	[sflag:s14] =	ssyncset.done $0x0  }
0x1eb: {  	[sflag:s14] =	ssyncadd.s32 $0xFFFFC180  }
0x1ec: {  	[bflag:$0x0] =	sbarrier.arrive $0xFFFF  }
0x1ed: {  	s9 =	rddreg [dreg:$0x13]  }
0x1ee: {  	[tilespmem:s13], [sflag:$0x3] =	stream.linear.gather [spmem:s9], $0x3C00, $0x38;
	[tilespmem:$0x1CC00] =	vst v63  }
0x1ef: {  	_ =	swait.ge [sflag:s14], $0x3C00  }
0x1f0: {  	[sflag:s14] =	ssyncset.done $0x0  }
0x1f1: {  	s10 =	rddreg [dreg:$0x1a];
	[sflag:s14] =	ssyncadd.s32 $0xFFFFC400  }
0x1f2: {  	[hbm4b:s10+s3] =	stream.linear.scatter [tilespmem:s13], [sflag:$0x1], $0x3C00, $0x38;
	[tilespmem:$0x1CC00] =	vst v63  }
0x1f3: {  	s10 =	rddreg [dreg:$0x14]  }
0x1f4: {  	[tilespmem:s25], [sflag:$0x3] =	stream.linear.gather [spmem:s10], $0x3C00, $0x38;
	[tilespmem:$0x1CC00] =	vst v63  }
0x1f5: {  	_ =	swait.ge [sflag:s14], $0x3C00  }
0x1f6: {  	[sflag:s14] =	ssyncset.done $0x0  }
0x1f7: {  	s11 =	rddreg [dreg:$0x1b];
	[sflag:s14] =	ssyncadd.s32 $0xFFFFC400  }
0x1f8: {  	[hbm4b:s11+s3] =	stream.linear.scatter [tilespmem:s25], [sflag:$0x2], $0x3C00, $0x38;
	[tilespmem:$0x1CC00] =	vst v63  }
0x1f9: {  	_ =	swait.ge [sflag:s15], $0x3C00  }
0x1fa: {  	[sflag:s15] =	ssyncset.done $0x0  }
0x1fb: {  	s11 =	rddreg [dreg:$0x15];
	[sflag:s15] =	ssyncadd.s32 $0xFFFFC400  }
0x1fc: {  	[tilespmem:s13], [sflag:$0x3] =	stream.linear.gather [spmem:s11], $0x3C00, $0x38;
	[tilespmem:$0x1CC00] =	vst v63  }
0x1fd: {  	_ =	swait.ge [sflag:s14], $0x3C00  }
0x1fe: {  	[sflag:s14] =	ssyncset.done $0x0  }
0x1ff: {  	s9 =	rddreg [dreg:$0x1c];
	[sflag:s14] =	ssyncadd.s32 $0xFFFFC400  }
0x200: {  	[hbm4b:s9+s3] =	stream.linear.scatter [tilespmem:s13], [sflag:$0x1], $0x3C00, $0x38;
	[tilespmem:$0x1CC00] =	vst v63  }
0x201: {  	_ =	swait.ge [sflag:s16], $0x3C00  }
0x202: {  	[sflag:s16] =	ssyncset.done $0x0  }
0x203: {  	s9 =	rddreg [dreg:$0x16];
	[sflag:s16] =	ssyncadd.s32 $0xFFFFC400  }
0x204: {  	[tilespmem:s25], [sflag:$0x3] =	stream.linear.gather [spmem:s9], $0x3C00, $0x38;
	[tilespmem:$0x1CC00] =	vst v63  }
0x205: {  	_ =	swait.ge [sflag:s14], $0x3C00  }
0x206: {  	[sflag:s14] =	ssyncset.done $0x0  }
0x207: {  	s9 =	rddreg [dreg:$0x1d];
	[sflag:s14] =	ssyncadd.s32 $0xFFFFC400  }
0x208: {  	[hbm4b:s9+s3] =	stream.linear.scatter [tilespmem:s25], [sflag:$0x2], $0x3C00, $0x38;
	[tilespmem:$0x1CC00] =	vst v63  }
0x209: {  	_ =	swait.ge [sflag:s15], $0x3C00  }
0x20a: {  	[sflag:s15] =	ssyncset.done $0x0  }
0x20b: {  	s9 =	rddreg [dreg:$0x17];
	[sflag:s15] =	ssyncadd.s32 $0xFFFFC400  }
0x20c: {  	[tilespmem:s13], [sflag:$0x3] =	stream.linear.gather [spmem:s9], $0x3C00, $0x38;
	[tilespmem:$0x1CC00] =	vst v63  }
0x20d: {  	_ =	swait.ge [sflag:s14], $0x3C00  }
0x20e: {  	[sflag:s14] =	ssyncset.done $0x0  }
0x20f: {  	s9 =	rddreg [dreg:$0x1e];
	[sflag:s14] =	ssyncadd.s32 $0xFFFFC400  }
0x210: {  	[hbm4b:s9+s3] =	stream.linear.scatter [tilespmem:s13], [sflag:$0x1], $0x3C00, $0x38;
	[tilespmem:$0x1CC00] =	vst v63  }
0x211: {  	_ =	swait.ge [sflag:s16], $0x3C00  }
0x212: {  	[sflag:s16] =	ssyncset.done $0x0  }
0x213: {  	s9 =	rddreg [dreg:$0x18];
	[sflag:s16] =	ssyncadd.s32 $0xFFFFC400  }
0x214: {  	[tilespmem:s25], [sflag:$0x3] =	stream.linear.gather [spmem:s9], $0x1000, $0x38;
	[tilespmem:$0x1CC00] =	vst v63  }
0x215: {  	_ =	swait.ge [sflag:s14], $0x1000  }
0x216: {  	[sflag:s14] =	ssyncset.done $0x0  }
0x217: {  	s9 =	rddreg [dreg:$0x1f];
	[sflag:s14] =	ssyncadd.s32 $0xFFFFF000  }
0x218: {  	[hbm4b:s9+s3] =	stream.linear.scatter [tilespmem:s25], [sflag:$0x2], $0x1000, $0x38;
	[tilespmem:$0x1CC00] =	vst v63  }
0x219: {  	_ =	swait.ge [sflag:s15], $0x3C00  }
0x21a: {  	[sflag:s15] =	ssyncset.done $0x0  }
0x21b: {  	[sflag:s15] =	ssyncadd.s32 $0xFFFFC400  }
0x21c: {  	_ =	swait.ge [sflag:s16], $0x1000  }
0x21d: {  	s8 =	sld [smem:$0x7FD];
	_ =	sdelay $0x2  }
0x21e: {  	s9 =	sadd.s32 $0x1, s8;
	s8 =	rddreg [dreg:$0x19]  }
0x21f: {  	p0 =	sne.s32 s9, s8  }
.Ltmp1:
0x220: {  	_ = 	snop;
	(pc) =	sbr.rel @p0 .LBB2_1-.Ltmp1, $3  }
0x221: {  	_ =	sdelay $0x1  }
0x222: {  	[sflag:s16] =	ssyncset.done $0x0;
	[smem:$0x7FD] =	sst s9  }
0x223: {  	[sflag:s16] =	ssyncadd.s32 $0xFFFFF000;
	s9 =	rddreg [dreg:$0x13]  }
0x224: {  	_ =	sfence.sel $0x180000  }
0x225: {  	[bflag:$0x0] =	sbarrier.arrive $0xFFFF  }
0x226: {  	_ =	strace $0x9000004D  }
0x227: {  	s0 =	stileid.u32;
	[bflag:$0x2] =	sbarrier.arrive $0xFFFF  }
0x228: {  	p0 =	sne.s32 s0, $0x0;
	s0 =	rddreg [dreg:$0x2]  }
0x229: {  	s0 =	sadd.s32 @!p0 $0x100000, s0  }
0x22a: {  	[sflag:s0] =	ssyncadd.tile.s32 @!p0 $0x1;
	_ =	shalt  }
.Lfunc_end2:
_tile_overlayer_lowered:
.L_overlay_start_2:
0x22b: {  	(tag) =	ssettag $0x2  }
0x22c: {  	s0 =	rddreg [dreg:$0x0];
	s2 =	stileid.u32  }
0x22d: {  	s1 =	rddreg [dreg:$0x1];
	p0 =	sne.s32 s2, $0x0  }
0x22e: {  	s3 =	rddreg [dreg:$0x2];
	[bflag:$0x3] =	sbarrier.arrive $0xFFFF;
	s2 =	simm.s32 @!p0 $0x1C03  }
0x22f: {  	[timem:s3], [sflag:s2] =	dma.local @!p0 [hbm:s0], s1  }
0x230: {  	s0 =	simm.s32 @!p0 $0x3  }
0x231: {  	_ =	swait.ge @!p0 [sflag:s0], s1  }
0x232: {  	s1 =	ssub.s32 @!p0 $0x0, s1;
	[sflag:s0] =	ssyncset.done @!p0 $0x0  }
0x233: {  	[sflag:s0] =	ssyncadd.s32 @!p0 s1  }
0x234: {  	[bflag:$0x3] =	sbarrier.arrive $0xFFFF  }
0x235: {  	_ =	shalt  }

// kernel: kernel.8.cloned.1.call-start
scs
__scs_entry_jumppad:
0x0: {  	(pc) =	sbr.rel $0x88, $3  }
0x1: {  	(tag) =	ssettag $0x0;
	lr =	simm.s32 $0x1  }
0x2: {  	[smem:$0x3F92] =	sst lr;
	_ =	strace $0xD0000000  }
0x3: {  	_ = 	snop  }
0x4: {  	_ = 	snop  }
0x5: {  	_ = 	snop  }
0x6: {  	_ = 	snop  }
0x7: {  	_ = 	snop  }
__scs_overlays_trampoline_lowered:
0x8: {  	[smem:$0x3FA1] =	sst s0  }
0x9: {  	[smem:$0x3FA2] =	sst s1  }
0xa: {  	[smem:$0x3FA3] =	sst s2  }
0xb: {  	[smem:$0x3FA4] =	sst s3  }
0xc: {  	[smem:$0x3FA5] =	sst s4  }
0xd: {  	[smem:$0x3FA6] =	sst s5  }
0xe: {  	[smem:$0x3FA7] =	sst s6  }
0xf: {  	[smem:$0x3FA8] =	sst s7  }
0x10: {  	[smem:$0x3FA9] =	sst s8  }
0x11: {  	[smem:$0x3FAA] =	sst s9;
	s0 =	simm.s32 @!p0 $0x0  }
0x12: {  	s1 =	sld [smem:$0x3F90];
	s0 =	simm.s32 @p0 $0x1  }
0x13: {  	[smem:$0x3FAB] =	sst s0;
	s0 =	simm.s32 @!p1 $0x0  }
0x14: {  	s2 =	sld [smem:$0x3F8F];
	s0 =	simm.s32 @p1 $0x1  }
0x15: {  	[smem:$0x3FAC] =	sst s0;
	s0 =	simm.s32 @!p2 $0x0  }
0x16: {  	s3 =	sld [smem:$0x3FDB];
	s0 =	simm.s32 @p2 $0x1  }
0x17: {  	s4 =	simm.s32 $0x1BF5;
	[smem:$0x3FAE] =	sst s0  }
0x18: {  	s0 =	sld [smem:$0x3F91];
	_ =	swait.ge [sflag:s4], $0x0  }
0x19: {  	s7 =	sld [smem:$0x3F92]  }
0x1a: {  	s8 =	sadd.s32 $0xFFFFE003, lr  }
0x1b: {  	s9 =	sadd.s32 $0xFFFFFEF7, lr;
	s5 =	simm.s32 $0xFFFFFFFF;
	p2 =	slt.u32 s8, $0xFFFFF086  }
0x1c: {  	p1 =	slt.u32 s9, $0xF7A;
	s5 =	simm.s32 @!p2 $0x0  }
0x1d: {  	s5 =	simm.s32 @p1 $0x1;
	p0 =	seq.s32 s7, s2  }
0x1e: {  	s7 =	smul.u32 @!p0 $0xF7A, s2;
	p2 =	seq.s32 @!p0 s5, $0x0  }
0x1f: {  	s9 =	smul.u32 $0xF7A, s1;
	s8 =	simm.s32 @!p0 $0x1BF5;
	p2 =	por !p2, p0  }
0x20: {  	[sflag:s8] =	ssyncset.s32 @!p0 $0xFFFFF086;
	s6 =	sadd.s32 @!p0 s3, s7;
	s7 =	simm.s32 @!p0 $0x108  }
0x21: {  	s3 =	sadd.s32 s3, s9;
	s6 =	sadd.s32 @!p0 $0x88, s6;
	s7 =	simm.s32 @p2 $0x1082  }
0x22: {  	[simem:s7], [sflag:s8] =	dma.local @!p0 [hbm:s6], $0xF7A  }
0x23: {  	s9 =	sor.u32 $0xD0000000, s2;
	s6 =	simm.s32 $0x108;
	_ =	swait.ge @!p0 [sflag:s8], $0x0  }
0x24: {  	s3 =	sadd.s32 $0x88, s3;
	s6 =	simm.s32 @!p1 $0x1082;
	[sflag:s4] =	ssyncset.s32 $0xFFFFF086  }
0x25: {  	[simem:s6], [sflag:s4] =	dma.local [hbm:s3], $0xF7A  }
0x26: {  	[smem:$0x3F92] =	sst s1;
	(tag) =	ssettag s2;
	_ =	strace s9  }
0x27: {  	s1 =	sld [smem:$0x3FA2]  }
0x28: {  	s2 =	sld [smem:$0x3FA3]  }
0x29: {  	s4 =	sld [smem:$0x3FA5]  }
0x2a: {  	p0 =	seq.s32 s5, $0x0;
	s5 =	sld [smem:$0x3FA6]  }
0x2b: {  	s6 =	sld [smem:$0x3FA7]  }
0x2c: {  	s7 =	sld [smem:$0x3FA8]  }
0x2d: {  	s3 =	simm.s32 $0x108;
	s8 =	sld [smem:$0x3FA9]  }
0x2e: {  	s3 =	simm.s32 @!p0 $0x1082;
	s9 =	sld [smem:$0x3FAA]  }
0x2f: {  	lr =	sadd.s32 s0, s3;
	s0 =	sld [smem:$0x3FA1]  }
0x30: {  	s3 =	sld [smem:$0x3FA4]  }
0x31: {  	[smem:$0x3FAD] =	sst s10  }
0x32: {  	s10 =	sld [smem:$0x3FAB];
	_ =	sdelay $0x3  }
0x33: {  	p0 =	seq.s32 s10, $0x1;
	s10 =	sld [smem:$0x3FAD];
	_ =	sdelay $0x3  }
0x34: {  	[smem:$0x3FAD] =	sst s10  }
0x35: {  	s10 =	sld [smem:$0x3FAC];
	_ =	sdelay $0x3  }
0x36: {  	p1 =	seq.s32 s10, $0x1;
	s10 =	sld [smem:$0x3FAD];
	_ =	sdelay $0x3  }
0x37: {  	[smem:$0x3FAD] =	sst s10  }
0x38: {  	s10 =	sld [smem:$0x3FAE]  }
0x39: {  	_ = 	snop;
	(pc) =	sbr.ind lr, $3  }
0x3a: {  	_ = 	snop  }
0x3b: {  	_ = 	snop  }
0x3c: {  	p2 =	seq.s32 s10, $0x1;
	s10 =	sld [smem:$0x3FAD]  }
0x3d: {  	_ =	shalt  }
0x3e: {  	_ =	shalt  }
0x3f: {  	_ =	shalt  }
0x40: {  	_ =	shalt  }
0x41: {  	_ =	shalt  }
0x42: {  	_ =	shalt  }
0x43: {  	_ =	shalt  }
0x44: {  	_ =	shalt  }
0x45: {  	_ =	shalt  }
0x46: {  	_ =	shalt  }
0x47: {  	_ =	shalt  }
0x48: {  	_ =	shalt  }
0x49: {  	_ =	shalt  }
0x4a: {  	_ =	shalt  }
0x4b: {  	_ =	shalt  }
0x4c: {  	_ =	shalt  }
0x4d: {  	_ =	shalt  }
0x4e: {  	_ =	shalt  }
0x4f: {  	_ =	shalt  }
0x50: {  	_ =	shalt  }
0x51: {  	_ =	shalt  }
0x52: {  	_ =	shalt  }
0x53: {  	_ =	shalt  }
0x54: {  	_ =	shalt  }
0x55: {  	_ =	shalt  }
0x56: {  	_ =	shalt  }
0x57: {  	_ =	shalt  }
0x58: {  	_ =	shalt  }
0x59: {  	_ =	shalt  }
0x5a: {  	_ =	shalt  }
0x5b: {  	_ =	shalt  }
0x5c: {  	_ =	shalt  }
0x5d: {  	_ =	shalt  }
0x5e: {  	_ =	shalt  }
0x5f: {  	_ =	shalt  }
0x60: {  	_ =	shalt  }
0x61: {  	_ =	shalt  }
0x62: {  	_ =	shalt  }
0x63: {  	_ =	shalt  }
0x64: {  	_ =	shalt  }
0x65: {  	_ =	shalt  }
0x66: {  	_ =	shalt  }
0x67: {  	_ =	shalt  }
0x68: {  	_ =	shalt  }
0x69: {  	_ =	shalt  }
0x6a: {  	_ =	shalt  }
0x6b: {  	_ =	shalt  }
0x6c: {  	_ =	shalt  }
0x6d: {  	_ =	shalt  }
0x6e: {  	_ =	shalt  }
0x6f: {  	_ =	shalt  }
0x70: {  	_ =	shalt  }
0x71: {  	_ =	shalt  }
0x72: {  	_ =	shalt  }
0x73: {  	_ =	shalt  }
0x74: {  	_ =	shalt  }
0x75: {  	_ =	shalt  }
0x76: {  	_ =	shalt  }
0x77: {  	_ =	shalt  }
0x78: {  	_ =	shalt  }
0x79: {  	_ =	shalt  }
0x7a: {  	_ =	shalt  }
0x7b: {  	_ =	shalt  }
0x7c: {  	_ =	shalt  }
0x7d: {  	_ =	shalt  }
0x7e: {  	_ =	shalt  }
0x7f: {  	_ =	shalt  }
0x80: {  	_ =	shalt  }
0x81: {  	_ =	shalt  }
0x82: {  	_ =	shalt  }
0x83: {  	_ =	shalt  }
0x84: {  	_ =	shalt  }
0x85: {  	_ =	shalt  }
0x86: {  	_ =	shalt  }
0x87: {  	_ =	shalt  }
.Lfunc_end0:
.L_simem_size_0:
called_computation_lowered:
.L_overlay_start_0:
0x88: {  	s2 =	sld [smem:$0x3FD9]  }
0x89: {  	s3 =	sld [smem:$0x3FFE];
	_ =	sdelay $0x1  }
0x8a: {  	s1 =	srdreg.scid  }
0x8b: {  	s0 =	sand.u32 $0x1, s1  }
0x8c: {  	s14 =	sshll.u32 s0, $0xA;
	s2 =	sadd.s32 s3, s2  }
0x8d: {  	s2 =	sadd.s32 s2, s14  }
0x8e: {  	[smem:$0x3FB9] =	sst s2  }
0x8f: {  	_ = 	snop  }
0x90: {  	s2 =	sld [smem:$0x3FD0];
	_ =	sdelay $0x2  }
0x91: {  	s15 =	simm.s32 $0xA;
	s4 =	simm.s32 $0x10  }
0x92: {  	[smem:s4], [sflag:s15] =	dma.local [hbm:s2], $0x1  }
0x93: {  	_ =	swait.eq [sflag:s15], $0x1  }
0x94: {  	[sflag:s15] =	ssyncset.done $0x0  }
0x95: {  	s16 =	sld [smem:$0x10];
	[sflag:s15] =	ssyncadd.s32 $0xFFFFFFFF  }
0x96: {  	s17 =	sld [smem:$0x13];
	(tm) =	ssettm $0x1  }
0x97: {  	s18 =	sld [smem:$0x3FFB];
	_ =	sdelay $0x3  }
0x98: {  	_ =	strace s18  }
0x99: {  	s4 =	sld [smem:$0x3FFC];
	_ =	sdelay $0x3  }
0x9a: {  	_ =	strace s4  }
0x9b: {  	s4 =	sld [smem:$0x3FFD];
	_ =	sdelay $0x3  }
0x9c: {  	_ =	strace s4  }
0x9d: {  	_ =	strace $0x8FFFFFFF  }
0x9e: {  	s19 =	sld [smem:$0x3FDB];
	_ =	sdelay $0x1  }
0x9f: {  	s5 =	simm.s32 $_scs_section_size  }
0xa0: {  	s6 =	simm.s32 $_size__tile_overlayer_lowered;
	s7 =	simm.s32 $_tile_overlayer_lowered  }
0xa1: {  	s22 =	simm.s32 $0x1BFF;
	s21 =	sshll.u32 s7, $0x1;
	s4 =	sadd.s32 s5, s19  }
0xa2: {  	s8 =	simm.s32 $0x0;
	s20 =	sshll.u32 s6, $0x1;
	s6 =	sadd.s32 s21, s4  }
0xa3: {  	[timem:s8], [sflag:s22] =	dma.local [hbm:s6], s20  }
0xa4: {  	_ =	swait.ge [sflag:s22], s20  }
0xa5: {  	s5 =	ssub.s32 $0x0, s20;
	[sflag:s22] =	ssyncset.done $0x0  }
0xa6: {  	[sflag:s22] =	ssyncadd.s32 s5;
	_ =	sdelay $0x1  }
0xa7: {  	s23 =	simm.s32 $0x1B8B  }
0xa8: {  	_ =	swait.ge [sflag:s23], $0x1  }
0xa9: {  	[sflag:s23] =	ssyncset.done $0x0  }
0xaa: {  	s25 =	simm.s32 $0x1B8E;
	s24 =	sld [smem:$0x3FFE];
	[sflag:s23] =	ssyncadd.s32 $0xFFFFFFFF  }
0xab: {  	s26 =	simm.s32 $execute0_lowered;
	[smem:$0x3FD2] =	sst s25  }
0xac: {  	s6 =	sshll.u32 s26, $0x1;
	_ =	strace $0x80000046;
	[dreg:$0x1] =	wrdreg $0xFFFFFFFF  }
0xad: {  	s28 =	simm.s32 $_size_execute0_lowered;
	s4 =	sadd.s32 s4, s6;
	[dreg:$0x0] =	wrdreg $0x0  }
0xae: {  	s6 =	sshll.u32 s28, $0x1;
	[dreg:$0x2] =	wrdreg s4  }
0xaf: {  	[dreg:$0x3] =	wrdreg s6  }
0xb0: {  	[dreg:$0x4] =	wrdreg $0xC0  }
0xb1: {  	_ =	task [dreg:s8], $0x5FFFF  }
0xb2: {  	[dreg:$0x1] =	wrdreg $0xFFFFFFFF  }
0xb3: {  	[dreg:$0x0] =	wrdreg $0x60  }
0xb4: {  	[dreg:$0x2] =	wrdreg s24  }
0xb5: {  	[dreg:$0x3] =	wrdreg s16  }
0xb6: {  	[dreg:$0x4] =	wrdreg s17  }
0xb7: {  	[dreg:$0x5] =	wrdreg $0x2B000  }
0xb8: {  	[dreg:$0x6] =	wrdreg $0x9  }
0xb9: {  	_ =	task.clear_ibuf [dreg:s8], $0x7FFFF;
	_ =	strace $0x90000046  }
0xba: {  	s29 =	simm.s32 $0x9;
	_ =	strace $0x80000048  }
0xbb: {  	_ =	swait.ge [sflag:s29], $0x1  }
0xbc: {  	[sflag:s29] =	ssyncadd.s32 $0xFFFFFFFF  }
0xbd: {  	_ =	strace $0x90000048  }
0xbe: {  	_ =	sfence  }
0xbf: {  	s30 =	sld [smem:$0x0];
	_ =	sdelay $0x2  }
0xc0: {  	s31 =	sshll.u32 s1, $0xD;
	s1 =	sshrl.u32 s1, $0x2  }
0xc1: {  	s3 =	sand.u32 $0x4000, s31;
	s1 =	sadd.s32 s1, s30  }
0xc2: {  	s0 =	sor.u32 s3, s0;
	s1 =	sshll.u32 s1, $0x11  }
0xc3: {  	s0 =	sor.u32 s1, s0  }
0xc4: {  	s0 =	sadd.s32 $0x8F2B, s0  }
0xc5: {  	[sflag:s0] =	ssyncadd.remote.s32 $0x1  }
0xc6: {  	_ =	sfence.sel $0xFFFF  }
0xc7: {  	[dreg:$0x0] =	wrdreg $0xFFFFFFFF;
	(pc) =	sbr.abs _section_cstart, $3  }
0xc8: {  	[dreg:$0x1] =	wrdreg $0xFFFFFFFF  }
0xc9: {  	_ =	task.clear_ibuf [dreg:s8], $0x2FFFF;
	_ =	strace $0x9FFFFFFF  }
0xca: {  	(tm) =	ssettm $0x7FFFFFFF  }
0xcb: {  	_ =	shalt  }
tec
execute0_lowered:
.L_overlay_start_1:
0x0: {  	(tag) =	ssettag $0x1  }
0x1: {  	s6 =	rddreg [dreg:$0x0]  }
0x2: {  	s1 =	rddreg [dreg:$0x1];
	s2 =	srdreg.scid  }
0x3: {  	s0 =	stileid.u32;
	s3 =	rddreg [dreg:$0x2]  }
0x4: {  	s4 =	rddreg [dreg:$0x3];
	s5 =	simm.s32 $0x0;
	s15 =	simm.s32 $0x100  }
0x5: {  	s16 =	simm.s32 $0x0;
	s7 =	sand.u32 $0x1, s2;
	s2 =	rddreg [dreg:$0x4]  }
0x6: {  	s31 =	sshll.u32 s0, $0x1;
	[smem:$0x7FF] =	sst s5;
	s9 =	smul.u32 $0xA00, s0  }
0x7: {  	s14 =	smul.u32 $0xA0, s0;
	s8 =	sor.u32 s7, s31;
	_ =	strace $0x80000047  }
0x8: {  	s10 =	ssub.s32 $0x2, s7;
	s7 =	sshll.u32 s7, $0x4;
	s8 =	smul.u32 $0x500, s8  }
0x9: {  	s11 =	sshrl.u32 s10, $0x1;
	s9 =	sshrl.u32 s9, $0x2;
	s12 =	sadd.s32 s7, s6  }
0xa: {  	s10 =	ssub.s32 s10, s11;
	s13 =	sadd.s32 $0xCE00, s12;
	s11 =	simm.s32 $0x2800  }
0xb: {  	s12 =	simm.s32 $0x7D;
	s8 =	sadd.s32 s8, s6;
	s6 =	sadd.s32 s9, s4  }
0xc: {  	s9 =	simm.s32 $0x2880;
	s13 =	sadd.s32 s14, s13;
	s14 =	simm.s32 $0x80  }
0xd: {  	s7 =	sadd.s32 $0x2E00, s8;
	s8 =	smax.u32 s10, $0x1;
	s10 =	simm.s32 $0x1  }
.LBB2_1:
0xe: {  	[tilespmem:s9], [sflag:$0x1] =	stream.linear.gather [hbm4b:s3+s5], $0x280, $0x38;
	[tilespmem:$0x2D80] =	vst v63  }
0xf: {  	_ =	swait.ge [sflag:s10], $0x280  }
0x10: {  	[sflag:s10] =	ssyncset.done $0x0  }
0x11: {  	[sflag:s10] =	ssyncadd.s32 $0xFFFFFD80  }
0x12: {  	[spmem:s6] =	stream.linear.scatter [tilespmem:s9], [sflag:$0x1], $0x280, $0x38;
	[tilespmem:$0x2D80] =	vst v63  }
0x13: {  	_ =	swait.ge [sflag:s10], $0x280  }
0x14: {  	[sflag:s10] =	ssyncset.done $0x0  }
0x15: {  	[sflag:s10] =	ssyncadd.s32 $0xFFFFFD80  }
0x16: {  	[tilespmem:s11], [sflag:$0x1] =	stream.linear.gather [hbm4b:s1+s5], $0x80, $0x38;
	[tilespmem:$0x2D80] =	vst v63  }
0x17: {  	_ =	swait.ge [sflag:s10], $0x80  }
0x18: {  	[sflag:s10] =	ssyncset.done $0x0  }
0x19: {  	[sflag:s10] =	ssyncadd.s32 $0xFFFFFF80  }
0x1a: {  	[tilespmem:s5], [sflag:$0x1] =	stream.linear.gather [hbm4b:s7+s5], $0x2800, $0x38;
	[tilespmem:$0x2D80] =	vst v63  }
0x1b: {  	_ =	swait.ge [sflag:s10], $0x2800  }
0x1c: {  	[sflag:s10] =	ssyncset.done $0x0  }
0x1d: {  	[sflag:s10] =	ssyncadd.s32 $0xFFFFD800  }
0x1e: {  	s17 =	simm.s32 $0x0;
	[bflag:$0x0] =	sbarrier.arrive $0xFFFF  }
0x1f: {  	[spmem:s4] =	stream.indirect.scatter.add.f32 [tilespmem:s11], [sflag:$0x1], $0x1, s17, s12, $0xb8;
	[tilespmem:$0x2D80] =	vst v63  }
0x20: {  	_ =	swait.ge [sflag:s10], $0x7D  }
0x21: {  	s17 =	simm.s32 $0x200;
	[sflag:s10] =	ssyncset.done $0x0  }
.LBB2_2:
0x22: {  	s18 =	sshra.s32 s17, $0x2;
	[sflag:s10] =	ssyncadd.s32 $0xFFFFFF83;
	p0 =	sne.s32 s17, $0x9E00  }
0x23: {  	[spmem:s4] =	stream.indirect.scatter.add.f32 [tilespmem:s11], [sflag:$0x1], $0x1, s18, s12, $0xb8;
	[tilespmem:$0x2D80] =	vst v63  }
.Ltmp0:
0x24: {  	_ = 	snop;
	(pc) =	sbr.rel @p0 .LBB2_2-.Ltmp0, $4  }
0x25: {  	_ = 	snop  }
0x26: {  	s17 =	sadd.s32 $0x200, s17  }
0x27: {  	_ =	swait.ge [sflag:s10], $0x7D  }
0x28: {  	[sflag:s10] =	ssyncset.done $0x0  }
0x29: {  	[sflag:s10] =	ssyncadd.s32 $0xFFFFFF83  }
0x2a: {  	[bflag:$0x0] =	sbarrier.arrive $0xFFFF  }
0x2b: {  	[tilespmem:s9], [sflag:$0x1] =	stream.linear.gather [spmem:s6], $0x280, $0x38;
	[tilespmem:$0x2D80] =	vst v63  }
0x2c: {  	s16 =	sadd.s32 $0x1, s16;
	_ =	swait.ge [sflag:s10], $0x280  }
0x2d: {  	p0 =	sne.s32 s16, s8;
	[sflag:s10] =	ssyncset.done $0x0  }
.Ltmp1:
0x2e: {  	[sflag:s10] =	ssyncadd.s32 $0xFFFFFD80;
	(pc) =	sbr.rel @p0 .LBB2_1-.Ltmp1, $4  }
0x2f: {  	[hbm4b:s13+s14] =	stream.strided.scatter [tilespmem:s9], [sflag:$0x1], $0x280, s15, s14, $0x38;
	[tilespmem:$0x2D80] =	vst v63  }
0x30: {  	_ =	swait.ge [sflag:s10], $0x280  }
0x31: {  	[sflag:s10] =	ssyncset.done $0x0  }
0x32: {  	[sflag:s10] =	ssyncadd.s32 $0xFFFFFD80  }
0x33: {  	_ =	sfence.sel $0x180000  }
0x34: {  	[bflag:$0x0] =	sbarrier.arrive $0xFFFF  }
0x35: {  	p0 =	sne.s32 s0, $0x0;
	_ =	strace $0x90000047  }
0x36: {  	s0 =	sadd.s32 @!p0 $0x100000, s2;
	[bflag:$0x2] =	sbarrier.arrive $0xFFFF  }
0x37: {  	[sflag:s0] =	ssyncadd.tile.s32 @!p0 $0x1;
	_ =	shalt  }
.Lfunc_end2:
_tile_overlayer_lowered:
.L_overlay_start_2:
0x38: {  	(tag) =	ssettag $0x2  }
0x39: {  	s0 =	rddreg [dreg:$0x0];
	s2 =	stileid.u32  }
0x3a: {  	s1 =	rddreg [dreg:$0x1];
	p0 =	sne.s32 s2, $0x0  }
0x3b: {  	s3 =	rddreg [dreg:$0x2];
	[bflag:$0x3] =	sbarrier.arrive $0xFFFF;
	s2 =	simm.s32 @!p0 $0x1C01  }
0x3c: {  	[timem:s3], [sflag:s2] =	dma.local @!p0 [hbm:s0], s1  }
0x3d: {  	s0 =	simm.s32 @!p0 $0x1  }
0x3e: {  	_ =	swait.ge @!p0 [sflag:s0], s1  }
0x3f: {  	s1 =	ssub.s32 @!p0 $0x0, s1;
	[sflag:s0] =	ssyncset.done @!p0 $0x0  }
0x40: {  	[sflag:s0] =	ssyncadd.s32 @!p0 s1  }
0x41: {  	[bflag:$0x3] =	sbarrier.arrive $0xFFFF  }
0x42: {  	_ =	shalt  }

</sc_bundles>
